<compile_context>
chip_gen: v7x
topology: tpu7x:2x2x1
jax: 0.10.2.dev20260603
libtpu: 0.0.44.dev20260713+nightly
codegen_flags: <defaults>
</compile_context>

<pallas_src>
import dataclasses
import functools

import jax
import jax.numpy as jnp
from jax import lax
from jax.experimental import pallas as pl
from jax.experimental.pallas import tpu as pltpu
from jax.experimental.pallas import tpu_sc as plsc

N = 10240
E = 163840
D = 256
H = 256
G = 64
C = 10
GF = 16

F = 128
NC = 2
NS = 16
CH = 128
EPW = E // NS
NCHG = EPW // CH
RPS = N // NS


def _sc_agg(h2, srcm, dstm, zeros):
    mesh = plsc.VectorSubcoreMesh(core_axis_name="c", subcore_axis_name="s")

    @functools.partial(
        pl.kernel,
        out_type=jax.ShapeDtypeStruct((NC * N, F), jnp.float32),
        mesh=mesh,
        scratch_types=[
            pltpu.VMEM((4, CH), jnp.int32),
            pltpu.VMEM((4, CH), jnp.int32),
            pltpu.VMEM((4, CH), jnp.int32),
            pltpu.VMEM((4, CH), jnp.int32),
            pltpu.VMEM((CH, F), jnp.float32),
            pltpu.VMEM((CH, F), jnp.float32),
            pltpu.SemaphoreType.DMA,
            pltpu.SemaphoreType.DMA,
            pltpu.SemaphoreType.DMA,
            pltpu.SemaphoreType.DMA,
            pltpu.SemaphoreType.DMA,
            pltpu.SemaphoreType.DMA,
            pltpu.SemaphoreType.DMA,
            pltpu.VMEM_SHARED((N, F), jnp.float32),
        ],
    )
    def k(h2_hbm, srcm_hbm, dstm_hbm, zeros_hbm, out_hbm,
          svA, dvA, svB, dvB, rows0, rows1,
          sem0, sem1, sem_s0, sem_s1, sem_iA, sem_iB, sem_z, acc):
        c = lax.axis_index("c")
        s = lax.axis_index("s")
        GS = 4
        NG = NCHG // GS

        zd = pltpu.async_copy(zeros_hbm.at[pl.ds(s * RPS, RPS)],
                              acc.at[pl.ds(s * RPS, RPS)], sem_z)

        gbase = (c * NS + s) * NCHG
        dbase = s * NCHG

        def stage_start(g, sv, dv, sem):
            pltpu.async_copy(srcm_hbm.at[pl.ds(gbase + g * GS, GS)], sv, sem)
            pltpu.async_copy(dstm_hbm.at[pl.ds(dbase + g * GS, GS)], dv, sem)

        def stage_wait(g, sv, dv, sem):
            pltpu.make_async_copy(srcm_hbm.at[pl.ds(gbase + g * GS, GS)],
                                  sv, sem).wait()
            pltpu.make_async_copy(dstm_hbm.at[pl.ds(dbase + g * GS, GS)],
                                  dv, sem).wait()

        def g_start(sv, k, rows, sem):
            pltpu.async_copy(h2_hbm.at[sv.at[k]], rows, sem)

        def g_wait(sv, k, rows, sem):
            pltpu.make_async_copy(h2_hbm.at[sv.at[k]], rows, sem).wait()

        def s_start(rows, dv, k, sem):
            return pltpu.async_copy(rows, acc.at[dv.at[k]], sem, add=True)

        stage_start(0, svA, dvA, sem_iA)
        stage_wait(0, svA, dvA, sem_iA)
        g_start(svA, 0, rows0, sem0)
        zd.wait()
        plsc.subcore_barrier()

        @pl.loop(0, NG, step=2)
        def _(g):
            scat = [None, None]
            for k in range(8):
                p, q = k % 2, 1 - k % 2
                sv, dv, ksub = (svA, dvA, k) if k < 4 else (svB, dvB, k - 4)
                rows, gsem = (rows0, sem0) if p == 0 else (rows1, sem1)
                ssem = sem_s0 if p == 0 else sem_s1
                g_wait(sv, ksub, rows, gsem)
                scat[p] = s_start(rows, dv, ksub, ssem)
                if k == 0:
                    stage_start(g + 1, svB, dvB, sem_iB)
                if scat[q] is not None:
                    scat[q].wait()
                    scat[q] = None
                if k == 3:
                    stage_wait(g + 1, svB, dvB, sem_iB)
                if k == 5:
                    @pl.when(g + 2 < NG)
                    def _():
                        stage_start(g + 2, svA, dvA, sem_iA)
                if k < 7:
                    nsv, nk = (svA, k + 1) if k < 3 else (svB, k - 3)
                    nrows, nsem = (rows1, sem1) if p == 0 else (rows0, sem0)
                    g_start(nsv, nk, nrows, nsem)
                else:
                    @pl.when(g + 2 < NG)
                    def _():
                        stage_wait(g + 2, svA, dvA, sem_iA)
                        g_start(svA, 0, rows0, sem0)
            scat[1].wait()

        plsc.subcore_barrier()
        pltpu.sync_copy(acc.at[pl.ds(s * RPS, RPS)],
                        out_hbm.at[pl.ds(c * N + s * RPS, RPS)])

    return k(h2, srcm, dstm, zeros)


def _sc_count(dstf):
    mesh = plsc.VectorSubcoreMesh(core_axis_name="c", subcore_axis_name="s")
    epw = E // (NC * NS)

    @functools.partial(
        pl.kernel,
        out_type=jax.ShapeDtypeStruct((NC * N,), jnp.float32),
        mesh=mesh,
        scratch_types=[
            pltpu.VMEM((epw,), jnp.int32),
            pltpu.VMEM((N,), jnp.float32),
            pltpu.VMEM((RPS,), jnp.float32),
            pltpu.VMEM((RPS,), jnp.float32),
            pltpu.VMEM_SHARED((NS, N), jnp.float32),
        ],
        compiler_params=dataclasses.replace(pltpu.CompilerParams(),
                                            needs_layout_passes=False),
    )
    def k(dst_hbm, cnt_hbm, dstv, hist, tmp, accv, red):
        c = lax.axis_index("c")
        s = lax.axis_index("s")
        wid = c * NS + s

        pltpu.sync_copy(dst_hbm.at[pl.ds(wid * epw, epw)], dstv)

        @pl.loop(0, N, step=16)
        def _(i):
            hist[pl.ds(i, 16)] = jnp.zeros((16,), jnp.float32)

        ones = jnp.ones((16,), jnp.float32)

        @pl.loop(0, epw, step=16)
        def _(i):
            plsc.addupdate_scatter(hist, [dstv[pl.ds(i, 16)]], ones)

        pltpu.sync_copy(hist, red.at[s])
        plsc.subcore_barrier()

        @pl.loop(0, RPS, step=16)
        def _(i):
            accv[pl.ds(i, 16)] = jnp.zeros((16,), jnp.float32)

        @pl.loop(0, NS)
        def _(r):
            pltpu.sync_copy(red.at[r, pl.ds(s * RPS, RPS)], tmp)

            @pl.loop(0, RPS, step=16)
            def _(i):
                accv[pl.ds(i, 16)] = accv[pl.ds(i, 16)] + tmp[pl.ds(i, 16)]

        pltpu.sync_copy(accv, cnt_hbm.at[pl.ds(c * N + s * RPS, RPS)])

    return k(dstf)


def _tc_layer(agg3, h3, cnt2, wlt, wrt, bl2, gg2, bb2):
    R = 1024

    def body(agg_ref, h_ref, cnt_ref, wl_ref, wr_ref, b_ref, g_ref, be_ref,
             o_ref):
        agg = jnp.concatenate([agg_ref[0], agg_ref[1]], axis=1)
        h = jnp.concatenate([h_ref[0], h_ref[1]], axis=1)
        cnt = cnt_ref[0] + cnt_ref[1]
        recip = 1.0 / jnp.maximum(cnt, 1.0)
        z = (jnp.dot(agg * recip, wl_ref[...],
                     preferred_element_type=jnp.float32,
                     precision=lax.Precision.HIGHEST)
             + jnp.dot(h, wr_ref[...],
                       preferred_element_type=jnp.float32,
                       precision=lax.Precision.HIGHEST)
             + b_ref[...])
        mu = jnp.mean(z, axis=1, keepdims=True)
        zc = z - mu
        var = jnp.mean(zc * zc, axis=1, keepdims=True)
        hn = zc / jnp.sqrt(var + 1e-5) * g_ref[...] + be_ref[...]
        hn = jnp.maximum(hn, 0.0)
        o_ref[0] = hn[:, :F]
        o_ref[1] = hn[:, F:]

    return pl.pallas_call(
        body,
        grid=(N // R,),
        in_specs=[
            pl.BlockSpec((NC, R, F), lambda i: (0, i, 0)),
            pl.BlockSpec((NC, R, F), lambda i: (0, i, 0)),
            pl.BlockSpec((NC, R, 1), lambda i: (0, i, 0)),
            pl.BlockSpec((H, H), lambda i: (0, 0)),
            pl.BlockSpec((H, H), lambda i: (0, 0)),
            pl.BlockSpec((1, H), lambda i: (0, 0)),
            pl.BlockSpec((1, H), lambda i: (0, 0)),
            pl.BlockSpec((1, H), lambda i: (0, 0)),
        ],
        out_specs=pl.BlockSpec((NC, R, F), lambda i: (0, i, 0)),
        out_shape=jax.ShapeDtypeStruct((NC, N, F), jnp.float32),
    )(agg3, h3, cnt2, wlt, wrt, bl2, gg2, bb2)


def _tc_layer3_pool(agg3, h3, cnt3, wlt, wrt, bl2, gg2, bb2, batch2, gfeat,
                    wm1t, bm12, wm2t, bm22):
    R = 1024
    nblk = N // R

    def body(agg_ref, h_ref, cnt_ref, wl_ref, wr_ref, b_ref, g_ref, be_ref,
             bt_ref, gf_ref, w1_ref, b1_ref, w2_ref, b2_ref, o_ref,
             sum_s, max_s, cnt_s):
        i = pl.program_id(0)

        @pl.when(i == 0)
        def _():
            sum_s[...] = jnp.zeros_like(sum_s)
            max_s[...] = jnp.full_like(max_s, -3.4e38)
            cnt_s[...] = jnp.zeros_like(cnt_s)

        agg = jnp.concatenate([agg_ref[0], agg_ref[1]], axis=1)
        h = jnp.concatenate([h_ref[0], h_ref[1]], axis=1)
        cnt = cnt_ref[0] + cnt_ref[1]
        recip = 1.0 / jnp.maximum(cnt, 1.0)
        z = (jnp.dot(agg * recip, wl_ref[...],
                     preferred_element_type=jnp.float32,
                     precision=lax.Precision.HIGHEST)
             + jnp.dot(h, wr_ref[...],
                       preferred_element_type=jnp.float32,
                       precision=lax.Precision.HIGHEST)
             + b_ref[...])
        mu = jnp.mean(z, axis=1, keepdims=True)
        zc = z - mu
        var = jnp.mean(zc * zc, axis=1, keepdims=True)
        hn = zc / jnp.sqrt(var + 1e-5) * g_ref[...] + be_ref[...]
        hn = jnp.maximum(hn, 0.0)

        b = bt_ref[...]
        glo = jnp.min(b)
        ghi = jnp.max(b)

        def gbody(g, carry):
            mrow = b == g
            csum = jnp.sum(jnp.where(mrow, hn, 0.0), axis=0, keepdims=True)
            cmax = jnp.max(jnp.where(mrow, hn, -3.4e38), axis=0,
                           keepdims=True)
            ccnt = jnp.sum(mrow.astype(jnp.float32))
            sum_s[pl.ds(g, 1), :] += csum
            max_s[pl.ds(g, 1), :] = jnp.maximum(max_s[pl.ds(g, 1), :], cmax)
            cnt_s[pl.ds(g, 1), :] += ccnt
            return carry

        lax.fori_loop(glo, ghi + 1, gbody, 0)

        @pl.when(i == nblk - 1)
        def _():
            pcnt = cnt_s[:, 0:1]
            mean = sum_s[...] / jnp.maximum(pcnt, 1.0)
            mx = jnp.where(pcnt > 0.0, max_s[...], 0.0)
            gcat = jnp.concatenate([mean, mx, gf_ref[...]], axis=1)
            hm = jnp.maximum(
                jnp.dot(gcat, w1_ref[...],
                        preferred_element_type=jnp.float32,
                        precision=lax.Precision.HIGHEST) + b1_ref[...], 0.0)
            o_ref[...] = jnp.dot(hm, w2_ref[...],
                                 preferred_element_type=jnp.float32,
                                 precision=lax.Precision.HIGHEST) + b2_ref[...]

    return pl.pallas_call(
        body,
        grid=(nblk,),
        in_specs=[
            pl.BlockSpec((NC, R, F), lambda i: (0, i, 0)),
            pl.BlockSpec((NC, R, F), lambda i: (0, i, 0)),
            pl.BlockSpec((NC, R, 1), lambda i: (0, i, 0)),
            pl.BlockSpec((H, H), lambda i: (0, 0)),
            pl.BlockSpec((H, H), lambda i: (0, 0)),
            pl.BlockSpec((1, H), lambda i: (0, 0)),
            pl.BlockSpec((1, H), lambda i: (0, 0)),
            pl.BlockSpec((1, H), lambda i: (0, 0)),
            pl.BlockSpec((R, 1), lambda i: (i, 0)),
            pl.BlockSpec((G, GF), lambda i: (0, 0)),
            pl.BlockSpec((2 * H + GF, H), lambda i: (0, 0)),
            pl.BlockSpec((1, H), lambda i: (0, 0)),
            pl.BlockSpec((H, C), lambda i: (0, 0)),
            pl.BlockSpec((1, C), lambda i: (0, 0)),
        ],
        out_specs=pl.BlockSpec((G, C), lambda i: (0, 0)),
        out_shape=jax.ShapeDtypeStruct((G, C), jnp.float32),
        scratch_shapes=[
            pltpu.VMEM((G, H), jnp.float32),
            pltpu.VMEM((G, H), jnp.float32),
            pltpu.VMEM((G, H), jnp.float32),
        ],
    )(agg3, h3, cnt3, wlt, wrt, bl2, gg2, bb2, batch2, gfeat, wm1t, bm12,
      wm2t, bm22)


def kernel(x, edge_index, batch, ptr, root_idx, gfeat, W_l0, b_l0, W_r0, g0,
           be0, W_l1, b_l1, W_r1, g1, be1, W_l2, b_l2, W_r2, g2, be2, Wm1,
           bm1, Wm2, bm2):
    src = edge_index[0]
    dst = edge_index[1]
    src_r = src.reshape(NS * NCHG, CH)
    srcm = jnp.concatenate([src_r, src_r + N], axis=0)
    dstm = dst.reshape(NS * NCHG, CH)

    zeros = jnp.zeros((N, F), jnp.float32)

    cntf = _sc_count(dst)
    cnt3 = cntf.reshape(NC, N, 1)

    h3 = x.reshape(N, NC, F).transpose(1, 0, 2)
    for wl, bl, wr, gg, bb in [(W_l0, b_l0, W_r0, g0, be0),
                               (W_l1, b_l1, W_r1, g1, be1)]:
        aggf = _sc_agg(h3.reshape(NC * N, F), srcm, dstm, zeros)
        h3 = _tc_layer(aggf.reshape(NC, N, F), h3, cnt3, wl.T, wr.T,
                       bl.reshape(1, H), gg.reshape(1, H), bb.reshape(1, H))

    aggf = _sc_agg(h3.reshape(NC * N, F), srcm, dstm, zeros)
    return _tc_layer3_pool(aggf.reshape(NC, N, F), h3, cnt3, W_l2.T, W_r2.T,
                           b_l2.reshape(1, H), g2.reshape(1, H),
                           be2.reshape(1, H), batch.reshape(N, 1), gfeat,
                           Wm1.T, bm1.reshape(1, H), Wm2.T,
                           bm2.reshape(1, C))

# --- scband reference (transcript-rebuilt; emitter-appended) ---
"""Pipeline reference for scband-graph-sage-classifier-64673617543325 (READ-ONLY COPY).

The authoritative reference and input builder live on the scoring server;
editing this copy changes nothing except your own understanding.
"""

import jax, jax.numpy as jnp
import numpy as np

N = 10240
E = 163840
D = 256
H = 256
G = 64
C = 10
GF = 16


def _layer_norm(h, g, b):
    mu = jnp.mean(h, axis=-1, keepdims=True)
    var = jnp.var(h, axis=-1, keepdims=True)
    return (h - mu) / jnp.sqrt(var + 1e-5) * g + b


def _sage(h, src, dst, Wl, bl, Wr, n):
    msg = h[src]
    s = jax.ops.segment_sum(msg, dst, num_segments=n)
    cnt = jax.ops.segment_sum(jnp.ones((msg.shape[0],), dtype=h.dtype), dst, num_segments=n)
    mean = s / jnp.maximum(cnt, 1.0)[:, None]
    return mean @ Wl.T + bl + h @ Wr.T


def setup_inputs(seed: int = 0):
    key = jax.random.key(seed)
    ks = jax.random.split(key, 40)
    inp = {}
    inp['x'] = jax.random.normal(ks[0], (N, D), dtype=jnp.float32)
    inp['edge_index'] = jax.random.randint(ks[1], (2, E), 0, N, dtype=jnp.int32)
    inp['batch'] = jnp.sort(jax.random.randint(ks[2], (N,), 0, G, dtype=jnp.int32))
    inp['ptr'] = jnp.arange(G + 1, dtype=jnp.int32)
    inp['root_idx'] = jax.random.randint(ks[3], (G,), 0, 160, dtype=jnp.int32)
    inp['gfeat'] = jax.random.normal(ks[4], (G, GF), dtype=jnp.float32)
    i = 5
    dims = [D, H, H]
    for l in range(3):
        fi = dims[l]
        inp['W_l%d' % l] = jax.random.normal(ks[i], (H, fi), dtype=jnp.float32) / np.sqrt(fi); i += 1
        inp['b_l%d' % l] = jnp.zeros((H,), dtype=jnp.float32)
        inp['W_r%d' % l] = jax.random.normal(ks[i], (H, fi), dtype=jnp.float32) / np.sqrt(fi); i += 1
        inp['g%d' % l] = jnp.ones((H,), dtype=jnp.float32)
        inp['be%d' % l] = jnp.zeros((H,), dtype=jnp.float32)
    RO = 2 * H + GF
    inp['Wm1'] = jax.random.normal(ks[i], (H, RO), dtype=jnp.float32) / np.sqrt(RO); i += 1
    inp['bm1'] = jnp.zeros((H,), dtype=jnp.float32)
    inp['Wm2'] = jax.random.normal(ks[i], (C, H), dtype=jnp.float32) / np.sqrt(H); i += 1
    inp['bm2'] = jnp.zeros((C,), dtype=jnp.float32)
    return inp


def reference(x, edge_index, batch, ptr, root_idx, gfeat, W_l0, b_l0, W_r0, g0, be0, W_l1, b_l1, W_r1, g1, be1, W_l2, b_l2, W_r2, g2, be2, Wm1, bm1, Wm2, bm2):
    src = edge_index[0]
    dst = edge_index[1]
    h = x
    params = [(W_l0, b_l0, W_r0, g0, be0), (W_l1, b_l1, W_r1, g1, be1), (W_l2, b_l2, W_r2, g2, be2)]
    for (Wl, bl, Wr, gg, bb) in params:
        h = _sage(h, src, dst, Wl, bl, Wr, N)
        h = _layer_norm(h, gg, bb)
        h = jax.nn.relu(h)
    root_global = ptr[:-1] + root_idx
    root_emb = h[root_global]
    sums = jax.ops.segment_sum(h, batch, num_segments=G)
    cnt = jax.ops.segment_sum(jnp.ones((N,), dtype=h.dtype), batch, num_segments=G)
    mean_pool = sums / jnp.maximum(cnt, 1.0)[:, None]
    mx = jax.ops.segment_max(h, batch, num_segments=G)
    max_pool = jnp.where(cnt[:, None] > 0, mx, 0.0)
    g = jnp.concatenate([mean_pool, max_pool], axis=-1)
    g = jnp.concatenate([g, gfeat], axis=-1)
    hm = jax.nn.relu(g @ Wm1.T + bm1)
    out = hm @ Wm2.T + bm2
    return out

if __name__ == "__main__":
    import jax
    _d = setup_inputs()
    print(jax.jit(kernel)(*tuple(_d.values())))

</pallas_src>

<mosaic_0001>
#map = affine_map<(d0, d1) -> (0, 0)>
module attributes {stable_mosaic.version = 14 : i64} {
  func.func @k(%arg0: i32, %arg1: i32, %arg2: memref<20480x128xf32, #tpu.memory_space<hbm>>, %arg3: memref<2560x128xi32, #tpu.memory_space<hbm>>, %arg4: memref<1280x128xi32, #tpu.memory_space<hbm>>, %arg5: memref<10240x128xf32, #tpu.memory_space<hbm>>, %arg6: memref<20480x128xf32, #tpu.memory_space<hbm>>, %arg7: memref<4x128xi32, #tpu.memory_space<vmem>>, %arg8: memref<4x128xi32, #tpu.memory_space<vmem>>, %arg9: memref<4x128xi32, #tpu.memory_space<vmem>>, %arg10: memref<4x128xi32, #tpu.memory_space<vmem>>, %arg11: memref<128x128xf32, #tpu.memory_space<vmem>>, %arg12: memref<128x128xf32, #tpu.memory_space<vmem>>, %arg13: memref<!tpu.dma_semaphore, #tpu.memory_space<semaphore_mem>>, %arg14: memref<!tpu.dma_semaphore, #tpu.memory_space<semaphore_mem>>, %arg15: memref<!tpu.dma_semaphore, #tpu.memory_space<semaphore_mem>>, %arg16: memref<!tpu.dma_semaphore, #tpu.memory_space<semaphore_mem>>, %arg17: memref<!tpu.dma_semaphore, #tpu.memory_space<semaphore_mem>>, %arg18: memref<!tpu.dma_semaphore, #tpu.memory_space<semaphore_mem>>, %arg19: memref<!tpu.dma_semaphore, #tpu.memory_space<semaphore_mem>>, %arg20: memref<10240x128xf32, #tpu.memory_space<vmem_shared>>) attributes {dimension_semantics = [#tpu.dimension_semantics<core_parallel>, #tpu.dimension_semantics<subcore_parallel>], iteration_bounds = array<i64: 2, 16>, scalar_prefetch = 0 : i64, scratch_operands = 14 : i64, tpu.core_type = #tpu.core_type<sc_vector_subcore>, window_params = [{transform_indices = #map}, {transform_indices = #map}, {transform_indices = #map}, {transform_indices = #map}, {transform_indices = #map}]} {
    %mul3A = arith.constant 640 : i32
    %mul3A_0 = arith.muli %arg1, %mul3A : i32
    %mul3A_1 = arith.constant 640 : i32
    %mul3A_2 = arith.muli %arg1, %mul3A_1 : i32
    %dma_start3A = arith.constant 0 : i32
    %dma_start3A_3 = tpu.memref_slice %arg20[%mul3A_2, %dma_start3A] : memref<10240x128xf32, #tpu.memory_space<vmem_shared>> -> memref<640x128xf32, #tpu.memory_space<vmem_shared>>
    %dma_start3A_4 = arith.constant 0 : i32
    %dma_start3A_5 = tpu.memref_slice %arg5[%mul3A_0, %dma_start3A_4] : memref<10240x128xf32, #tpu.memory_space<hbm>> -> memref<640x128xf32, #tpu.memory_space<hbm>>
    tpu.enqueue_dma source(%dma_start3A_5 : memref<640x128xf32, #tpu.memory_space<hbm>>) target(%dma_start3A_3 : memref<640x128xf32, #tpu.memory_space<vmem_shared>>) target_semaphore(%arg19 : memref<!tpu.dma_semaphore, #tpu.memory_space<semaphore_mem>>)
    %mul3A_6 = arith.constant 16 : i32
    %mul3A_7 = arith.muli %arg0, %mul3A_6 : i32
    %add3A = arith.addi %mul3A_7, %arg1 : i32
    %mul3A_8 = arith.constant 80 : i32
    %mul3A_9 = arith.muli %add3A, %mul3A_8 : i32
    %mul3A_10 = arith.constant 80 : i32
    %mul3A_11 = arith.muli %arg1, %mul3A_10 : i32
    %add3A_12 = arith.constant 0 : i32
    %add3A_13 = arith.addi %mul3A_9, %add3A_12 : i32
    %dma_start3A_14 = arith.constant 0 : i32
    %dma_start3A_15 = tpu.memref_slice %arg3[%add3A_13, %dma_start3A_14] : memref<2560x128xi32, #tpu.memory_space<hbm>> -> memref<4x128xi32, #tpu.memory_space<hbm>>
    %dma_start3A_16 = arith.constant 0 : i32
    %dma_start3A_17 = tpu.memref_slice %arg3[%add3A_13, %dma_start3A_16] : memref<2560x128xi32, #tpu.memory_space<hbm>> -> memref<4x128xi32, #tpu.memory_space<hbm>>
    tpu.enqueue_dma source(%dma_start3A_17 : memref<4x128xi32, #tpu.memory_space<hbm>>) target(%arg7 : memref<4x128xi32, #tpu.memory_space<vmem>>) target_semaphore(%arg17 : memref<!tpu.dma_semaphore, #tpu.memory_space<semaphore_mem>>)
    %add3A_18 = arith.constant 0 : i32
    %add3A_19 = arith.addi %mul3A_11, %add3A_18 : i32
    %dma_start3A_20 = arith.constant 0 : i32
    %dma_start3A_21 = tpu.memref_slice %arg4[%add3A_19, %dma_start3A_20] : memref<1280x128xi32, #tpu.memory_space<hbm>> -> memref<4x128xi32, #tpu.memory_space<hbm>>
    %dma_start3A_22 = arith.constant 0 : i32
    %dma_start3A_23 = tpu.memref_slice %arg4[%add3A_19, %dma_start3A_22] : memref<1280x128xi32, #tpu.memory_space<hbm>> -> memref<4x128xi32, #tpu.memory_space<hbm>>
    tpu.enqueue_dma source(%dma_start3A_23 : memref<4x128xi32, #tpu.memory_space<hbm>>) target(%arg8 : memref<4x128xi32, #tpu.memory_space<vmem>>) target_semaphore(%arg17 : memref<!tpu.dma_semaphore, #tpu.memory_space<semaphore_mem>>)
    %add3A_24 = arith.constant 0 : i32
    %add3A_25 = arith.addi %mul3A_9, %add3A_24 : i32
    %dma_wait3A = arith.constant 0 : i32
    %dma_wait3A_26 = tpu.memref_slice %arg3[%add3A_25, %dma_wait3A] : memref<2560x128xi32, #tpu.memory_space<hbm>> -> memref<4x128xi32, #tpu.memory_space<hbm>>
    %dma_wait3A_27 = arith.constant 0 : i32
    %dma_wait3A_28 = tpu.memref_slice %arg3[%add3A_25, %dma_wait3A_27] : memref<2560x128xi32, #tpu.memory_space<hbm>> -> memref<4x128xi32, #tpu.memory_space<hbm>>
    tpu.wait_dma2 semaphore(%arg17 : memref<!tpu.dma_semaphore, #tpu.memory_space<semaphore_mem>>) src(%dma_wait3A_28 : memref<4x128xi32, #tpu.memory_space<hbm>>) dst(%arg7 : memref<4x128xi32, #tpu.memory_space<vmem>>)
    %add3A_29 = arith.constant 0 : i32
    %add3A_30 = arith.addi %mul3A_11, %add3A_29 : i32
    %dma_wait3A_31 = arith.constant 0 : i32
    %dma_wait3A_32 = tpu.memref_slice %arg4[%add3A_30, %dma_wait3A_31] : memref<1280x128xi32, #tpu.memory_space<hbm>> -> memref<4x128xi32, #tpu.memory_space<hbm>>
    %dma_wait3A_33 = arith.constant 0 : i32
    %dma_wait3A_34 = tpu.memref_slice %arg4[%add3A_30, %dma_wait3A_33] : memref<1280x128xi32, #tpu.memory_space<hbm>> -> memref<4x128xi32, #tpu.memory_space<hbm>>
    tpu.wait_dma2 semaphore(%arg17 : memref<!tpu.dma_semaphore, #tpu.memory_space<semaphore_mem>>) src(%dma_wait3A_34 : memref<4x128xi32, #tpu.memory_space<hbm>>) dst(%arg8 : memref<4x128xi32, #tpu.memory_space<vmem>>)
    %dma_start3A_35 = arith.constant 0 : i32
    %dma_start3A_36 = arith.constant 0 : i32
    %dma_start3A_37 = tpu.memref_slice %arg7[%dma_start3A_35, %dma_start3A_36] : memref<4x128xi32, #tpu.memory_space<vmem>> -> memref<1x128xi32, #tpu.memory_space<vmem>>
    %dma_start3A_38 = tpu.memref_squeeze %dma_start3A_37 : memref<1x128xi32, #tpu.memory_space<vmem>> -> memref<128xi32, #tpu.memory_space<vmem>>
    %dma_start3A_39 = arith.constant 0 : i32
    %dma_start3A_40 = arith.constant 0 : i32
    %dma_start3A_41 = tpu.memref_slice %arg2[%dma_start3A_39, %dma_start3A_40] : memref<20480x128xf32, #tpu.memory_space<hbm>> -> memref<20480x128xf32, #tpu.memory_space<hbm>>
    tpu.enqueue_indirect_dma source(%dma_start3A_41 : memref<20480x128xf32, #tpu.memory_space<hbm>>) target(%arg11 : memref<128x128xf32, #tpu.memory_space<vmem>>) offsets(%dma_start3A_38 : memref<128xi32, #tpu.memory_space<vmem>>) semaphore(%arg13 : memref<!tpu.dma_semaphore, #tpu.memory_space<semaphore_mem>>)
    %dma_wait3A_42 = arith.constant 0 : i32
    %dma_wait3A_43 = tpu.memref_slice %arg20[%mul3A_2, %dma_wait3A_42] : memref<10240x128xf32, #tpu.memory_space<vmem_shared>> -> memref<640x128xf32, #tpu.memory_space<vmem_shared>>
    %dma_wait3A_44 = arith.constant 0 : i32
    %dma_wait3A_45 = tpu.memref_slice %arg5[%mul3A_0, %dma_wait3A_44] : memref<10240x128xf32, #tpu.memory_space<hbm>> -> memref<640x128xf32, #tpu.memory_space<hbm>>
    tpu.wait_dma2 semaphore(%arg19 : memref<!tpu.dma_semaphore, #tpu.memory_space<semaphore_mem>>) src(%dma_wait3A_45 : memref<640x128xf32, #tpu.memory_space<hbm>>) dst(%dma_wait3A_43 : memref<640x128xf32, #tpu.memory_space<vmem_shared>>)
    %barrier3A = arith.constant 0 : index
    tpu.barrier barrier_id(%barrier3A)
    %scan3A = arith.constant 0 : i32
    %scan3A_46 = arith.constant 10 : i32
    %scan3A_47 = arith.addi %scan3A, %scan3A_46 : i32
    %scan3A_48 = arith.constant 1 : i32
    scf.for %scan3A_58 = %scan3A to %scan3A_47 step %scan3A_48  : i32 {
      %mul3A_59 = arith.constant 2 : i32
      %mul3A_60 = arith.muli %scan3A_58, %mul3A_59 : i32
      %add3A_61 = arith.constant 0 : i32
      %add3A_62 = arith.addi %add3A_61, %mul3A_60 : i32
      %dma_wait3A_63 = arith.constant 0 : i32
      %dma_wait3A_64 = arith.constant 0 : i32
      %dma_wait3A_65 = tpu.memref_slice %arg7[%dma_wait3A_63, %dma_wait3A_64] : memref<4x128xi32, #tpu.memory_space<vmem>> -> memref<1x128xi32, #tpu.memory_space<vmem>>
      %dma_wait3A_66 = tpu.memref_squeeze %dma_wait3A_65 : memref<1x128xi32, #tpu.memory_space<vmem>> -> memref<128xi32, #tpu.memory_space<vmem>>
      %dma_wait3A_67 = arith.constant 0 : i32
      %dma_wait3A_68 = arith.constant 0 : i32
      %dma_wait3A_69 = tpu.memref_slice %arg2[%dma_wait3A_67, %dma_wait3A_68] : memref<20480x128xf32, #tpu.memory_space<hbm>> -> memref<20480x128xf32, #tpu.memory_space<hbm>>
      tpu.wait_indirect_dma semaphore(%arg13 : memref<!tpu.dma_semaphore, #tpu.memory_space<semaphore_mem>>) src(%dma_wait3A_69 : memref<20480x128xf32, #tpu.memory_space<hbm>>) dst(%arg11 : memref<128x128xf32, #tpu.memory_space<vmem>>)
      %dma_start3A_70 = arith.constant 0 : i32
      %dma_start3A_71 = arith.constant 0 : i32
      %dma_start3A_72 = tpu.memref_slice %arg8[%dma_start3A_70, %dma_start3A_71] : memref<4x128xi32, #tpu.memory_space<vmem>> -> memref<1x128xi32, #tpu.memory_space<vmem>>
      %dma_start3A_73 = tpu.memref_squeeze %dma_start3A_72 : memref<1x128xi32, #tpu.memory_space<vmem>> -> memref<128xi32, #tpu.memory_space<vmem>>
      %dma_start3A_74 = arith.constant 0 : i32
      %dma_start3A_75 = arith.constant 0 : i32
      %dma_start3A_76 = tpu.memref_slice %arg20[%dma_start3A_74, %dma_start3A_75] : memref<10240x128xf32, #tpu.memory_space<vmem_shared>> -> memref<10240x128xf32, #tpu.memory_space<vmem_shared>>
      tpu.enqueue_indirect_dma source(%arg11 : memref<128x128xf32, #tpu.memory_space<vmem>>) target(%dma_start3A_76 : memref<10240x128xf32, #tpu.memory_space<vmem_shared>>) offsets(%dma_start3A_73 : memref<128xi32, #tpu.memory_space<vmem>>) semaphore(%arg15 : memref<!tpu.dma_semaphore, #tpu.memory_space<semaphore_mem>>) {add = true}
      %add3A_77 = arith.constant 1 : i32
      %add3A_78 = arith.addi %add3A_62, %add3A_77 : i32
      %mul3A_79 = arith.constant 4 : i32
      %mul3A_80 = arith.muli %add3A_78, %mul3A_79 : i32
      %add3A_81 = arith.addi %mul3A_9, %mul3A_80 : i32
      %dma_start3A_82 = arith.constant 0 : i32
      %dma_start3A_83 = tpu.memref_slice %arg3[%add3A_81, %dma_start3A_82] : memref<2560x128xi32, #tpu.memory_space<hbm>> -> memref<4x128xi32, #tpu.memory_space<hbm>>
      %dma_start3A_84 = arith.constant 0 : i32
      %dma_start3A_85 = tpu.memref_slice %arg3[%add3A_81, %dma_start3A_84] : memref<2560x128xi32, #tpu.memory_space<hbm>> -> memref<4x128xi32, #tpu.memory_space<hbm>>
      tpu.enqueue_dma source(%dma_start3A_85 : memref<4x128xi32, #tpu.memory_space<hbm>>) target(%arg9 : memref<4x128xi32, #tpu.memory_space<vmem>>) target_semaphore(%arg18 : memref<!tpu.dma_semaphore, #tpu.memory_space<semaphore_mem>>)
      %mul3A_86 = arith.constant 4 : i32
      %mul3A_87 = arith.muli %add3A_78, %mul3A_86 : i32
      %add3A_88 = arith.addi %mul3A_11, %mul3A_87 : i32
      %dma_start3A_89 = arith.constant 0 : i32
      %dma_start3A_90 = tpu.memref_slice %arg4[%add3A_88, %dma_start3A_89] : memref<1280x128xi32, #tpu.memory_space<hbm>> -> memref<4x128xi32, #tpu.memory_space<hbm>>
      %dma_start3A_91 = arith.constant 0 : i32
      %dma_start3A_92 = tpu.memref_slice %arg4[%add3A_88, %dma_start3A_91] : memref<1280x128xi32, #tpu.memory_space<hbm>> -> memref<4x128xi32, #tpu.memory_space<hbm>>
      tpu.enqueue_dma source(%dma_start3A_92 : memref<4x128xi32, #tpu.memory_space<hbm>>) target(%arg10 : memref<4x128xi32, #tpu.memory_space<vmem>>) target_semaphore(%arg18 : memref<!tpu.dma_semaphore, #tpu.memory_space<semaphore_mem>>)
      %dma_start3A_93 = arith.constant 1 : i32
      %dma_start3A_94 = arith.constant 0 : i32
      %dma_start3A_95 = tpu.memref_slice %arg7[%dma_start3A_93, %dma_start3A_94] : memref<4x128xi32, #tpu.memory_space<vmem>> -> memref<1x128xi32, #tpu.memory_space<vmem>>
      %dma_start3A_96 = tpu.memref_squeeze %dma_start3A_95 : memref<1x128xi32, #tpu.memory_space<vmem>> -> memref<128xi32, #tpu.memory_space<vmem>>
      %dma_start3A_97 = arith.constant 0 : i32
      %dma_start3A_98 = arith.constant 0 : i32
      %dma_start3A_99 = tpu.memref_slice %arg2[%dma_start3A_97, %dma_start3A_98] : memref<20480x128xf32, #tpu.memory_space<hbm>> -> memref<20480x128xf32, #tpu.memory_space<hbm>>
      tpu.enqueue_indirect_dma source(%dma_start3A_99 : memref<20480x128xf32, #tpu.memory_space<hbm>>) target(%arg12 : memref<128x128xf32, #tpu.memory_space<vmem>>) offsets(%dma_start3A_96 : memref<128xi32, #tpu.memory_space<vmem>>) semaphore(%arg14 : memref<!tpu.dma_semaphore, #tpu.memory_space<semaphore_mem>>)
      %dma_wait3A_100 = arith.constant 1 : i32
      %dma_wait3A_101 = arith.constant 0 : i32
      %dma_wait3A_102 = tpu.memref_slice %arg7[%dma_wait3A_100, %dma_wait3A_101] : memref<4x128xi32, #tpu.memory_space<vmem>> -> memref<1x128xi32, #tpu.memory_space<vmem>>
      %dma_wait3A_103 = tpu.memref_squeeze %dma_wait3A_102 : memref<1x128xi32, #tpu.memory_space<vmem>> -> memref<128xi32, #tpu.memory_space<vmem>>
      %dma_wait3A_104 = arith.constant 0 : i32
      %dma_wait3A_105 = arith.constant 0 : i32
      %dma_wait3A_106 = tpu.memref_slice %arg2[%dma_wait3A_104, %dma_wait3A_105] : memref<20480x128xf32, #tpu.memory_space<hbm>> -> memref<20480x128xf32, #tpu.memory_space<hbm>>
      tpu.wait_indirect_dma semaphore(%arg14 : memref<!tpu.dma_semaphore, #tpu.memory_space<semaphore_mem>>) src(%dma_wait3A_106 : memref<20480x128xf32, #tpu.memory_space<hbm>>) dst(%arg12 : memref<128x128xf32, #tpu.memory_space<vmem>>)
      %dma_start3A_107 = arith.constant 1 : i32
      %dma_start3A_108 = arith.constant 0 : i32
      %dma_start3A_109 = tpu.memref_slice %arg8[%dma_start3A_107, %dma_start3A_108] : memref<4x128xi32, #tpu.memory_space<vmem>> -> memref<1x128xi32, #tpu.memory_space<vmem>>
      %dma_start3A_110 = tpu.memref_squeeze %dma_start3A_109 : memref<1x128xi32, #tpu.memory_space<vmem>> -> memref<128xi32, #tpu.memory_space<vmem>>
      %dma_start3A_111 = arith.constant 0 : i32
      %dma_start3A_112 = arith.constant 0 : i32
      %dma_start3A_113 = tpu.memref_slice %arg20[%dma_start3A_111, %dma_start3A_112] : memref<10240x128xf32, #tpu.memory_space<vmem_shared>> -> memref<10240x128xf32, #tpu.memory_space<vmem_shared>>
      tpu.enqueue_indirect_dma source(%arg12 : memref<128x128xf32, #tpu.memory_space<vmem>>) target(%dma_start3A_113 : memref<10240x128xf32, #tpu.memory_space<vmem_shared>>) offsets(%dma_start3A_110 : memref<128xi32, #tpu.memory_space<vmem>>) semaphore(%arg16 : memref<!tpu.dma_semaphore, #tpu.memory_space<semaphore_mem>>) {add = true}
      %dma_wait3A_114 = arith.constant 0 : i32
      %dma_wait3A_115 = arith.constant 0 : i32
      %dma_wait3A_116 = tpu.memref_slice %arg8[%dma_wait3A_114, %dma_wait3A_115] : memref<4x128xi32, #tpu.memory_space<vmem>> -> memref<1x128xi32, #tpu.memory_space<vmem>>
      %dma_wait3A_117 = tpu.memref_squeeze %dma_wait3A_116 : memref<1x128xi32, #tpu.memory_space<vmem>> -> memref<128xi32, #tpu.memory_space<vmem>>
      %dma_wait3A_118 = arith.constant 0 : i32
      %dma_wait3A_119 = arith.constant 0 : i32
      %dma_wait3A_120 = tpu.memref_slice %arg20[%dma_wait3A_118, %dma_wait3A_119] : memref<10240x128xf32, #tpu.memory_space<vmem_shared>> -> memref<10240x128xf32, #tpu.memory_space<vmem_shared>>
      tpu.wait_indirect_dma semaphore(%arg15 : memref<!tpu.dma_semaphore, #tpu.memory_space<semaphore_mem>>) src(%arg11 : memref<128x128xf32, #tpu.memory_space<vmem>>) dst(%dma_wait3A_120 : memref<10240x128xf32, #tpu.memory_space<vmem_shared>>)
      %dma_start3A_121 = arith.constant 2 : i32
      %dma_start3A_122 = arith.constant 0 : i32
      %dma_start3A_123 = tpu.memref_slice %arg7[%dma_start3A_121, %dma_start3A_122] : memref<4x128xi32, #tpu.memory_space<vmem>> -> memref<1x128xi32, #tpu.memory_space<vmem>>
      %dma_start3A_124 = tpu.memref_squeeze %dma_start3A_123 : memref<1x128xi32, #tpu.memory_space<vmem>> -> memref<128xi32, #tpu.memory_space<vmem>>
      %dma_start3A_125 = arith.constant 0 : i32
      %dma_start3A_126 = arith.constant 0 : i32
      %dma_start3A_127 = tpu.memref_slice %arg2[%dma_start3A_125, %dma_start3A_126] : memref<20480x128xf32, #tpu.memory_space<hbm>> -> memref<20480x128xf32, #tpu.memory_space<hbm>>
      tpu.enqueue_indirect_dma source(%dma_start3A_127 : memref<20480x128xf32, #tpu.memory_space<hbm>>) target(%arg11 : memref<128x128xf32, #tpu.memory_space<vmem>>) offsets(%dma_start3A_124 : memref<128xi32, #tpu.memory_space<vmem>>) semaphore(%arg13 : memref<!tpu.dma_semaphore, #tpu.memory_space<semaphore_mem>>)
      %dma_wait3A_128 = arith.constant 2 : i32
      %dma_wait3A_129 = arith.constant 0 : i32
      %dma_wait3A_130 = tpu.memref_slice %arg7[%dma_wait3A_128, %dma_wait3A_129] : memref<4x128xi32, #tpu.memory_space<vmem>> -> memref<1x128xi32, #tpu.memory_space<vmem>>
      %dma_wait3A_131 = tpu.memref_squeeze %dma_wait3A_130 : memref<1x128xi32, #tpu.memory_space<vmem>> -> memref<128xi32, #tpu.memory_space<vmem>>
      %dma_wait3A_132 = arith.constant 0 : i32
      %dma_wait3A_133 = arith.constant 0 : i32
      %dma_wait3A_134 = tpu.memref_slice %arg2[%dma_wait3A_132, %dma_wait3A_133] : memref<20480x128xf32, #tpu.memory_space<hbm>> -> memref<20480x128xf32, #tpu.memory_space<hbm>>
      tpu.wait_indirect_dma semaphore(%arg13 : memref<!tpu.dma_semaphore, #tpu.memory_space<semaphore_mem>>) src(%dma_wait3A_134 : memref<20480x128xf32, #tpu.memory_space<hbm>>) dst(%arg11 : memref<128x128xf32, #tpu.memory_space<vmem>>)
      %dma_start3A_135 = arith.constant 2 : i32
      %dma_start3A_136 = arith.constant 0 : i32
      %dma_start3A_137 = tpu.memref_slice %arg8[%dma_start3A_135, %dma_start3A_136] : memref<4x128xi32, #tpu.memory_space<vmem>> -> memref<1x128xi32, #tpu.memory_space<vmem>>
      %dma_start3A_138 = tpu.memref_squeeze %dma_start3A_137 : memref<1x128xi32, #tpu.memory_space<vmem>> -> memref<128xi32, #tpu.memory_space<vmem>>
      %dma_start3A_139 = arith.constant 0 : i32
      %dma_start3A_140 = arith.constant 0 : i32
      %dma_start3A_141 = tpu.memref_slice %arg20[%dma_start3A_139, %dma_start3A_140] : memref<10240x128xf32, #tpu.memory_space<vmem_shared>> -> memref<10240x128xf32, #tpu.memory_space<vmem_shared>>
      tpu.enqueue_indirect_dma source(%arg11 : memref<128x128xf32, #tpu.memory_space<vmem>>) target(%dma_start3A_141 : memref<10240x128xf32, #tpu.memory_space<vmem_shared>>) offsets(%dma_start3A_138 : memref<128xi32, #tpu.memory_space<vmem>>) semaphore(%arg15 : memref<!tpu.dma_semaphore, #tpu.memory_space<semaphore_mem>>) {add = true}
      %dma_wait3A_142 = arith.constant 1 : i32
      %dma_wait3A_143 = arith.constant 0 : i32
      %dma_wait3A_144 = tpu.memref_slice %arg8[%dma_wait3A_142, %dma_wait3A_143] : memref<4x128xi32, #tpu.memory_space<vmem>> -> memref<1x128xi32, #tpu.memory_space<vmem>>
      %dma_wait3A_145 = tpu.memref_squeeze %dma_wait3A_144 : memref<1x128xi32, #tpu.memory_space<vmem>> -> memref<128xi32, #tpu.memory_space<vmem>>
      %dma_wait3A_146 = arith.constant 0 : i32
      %dma_wait3A_147 = arith.constant 0 : i32
      %dma_wait3A_148 = tpu.memref_slice %arg20[%dma_wait3A_146, %dma_wait3A_147] : memref<10240x128xf32, #tpu.memory_space<vmem_shared>> -> memref<10240x128xf32, #tpu.memory_space<vmem_shared>>
      tpu.wait_indirect_dma semaphore(%arg16 : memref<!tpu.dma_semaphore, #tpu.memory_space<semaphore_mem>>) src(%arg12 : memref<128x128xf32, #tpu.memory_space<vmem>>) dst(%dma_wait3A_148 : memref<10240x128xf32, #tpu.memory_space<vmem_shared>>)
      %dma_start3A_149 = arith.constant 3 : i32
      %dma_start3A_150 = arith.constant 0 : i32
      %dma_start3A_151 = tpu.memref_slice %arg7[%dma_start3A_149, %dma_start3A_150] : memref<4x128xi32, #tpu.memory_space<vmem>> -> memref<1x128xi32, #tpu.memory_space<vmem>>
      %dma_start3A_152 = tpu.memref_squeeze %dma_start3A_151 : memref<1x128xi32, #tpu.memory_space<vmem>> -> memref<128xi32, #tpu.memory_space<vmem>>
      %dma_start3A_153 = arith.constant 0 : i32
      %dma_start3A_154 = arith.constant 0 : i32
      %dma_start3A_155 = tpu.memref_slice %arg2[%dma_start3A_153, %dma_start3A_154] : memref<20480x128xf32, #tpu.memory_space<hbm>> -> memref<20480x128xf32, #tpu.memory_space<hbm>>
      tpu.enqueue_indirect_dma source(%dma_start3A_155 : memref<20480x128xf32, #tpu.memory_space<hbm>>) target(%arg12 : memref<128x128xf32, #tpu.memory_space<vmem>>) offsets(%dma_start3A_152 : memref<128xi32, #tpu.memory_space<vmem>>) semaphore(%arg14 : memref<!tpu.dma_semaphore, #tpu.memory_space<semaphore_mem>>)
      %dma_wait3A_156 = arith.constant 3 : i32
      %dma_wait3A_157 = arith.constant 0 : i32
      %dma_wait3A_158 = tpu.memref_slice %arg7[%dma_wait3A_156, %dma_wait3A_157] : memref<4x128xi32, #tpu.memory_space<vmem>> -> memref<1x128xi32, #tpu.memory_space<vmem>>
      %dma_wait3A_159 = tpu.memref_squeeze %dma_wait3A_158 : memref<1x128xi32, #tpu.memory_space<vmem>> -> memref<128xi32, #tpu.memory_space<vmem>>
      %dma_wait3A_160 = arith.constant 0 : i32
      %dma_wait3A_161 = arith.constant 0 : i32
      %dma_wait3A_162 = tpu.memref_slice %arg2[%dma_wait3A_160, %dma_wait3A_161] : memref<20480x128xf32, #tpu.memory_space<hbm>> -> memref<20480x128xf32, #tpu.memory_space<hbm>>
      tpu.wait_indirect_dma semaphore(%arg14 : memref<!tpu.dma_semaphore, #tpu.memory_space<semaphore_mem>>) src(%dma_wait3A_162 : memref<20480x128xf32, #tpu.memory_space<hbm>>) dst(%arg12 : memref<128x128xf32, #tpu.memory_space<vmem>>)
      %dma_start3A_163 = arith.constant 3 : i32
      %dma_start3A_164 = arith.constant 0 : i32
      %dma_start3A_165 = tpu.memref_slice %arg8[%dma_start3A_163, %dma_start3A_164] : memref<4x128xi32, #tpu.memory_space<vmem>> -> memref<1x128xi32, #tpu.memory_space<vmem>>
      %dma_start3A_166 = tpu.memref_squeeze %dma_start3A_165 : memref<1x128xi32, #tpu.memory_space<vmem>> -> memref<128xi32, #tpu.memory_space<vmem>>
      %dma_start3A_167 = arith.constant 0 : i32
      %dma_start3A_168 = arith.constant 0 : i32
      %dma_start3A_169 = tpu.memref_slice %arg20[%dma_start3A_167, %dma_start3A_168] : memref<10240x128xf32, #tpu.memory_space<vmem_shared>> -> memref<10240x128xf32, #tpu.memory_space<vmem_shared>>
      tpu.enqueue_indirect_dma source(%arg12 : memref<128x128xf32, #tpu.memory_space<vmem>>) target(%dma_start3A_169 : memref<10240x128xf32, #tpu.memory_space<vmem_shared>>) offsets(%dma_start3A_166 : memref<128xi32, #tpu.memory_space<vmem>>) semaphore(%arg16 : memref<!tpu.dma_semaphore, #tpu.memory_space<semaphore_mem>>) {add = true}
      %dma_wait3A_170 = arith.constant 2 : i32
      %dma_wait3A_171 = arith.constant 0 : i32
      %dma_wait3A_172 = tpu.memref_slice %arg8[%dma_wait3A_170, %dma_wait3A_171] : memref<4x128xi32, #tpu.memory_space<vmem>> -> memref<1x128xi32, #tpu.memory_space<vmem>>
      %dma_wait3A_173 = tpu.memref_squeeze %dma_wait3A_172 : memref<1x128xi32, #tpu.memory_space<vmem>> -> memref<128xi32, #tpu.memory_space<vmem>>
      %dma_wait3A_174 = arith.constant 0 : i32
      %dma_wait3A_175 = arith.constant 0 : i32
      %dma_wait3A_176 = tpu.memref_slice %arg20[%dma_wait3A_174, %dma_wait3A_175] : memref<10240x128xf32, #tpu.memory_space<vmem_shared>> -> memref<10240x128xf32, #tpu.memory_space<vmem_shared>>
      tpu.wait_indirect_dma semaphore(%arg15 : memref<!tpu.dma_semaphore, #tpu.memory_space<semaphore_mem>>) src(%arg11 : memref<128x128xf32, #tpu.memory_space<vmem>>) dst(%dma_wait3A_176 : memref<10240x128xf32, #tpu.memory_space<vmem_shared>>)
      %add3A_177 = arith.constant 1 : i32
      %add3A_178 = arith.addi %add3A_62, %add3A_177 : i32
      %mul3A_179 = arith.constant 4 : i32
      %mul3A_180 = arith.muli %add3A_178, %mul3A_179 : i32
      %add3A_181 = arith.addi %mul3A_9, %mul3A_180 : i32
      %dma_wait3A_182 = arith.constant 0 : i32
      %dma_wait3A_183 = tpu.memref_slice %arg3[%add3A_181, %dma_wait3A_182] : memref<2560x128xi32, #tpu.memory_space<hbm>> -> memref<4x128xi32, #tpu.memory_space<hbm>>
      %dma_wait3A_184 = arith.constant 0 : i32
      %dma_wait3A_185 = tpu.memref_slice %arg3[%add3A_181, %dma_wait3A_184] : memref<2560x128xi32, #tpu.memory_space<hbm>> -> memref<4x128xi32, #tpu.memory_space<hbm>>
      tpu.wait_dma2 semaphore(%arg18 : memref<!tpu.dma_semaphore, #tpu.memory_space<semaphore_mem>>) src(%dma_wait3A_185 : memref<4x128xi32, #tpu.memory_space<hbm>>) dst(%arg9 : memref<4x128xi32, #tpu.memory_space<vmem>>)
      %mul3A_186 = arith.constant 4 : i32
      %mul3A_187 = arith.muli %add3A_178, %mul3A_186 : i32
      %add3A_188 = arith.addi %mul3A_11, %mul3A_187 : i32
      %dma_wait3A_189 = arith.constant 0 : i32
      %dma_wait3A_190 = tpu.memref_slice %arg4[%add3A_188, %dma_wait3A_189] : memref<1280x128xi32, #tpu.memory_space<hbm>> -> memref<4x128xi32, #tpu.memory_space<hbm>>
      %dma_wait3A_191 = arith.constant 0 : i32
      %dma_wait3A_192 = tpu.memref_slice %arg4[%add3A_188, %dma_wait3A_191] : memref<1280x128xi32, #tpu.memory_space<hbm>> -> memref<4x128xi32, #tpu.memory_space<hbm>>
      tpu.wait_dma2 semaphore(%arg18 : memref<!tpu.dma_semaphore, #tpu.memory_space<semaphore_mem>>) src(%dma_wait3A_192 : memref<4x128xi32, #tpu.memory_space<hbm>>) dst(%arg10 : memref<4x128xi32, #tpu.memory_space<vmem>>)
      %dma_start3A_193 = arith.constant 0 : i32
      %dma_start3A_194 = arith.constant 0 : i32
      %dma_start3A_195 = tpu.memref_slice %arg9[%dma_start3A_193, %dma_start3A_194] : memref<4x128xi32, #tpu.memory_space<vmem>> -> memref<1x128xi32, #tpu.memory_space<vmem>>
      %dma_start3A_196 = tpu.memref_squeeze %dma_start3A_195 : memref<1x128xi32, #tpu.memory_space<vmem>> -> memref<128xi32, #tpu.memory_space<vmem>>
      %dma_start3A_197 = arith.constant 0 : i32
      %dma_start3A_198 = arith.constant 0 : i32
      %dma_start3A_199 = tpu.memref_slice %arg2[%dma_start3A_197, %dma_start3A_198] : memref<20480x128xf32, #tpu.memory_space<hbm>> -> memref<20480x128xf32, #tpu.memory_space<hbm>>
      tpu.enqueue_indirect_dma source(%dma_start3A_199 : memref<20480x128xf32, #tpu.memory_space<hbm>>) target(%arg11 : memref<128x128xf32, #tpu.memory_space<vmem>>) offsets(%dma_start3A_196 : memref<128xi32, #tpu.memory_space<vmem>>) semaphore(%arg13 : memref<!tpu.dma_semaphore, #tpu.memory_space<semaphore_mem>>)
      %dma_wait3A_200 = arith.constant 0 : i32
      %dma_wait3A_201 = arith.constant 0 : i32
      %dma_wait3A_202 = tpu.memref_slice %arg9[%dma_wait3A_200, %dma_wait3A_201] : memref<4x128xi32, #tpu.memory_space<vmem>> -> memref<1x128xi32, #tpu.memory_space<vmem>>
      %dma_wait3A_203 = tpu.memref_squeeze %dma_wait3A_202 : memref<1x128xi32, #tpu.memory_space<vmem>> -> memref<128xi32, #tpu.memory_space<vmem>>
      %dma_wait3A_204 = arith.constant 0 : i32
      %dma_wait3A_205 = arith.constant 0 : i32
      %dma_wait3A_206 = tpu.memref_slice %arg2[%dma_wait3A_204, %dma_wait3A_205] : memref<20480x128xf32, #tpu.memory_space<hbm>> -> memref<20480x128xf32, #tpu.memory_space<hbm>>
      tpu.wait_indirect_dma semaphore(%arg13 : memref<!tpu.dma_semaphore, #tpu.memory_space<semaphore_mem>>) src(%dma_wait3A_206 : memref<20480x128xf32, #tpu.memory_space<hbm>>) dst(%arg11 : memref<128x128xf32, #tpu.memory_space<vmem>>)
      %dma_start3A_207 = arith.constant 0 : i32
      %dma_start3A_208 = arith.constant 0 : i32
      %dma_start3A_209 = tpu.memref_slice %arg10[%dma_start3A_207, %dma_start3A_208] : memref<4x128xi32, #tpu.memory_space<vmem>> -> memref<1x128xi32, #tpu.memory_space<vmem>>
      %dma_start3A_210 = tpu.memref_squeeze %dma_start3A_209 : memref<1x128xi32, #tpu.memory_space<vmem>> -> memref<128xi32, #tpu.memory_space<vmem>>
      %dma_start3A_211 = arith.constant 0 : i32
      %dma_start3A_212 = arith.constant 0 : i32
      %dma_start3A_213 = tpu.memref_slice %arg20[%dma_start3A_211, %dma_start3A_212] : memref<10240x128xf32, #tpu.memory_space<vmem_shared>> -> memref<10240x128xf32, #tpu.memory_space<vmem_shared>>
      tpu.enqueue_indirect_dma source(%arg11 : memref<128x128xf32, #tpu.memory_space<vmem>>) target(%dma_start3A_213 : memref<10240x128xf32, #tpu.memory_space<vmem_shared>>) offsets(%dma_start3A_210 : memref<128xi32, #tpu.memory_space<vmem>>) semaphore(%arg15 : memref<!tpu.dma_semaphore, #tpu.memory_space<semaphore_mem>>) {add = true}
      %dma_wait3A_214 = arith.constant 3 : i32
      %dma_wait3A_215 = arith.constant 0 : i32
      %dma_wait3A_216 = tpu.memref_slice %arg8[%dma_wait3A_214, %dma_wait3A_215] : memref<4x128xi32, #tpu.memory_space<vmem>> -> memref<1x128xi32, #tpu.memory_space<vmem>>
      %dma_wait3A_217 = tpu.memref_squeeze %dma_wait3A_216 : memref<1x128xi32, #tpu.memory_space<vmem>> -> memref<128xi32, #tpu.memory_space<vmem>>
      %dma_wait3A_218 = arith.constant 0 : i32
      %dma_wait3A_219 = arith.constant 0 : i32
      %dma_wait3A_220 = tpu.memref_slice %arg20[%dma_wait3A_218, %dma_wait3A_219] : memref<10240x128xf32, #tpu.memory_space<vmem_shared>> -> memref<10240x128xf32, #tpu.memory_space<vmem_shared>>
      tpu.wait_indirect_dma semaphore(%arg16 : memref<!tpu.dma_semaphore, #tpu.memory_space<semaphore_mem>>) src(%arg12 : memref<128x128xf32, #tpu.memory_space<vmem>>) dst(%dma_wait3A_220 : memref<10240x128xf32, #tpu.memory_space<vmem_shared>>)
      %dma_start3A_221 = arith.constant 1 : i32
      %dma_start3A_222 = arith.constant 0 : i32
      %dma_start3A_223 = tpu.memref_slice %arg9[%dma_start3A_221, %dma_start3A_222] : memref<4x128xi32, #tpu.memory_space<vmem>> -> memref<1x128xi32, #tpu.memory_space<vmem>>
      %dma_start3A_224 = tpu.memref_squeeze %dma_start3A_223 : memref<1x128xi32, #tpu.memory_space<vmem>> -> memref<128xi32, #tpu.memory_space<vmem>>
      %dma_start3A_225 = arith.constant 0 : i32
      %dma_start3A_226 = arith.constant 0 : i32
      %dma_start3A_227 = tpu.memref_slice %arg2[%dma_start3A_225, %dma_start3A_226] : memref<20480x128xf32, #tpu.memory_space<hbm>> -> memref<20480x128xf32, #tpu.memory_space<hbm>>
      tpu.enqueue_indirect_dma source(%dma_start3A_227 : memref<20480x128xf32, #tpu.memory_space<hbm>>) target(%arg12 : memref<128x128xf32, #tpu.memory_space<vmem>>) offsets(%dma_start3A_224 : memref<128xi32, #tpu.memory_space<vmem>>) semaphore(%arg14 : memref<!tpu.dma_semaphore, #tpu.memory_space<semaphore_mem>>)
      %dma_wait3A_228 = arith.constant 1 : i32
      %dma_wait3A_229 = arith.constant 0 : i32
      %dma_wait3A_230 = tpu.memref_slice %arg9[%dma_wait3A_228, %dma_wait3A_229] : memref<4x128xi32, #tpu.memory_space<vmem>> -> memref<1x128xi32, #tpu.memory_space<vmem>>
      %dma_wait3A_231 = tpu.memref_squeeze %dma_wait3A_230 : memref<1x128xi32, #tpu.memory_space<vmem>> -> memref<128xi32, #tpu.memory_space<vmem>>
      %dma_wait3A_232 = arith.constant 0 : i32
      %dma_wait3A_233 = arith.constant 0 : i32
      %dma_wait3A_234 = tpu.memref_slice %arg2[%dma_wait3A_232, %dma_wait3A_233] : memref<20480x128xf32, #tpu.memory_space<hbm>> -> memref<20480x128xf32, #tpu.memory_space<hbm>>
      tpu.wait_indirect_dma semaphore(%arg14 : memref<!tpu.dma_semaphore, #tpu.memory_space<semaphore_mem>>) src(%dma_wait3A_234 : memref<20480x128xf32, #tpu.memory_space<hbm>>) dst(%arg12 : memref<128x128xf32, #tpu.memory_space<vmem>>)
      %dma_start3A_235 = arith.constant 1 : i32
      %dma_start3A_236 = arith.constant 0 : i32
      %dma_start3A_237 = tpu.memref_slice %arg10[%dma_start3A_235, %dma_start3A_236] : memref<4x128xi32, #tpu.memory_space<vmem>> -> memref<1x128xi32, #tpu.memory_space<vmem>>
      %dma_start3A_238 = tpu.memref_squeeze %dma_start3A_237 : memref<1x128xi32, #tpu.memory_space<vmem>> -> memref<128xi32, #tpu.memory_space<vmem>>
      %dma_start3A_239 = arith.constant 0 : i32
      %dma_start3A_240 = arith.constant 0 : i32
      %dma_start3A_241 = tpu.memref_slice %arg20[%dma_start3A_239, %dma_start3A_240] : memref<10240x128xf32, #tpu.memory_space<vmem_shared>> -> memref<10240x128xf32, #tpu.memory_space<vmem_shared>>
      tpu.enqueue_indirect_dma source(%arg12 : memref<128x128xf32, #tpu.memory_space<vmem>>) target(%dma_start3A_241 : memref<10240x128xf32, #tpu.memory_space<vmem_shared>>) offsets(%dma_start3A_238 : memref<128xi32, #tpu.memory_space<vmem>>) semaphore(%arg16 : memref<!tpu.dma_semaphore, #tpu.memory_space<semaphore_mem>>) {add = true}
      %dma_wait3A_242 = arith.constant 0 : i32
      %dma_wait3A_243 = arith.constant 0 : i32
      %dma_wait3A_244 = tpu.memref_slice %arg10[%dma_wait3A_242, %dma_wait3A_243] : memref<4x128xi32, #tpu.memory_space<vmem>> -> memref<1x128xi32, #tpu.memory_space<vmem>>
      %dma_wait3A_245 = tpu.memref_squeeze %dma_wait3A_244 : memref<1x128xi32, #tpu.memory_space<vmem>> -> memref<128xi32, #tpu.memory_space<vmem>>
      %dma_wait3A_246 = arith.constant 0 : i32
      %dma_wait3A_247 = arith.constant 0 : i32
      %dma_wait3A_248 = tpu.memref_slice %arg20[%dma_wait3A_246, %dma_wait3A_247] : memref<10240x128xf32, #tpu.memory_space<vmem_shared>> -> memref<10240x128xf32, #tpu.memory_space<vmem_shared>>
      tpu.wait_indirect_dma semaphore(%arg15 : memref<!tpu.dma_semaphore, #tpu.memory_space<semaphore_mem>>) src(%arg11 : memref<128x128xf32, #tpu.memory_space<vmem>>) dst(%dma_wait3A_248 : memref<10240x128xf32, #tpu.memory_space<vmem_shared>>)
      %add3A_249 = arith.constant 2 : i32
      %add3A_250 = arith.addi %add3A_62, %add3A_249 : i32
      %lt3A = arith.constant 20 : i32
      %lt3A_251 = arith.cmpi slt, %add3A_250, %lt3A : i32
      %convert_element_type3A = arith.extui %lt3A_251 : i1 to i32
      %cond3A = arith.constant 0 : i32
      %cond3A_252 = arith.cmpi ne, %convert_element_type3A, %cond3A : i32
      scf.if %cond3A_252 {
        %add3A_323 = arith.constant 2 : i32
        %add3A_324 = arith.addi %add3A_62, %add3A_323 : i32
        %mul3A_325 = arith.constant 4 : i32
        %mul3A_326 = arith.muli %add3A_324, %mul3A_325 : i32
        %add3A_327 = arith.addi %mul3A_9, %mul3A_326 : i32
        %dma_start3A_328 = arith.constant 0 : i32
        %dma_start3A_329 = tpu.memref_slice %arg3[%add3A_327, %dma_start3A_328] : memref<2560x128xi32, #tpu.memory_space<hbm>> -> memref<4x128xi32, #tpu.memory_space<hbm>>
        %dma_start3A_330 = arith.constant 0 : i32
        %dma_start3A_331 = tpu.memref_slice %arg3[%add3A_327, %dma_start3A_330] : memref<2560x128xi32, #tpu.memory_space<hbm>> -> memref<4x128xi32, #tpu.memory_space<hbm>>
        tpu.enqueue_dma source(%dma_start3A_331 : memref<4x128xi32, #tpu.memory_space<hbm>>) target(%arg7 : memref<4x128xi32, #tpu.memory_space<vmem>>) target_semaphore(%arg17 : memref<!tpu.dma_semaphore, #tpu.memory_space<semaphore_mem>>)
        %mul3A_332 = arith.constant 4 : i32
        %mul3A_333 = arith.muli %add3A_324, %mul3A_332 : i32
        %add3A_334 = arith.addi %mul3A_11, %mul3A_333 : i32
        %dma_start3A_335 = arith.constant 0 : i32
        %dma_start3A_336 = tpu.memref_slice %arg4[%add3A_334, %dma_start3A_335] : memref<1280x128xi32, #tpu.memory_space<hbm>> -> memref<4x128xi32, #tpu.memory_space<hbm>>
        %dma_start3A_337 = arith.constant 0 : i32
        %dma_start3A_338 = tpu.memref_slice %arg4[%add3A_334, %dma_start3A_337] : memref<1280x128xi32, #tpu.memory_space<hbm>> -> memref<4x128xi32, #tpu.memory_space<hbm>>
        tpu.enqueue_dma source(%dma_start3A_338 : memref<4x128xi32, #tpu.memory_space<hbm>>) target(%arg8 : memref<4x128xi32, #tpu.memory_space<vmem>>) target_semaphore(%arg17 : memref<!tpu.dma_semaphore, #tpu.memory_space<semaphore_mem>>)
      } else {
      }
      %dma_start3A_253 = arith.constant 2 : i32
      %dma_start3A_254 = arith.constant 0 : i32
      %dma_start3A_255 = tpu.memref_slice %arg9[%dma_start3A_253, %dma_start3A_254] : memref<4x128xi32, #tpu.memory_space<vmem>> -> memref<1x128xi32, #tpu.memory_space<vmem>>
      %dma_start3A_256 = tpu.memref_squeeze %dma_start3A_255 : memref<1x128xi32, #tpu.memory_space<vmem>> -> memref<128xi32, #tpu.memory_space<vmem>>
      %dma_start3A_257 = arith.constant 0 : i32
      %dma_start3A_258 = arith.constant 0 : i32
      %dma_start3A_259 = tpu.memref_slice %arg2[%dma_start3A_257, %dma_start3A_258] : memref<20480x128xf32, #tpu.memory_space<hbm>> -> memref<20480x128xf32, #tpu.memory_space<hbm>>
      tpu.enqueue_indirect_dma source(%dma_start3A_259 : memref<20480x128xf32, #tpu.memory_space<hbm>>) target(%arg11 : memref<128x128xf32, #tpu.memory_space<vmem>>) offsets(%dma_start3A_256 : memref<128xi32, #tpu.memory_space<vmem>>) semaphore(%arg13 : memref<!tpu.dma_semaphore, #tpu.memory_space<semaphore_mem>>)
      %dma_wait3A_260 = arith.constant 2 : i32
      %dma_wait3A_261 = arith.constant 0 : i32
      %dma_wait3A_262 = tpu.memref_slice %arg9[%dma_wait3A_260, %dma_wait3A_261] : memref<4x128xi32, #tpu.memory_space<vmem>> -> memref<1x128xi32, #tpu.memory_space<vmem>>
      %dma_wait3A_263 = tpu.memref_squeeze %dma_wait3A_262 : memref<1x128xi32, #tpu.memory_space<vmem>> -> memref<128xi32, #tpu.memory_space<vmem>>
      %dma_wait3A_264 = arith.constant 0 : i32
      %dma_wait3A_265 = arith.constant 0 : i32
      %dma_wait3A_266 = tpu.memref_slice %arg2[%dma_wait3A_264, %dma_wait3A_265] : memref<20480x128xf32, #tpu.memory_space<hbm>> -> memref<20480x128xf32, #tpu.memory_space<hbm>>
      tpu.wait_indirect_dma semaphore(%arg13 : memref<!tpu.dma_semaphore, #tpu.memory_space<semaphore_mem>>) src(%dma_wait3A_266 : memref<20480x128xf32, #tpu.memory_space<hbm>>) dst(%arg11 : memref<128x128xf32, #tpu.memory_space<vmem>>)
      %dma_start3A_267 = arith.constant 2 : i32
      %dma_start3A_268 = arith.constant 0 : i32
      %dma_start3A_269 = tpu.memref_slice %arg10[%dma_start3A_267, %dma_start3A_268] : memref<4x128xi32, #tpu.memory_space<vmem>> -> memref<1x128xi32, #tpu.memory_space<vmem>>
      %dma_start3A_270 = tpu.memref_squeeze %dma_start3A_269 : memref<1x128xi32, #tpu.memory_space<vmem>> -> memref<128xi32, #tpu.memory_space<vmem>>
      %dma_start3A_271 = arith.constant 0 : i32
      %dma_start3A_272 = arith.constant 0 : i32
      %dma_start3A_273 = tpu.memref_slice %arg20[%dma_start3A_271, %dma_start3A_272] : memref<10240x128xf32, #tpu.memory_space<vmem_shared>> -> memref<10240x128xf32, #tpu.memory_space<vmem_shared>>
      tpu.enqueue_indirect_dma source(%arg11 : memref<128x128xf32, #tpu.memory_space<vmem>>) target(%dma_start3A_273 : memref<10240x128xf32, #tpu.memory_space<vmem_shared>>) offsets(%dma_start3A_270 : memref<128xi32, #tpu.memory_space<vmem>>) semaphore(%arg15 : memref<!tpu.dma_semaphore, #tpu.memory_space<semaphore_mem>>) {add = true}
      %dma_wait3A_274 = arith.constant 1 : i32
      %dma_wait3A_275 = arith.constant 0 : i32
      %dma_wait3A_276 = tpu.memref_slice %arg10[%dma_wait3A_274, %dma_wait3A_275] : memref<4x128xi32, #tpu.memory_space<vmem>> -> memref<1x128xi32, #tpu.memory_space<vmem>>
      %dma_wait3A_277 = tpu.memref_squeeze %dma_wait3A_276 : memref<1x128xi32, #tpu.memory_space<vmem>> -> memref<128xi32, #tpu.memory_space<vmem>>
      %dma_wait3A_278 = arith.constant 0 : i32
      %dma_wait3A_279 = arith.constant 0 : i32
      %dma_wait3A_280 = tpu.memref_slice %arg20[%dma_wait3A_278, %dma_wait3A_279] : memref<10240x128xf32, #tpu.memory_space<vmem_shared>> -> memref<10240x128xf32, #tpu.memory_space<vmem_shared>>
      tpu.wait_indirect_dma semaphore(%arg16 : memref<!tpu.dma_semaphore, #tpu.memory_space<semaphore_mem>>) src(%arg12 : memref<128x128xf32, #tpu.memory_space<vmem>>) dst(%dma_wait3A_280 : memref<10240x128xf32, #tpu.memory_space<vmem_shared>>)
      %dma_start3A_281 = arith.constant 3 : i32
      %dma_start3A_282 = arith.constant 0 : i32
      %dma_start3A_283 = tpu.memref_slice %arg9[%dma_start3A_281, %dma_start3A_282] : memref<4x128xi32, #tpu.memory_space<vmem>> -> memref<1x128xi32, #tpu.memory_space<vmem>>
      %dma_start3A_284 = tpu.memref_squeeze %dma_start3A_283 : memref<1x128xi32, #tpu.memory_space<vmem>> -> memref<128xi32, #tpu.memory_space<vmem>>
      %dma_start3A_285 = arith.constant 0 : i32
      %dma_start3A_286 = arith.constant 0 : i32
      %dma_start3A_287 = tpu.memref_slice %arg2[%dma_start3A_285, %dma_start3A_286] : memref<20480x128xf32, #tpu.memory_space<hbm>> -> memref<20480x128xf32, #tpu.memory_space<hbm>>
      tpu.enqueue_indirect_dma source(%dma_start3A_287 : memref<20480x128xf32, #tpu.memory_space<hbm>>) target(%arg12 : memref<128x128xf32, #tpu.memory_space<vmem>>) offsets(%dma_start3A_284 : memref<128xi32, #tpu.memory_space<vmem>>) semaphore(%arg14 : memref<!tpu.dma_semaphore, #tpu.memory_space<semaphore_mem>>)
      %dma_wait3A_288 = arith.constant 3 : i32
      %dma_wait3A_289 = arith.constant 0 : i32
      %dma_wait3A_290 = tpu.memref_slice %arg9[%dma_wait3A_288, %dma_wait3A_289] : memref<4x128xi32, #tpu.memory_space<vmem>> -> memref<1x128xi32, #tpu.memory_space<vmem>>
      %dma_wait3A_291 = tpu.memref_squeeze %dma_wait3A_290 : memref<1x128xi32, #tpu.memory_space<vmem>> -> memref<128xi32, #tpu.memory_space<vmem>>
      %dma_wait3A_292 = arith.constant 0 : i32
      %dma_wait3A_293 = arith.constant 0 : i32
      %dma_wait3A_294 = tpu.memref_slice %arg2[%dma_wait3A_292, %dma_wait3A_293] : memref<20480x128xf32, #tpu.memory_space<hbm>> -> memref<20480x128xf32, #tpu.memory_space<hbm>>
      tpu.wait_indirect_dma semaphore(%arg14 : memref<!tpu.dma_semaphore, #tpu.memory_space<semaphore_mem>>) src(%dma_wait3A_294 : memref<20480x128xf32, #tpu.memory_space<hbm>>) dst(%arg12 : memref<128x128xf32, #tpu.memory_space<vmem>>)
      %dma_start3A_295 = arith.constant 3 : i32
      %dma_start3A_296 = arith.constant 0 : i32
      %dma_start3A_297 = tpu.memref_slice %arg10[%dma_start3A_295, %dma_start3A_296] : memref<4x128xi32, #tpu.memory_space<vmem>> -> memref<1x128xi32, #tpu.memory_space<vmem>>
      %dma_start3A_298 = tpu.memref_squeeze %dma_start3A_297 : memref<1x128xi32, #tpu.memory_space<vmem>> -> memref<128xi32, #tpu.memory_space<vmem>>
      %dma_start3A_299 = arith.constant 0 : i32
      %dma_start3A_300 = arith.constant 0 : i32
      %dma_start3A_301 = tpu.memref_slice %arg20[%dma_start3A_299, %dma_start3A_300] : memref<10240x128xf32, #tpu.memory_space<vmem_shared>> -> memref<10240x128xf32, #tpu.memory_space<vmem_shared>>
      tpu.enqueue_indirect_dma source(%arg12 : memref<128x128xf32, #tpu.memory_space<vmem>>) target(%dma_start3A_301 : memref<10240x128xf32, #tpu.memory_space<vmem_shared>>) offsets(%dma_start3A_298 : memref<128xi32, #tpu.memory_space<vmem>>) semaphore(%arg16 : memref<!tpu.dma_semaphore, #tpu.memory_space<semaphore_mem>>) {add = true}
      %dma_wait3A_302 = arith.constant 2 : i32
      %dma_wait3A_303 = arith.constant 0 : i32
      %dma_wait3A_304 = tpu.memref_slice %arg10[%dma_wait3A_302, %dma_wait3A_303] : memref<4x128xi32, #tpu.memory_space<vmem>> -> memref<1x128xi32, #tpu.memory_space<vmem>>
      %dma_wait3A_305 = tpu.memref_squeeze %dma_wait3A_304 : memref<1x128xi32, #tpu.memory_space<vmem>> -> memref<128xi32, #tpu.memory_space<vmem>>
      %dma_wait3A_306 = arith.constant 0 : i32
      %dma_wait3A_307 = arith.constant 0 : i32
      %dma_wait3A_308 = tpu.memref_slice %arg20[%dma_wait3A_306, %dma_wait3A_307] : memref<10240x128xf32, #tpu.memory_space<vmem_shared>> -> memref<10240x128xf32, #tpu.memory_space<vmem_shared>>
      tpu.wait_indirect_dma semaphore(%arg15 : memref<!tpu.dma_semaphore, #tpu.memory_space<semaphore_mem>>) src(%arg11 : memref<128x128xf32, #tpu.memory_space<vmem>>) dst(%dma_wait3A_308 : memref<10240x128xf32, #tpu.memory_space<vmem_shared>>)
      %add3A_309 = arith.constant 2 : i32
      %add3A_310 = arith.addi %add3A_62, %add3A_309 : i32
      %lt3A_311 = arith.constant 20 : i32
      %lt3A_312 = arith.cmpi slt, %add3A_310, %lt3A_311 : i32
      %convert_element_type3A_313 = arith.extui %lt3A_312 : i1 to i32
      %cond3A_314 = arith.constant 0 : i32
      %cond3A_315 = arith.cmpi ne, %convert_element_type3A_313, %cond3A_314 : i32
      scf.if %cond3A_315 {
        %add3A_323 = arith.constant 2 : i32
        %add3A_324 = arith.addi %add3A_62, %add3A_323 : i32
        %mul3A_325 = arith.constant 4 : i32
        %mul3A_326 = arith.muli %add3A_324, %mul3A_325 : i32
        %add3A_327 = arith.addi %mul3A_9, %mul3A_326 : i32
        %dma_wait3A_328 = arith.constant 0 : i32
        %dma_wait3A_329 = tpu.memref_slice %arg3[%add3A_327, %dma_wait3A_328] : memref<2560x128xi32, #tpu.memory_space<hbm>> -> memref<4x128xi32, #tpu.memory_space<hbm>>
        %dma_wait3A_330 = arith.constant 0 : i32
        %dma_wait3A_331 = tpu.memref_slice %arg3[%add3A_327, %dma_wait3A_330] : memref<2560x128xi32, #tpu.memory_space<hbm>> -> memref<4x128xi32, #tpu.memory_space<hbm>>
        tpu.wait_dma2 semaphore(%arg17 : memref<!tpu.dma_semaphore, #tpu.memory_space<semaphore_mem>>) src(%dma_wait3A_331 : memref<4x128xi32, #tpu.memory_space<hbm>>) dst(%arg7 : memref<4x128xi32, #tpu.memory_space<vmem>>)
        %mul3A_332 = arith.constant 4 : i32
        %mul3A_333 = arith.muli %add3A_324, %mul3A_332 : i32
        %add3A_334 = arith.addi %mul3A_11, %mul3A_333 : i32
        %dma_wait3A_335 = arith.constant 0 : i32
        %dma_wait3A_336 = tpu.memref_slice %arg4[%add3A_334, %dma_wait3A_335] : memref<1280x128xi32, #tpu.memory_space<hbm>> -> memref<4x128xi32, #tpu.memory_space<hbm>>
        %dma_wait3A_337 = arith.constant 0 : i32
        %dma_wait3A_338 = tpu.memref_slice %arg4[%add3A_334, %dma_wait3A_337] : memref<1280x128xi32, #tpu.memory_space<hbm>> -> memref<4x128xi32, #tpu.memory_space<hbm>>
        tpu.wait_dma2 semaphore(%arg17 : memref<!tpu.dma_semaphore, #tpu.memory_space<semaphore_mem>>) src(%dma_wait3A_338 : memref<4x128xi32, #tpu.memory_space<hbm>>) dst(%arg8 : memref<4x128xi32, #tpu.memory_space<vmem>>)
        %dma_start3A_339 = arith.constant 0 : i32
        %dma_start3A_340 = arith.constant 0 : i32
        %dma_start3A_341 = tpu.memref_slice %arg7[%dma_start3A_339, %dma_start3A_340] : memref<4x128xi32, #tpu.memory_space<vmem>> -> memref<1x128xi32, #tpu.memory_space<vmem>>
        %dma_start3A_342 = tpu.memref_squeeze %dma_start3A_341 : memref<1x128xi32, #tpu.memory_space<vmem>> -> memref<128xi32, #tpu.memory_space<vmem>>
        %dma_start3A_343 = arith.constant 0 : i32
        %dma_start3A_344 = arith.constant 0 : i32
        %dma_start3A_345 = tpu.memref_slice %arg2[%dma_start3A_343, %dma_start3A_344] : memref<20480x128xf32, #tpu.memory_space<hbm>> -> memref<20480x128xf32, #tpu.memory_space<hbm>>
        tpu.enqueue_indirect_dma source(%dma_start3A_345 : memref<20480x128xf32, #tpu.memory_space<hbm>>) target(%arg11 : memref<128x128xf32, #tpu.memory_space<vmem>>) offsets(%dma_start3A_342 : memref<128xi32, #tpu.memory_space<vmem>>) semaphore(%arg13 : memref<!tpu.dma_semaphore, #tpu.memory_space<semaphore_mem>>)
      } else {
      }
      %dma_wait3A_316 = arith.constant 3 : i32
      %dma_wait3A_317 = arith.constant 0 : i32
      %dma_wait3A_318 = tpu.memref_slice %arg10[%dma_wait3A_316, %dma_wait3A_317] : memref<4x128xi32, #tpu.memory_space<vmem>> -> memref<1x128xi32, #tpu.memory_space<vmem>>
      %dma_wait3A_319 = tpu.memref_squeeze %dma_wait3A_318 : memref<1x128xi32, #tpu.memory_space<vmem>> -> memref<128xi32, #tpu.memory_space<vmem>>
      %dma_wait3A_320 = arith.constant 0 : i32
      %dma_wait3A_321 = arith.constant 0 : i32
      %dma_wait3A_322 = tpu.memref_slice %arg20[%dma_wait3A_320, %dma_wait3A_321] : memref<10240x128xf32, #tpu.memory_space<vmem_shared>> -> memref<10240x128xf32, #tpu.memory_space<vmem_shared>>
      tpu.wait_indirect_dma semaphore(%arg16 : memref<!tpu.dma_semaphore, #tpu.memory_space<semaphore_mem>>) src(%arg12 : memref<128x128xf32, #tpu.memory_space<vmem>>) dst(%dma_wait3A_322 : memref<10240x128xf32, #tpu.memory_space<vmem_shared>>)
    }
    %scan3A_49 = arith.constant 10 : i32
    %barrier3A_50 = arith.constant 0 : index
    tpu.barrier barrier_id(%barrier3A_50)
    %mul3A_51 = arith.constant 640 : i32
    %mul3A_52 = arith.muli %arg1, %mul3A_51 : i32
    %mul3A_53 = arith.constant 10240 : i32
    %mul3A_54 = arith.muli %arg0, %mul3A_53 : i32
    %mul3A_55 = arith.constant 640 : i32
    %mul3A_56 = arith.muli %arg1, %mul3A_55 : i32
    %add3A_57 = arith.addi %mul3A_54, %mul3A_56 : i32
    "tpu.region"() ({
      %run_scoped3A = tpu.sem_alloc : memref<!tpu.dma_semaphore, #tpu.memory_space<semaphore_mem>>
      %dma_start3A_58 = arith.constant 0 : i32
      %dma_start3A_59 = tpu.memref_slice %arg6[%add3A_57, %dma_start3A_58] : memref<20480x128xf32, #tpu.memory_space<hbm>> -> memref<640x128xf32, #tpu.memory_space<hbm>>
      %dma_start3A_60 = arith.constant 0 : i32
      %dma_start3A_61 = tpu.memref_slice %arg20[%mul3A_52, %dma_start3A_60] : memref<10240x128xf32, #tpu.memory_space<vmem_shared>> -> memref<640x128xf32, #tpu.memory_space<vmem_shared>>
      tpu.enqueue_dma source(%dma_start3A_61 : memref<640x128xf32, #tpu.memory_space<vmem_shared>>) target(%dma_start3A_59 : memref<640x128xf32, #tpu.memory_space<hbm>>) target_semaphore(%run_scoped3A : memref<!tpu.dma_semaphore, #tpu.memory_space<semaphore_mem>>)
      %dma_wait3A_62 = arith.constant 0 : i32
      %dma_wait3A_63 = tpu.memref_slice %arg6[%add3A_57, %dma_wait3A_62] : memref<20480x128xf32, #tpu.memory_space<hbm>> -> memref<640x128xf32, #tpu.memory_space<hbm>>
      %dma_wait3A_64 = arith.constant 0 : i32
      %dma_wait3A_65 = tpu.memref_slice %arg20[%mul3A_52, %dma_wait3A_64] : memref<10240x128xf32, #tpu.memory_space<vmem_shared>> -> memref<640x128xf32, #tpu.memory_space<vmem_shared>>
      tpu.wait_dma2 semaphore(%run_scoped3A : memref<!tpu.dma_semaphore, #tpu.memory_space<semaphore_mem>>) src(%dma_wait3A_65 : memref<640x128xf32, #tpu.memory_space<vmem_shared>>) dst(%dma_wait3A_63 : memref<640x128xf32, #tpu.memory_space<hbm>>)
      tpu.yield
    }) : () -> ()
    return
  }
}

#map = affine_map<(d0, d1) -> (0)>
module attributes {stable_mosaic.version = 14 : i64} {
  func.func @k(%arg0: i32, %arg1: i32, %arg2: memref<163840xi32, #tpu.memory_space<hbm>>, %arg3: memref<20480xf32, #tpu.memory_space<hbm>>, %arg4: memref<5120xi32, #tpu.memory_space<vmem>>, %arg5: memref<10240xf32, #tpu.memory_space<vmem>>, %arg6: memref<640xf32, #tpu.memory_space<vmem>>, %arg7: memref<640xf32, #tpu.memory_space<vmem>>, %arg8: memref<16x10240xf32, #tpu.memory_space<vmem_shared>>) attributes {dimension_semantics = [#tpu.dimension_semantics<core_parallel>, #tpu.dimension_semantics<subcore_parallel>], iteration_bounds = array<i64: 2, 16>, scalar_prefetch = 0 : i64, scratch_operands = 5 : i64, tpu.core_type = #tpu.core_type<sc_vector_subcore>, window_params = [{transform_indices = #map}, {transform_indices = #map}]} {
    %mul3A = arith.constant 16 : i32
    %mul3A_0 = arith.muli %arg0, %mul3A : i32
    %add3A = arith.addi %mul3A_0, %arg1 : i32
    %mul3A_1 = arith.constant 5120 : i32
    %mul3A_2 = arith.muli %add3A, %mul3A_1 : i32
    "tpu.region"() ({
      %run_scoped3A = tpu.sem_alloc : memref<!tpu.dma_semaphore, #tpu.memory_space<semaphore_mem>>
      %dma_start3A = tpu.memref_slice %arg2[%mul3A_2] : memref<163840xi32, #tpu.memory_space<hbm>> -> memref<5120xi32, #tpu.memory_space<hbm>>
      %dma_start3A_28 = tpu.memref_slice %arg2[%mul3A_2] : memref<163840xi32, #tpu.memory_space<hbm>> -> memref<5120xi32, #tpu.memory_space<hbm>>
      tpu.enqueue_dma source(%dma_start3A_28 : memref<5120xi32, #tpu.memory_space<hbm>>) target(%arg4 : memref<5120xi32, #tpu.memory_space<vmem>>) target_semaphore(%run_scoped3A : memref<!tpu.dma_semaphore, #tpu.memory_space<semaphore_mem>>)
      %dma_wait3A = tpu.memref_slice %arg2[%mul3A_2] : memref<163840xi32, #tpu.memory_space<hbm>> -> memref<5120xi32, #tpu.memory_space<hbm>>
      %dma_wait3A_29 = tpu.memref_slice %arg2[%mul3A_2] : memref<163840xi32, #tpu.memory_space<hbm>> -> memref<5120xi32, #tpu.memory_space<hbm>>
      tpu.wait_dma2 semaphore(%run_scoped3A : memref<!tpu.dma_semaphore, #tpu.memory_space<semaphore_mem>>) src(%dma_wait3A_29 : memref<5120xi32, #tpu.memory_space<hbm>>) dst(%arg4 : memref<5120xi32, #tpu.memory_space<vmem>>)
      tpu.yield
    }) : () -> ()
    %scan3A = arith.constant 0 : i32
    %scan3A_3 = arith.constant 640 : i32
    %scan3A_4 = arith.addi %scan3A, %scan3A_3 : i32
    %scan3A_5 = arith.constant 1 : i32
    scf.for %scan3A_28 = %scan3A to %scan3A_4 step %scan3A_5  : i32 {
      %mul3A_29 = arith.constant 16 : i32
      %mul3A_30 = arith.muli %scan3A_28, %mul3A_29 : i32
      %add3A_31 = arith.constant 0 : i32
      %add3A_32 = arith.addi %add3A_31, %mul3A_30 : i32
      %broadcast_in_dim3A_33 = arith.constant 0.000000e+00 : f32
      %broadcast_in_dim3A_34 = vector.broadcast %broadcast_in_dim3A_33 : f32 to vector<16xf32>
      %swap3A = arith.index_cast %add3A_32 : i32 to index
      %swap3A_35 = tpu.vector_load %arg5[%swap3A] {strides = array<i32>} : memref<10240xf32, #tpu.memory_space<vmem>>, vector<16xf32>,
      tpu.vector_store %arg5[%swap3A], %broadcast_in_dim3A_34 {strides = array<i32>} : memref<10240xf32, #tpu.memory_space<vmem>>, vector<16xf32>,
    }
    %scan3A_6 = arith.constant 640 : i32
    %broadcast_in_dim3A = arith.constant 1.000000e+00 : f32
    %broadcast_in_dim3A_7 = vector.broadcast %broadcast_in_dim3A : f32 to vector<16xf32>
    %scan3A_8 = arith.constant 0 : i32
    %scan3A_9 = arith.constant 320 : i32
    %scan3A_10 = arith.addi %scan3A_8, %scan3A_9 : i32
    %scan3A_11 = arith.constant 1 : i32
    scf.for %scan3A_28 = %scan3A_8 to %scan3A_10 step %scan3A_11  : i32 {
      %mul3A_29 = arith.constant 16 : i32
      %mul3A_30 = arith.muli %scan3A_28, %mul3A_29 : i32
      %add3A_31 = arith.constant 0 : i32
      %add3A_32 = arith.addi %add3A_31, %mul3A_30 : i32
      %get3A = arith.index_cast %add3A_32 : i32 to index
      %get3A_33 = tpu.vector_load %arg4[%get3A] {strides = array<i32>} : memref<5120xi32, #tpu.memory_space<vmem>>, vector<16xi32>,
      tpu.vector_store_idx %arg5[%get3A_33], %broadcast_in_dim3A_7 {add = true} : memref<10240xf32, #tpu.memory_space<vmem>>[vector<16xi32>], vector<16xf32>,
    }
    %scan3A_12 = arith.constant 320 : i32
    "tpu.region"() ({
      %run_scoped3A = tpu.sem_alloc : memref<!tpu.dma_semaphore, #tpu.memory_space<semaphore_mem>>
      %dma_start3A = arith.constant 0 : i32
      %dma_start3A_28 = tpu.memref_slice %arg8[%arg1, %dma_start3A] : memref<16x10240xf32, #tpu.memory_space<vmem_shared>> -> memref<1x10240xf32, #tpu.memory_space<vmem_shared>>
      %dma_start3A_29 = tpu.memref_squeeze %dma_start3A_28 : memref<1x10240xf32, #tpu.memory_space<vmem_shared>> -> memref<10240xf32, #tpu.memory_space<vmem_shared>>
      %dma_start3A_30 = arith.constant 0 : i32
      %dma_start3A_31 = tpu.memref_slice %arg8[%arg1, %dma_start3A_30] : memref<16x10240xf32, #tpu.memory_space<vmem_shared>> -> memref<1x10240xf32, #tpu.memory_space<vmem_shared>>
      %dma_start3A_32 = tpu.memref_squeeze %dma_start3A_31 : memref<1x10240xf32, #tpu.memory_space<vmem_shared>> -> memref<10240xf32, #tpu.memory_space<vmem_shared>>
      tpu.enqueue_dma source(%arg5 : memref<10240xf32, #tpu.memory_space<vmem>>) target(%dma_start3A_32 : memref<10240xf32, #tpu.memory_space<vmem_shared>>) target_semaphore(%run_scoped3A : memref<!tpu.dma_semaphore, #tpu.memory_space<semaphore_mem>>)
      %dma_wait3A = arith.constant 0 : i32
      %dma_wait3A_33 = tpu.memref_slice %arg8[%arg1, %dma_wait3A] : memref<16x10240xf32, #tpu.memory_space<vmem_shared>> -> memref<1x10240xf32, #tpu.memory_space<vmem_shared>>
      %dma_wait3A_34 = tpu.memref_squeeze %dma_wait3A_33 : memref<1x10240xf32, #tpu.memory_space<vmem_shared>> -> memref<10240xf32, #tpu.memory_space<vmem_shared>>
      %dma_wait3A_35 = arith.constant 0 : i32
      %dma_wait3A_36 = tpu.memref_slice %arg8[%arg1, %dma_wait3A_35] : memref<16x10240xf32, #tpu.memory_space<vmem_shared>> -> memref<1x10240xf32, #tpu.memory_space<vmem_shared>>
      %dma_wait3A_37 = tpu.memref_squeeze %dma_wait3A_36 : memref<1x10240xf32, #tpu.memory_space<vmem_shared>> -> memref<10240xf32, #tpu.memory_space<vmem_shared>>
      tpu.wait_dma2 semaphore(%run_scoped3A : memref<!tpu.dma_semaphore, #tpu.memory_space<semaphore_mem>>) src(%arg5 : memref<10240xf32, #tpu.memory_space<vmem>>) dst(%dma_wait3A_37 : memref<10240xf32, #tpu.memory_space<vmem_shared>>)
      tpu.yield
    }) : () -> ()
    %barrier3A = arith.constant 0 : index
    tpu.barrier barrier_id(%barrier3A)
    %scan3A_13 = arith.constant 0 : i32
    %scan3A_14 = arith.constant 40 : i32
    %scan3A_15 = arith.addi %scan3A_13, %scan3A_14 : i32
    %scan3A_16 = arith.constant 1 : i32
    scf.for %scan3A_28 = %scan3A_13 to %scan3A_15 step %scan3A_16  : i32 {
      %mul3A_29 = arith.constant 16 : i32
      %mul3A_30 = arith.muli %scan3A_28, %mul3A_29 : i32
      %add3A_31 = arith.constant 0 : i32
      %add3A_32 = arith.addi %add3A_31, %mul3A_30 : i32
      %broadcast_in_dim3A_33 = arith.constant 0.000000e+00 : f32
      %broadcast_in_dim3A_34 = vector.broadcast %broadcast_in_dim3A_33 : f32 to vector<16xf32>
      %swap3A = arith.index_cast %add3A_32 : i32 to index
      %swap3A_35 = tpu.vector_load %arg7[%swap3A] {strides = array<i32>} : memref<640xf32, #tpu.memory_space<vmem>>, vector<16xf32>,
      tpu.vector_store %arg7[%swap3A], %broadcast_in_dim3A_34 {strides = array<i32>} : memref<640xf32, #tpu.memory_space<vmem>>, vector<16xf32>,
    }
    %scan3A_17 = arith.constant 40 : i32
    %scan3A_18 = arith.constant 0 : i32
    %scan3A_19 = arith.constant 16 : i32
    %scan3A_20 = arith.addi %scan3A_18, %scan3A_19 : i32
    %scan3A_21 = arith.constant 1 : i32
    scf.for %scan3A_28 = %scan3A_18 to %scan3A_20 step %scan3A_21  : i32 {
      %mul3A_29 = arith.constant 1 : i32
      %mul3A_30 = arith.muli %scan3A_28, %mul3A_29 : i32
      %add3A_31 = arith.constant 0 : i32
      %add3A_32 = arith.addi %add3A_31, %mul3A_30 : i32
      %mul3A_33 = arith.constant 640 : i32
      %mul3A_34 = arith.muli %arg1, %mul3A_33 : i32
      "tpu.region"() ({
        %run_scoped3A = tpu.sem_alloc : memref<!tpu.dma_semaphore, #tpu.memory_space<semaphore_mem>>
        %dma_start3A = tpu.memref_slice %arg8[%add3A_32, %mul3A_34] : memref<16x10240xf32, #tpu.memory_space<vmem_shared>> -> memref<1x640xf32, #tpu.memory_space<vmem_shared>>
        %dma_start3A_40 = tpu.memref_squeeze %dma_start3A : memref<1x640xf32, #tpu.memory_space<vmem_shared>> -> memref<640xf32, #tpu.memory_space<vmem_shared>>
        %dma_start3A_41 = tpu.memref_slice %arg8[%add3A_32, %mul3A_34] : memref<16x10240xf32, #tpu.memory_space<vmem_shared>> -> memref<1x640xf32, #tpu.memory_space<vmem_shared>>
        %dma_start3A_42 = tpu.memref_squeeze %dma_start3A_41 : memref<1x640xf32, #tpu.memory_space<vmem_shared>> -> memref<640xf32, #tpu.memory_space<vmem_shared>>
        tpu.enqueue_dma source(%dma_start3A_42 : memref<640xf32, #tpu.memory_space<vmem_shared>>) target(%arg6 : memref<640xf32, #tpu.memory_space<vmem>>) target_semaphore(%run_scoped3A : memref<!tpu.dma_semaphore, #tpu.memory_space<semaphore_mem>>)
        %dma_wait3A = tpu.memref_slice %arg8[%add3A_32, %mul3A_34] : memref<16x10240xf32, #tpu.memory_space<vmem_shared>> -> memref<1x640xf32, #tpu.memory_space<vmem_shared>>
        %dma_wait3A_43 = tpu.memref_squeeze %dma_wait3A : memref<1x640xf32, #tpu.memory_space<vmem_shared>> -> memref<640xf32, #tpu.memory_space<vmem_shared>>
        %dma_wait3A_44 = tpu.memref_slice %arg8[%add3A_32, %mul3A_34] : memref<16x10240xf32, #tpu.memory_space<vmem_shared>> -> memref<1x640xf32, #tpu.memory_space<vmem_shared>>
        %dma_wait3A_45 = tpu.memref_squeeze %dma_wait3A_44 : memref<1x640xf32, #tpu.memory_space<vmem_shared>> -> memref<640xf32, #tpu.memory_space<vmem_shared>>
        tpu.wait_dma2 semaphore(%run_scoped3A : memref<!tpu.dma_semaphore, #tpu.memory_space<semaphore_mem>>) src(%dma_wait3A_45 : memref<640xf32, #tpu.memory_space<vmem_shared>>) dst(%arg6 : memref<640xf32, #tpu.memory_space<vmem>>)
        tpu.yield
      }) : () -> ()
      %scan3A_35 = arith.constant 0 : i32
      %scan3A_36 = arith.constant 40 : i32
      %scan3A_37 = arith.addi %scan3A_35, %scan3A_36 : i32
      %scan3A_38 = arith.constant 1 : i32
      scf.for %scan3A_40 = %scan3A_35 to %scan3A_37 step %scan3A_38  : i32 {
        %mul3A_41 = arith.constant 16 : i32
        %mul3A_42 = arith.muli %scan3A_40, %mul3A_41 : i32
        %add3A_43 = arith.constant 0 : i32
        %add3A_44 = arith.addi %add3A_43, %mul3A_42 : i32
        %get3A = arith.index_cast %add3A_44 : i32 to index
        %get3A_45 = tpu.vector_load %arg7[%get3A] {strides = array<i32>} : memref<640xf32, #tpu.memory_space<vmem>>, vector<16xf32>,
        %get3A_46 = arith.index_cast %add3A_44 : i32 to index
        %get3A_47 = tpu.vector_load %arg6[%get3A_46] {strides = array<i32>} : memref<640xf32, #tpu.memory_space<vmem>>, vector<16xf32>,
        %add3A_48 = arith.addf %get3A_45, %get3A_47 : vector<16xf32>
        %swap3A = arith.index_cast %add3A_44 : i32 to index
        %swap3A_49 = tpu.vector_load %arg7[%swap3A] {strides = array<i32>} : memref<640xf32, #tpu.memory_space<vmem>>, vector<16xf32>,
        tpu.vector_store %arg7[%swap3A], %add3A_48 {strides = array<i32>} : memref<640xf32, #tpu.memory_space<vmem>>, vector<16xf32>,
      }
      %scan3A_39 = arith.constant 40 : i32
    }
    %scan3A_22 = arith.constant 16 : i32
    %mul3A_23 = arith.constant 10240 : i32
    %mul3A_24 = arith.muli %arg0, %mul3A_23 : i32
    %mul3A_25 = arith.constant 640 : i32
    %mul3A_26 = arith.muli %arg1, %mul3A_25 : i32
    %add3A_27 = arith.addi %mul3A_24, %mul3A_26 : i32
    "tpu.region"() ({
      %run_scoped3A = tpu.sem_alloc : memref<!tpu.dma_semaphore, #tpu.memory_space<semaphore_mem>>
      %dma_start3A = tpu.memref_slice %arg3[%add3A_27] : memref<20480xf32, #tpu.memory_space<hbm>> -> memref<640xf32, #tpu.memory_space<hbm>>
      %dma_start3A_28 = tpu.memref_slice %arg3[%add3A_27] : memref<20480xf32, #tpu.memory_space<hbm>> -> memref<640xf32, #tpu.memory_space<hbm>>
      tpu.enqueue_dma source(%arg7 : memref<640xf32, #tpu.memory_space<vmem>>) target(%dma_start3A_28 : memref<640xf32, #tpu.memory_space<hbm>>) target_semaphore(%run_scoped3A : memref<!tpu.dma_semaphore, #tpu.memory_space<semaphore_mem>>)
      %dma_wait3A = tpu.memref_slice %arg3[%add3A_27] : memref<20480xf32, #tpu.memory_space<hbm>> -> memref<640xf32, #tpu.memory_space<hbm>>
      %dma_wait3A_29 = tpu.memref_slice %arg3[%add3A_27] : memref<20480xf32, #tpu.memory_space<hbm>> -> memref<640xf32, #tpu.memory_space<hbm>>
      tpu.wait_dma2 semaphore(%run_scoped3A : memref<!tpu.dma_semaphore, #tpu.memory_space<semaphore_mem>>) src(%arg7 : memref<640xf32, #tpu.memory_space<vmem>>) dst(%dma_wait3A_29 : memref<640xf32, #tpu.memory_space<hbm>>)
      tpu.yield
    }) : () -> ()
    return
  }
}

#map = affine_map<(d0, d1) -> (0, 0)>
module attributes {stable_mosaic.version = 14 : i64} {
  func.func @k(%arg0: i32, %arg1: i32, %arg2: memref<20480x128xf32, #tpu.memory_space<hbm>>, %arg3: memref<2560x128xi32, #tpu.memory_space<hbm>>, %arg4: memref<1280x128xi32, #tpu.memory_space<hbm>>, %arg5: memref<10240x128xf32, #tpu.memory_space<hbm>>, %arg6: memref<20480x128xf32, #tpu.memory_space<hbm>>, %arg7: memref<4x128xi32, #tpu.memory_space<vmem>>, %arg8: memref<4x128xi32, #tpu.memory_space<vmem>>, %arg9: memref<4x128xi32, #tpu.memory_space<vmem>>, %arg10: memref<4x128xi32, #tpu.memory_space<vmem>>, %arg11: memref<128x128xf32, #tpu.memory_space<vmem>>, %arg12: memref<128x128xf32, #tpu.memory_space<vmem>>, %arg13: memref<!tpu.dma_semaphore, #tpu.memory_space<semaphore_mem>>, %arg14: memref<!tpu.dma_semaphore, #tpu.memory_space<semaphore_mem>>, %arg15: memref<!tpu.dma_semaphore, #tpu.memory_space<semaphore_mem>>, %arg16: memref<!tpu.dma_semaphore, #tpu.memory_space<semaphore_mem>>, %arg17: memref<!tpu.dma_semaphore, #tpu.memory_space<semaphore_mem>>, %arg18: memref<!tpu.dma_semaphore, #tpu.memory_space<semaphore_mem>>, %arg19: memref<!tpu.dma_semaphore, #tpu.memory_space<semaphore_mem>>, %arg20: memref<10240x128xf32, #tpu.memory_space<vmem_shared>>) attributes {dimension_semantics = [#tpu.dimension_semantics<core_parallel>, #tpu.dimension_semantics<subcore_parallel>], iteration_bounds = array<i64: 2, 16>, scalar_prefetch = 0 : i64, scratch_operands = 14 : i64, tpu.core_type = #tpu.core_type<sc_vector_subcore>, window_params = [{transform_indices = #map}, {transform_indices = #map}, {transform_indices = #map}, {transform_indices = #map}, {transform_indices = #map}]} {
    %mul3A = arith.constant 640 : i32
    %mul3A_0 = arith.muli %arg1, %mul3A : i32
    %mul3A_1 = arith.constant 640 : i32
    %mul3A_2 = arith.muli %arg1, %mul3A_1 : i32
    %dma_start3A = arith.constant 0 : i32
    %dma_start3A_3 = tpu.memref_slice %arg20[%mul3A_2, %dma_start3A] : memref<10240x128xf32, #tpu.memory_space<vmem_shared>> -> memref<640x128xf32, #tpu.memory_space<vmem_shared>>
    %dma_start3A_4 = arith.constant 0 : i32
    %dma_start3A_5 = tpu.memref_slice %arg5[%mul3A_0, %dma_start3A_4] : memref<10240x128xf32, #tpu.memory_space<hbm>> -> memref<640x128xf32, #tpu.memory_space<hbm>>
    tpu.enqueue_dma source(%dma_start3A_5 : memref<640x128xf32, #tpu.memory_space<hbm>>) target(%dma_start3A_3 : memref<640x128xf32, #tpu.memory_space<vmem_shared>>) target_semaphore(%arg19 : memref<!tpu.dma_semaphore, #tpu.memory_space<semaphore_mem>>)
    %mul3A_6 = arith.constant 16 : i32
    %mul3A_7 = arith.muli %arg0, %mul3A_6 : i32
    %add3A = arith.addi %mul3A_7, %arg1 : i32
    %mul3A_8 = arith.constant 80 : i32
    %mul3A_9 = arith.muli %add3A, %mul3A_8 : i32
    %mul3A_10 = arith.constant 80 : i32
    %mul3A_11 = arith.muli %arg1, %mul3A_10 : i32
    %add3A_12 = arith.constant 0 : i32
    %add3A_13 = arith.addi %mul3A_9, %add3A_12 : i32
    %dma_start3A_14 = arith.constant 0 : i32
    %dma_start3A_15 = tpu.memref_slice %arg3[%add3A_13, %dma_start3A_14] : memref<2560x128xi32, #tpu.memory_space<hbm>> -> memref<4x128xi32, #tpu.memory_space<hbm>>
    %dma_start3A_16 = arith.constant 0 : i32
    %dma_start3A_17 = tpu.memref_slice %arg3[%add3A_13, %dma_start3A_16] : memref<2560x128xi32, #tpu.memory_space<hbm>> -> memref<4x128xi32, #tpu.memory_space<hbm>>
    tpu.enqueue_dma source(%dma_start3A_17 : memref<4x128xi32, #tpu.memory_space<hbm>>) target(%arg7 : memref<4x128xi32, #tpu.memory_space<vmem>>) target_semaphore(%arg17 : memref<!tpu.dma_semaphore, #tpu.memory_space<semaphore_mem>>)
    %add3A_18 = arith.constant 0 : i32
    %add3A_19 = arith.addi %mul3A_11, %add3A_18 : i32
    %dma_start3A_20 = arith.constant 0 : i32
    %dma_start3A_21 = tpu.memref_slice %arg4[%add3A_19, %dma_start3A_20] : memref<1280x128xi32, #tpu.memory_space<hbm>> -> memref<4x128xi32, #tpu.memory_space<hbm>>
    %dma_start3A_22 = arith.constant 0 : i32
    %dma_start3A_23 = tpu.memref_slice %arg4[%add3A_19, %dma_start3A_22] : memref<1280x128xi32, #tpu.memory_space<hbm>> -> memref<4x128xi32, #tpu.memory_space<hbm>>
    tpu.enqueue_dma source(%dma_start3A_23 : memref<4x128xi32, #tpu.memory_space<hbm>>) target(%arg8 : memref<4x128xi32, #tpu.memory_space<vmem>>) target_semaphore(%arg17 : memref<!tpu.dma_semaphore, #tpu.memory_space<semaphore_mem>>)
    %add3A_24 = arith.constant 0 : i32
    %add3A_25 = arith.addi %mul3A_9, %add3A_24 : i32
    %dma_wait3A = arith.constant 0 : i32
    %dma_wait3A_26 = tpu.memref_slice %arg3[%add3A_25, %dma_wait3A] : memref<2560x128xi32, #tpu.memory_space<hbm>> -> memref<4x128xi32, #tpu.memory_space<hbm>>
    %dma_wait3A_27 = arith.constant 0 : i32
    %dma_wait3A_28 = tpu.memref_slice %arg3[%add3A_25, %dma_wait3A_27] : memref<2560x128xi32, #tpu.memory_space<hbm>> -> memref<4x128xi32, #tpu.memory_space<hbm>>
    tpu.wait_dma2 semaphore(%arg17 : memref<!tpu.dma_semaphore, #tpu.memory_space<semaphore_mem>>) src(%dma_wait3A_28 : memref<4x128xi32, #tpu.memory_space<hbm>>) dst(%arg7 : memref<4x128xi32, #tpu.memory_space<vmem>>)
    %add3A_29 = arith.constant 0 : i32
    %add3A_30 = arith.addi %mul3A_11, %add3A_29 : i32
    %dma_wait3A_31 = arith.constant 0 : i32
    %dma_wait3A_32 = tpu.memref_slice %arg4[%add3A_30, %dma_wait3A_31] : memref<1280x128xi32, #tpu.memory_space<hbm>> -> memref<4x128xi32, #tpu.memory_space<hbm>>
    %dma_wait3A_33 = arith.constant 0 : i32
    %dma_wait3A_34 = tpu.memref_slice %arg4[%add3A_30, %dma_wait3A_33] : memref<1280x128xi32, #tpu.memory_space<hbm>> -> memref<4x128xi32, #tpu.memory_space<hbm>>
    tpu.wait_dma2 semaphore(%arg17 : memref<!tpu.dma_semaphore, #tpu.memory_space<semaphore_mem>>) src(%dma_wait3A_34 : memref<4x128xi32, #tpu.memory_space<hbm>>) dst(%arg8 : memref<4x128xi32, #tpu.memory_space<vmem>>)
    %dma_start3A_35 = arith.constant 0 : i32
    %dma_start3A_36 = arith.constant 0 : i32
    %dma_start3A_37 = tpu.memref_slice %arg7[%dma_start3A_35, %dma_start3A_36] : memref<4x128xi32, #tpu.memory_space<vmem>> -> memref<1x128xi32, #tpu.memory_space<vmem>>
    %dma_start3A_38 = tpu.memref_squeeze %dma_start3A_37 : memref<1x128xi32, #tpu.memory_space<vmem>> -> memref<128xi32, #tpu.memory_space<vmem>>
    %dma_start3A_39 = arith.constant 0 : i32
    %dma_start3A_40 = arith.constant 0 : i32
    %dma_start3A_41 = tpu.memref_slice %arg2[%dma_start3A_39, %dma_start3A_40] : memref<20480x128xf32, #tpu.memory_space<hbm>> -> memref<20480x128xf32, #tpu.memory_space<hbm>>
    tpu.enqueue_indirect_dma source(%dma_start3A_41 : memref<20480x128xf32, #tpu.memory_space<hbm>>) target(%arg11 : memref<128x128xf32, #tpu.memory_space<vmem>>) offsets(%dma_start3A_38 : memref<128xi32, #tpu.memory_space<vmem>>) semaphore(%arg13 : memref<!tpu.dma_semaphore, #tpu.memory_space<semaphore_mem>>)
    %dma_wait3A_42 = arith.constant 0 : i32
    %dma_wait3A_43 = tpu.memref_slice %arg20[%mul3A_2, %dma_wait3A_42] : memref<10240x128xf32, #tpu.memory_space<vmem_shared>> -> memref<640x128xf32, #tpu.memory_space<vmem_shared>>
    %dma_wait3A_44 = arith.constant 0 : i32
    %dma_wait3A_45 = tpu.memref_slice %arg5[%mul3A_0, %dma_wait3A_44] : memref<10240x128xf32, #tpu.memory_space<hbm>> -> memref<640x128xf32, #tpu.memory_space<hbm>>
    tpu.wait_dma2 semaphore(%arg19 : memref<!tpu.dma_semaphore, #tpu.memory_space<semaphore_mem>>) src(%dma_wait3A_45 : memref<640x128xf32, #tpu.memory_space<hbm>>) dst(%dma_wait3A_43 : memref<640x128xf32, #tpu.memory_space<vmem_shared>>)
    %barrier3A = arith.constant 0 : index
    tpu.barrier barrier_id(%barrier3A)
    %scan3A = arith.constant 0 : i32
    %scan3A_46 = arith.constant 10 : i32
    %scan3A_47 = arith.addi %scan3A, %scan3A_46 : i32
    %scan3A_48 = arith.constant 1 : i32
    scf.for %scan3A_58 = %scan3A to %scan3A_47 step %scan3A_48  : i32 {
      %mul3A_59 = arith.constant 2 : i32
      %mul3A_60 = arith.muli %scan3A_58, %mul3A_59 : i32
      %add3A_61 = arith.constant 0 : i32
      %add3A_62 = arith.addi %add3A_61, %mul3A_60 : i32
      %dma_wait3A_63 = arith.constant 0 : i32
      %dma_wait3A_64 = arith.constant 0 : i32
      %dma_wait3A_65 = tpu.memref_slice %arg7[%dma_wait3A_63, %dma_wait3A_64] : memref<4x128xi32, #tpu.memory_space<vmem>> -> memref<1x128xi32, #tpu.memory_space<vmem>>
      %dma_wait3A_66 = tpu.memref_squeeze %dma_wait3A_65 : memref<1x128xi32, #tpu.memory_space<vmem>> -> memref<128xi32, #tpu.memory_space<vmem>>
      %dma_wait3A_67 = arith.constant 0 : i32
      %dma_wait3A_68 = arith.constant 0 : i32
      %dma_wait3A_69 = tpu.memref_slice %arg2[%dma_wait3A_67, %dma_wait3A_68] : memref<20480x128xf32, #tpu.memory_space<hbm>> -> memref<20480x128xf32, #tpu.memory_space<hbm>>
      tpu.wait_indirect_dma semaphore(%arg13 : memref<!tpu.dma_semaphore, #tpu.memory_space<semaphore_mem>>) src(%dma_wait3A_69 : memref<20480x128xf32, #tpu.memory_space<hbm>>) dst(%arg11 : memref<128x128xf32, #tpu.memory_space<vmem>>)
      %dma_start3A_70 = arith.constant 0 : i32
      %dma_start3A_71 = arith.constant 0 : i32
      %dma_start3A_72 = tpu.memref_slice %arg8[%dma_start3A_70, %dma_start3A_71] : memref<4x128xi32, #tpu.memory_space<vmem>> -> memref<1x128xi32, #tpu.memory_space<vmem>>
      %dma_start3A_73 = tpu.memref_squeeze %dma_start3A_72 : memref<1x128xi32, #tpu.memory_space<vmem>> -> memref<128xi32, #tpu.memory_space<vmem>>
      %dma_start3A_74 = arith.constant 0 : i32
      %dma_start3A_75 = arith.constant 0 : i32
      %dma_start3A_76 = tpu.memref_slice %arg20[%dma_start3A_74, %dma_start3A_75] : memref<10240x128xf32, #tpu.memory_space<vmem_shared>> -> memref<10240x128xf32, #tpu.memory_space<vmem_shared>>
      tpu.enqueue_indirect_dma source(%arg11 : memref<128x128xf32, #tpu.memory_space<vmem>>) target(%dma_start3A_76 : memref<10240x128xf32, #tpu.memory_space<vmem_shared>>) offsets(%dma_start3A_73 : memref<128xi32, #tpu.memory_space<vmem>>) semaphore(%arg15 : memref<!tpu.dma_semaphore, #tpu.memory_space<semaphore_mem>>) {add = true}
      %add3A_77 = arith.constant 1 : i32
      %add3A_78 = arith.addi %add3A_62, %add3A_77 : i32
      %mul3A_79 = arith.constant 4 : i32
      %mul3A_80 = arith.muli %add3A_78, %mul3A_79 : i32
      %add3A_81 = arith.addi %mul3A_9, %mul3A_80 : i32
      %dma_start3A_82 = arith.constant 0 : i32
      %dma_start3A_83 = tpu.memref_slice %arg3[%add3A_81, %dma_start3A_82] : memref<2560x128xi32, #tpu.memory_space<hbm>> -> memref<4x128xi32, #tpu.memory_space<hbm>>
      %dma_start3A_84 = arith.constant 0 : i32
      %dma_start3A_85 = tpu.memref_slice %arg3[%add3A_81, %dma_start3A_84] : memref<2560x128xi32, #tpu.memory_space<hbm>> -> memref<4x128xi32, #tpu.memory_space<hbm>>
      tpu.enqueue_dma source(%dma_start3A_85 : memref<4x128xi32, #tpu.memory_space<hbm>>) target(%arg9 : memref<4x128xi32, #tpu.memory_space<vmem>>) target_semaphore(%arg18 : memref<!tpu.dma_semaphore, #tpu.memory_space<semaphore_mem>>)
      %mul3A_86 = arith.constant 4 : i32
      %mul3A_87 = arith.muli %add3A_78, %mul3A_86 : i32
      %add3A_88 = arith.addi %mul3A_11, %mul3A_87 : i32
      %dma_start3A_89 = arith.constant 0 : i32
      %dma_start3A_90 = tpu.memref_slice %arg4[%add3A_88, %dma_start3A_89] : memref<1280x128xi32, #tpu.memory_space<hbm>> -> memref<4x128xi32, #tpu.memory_space<hbm>>
      %dma_start3A_91 = arith.constant 0 : i32
      %dma_start3A_92 = tpu.memref_slice %arg4[%add3A_88, %dma_start3A_91] : memref<1280x128xi32, #tpu.memory_space<hbm>> -> memref<4x128xi32, #tpu.memory_space<hbm>>
      tpu.enqueue_dma source(%dma_start3A_92 : memref<4x128xi32, #tpu.memory_space<hbm>>) target(%arg10 : memref<4x128xi32, #tpu.memory_space<vmem>>) target_semaphore(%arg18 : memref<!tpu.dma_semaphore, #tpu.memory_space<semaphore_mem>>)
      %dma_start3A_93 = arith.constant 1 : i32
      %dma_start3A_94 = arith.constant 0 : i32
      %dma_start3A_95 = tpu.memref_slice %arg7[%dma_start3A_93, %dma_start3A_94] : memref<4x128xi32, #tpu.memory_space<vmem>> -> memref<1x128xi32, #tpu.memory_space<vmem>>
      %dma_start3A_96 = tpu.memref_squeeze %dma_start3A_95 : memref<1x128xi32, #tpu.memory_space<vmem>> -> memref<128xi32, #tpu.memory_space<vmem>>
      %dma_start3A_97 = arith.constant 0 : i32
      %dma_start3A_98 = arith.constant 0 : i32
      %dma_start3A_99 = tpu.memref_slice %arg2[%dma_start3A_97, %dma_start3A_98] : memref<20480x128xf32, #tpu.memory_space<hbm>> -> memref<20480x128xf32, #tpu.memory_space<hbm>>
      tpu.enqueue_indirect_dma source(%dma_start3A_99 : memref<20480x128xf32, #tpu.memory_space<hbm>>) target(%arg12 : memref<128x128xf32, #tpu.memory_space<vmem>>) offsets(%dma_start3A_96 : memref<128xi32, #tpu.memory_space<vmem>>) semaphore(%arg14 : memref<!tpu.dma_semaphore, #tpu.memory_space<semaphore_mem>>)
      %dma_wait3A_100 = arith.constant 1 : i32
      %dma_wait3A_101 = arith.constant 0 : i32
      %dma_wait3A_102 = tpu.memref_slice %arg7[%dma_wait3A_100, %dma_wait3A_101] : memref<4x128xi32, #tpu.memory_space<vmem>> -> memref<1x128xi32, #tpu.memory_space<vmem>>
      %dma_wait3A_103 = tpu.memref_squeeze %dma_wait3A_102 : memref<1x128xi32, #tpu.memory_space<vmem>> -> memref<128xi32, #tpu.memory_space<vmem>>
      %dma_wait3A_104 = arith.constant 0 : i32
      %dma_wait3A_105 = arith.constant 0 : i32
      %dma_wait3A_106 = tpu.memref_slice %arg2[%dma_wait3A_104, %dma_wait3A_105] : memref<20480x128xf32, #tpu.memory_space<hbm>> -> memref<20480x128xf32, #tpu.memory_space<hbm>>
      tpu.wait_indirect_dma semaphore(%arg14 : memref<!tpu.dma_semaphore, #tpu.memory_space<semaphore_mem>>) src(%dma_wait3A_106 : memref<20480x128xf32, #tpu.memory_space<hbm>>) dst(%arg12 : memref<128x128xf32, #tpu.memory_space<vmem>>)
      %dma_start3A_107 = arith.constant 1 : i32
      %dma_start3A_108 = arith.constant 0 : i32
      %dma_start3A_109 = tpu.memref_slice %arg8[%dma_start3A_107, %dma_start3A_108] : memref<4x128xi32, #tpu.memory_space<vmem>> -> memref<1x128xi32, #tpu.memory_space<vmem>>
      %dma_start3A_110 = tpu.memref_squeeze %dma_start3A_109 : memref<1x128xi32, #tpu.memory_space<vmem>> -> memref<128xi32, #tpu.memory_space<vmem>>
      %dma_start3A_111 = arith.constant 0 : i32
      %dma_start3A_112 = arith.constant 0 : i32
      %dma_start3A_113 = tpu.memref_slice %arg20[%dma_start3A_111, %dma_start3A_112] : memref<10240x128xf32, #tpu.memory_space<vmem_shared>> -> memref<10240x128xf32, #tpu.memory_space<vmem_shared>>
      tpu.enqueue_indirect_dma source(%arg12 : memref<128x128xf32, #tpu.memory_space<vmem>>) target(%dma_start3A_113 : memref<10240x128xf32, #tpu.memory_space<vmem_shared>>) offsets(%dma_start3A_110 : memref<128xi32, #tpu.memory_space<vmem>>) semaphore(%arg16 : memref<!tpu.dma_semaphore, #tpu.memory_space<semaphore_mem>>) {add = true}
      %dma_wait3A_114 = arith.constant 0 : i32
      %dma_wait3A_115 = arith.constant 0 : i32
      %dma_wait3A_116 = tpu.memref_slice %arg8[%dma_wait3A_114, %dma_wait3A_115] : memref<4x128xi32, #tpu.memory_space<vmem>> -> memref<1x128xi32, #tpu.memory_space<vmem>>
      %dma_wait3A_117 = tpu.memref_squeeze %dma_wait3A_116 : memref<1x128xi32, #tpu.memory_space<vmem>> -> memref<128xi32, #tpu.memory_space<vmem>>
      %dma_wait3A_118 = arith.constant 0 : i32
      %dma_wait3A_119 = arith.constant 0 : i32
      %dma_wait3A_120 = tpu.memref_slice %arg20[%dma_wait3A_118, %dma_wait3A_119] : memref<10240x128xf32, #tpu.memory_space<vmem_shared>> -> memref<10240x128xf32, #tpu.memory_space<vmem_shared>>
      tpu.wait_indirect_dma semaphore(%arg15 : memref<!tpu.dma_semaphore, #tpu.memory_space<semaphore_mem>>) src(%arg11 : memref<128x128xf32, #tpu.memory_space<vmem>>) dst(%dma_wait3A_120 : memref<10240x128xf32, #tpu.memory_space<vmem_shared>>)
      %dma_start3A_121 = arith.constant 2 : i32
      %dma_start3A_122 = arith.constant 0 : i32
      %dma_start3A_123 = tpu.memref_slice %arg7[%dma_start3A_121, %dma_start3A_122] : memref<4x128xi32, #tpu.memory_space<vmem>> -> memref<1x128xi32, #tpu.memory_space<vmem>>
      %dma_start3A_124 = tpu.memref_squeeze %dma_start3A_123 : memref<1x128xi32, #tpu.memory_space<vmem>> -> memref<128xi32, #tpu.memory_space<vmem>>
      %dma_start3A_125 = arith.constant 0 : i32
      %dma_start3A_126 = arith.constant 0 : i32
      %dma_start3A_127 = tpu.memref_slice %arg2[%dma_start3A_125, %dma_start3A_126] : memref<20480x128xf32, #tpu.memory_space<hbm>> -> memref<20480x128xf32, #tpu.memory_space<hbm>>
      tpu.enqueue_indirect_dma source(%dma_start3A_127 : memref<20480x128xf32, #tpu.memory_space<hbm>>) target(%arg11 : memref<128x128xf32, #tpu.memory_space<vmem>>) offsets(%dma_start3A_124 : memref<128xi32, #tpu.memory_space<vmem>>) semaphore(%arg13 : memref<!tpu.dma_semaphore, #tpu.memory_space<semaphore_mem>>)
      %dma_wait3A_128 = arith.constant 2 : i32
      %dma_wait3A_129 = arith.constant 0 : i32
      %dma_wait3A_130 = tpu.memref_slice %arg7[%dma_wait3A_128, %dma_wait3A_129] : memref<4x128xi32, #tpu.memory_space<vmem>> -> memref<1x128xi32, #tpu.memory_space<vmem>>
      %dma_wait3A_131 = tpu.memref_squeeze %dma_wait3A_130 : memref<1x128xi32, #tpu.memory_space<vmem>> -> memref<128xi32, #tpu.memory_space<vmem>>
      %dma_wait3A_132 = arith.constant 0 : i32
      %dma_wait3A_133 = arith.constant 0 : i32
      %dma_wait3A_134 = tpu.memref_slice %arg2[%dma_wait3A_132, %dma_wait3A_133] : memref<20480x128xf32, #tpu.memory_space<hbm>> -> memref<20480x128xf32, #tpu.memory_space<hbm>>
      tpu.wait_indirect_dma semaphore(%arg13 : memref<!tpu.dma_semaphore, #tpu.memory_space<semaphore_mem>>) src(%dma_wait3A_134 : memref<20480x128xf32, #tpu.memory_space<hbm>>) dst(%arg11 : memref<128x128xf32, #tpu.memory_space<vmem>>)
      %dma_start3A_135 = arith.constant 2 : i32
      %dma_start3A_136 = arith.constant 0 : i32
      %dma_start3A_137 = tpu.memref_slice %arg8[%dma_start3A_135, %dma_start3A_136] : memref<4x128xi32, #tpu.memory_space<vmem>> -> memref<1x128xi32, #tpu.memory_space<vmem>>
      %dma_start3A_138 = tpu.memref_squeeze %dma_start3A_137 : memref<1x128xi32, #tpu.memory_space<vmem>> -> memref<128xi32, #tpu.memory_space<vmem>>
      %dma_start3A_139 = arith.constant 0 : i32
      %dma_start3A_140 = arith.constant 0 : i32
      %dma_start3A_141 = tpu.memref_slice %arg20[%dma_start3A_139, %dma_start3A_140] : memref<10240x128xf32, #tpu.memory_space<vmem_shared>> -> memref<10240x128xf32, #tpu.memory_space<vmem_shared>>
      tpu.enqueue_indirect_dma source(%arg11 : memref<128x128xf32, #tpu.memory_space<vmem>>) target(%dma_start3A_141 : memref<10240x128xf32, #tpu.memory_space<vmem_shared>>) offsets(%dma_start3A_138 : memref<128xi32, #tpu.memory_space<vmem>>) semaphore(%arg15 : memref<!tpu.dma_semaphore, #tpu.memory_space<semaphore_mem>>) {add = true}
      %dma_wait3A_142 = arith.constant 1 : i32
      %dma_wait3A_143 = arith.constant 0 : i32
      %dma_wait3A_144 = tpu.memref_slice %arg8[%dma_wait3A_142, %dma_wait3A_143] : memref<4x128xi32, #tpu.memory_space<vmem>> -> memref<1x128xi32, #tpu.memory_space<vmem>>
      %dma_wait3A_145 = tpu.memref_squeeze %dma_wait3A_144 : memref<1x128xi32, #tpu.memory_space<vmem>> -> memref<128xi32, #tpu.memory_space<vmem>>
      %dma_wait3A_146 = arith.constant 0 : i32
      %dma_wait3A_147 = arith.constant 0 : i32
      %dma_wait3A_148 = tpu.memref_slice %arg20[%dma_wait3A_146, %dma_wait3A_147] : memref<10240x128xf32, #tpu.memory_space<vmem_shared>> -> memref<10240x128xf32, #tpu.memory_space<vmem_shared>>
      tpu.wait_indirect_dma semaphore(%arg16 : memref<!tpu.dma_semaphore, #tpu.memory_space<semaphore_mem>>) src(%arg12 : memref<128x128xf32, #tpu.memory_space<vmem>>) dst(%dma_wait3A_148 : memref<10240x128xf32, #tpu.memory_space<vmem_shared>>)
      %dma_start3A_149 = arith.constant 3 : i32
      %dma_start3A_150 = arith.constant 0 : i32
      %dma_start3A_151 = tpu.memref_slice %arg7[%dma_start3A_149, %dma_start3A_150] : memref<4x128xi32, #tpu.memory_space<vmem>> -> memref<1x128xi32, #tpu.memory_space<vmem>>
      %dma_start3A_152 = tpu.memref_squeeze %dma_start3A_151 : memref<1x128xi32, #tpu.memory_space<vmem>> -> memref<128xi32, #tpu.memory_space<vmem>>
      %dma_start3A_153 = arith.constant 0 : i32
      %dma_start3A_154 = arith.constant 0 : i32
      %dma_start3A_155 = tpu.memref_slice %arg2[%dma_start3A_153, %dma_start3A_154] : memref<20480x128xf32, #tpu.memory_space<hbm>> -> memref<20480x128xf32, #tpu.memory_space<hbm>>
      tpu.enqueue_indirect_dma source(%dma_start3A_155 : memref<20480x128xf32, #tpu.memory_space<hbm>>) target(%arg12 : memref<128x128xf32, #tpu.memory_space<vmem>>) offsets(%dma_start3A_152 : memref<128xi32, #tpu.memory_space<vmem>>) semaphore(%arg14 : memref<!tpu.dma_semaphore, #tpu.memory_space<semaphore_mem>>)
      %dma_wait3A_156 = arith.constant 3 : i32
      %dma_wait3A_157 = arith.constant 0 : i32
      %dma_wait3A_158 = tpu.memref_slice %arg7[%dma_wait3A_156, %dma_wait3A_157] : memref<4x128xi32, #tpu.memory_space<vmem>> -> memref<1x128xi32, #tpu.memory_space<vmem>>
      %dma_wait3A_159 = tpu.memref_squeeze %dma_wait3A_158 : memref<1x128xi32, #tpu.memory_space<vmem>> -> memref<128xi32, #tpu.memory_space<vmem>>
      %dma_wait3A_160 = arith.constant 0 : i32
      %dma_wait3A_161 = arith.constant 0 : i32
      %dma_wait3A_162 = tpu.memref_slice %arg2[%dma_wait3A_160, %dma_wait3A_161] : memref<20480x128xf32, #tpu.memory_space<hbm>> -> memref<20480x128xf32, #tpu.memory_space<hbm>>
      tpu.wait_indirect_dma semaphore(%arg14 : memref<!tpu.dma_semaphore, #tpu.memory_space<semaphore_mem>>) src(%dma_wait3A_162 : memref<20480x128xf32, #tpu.memory_space<hbm>>) dst(%arg12 : memref<128x128xf32, #tpu.memory_space<vmem>>)
      %dma_start3A_163 = arith.constant 3 : i32
      %dma_start3A_164 = arith.constant 0 : i32
      %dma_start3A_165 = tpu.memref_slice %arg8[%dma_start3A_163, %dma_start3A_164] : memref<4x128xi32, #tpu.memory_space<vmem>> -> memref<1x128xi32, #tpu.memory_space<vmem>>
      %dma_start3A_166 = tpu.memref_squeeze %dma_start3A_165 : memref<1x128xi32, #tpu.memory_space<vmem>> -> memref<128xi32, #tpu.memory_space<vmem>>
      %dma_start3A_167 = arith.constant 0 : i32
      %dma_start3A_168 = arith.constant 0 : i32
      %dma_start3A_169 = tpu.memref_slice %arg20[%dma_start3A_167, %dma_start3A_168] : memref<10240x128xf32, #tpu.memory_space<vmem_shared>> -> memref<10240x128xf32, #tpu.memory_space<vmem_shared>>
      tpu.enqueue_indirect_dma source(%arg12 : memref<128x128xf32, #tpu.memory_space<vmem>>) target(%dma_start3A_169 : memref<10240x128xf32, #tpu.memory_space<vmem_shared>>) offsets(%dma_start3A_166 : memref<128xi32, #tpu.memory_space<vmem>>) semaphore(%arg16 : memref<!tpu.dma_semaphore, #tpu.memory_space<semaphore_mem>>) {add = true}
      %dma_wait3A_170 = arith.constant 2 : i32
      %dma_wait3A_171 = arith.constant 0 : i32
      %dma_wait3A_172 = tpu.memref_slice %arg8[%dma_wait3A_170, %dma_wait3A_171] : memref<4x128xi32, #tpu.memory_space<vmem>> -> memref<1x128xi32, #tpu.memory_space<vmem>>
      %dma_wait3A_173 = tpu.memref_squeeze %dma_wait3A_172 : memref<1x128xi32, #tpu.memory_space<vmem>> -> memref<128xi32, #tpu.memory_space<vmem>>
      %dma_wait3A_174 = arith.constant 0 : i32
      %dma_wait3A_175 = arith.constant 0 : i32
      %dma_wait3A_176 = tpu.memref_slice %arg20[%dma_wait3A_174, %dma_wait3A_175] : memref<10240x128xf32, #tpu.memory_space<vmem_shared>> -> memref<10240x128xf32, #tpu.memory_space<vmem_shared>>
      tpu.wait_indirect_dma semaphore(%arg15 : memref<!tpu.dma_semaphore, #tpu.memory_space<semaphore_mem>>) src(%arg11 : memref<128x128xf32, #tpu.memory_space<vmem>>) dst(%dma_wait3A_176 : memref<10240x128xf32, #tpu.memory_space<vmem_shared>>)
      %add3A_177 = arith.constant 1 : i32
      %add3A_178 = arith.addi %add3A_62, %add3A_177 : i32
      %mul3A_179 = arith.constant 4 : i32
      %mul3A_180 = arith.muli %add3A_178, %mul3A_179 : i32
      %add3A_181 = arith.addi %mul3A_9, %mul3A_180 : i32
      %dma_wait3A_182 = arith.constant 0 : i32
      %dma_wait3A_183 = tpu.memref_slice %arg3[%add3A_181, %dma_wait3A_182] : memref<2560x128xi32, #tpu.memory_space<hbm>> -> memref<4x128xi32, #tpu.memory_space<hbm>>
      %dma_wait3A_184 = arith.constant 0 : i32
      %dma_wait3A_185 = tpu.memref_slice %arg3[%add3A_181, %dma_wait3A_184] : memref<2560x128xi32, #tpu.memory_space<hbm>> -> memref<4x128xi32, #tpu.memory_space<hbm>>
      tpu.wait_dma2 semaphore(%arg18 : memref<!tpu.dma_semaphore, #tpu.memory_space<semaphore_mem>>) src(%dma_wait3A_185 : memref<4x128xi32, #tpu.memory_space<hbm>>) dst(%arg9 : memref<4x128xi32, #tpu.memory_space<vmem>>)
      %mul3A_186 = arith.constant 4 : i32
      %mul3A_187 = arith.muli %add3A_178, %mul3A_186 : i32
      %add3A_188 = arith.addi %mul3A_11, %mul3A_187 : i32
      %dma_wait3A_189 = arith.constant 0 : i32
      %dma_wait3A_190 = tpu.memref_slice %arg4[%add3A_188, %dma_wait3A_189] : memref<1280x128xi32, #tpu.memory_space<hbm>> -> memref<4x128xi32, #tpu.memory_space<hbm>>
      %dma_wait3A_191 = arith.constant 0 : i32
      %dma_wait3A_192 = tpu.memref_slice %arg4[%add3A_188, %dma_wait3A_191] : memref<1280x128xi32, #tpu.memory_space<hbm>> -> memref<4x128xi32, #tpu.memory_space<hbm>>
      tpu.wait_dma2 semaphore(%arg18 : memref<!tpu.dma_semaphore, #tpu.memory_space<semaphore_mem>>) src(%dma_wait3A_192 : memref<4x128xi32, #tpu.memory_space<hbm>>) dst(%arg10 : memref<4x128xi32, #tpu.memory_space<vmem>>)
      %dma_start3A_193 = arith.constant 0 : i32
      %dma_start3A_194 = arith.constant 0 : i32
      %dma_start3A_195 = tpu.memref_slice %arg9[%dma_start3A_193, %dma_start3A_194] : memref<4x128xi32, #tpu.memory_space<vmem>> -> memref<1x128xi32, #tpu.memory_space<vmem>>
      %dma_start3A_196 = tpu.memref_squeeze %dma_start3A_195 : memref<1x128xi32, #tpu.memory_space<vmem>> -> memref<128xi32, #tpu.memory_space<vmem>>
      %dma_start3A_197 = arith.constant 0 : i32
      %dma_start3A_198 = arith.constant 0 : i32
      %dma_start3A_199 = tpu.memref_slice %arg2[%dma_start3A_197, %dma_start3A_198] : memref<20480x128xf32, #tpu.memory_space<hbm>> -> memref<20480x128xf32, #tpu.memory_space<hbm>>
      tpu.enqueue_indirect_dma source(%dma_start3A_199 : memref<20480x128xf32, #tpu.memory_space<hbm>>) target(%arg11 : memref<128x128xf32, #tpu.memory_space<vmem>>) offsets(%dma_start3A_196 : memref<128xi32, #tpu.memory_space<vmem>>) semaphore(%arg13 : memref<!tpu.dma_semaphore, #tpu.memory_space<semaphore_mem>>)
      %dma_wait3A_200 = arith.constant 0 : i32
      %dma_wait3A_201 = arith.constant 0 : i32
      %dma_wait3A_202 = tpu.memref_slice %arg9[%dma_wait3A_200, %dma_wait3A_201] : memref<4x128xi32, #tpu.memory_space<vmem>> -> memref<1x128xi32, #tpu.memory_space<vmem>>
      %dma_wait3A_203 = tpu.memref_squeeze %dma_wait3A_202 : memref<1x128xi32, #tpu.memory_space<vmem>> -> memref<128xi32, #tpu.memory_space<vmem>>
      %dma_wait3A_204 = arith.constant 0 : i32
      %dma_wait3A_205 = arith.constant 0 : i32
      %dma_wait3A_206 = tpu.memref_slice %arg2[%dma_wait3A_204, %dma_wait3A_205] : memref<20480x128xf32, #tpu.memory_space<hbm>> -> memref<20480x128xf32, #tpu.memory_space<hbm>>
      tpu.wait_indirect_dma semaphore(%arg13 : memref<!tpu.dma_semaphore, #tpu.memory_space<semaphore_mem>>) src(%dma_wait3A_206 : memref<20480x128xf32, #tpu.memory_space<hbm>>) dst(%arg11 : memref<128x128xf32, #tpu.memory_space<vmem>>)
      %dma_start3A_207 = arith.constant 0 : i32
      %dma_start3A_208 = arith.constant 0 : i32
      %dma_start3A_209 = tpu.memref_slice %arg10[%dma_start3A_207, %dma_start3A_208] : memref<4x128xi32, #tpu.memory_space<vmem>> -> memref<1x128xi32, #tpu.memory_space<vmem>>
      %dma_start3A_210 = tpu.memref_squeeze %dma_start3A_209 : memref<1x128xi32, #tpu.memory_space<vmem>> -> memref<128xi32, #tpu.memory_space<vmem>>
      %dma_start3A_211 = arith.constant 0 : i32
      %dma_start3A_212 = arith.constant 0 : i32
      %dma_start3A_213 = tpu.memref_slice %arg20[%dma_start3A_211, %dma_start3A_212] : memref<10240x128xf32, #tpu.memory_space<vmem_shared>> -> memref<10240x128xf32, #tpu.memory_space<vmem_shared>>
      tpu.enqueue_indirect_dma source(%arg11 : memref<128x128xf32, #tpu.memory_space<vmem>>) target(%dma_start3A_213 : memref<10240x128xf32, #tpu.memory_space<vmem_shared>>) offsets(%dma_start3A_210 : memref<128xi32, #tpu.memory_space<vmem>>) semaphore(%arg15 : memref<!tpu.dma_semaphore, #tpu.memory_space<semaphore_mem>>) {add = true}
      %dma_wait3A_214 = arith.constant 3 : i32
      %dma_wait3A_215 = arith.constant 0 : i32
      %dma_wait3A_216 = tpu.memref_slice %arg8[%dma_wait3A_214, %dma_wait3A_215] : memref<4x128xi32, #tpu.memory_space<vmem>> -> memref<1x128xi32, #tpu.memory_space<vmem>>
      %dma_wait3A_217 = tpu.memref_squeeze %dma_wait3A_216 : memref<1x128xi32, #tpu.memory_space<vmem>> -> memref<128xi32, #tpu.memory_space<vmem>>
      %dma_wait3A_218 = arith.constant 0 : i32
      %dma_wait3A_219 = arith.constant 0 : i32
      %dma_wait3A_220 = tpu.memref_slice %arg20[%dma_wait3A_218, %dma_wait3A_219] : memref<10240x128xf32, #tpu.memory_space<vmem_shared>> -> memref<10240x128xf32, #tpu.memory_space<vmem_shared>>
      tpu.wait_indirect_dma semaphore(%arg16 : memref<!tpu.dma_semaphore, #tpu.memory_space<semaphore_mem>>) src(%arg12 : memref<128x128xf32, #tpu.memory_space<vmem>>) dst(%dma_wait3A_220 : memref<10240x128xf32, #tpu.memory_space<vmem_shared>>)
      %dma_start3A_221 = arith.constant 1 : i32
      %dma_start3A_222 = arith.constant 0 : i32
      %dma_start3A_223 = tpu.memref_slice %arg9[%dma_start3A_221, %dma_start3A_222] : memref<4x128xi32, #tpu.memory_space<vmem>> -> memref<1x128xi32, #tpu.memory_space<vmem>>
      %dma_start3A_224 = tpu.memref_squeeze %dma_start3A_223 : memref<1x128xi32, #tpu.memory_space<vmem>> -> memref<128xi32, #tpu.memory_space<vmem>>
      %dma_start3A_225 = arith.constant 0 : i32
      %dma_start3A_226 = arith.constant 0 : i32
      %dma_start3A_227 = tpu.memref_slice %arg2[%dma_start3A_225, %dma_start3A_226] : memref<20480x128xf32, #tpu.memory_space<hbm>> -> memref<20480x128xf32, #tpu.memory_space<hbm>>
      tpu.enqueue_indirect_dma source(%dma_start3A_227 : memref<20480x128xf32, #tpu.memory_space<hbm>>) target(%arg12 : memref<128x128xf32, #tpu.memory_space<vmem>>) offsets(%dma_start3A_224 : memref<128xi32, #tpu.memory_space<vmem>>) semaphore(%arg14 : memref<!tpu.dma_semaphore, #tpu.memory_space<semaphore_mem>>)
      %dma_wait3A_228 = arith.constant 1 : i32
      %dma_wait3A_229 = arith.constant 0 : i32
      %dma_wait3A_230 = tpu.memref_slice %arg9[%dma_wait3A_228, %dma_wait3A_229] : memref<4x128xi32, #tpu.memory_space<vmem>> -> memref<1x128xi32, #tpu.memory_space<vmem>>
      %dma_wait3A_231 = tpu.memref_squeeze %dma_wait3A_230 : memref<1x128xi32, #tpu.memory_space<vmem>> -> memref<128xi32, #tpu.memory_space<vmem>>
      %dma_wait3A_232 = arith.constant 0 : i32
      %dma_wait3A_233 = arith.constant 0 : i32
      %dma_wait3A_234 = tpu.memref_slice %arg2[%dma_wait3A_232, %dma_wait3A_233] : memref<20480x128xf32, #tpu.memory_space<hbm>> -> memref<20480x128xf32, #tpu.memory_space<hbm>>
      tpu.wait_indirect_dma semaphore(%arg14 : memref<!tpu.dma_semaphore, #tpu.memory_space<semaphore_mem>>) src(%dma_wait3A_234 : memref<20480x128xf32, #tpu.memory_space<hbm>>) dst(%arg12 : memref<128x128xf32, #tpu.memory_space<vmem>>)
      %dma_start3A_235 = arith.constant 1 : i32
      %dma_start3A_236 = arith.constant 0 : i32
      %dma_start3A_237 = tpu.memref_slice %arg10[%dma_start3A_235, %dma_start3A_236] : memref<4x128xi32, #tpu.memory_space<vmem>> -> memref<1x128xi32, #tpu.memory_space<vmem>>
      %dma_start3A_238 = tpu.memref_squeeze %dma_start3A_237 : memref<1x128xi32, #tpu.memory_space<vmem>> -> memref<128xi32, #tpu.memory_space<vmem>>
      %dma_start3A_239 = arith.constant 0 : i32
      %dma_start3A_240 = arith.constant 0 : i32
      %dma_start3A_241 = tpu.memref_slice %arg20[%dma_start3A_239, %dma_start3A_240] : memref<10240x128xf32, #tpu.memory_space<vmem_shared>> -> memref<10240x128xf32, #tpu.memory_space<vmem_shared>>
      tpu.enqueue_indirect_dma source(%arg12 : memref<128x128xf32, #tpu.memory_space<vmem>>) target(%dma_start3A_241 : memref<10240x128xf32, #tpu.memory_space<vmem_shared>>) offsets(%dma_start3A_238 : memref<128xi32, #tpu.memory_space<vmem>>) semaphore(%arg16 : memref<!tpu.dma_semaphore, #tpu.memory_space<semaphore_mem>>) {add = true}
      %dma_wait3A_242 = arith.constant 0 : i32
      %dma_wait3A_243 = arith.constant 0 : i32
      %dma_wait3A_244 = tpu.memref_slice %arg10[%dma_wait3A_242, %dma_wait3A_243] : memref<4x128xi32, #tpu.memory_space<vmem>> -> memref<1x128xi32, #tpu.memory_space<vmem>>
      %dma_wait3A_245 = tpu.memref_squeeze %dma_wait3A_244 : memref<1x128xi32, #tpu.memory_space<vmem>> -> memref<128xi32, #tpu.memory_space<vmem>>
      %dma_wait3A_246 = arith.constant 0 : i32
      %dma_wait3A_247 = arith.constant 0 : i32
      %dma_wait3A_248 = tpu.memref_slice %arg20[%dma_wait3A_246, %dma_wait3A_247] : memref<10240x128xf32, #tpu.memory_space<vmem_shared>> -> memref<10240x128xf32, #tpu.memory_space<vmem_shared>>
      tpu.wait_indirect_dma semaphore(%arg15 : memref<!tpu.dma_semaphore, #tpu.memory_space<semaphore_mem>>) src(%arg11 : memref<128x128xf32, #tpu.memory_space<vmem>>) dst(%dma_wait3A_248 : memref<10240x128xf32, #tpu.memory_space<vmem_shared>>)
      %add3A_249 = arith.constant 2 : i32
      %add3A_250 = arith.addi %add3A_62, %add3A_249 : i32
      %lt3A = arith.constant 20 : i32
      %lt3A_251 = arith.cmpi slt, %add3A_250, %lt3A : i32
      %convert_element_type3A = arith.extui %lt3A_251 : i1 to i32
      %cond3A = arith.constant 0 : i32
      %cond3A_252 = arith.cmpi ne, %convert_element_type3A, %cond3A : i32
      scf.if %cond3A_252 {
        %add3A_323 = arith.constant 2 : i32
        %add3A_324 = arith.addi %add3A_62, %add3A_323 : i32
        %mul3A_325 = arith.constant 4 : i32
        %mul3A_326 = arith.muli %add3A_324, %mul3A_325 : i32
        %add3A_327 = arith.addi %mul3A_9, %mul3A_326 : i32
        %dma_start3A_328 = arith.constant 0 : i32
        %dma_start3A_329 = tpu.memref_slice %arg3[%add3A_327, %dma_start3A_328] : memref<2560x128xi32, #tpu.memory_space<hbm>> -> memref<4x128xi32, #tpu.memory_space<hbm>>
        %dma_start3A_330 = arith.constant 0 : i32
        %dma_start3A_331 = tpu.memref_slice %arg3[%add3A_327, %dma_start3A_330] : memref<2560x128xi32, #tpu.memory_space<hbm>> -> memref<4x128xi32, #tpu.memory_space<hbm>>
        tpu.enqueue_dma source(%dma_start3A_331 : memref<4x128xi32, #tpu.memory_space<hbm>>) target(%arg7 : memref<4x128xi32, #tpu.memory_space<vmem>>) target_semaphore(%arg17 : memref<!tpu.dma_semaphore, #tpu.memory_space<semaphore_mem>>)
        %mul3A_332 = arith.constant 4 : i32
        %mul3A_333 = arith.muli %add3A_324, %mul3A_332 : i32
        %add3A_334 = arith.addi %mul3A_11, %mul3A_333 : i32
        %dma_start3A_335 = arith.constant 0 : i32
        %dma_start3A_336 = tpu.memref_slice %arg4[%add3A_334, %dma_start3A_335] : memref<1280x128xi32, #tpu.memory_space<hbm>> -> memref<4x128xi32, #tpu.memory_space<hbm>>
        %dma_start3A_337 = arith.constant 0 : i32
        %dma_start3A_338 = tpu.memref_slice %arg4[%add3A_334, %dma_start3A_337] : memref<1280x128xi32, #tpu.memory_space<hbm>> -> memref<4x128xi32, #tpu.memory_space<hbm>>
        tpu.enqueue_dma source(%dma_start3A_338 : memref<4x128xi32, #tpu.memory_space<hbm>>) target(%arg8 : memref<4x128xi32, #tpu.memory_space<vmem>>) target_semaphore(%arg17 : memref<!tpu.dma_semaphore, #tpu.memory_space<semaphore_mem>>)
      } else {
      }
      %dma_start3A_253 = arith.constant 2 : i32
      %dma_start3A_254 = arith.constant 0 : i32
      %dma_start3A_255 = tpu.memref_slice %arg9[%dma_start3A_253, %dma_start3A_254] : memref<4x128xi32, #tpu.memory_space<vmem>> -> memref<1x128xi32, #tpu.memory_space<vmem>>
      %dma_start3A_256 = tpu.memref_squeeze %dma_start3A_255 : memref<1x128xi32, #tpu.memory_space<vmem>> -> memref<128xi32, #tpu.memory_space<vmem>>
      %dma_start3A_257 = arith.constant 0 : i32
      %dma_start3A_258 = arith.constant 0 : i32
      %dma_start3A_259 = tpu.memref_slice %arg2[%dma_start3A_257, %dma_start3A_258] : memref<20480x128xf32, #tpu.memory_space<hbm>> -> memref<20480x128xf32, #tpu.memory_space<hbm>>
      tpu.enqueue_indirect_dma source(%dma_start3A_259 : memref<20480x128xf32, #tpu.memory_space<hbm>>) target(%arg11 : memref<128x128xf32, #tpu.memory_space<vmem>>) offsets(%dma_start3A_256 : memref<128xi32, #tpu.memory_space<vmem>>) semaphore(%arg13 : memref<!tpu.dma_semaphore, #tpu.memory_space<semaphore_mem>>)
      %dma_wait3A_260 = arith.constant 2 : i32
      %dma_wait3A_261 = arith.constant 0 : i32
      %dma_wait3A_262 = tpu.memref_slice %arg9[%dma_wait3A_260, %dma_wait3A_261] : memref<4x128xi32, #tpu.memory_space<vmem>> -> memref<1x128xi32, #tpu.memory_space<vmem>>
      %dma_wait3A_263 = tpu.memref_squeeze %dma_wait3A_262 : memref<1x128xi32, #tpu.memory_space<vmem>> -> memref<128xi32, #tpu.memory_space<vmem>>
      %dma_wait3A_264 = arith.constant 0 : i32
      %dma_wait3A_265 = arith.constant 0 : i32
      %dma_wait3A_266 = tpu.memref_slice %arg2[%dma_wait3A_264, %dma_wait3A_265] : memref<20480x128xf32, #tpu.memory_space<hbm>> -> memref<20480x128xf32, #tpu.memory_space<hbm>>
      tpu.wait_indirect_dma semaphore(%arg13 : memref<!tpu.dma_semaphore, #tpu.memory_space<semaphore_mem>>) src(%dma_wait3A_266 : memref<20480x128xf32, #tpu.memory_space<hbm>>) dst(%arg11 : memref<128x128xf32, #tpu.memory_space<vmem>>)
      %dma_start3A_267 = arith.constant 2 : i32
      %dma_start3A_268 = arith.constant 0 : i32
      %dma_start3A_269 = tpu.memref_slice %arg10[%dma_start3A_267, %dma_start3A_268] : memref<4x128xi32, #tpu.memory_space<vmem>> -> memref<1x128xi32, #tpu.memory_space<vmem>>
      %dma_start3A_270 = tpu.memref_squeeze %dma_start3A_269 : memref<1x128xi32, #tpu.memory_space<vmem>> -> memref<128xi32, #tpu.memory_space<vmem>>
      %dma_start3A_271 = arith.constant 0 : i32
      %dma_start3A_272 = arith.constant 0 : i32
      %dma_start3A_273 = tpu.memref_slice %arg20[%dma_start3A_271, %dma_start3A_272] : memref<10240x128xf32, #tpu.memory_space<vmem_shared>> -> memref<10240x128xf32, #tpu.memory_space<vmem_shared>>
      tpu.enqueue_indirect_dma source(%arg11 : memref<128x128xf32, #tpu.memory_space<vmem>>) target(%dma_start3A_273 : memref<10240x128xf32, #tpu.memory_space<vmem_shared>>) offsets(%dma_start3A_270 : memref<128xi32, #tpu.memory_space<vmem>>) semaphore(%arg15 : memref<!tpu.dma_semaphore, #tpu.memory_space<semaphore_mem>>) {add = true}
      %dma_wait3A_274 = arith.constant 1 : i32
      %dma_wait3A_275 = arith.constant 0 : i32
      %dma_wait3A_276 = tpu.memref_slice %arg10[%dma_wait3A_274, %dma_wait3A_275] : memref<4x128xi32, #tpu.memory_space<vmem>> -> memref<1x128xi32, #tpu.memory_space<vmem>>
      %dma_wait3A_277 = tpu.memref_squeeze %dma_wait3A_276 : memref<1x128xi32, #tpu.memory_space<vmem>> -> memref<128xi32, #tpu.memory_space<vmem>>
      %dma_wait3A_278 = arith.constant 0 : i32
      %dma_wait3A_279 = arith.constant 0 : i32
      %dma_wait3A_280 = tpu.memref_slice %arg20[%dma_wait3A_278, %dma_wait3A_279] : memref<10240x128xf32, #tpu.memory_space<vmem_shared>> -> memref<10240x128xf32, #tpu.memory_space<vmem_shared>>
      tpu.wait_indirect_dma semaphore(%arg16 : memref<!tpu.dma_semaphore, #tpu.memory_space<semaphore_mem>>) src(%arg12 : memref<128x128xf32, #tpu.memory_space<vmem>>) dst(%dma_wait3A_280 : memref<10240x128xf32, #tpu.memory_space<vmem_shared>>)
      %dma_start3A_281 = arith.constant 3 : i32
      %dma_start3A_282 = arith.constant 0 : i32
      %dma_start3A_283 = tpu.memref_slice %arg9[%dma_start3A_281, %dma_start3A_282] : memref<4x128xi32, #tpu.memory_space<vmem>> -> memref<1x128xi32, #tpu.memory_space<vmem>>
      %dma_start3A_284 = tpu.memref_squeeze %dma_start3A_283 : memref<1x128xi32, #tpu.memory_space<vmem>> -> memref<128xi32, #tpu.memory_space<vmem>>
      %dma_start3A_285 = arith.constant 0 : i32
      %dma_start3A_286 = arith.constant 0 : i32
      %dma_start3A_287 = tpu.memref_slice %arg2[%dma_start3A_285, %dma_start3A_286] : memref<20480x128xf32, #tpu.memory_space<hbm>> -> memref<20480x128xf32, #tpu.memory_space<hbm>>
      tpu.enqueue_indirect_dma source(%dma_start3A_287 : memref<20480x128xf32, #tpu.memory_space<hbm>>) target(%arg12 : memref<128x128xf32, #tpu.memory_space<vmem>>) offsets(%dma_start3A_284 : memref<128xi32, #tpu.memory_space<vmem>>) semaphore(%arg14 : memref<!tpu.dma_semaphore, #tpu.memory_space<semaphore_mem>>)
      %dma_wait3A_288 = arith.constant 3 : i32
      %dma_wait3A_289 = arith.constant 0 : i32
      %dma_wait3A_290 = tpu.memref_slice %arg9[%dma_wait3A_288, %dma_wait3A_289] : memref<4x128xi32, #tpu.memory_space<vmem>> -> memref<1x128xi32, #tpu.memory_space<vmem>>
      %dma_wait3A_291 = tpu.memref_squeeze %dma_wait3A_290 : memref<1x128xi32, #tpu.memory_space<vmem>> -> memref<128xi32, #tpu.memory_space<vmem>>
      %dma_wait3A_292 = arith.constant 0 : i32
      %dma_wait3A_293 = arith.constant 0 : i32
      %dma_wait3A_294 = tpu.memref_slice %arg2[%dma_wait3A_292, %dma_wait3A_293] : memref<20480x128xf32, #tpu.memory_space<hbm>> -> memref<20480x128xf32, #tpu.memory_space<hbm>>
      tpu.wait_indirect_dma semaphore(%arg14 : memref<!tpu.dma_semaphore, #tpu.memory_space<semaphore_mem>>) src(%dma_wait3A_294 : memref<20480x128xf32, #tpu.memory_space<hbm>>) dst(%arg12 : memref<128x128xf32, #tpu.memory_space<vmem>>)
      %dma_start3A_295 = arith.constant 3 : i32
      %dma_start3A_296 = arith.constant 0 : i32
      %dma_start3A_297 = tpu.memref_slice %arg10[%dma_start3A_295, %dma_start3A_296] : memref<4x128xi32, #tpu.memory_space<vmem>> -> memref<1x128xi32, #tpu.memory_space<vmem>>
      %dma_start3A_298 = tpu.memref_squeeze %dma_start3A_297 : memref<1x128xi32, #tpu.memory_space<vmem>> -> memref<128xi32, #tpu.memory_space<vmem>>
      %dma_start3A_299 = arith.constant 0 : i32
      %dma_start3A_300 = arith.constant 0 : i32
      %dma_start3A_301 = tpu.memref_slice %arg20[%dma_start3A_299, %dma_start3A_300] : memref<10240x128xf32, #tpu.memory_space<vmem_shared>> -> memref<10240x128xf32, #tpu.memory_space<vmem_shared>>
      tpu.enqueue_indirect_dma source(%arg12 : memref<128x128xf32, #tpu.memory_space<vmem>>) target(%dma_start3A_301 : memref<10240x128xf32, #tpu.memory_space<vmem_shared>>) offsets(%dma_start3A_298 : memref<128xi32, #tpu.memory_space<vmem>>) semaphore(%arg16 : memref<!tpu.dma_semaphore, #tpu.memory_space<semaphore_mem>>) {add = true}
      %dma_wait3A_302 = arith.constant 2 : i32
      %dma_wait3A_303 = arith.constant 0 : i32
      %dma_wait3A_304 = tpu.memref_slice %arg10[%dma_wait3A_302, %dma_wait3A_303] : memref<4x128xi32, #tpu.memory_space<vmem>> -> memref<1x128xi32, #tpu.memory_space<vmem>>
      %dma_wait3A_305 = tpu.memref_squeeze %dma_wait3A_304 : memref<1x128xi32, #tpu.memory_space<vmem>> -> memref<128xi32, #tpu.memory_space<vmem>>
      %dma_wait3A_306 = arith.constant 0 : i32
      %dma_wait3A_307 = arith.constant 0 : i32
      %dma_wait3A_308 = tpu.memref_slice %arg20[%dma_wait3A_306, %dma_wait3A_307] : memref<10240x128xf32, #tpu.memory_space<vmem_shared>> -> memref<10240x128xf32, #tpu.memory_space<vmem_shared>>
      tpu.wait_indirect_dma semaphore(%arg15 : memref<!tpu.dma_semaphore, #tpu.memory_space<semaphore_mem>>) src(%arg11 : memref<128x128xf32, #tpu.memory_space<vmem>>) dst(%dma_wait3A_308 : memref<10240x128xf32, #tpu.memory_space<vmem_shared>>)
      %add3A_309 = arith.constant 2 : i32
      %add3A_310 = arith.addi %add3A_62, %add3A_309 : i32
      %lt3A_311 = arith.constant 20 : i32
      %lt3A_312 = arith.cmpi slt, %add3A_310, %lt3A_311 : i32
      %convert_element_type3A_313 = arith.extui %lt3A_312 : i1 to i32
      %cond3A_314 = arith.constant 0 : i32
      %cond3A_315 = arith.cmpi ne, %convert_element_type3A_313, %cond3A_314 : i32
      scf.if %cond3A_315 {
        %add3A_323 = arith.constant 2 : i32
        %add3A_324 = arith.addi %add3A_62, %add3A_323 : i32
        %mul3A_325 = arith.constant 4 : i32
        %mul3A_326 = arith.muli %add3A_324, %mul3A_325 : i32
        %add3A_327 = arith.addi %mul3A_9, %mul3A_326 : i32
        %dma_wait3A_328 = arith.constant 0 : i32
        %dma_wait3A_329 = tpu.memref_slice %arg3[%add3A_327, %dma_wait3A_328] : memref<2560x128xi32, #tpu.memory_space<hbm>> -> memref<4x128xi32, #tpu.memory_space<hbm>>
        %dma_wait3A_330 = arith.constant 0 : i32
        %dma_wait3A_331 = tpu.memref_slice %arg3[%add3A_327, %dma_wait3A_330] : memref<2560x128xi32, #tpu.memory_space<hbm>> -> memref<4x128xi32, #tpu.memory_space<hbm>>
        tpu.wait_dma2 semaphore(%arg17 : memref<!tpu.dma_semaphore, #tpu.memory_space<semaphore_mem>>) src(%dma_wait3A_331 : memref<4x128xi32, #tpu.memory_space<hbm>>) dst(%arg7 : memref<4x128xi32, #tpu.memory_space<vmem>>)
        %mul3A_332 = arith.constant 4 : i32
        %mul3A_333 = arith.muli %add3A_324, %mul3A_332 : i32
        %add3A_334 = arith.addi %mul3A_11, %mul3A_333 : i32
        %dma_wait3A_335 = arith.constant 0 : i32
        %dma_wait3A_336 = tpu.memref_slice %arg4[%add3A_334, %dma_wait3A_335] : memref<1280x128xi32, #tpu.memory_space<hbm>> -> memref<4x128xi32, #tpu.memory_space<hbm>>
        %dma_wait3A_337 = arith.constant 0 : i32
        %dma_wait3A_338 = tpu.memref_slice %arg4[%add3A_334, %dma_wait3A_337] : memref<1280x128xi32, #tpu.memory_space<hbm>> -> memref<4x128xi32, #tpu.memory_space<hbm>>
        tpu.wait_dma2 semaphore(%arg17 : memref<!tpu.dma_semaphore, #tpu.memory_space<semaphore_mem>>) src(%dma_wait3A_338 : memref<4x128xi32, #tpu.memory_space<hbm>>) dst(%arg8 : memref<4x128xi32, #tpu.memory_space<vmem>>)
        %dma_start3A_339 = arith.constant 0 : i32
        %dma_start3A_340 = arith.constant 0 : i32
        %dma_start3A_341 = tpu.memref_slice %arg7[%dma_start3A_339, %dma_start3A_340] : memref<4x128xi32, #tpu.memory_space<vmem>> -> memref<1x128xi32, #tpu.memory_space<vmem>>
        %dma_start3A_342 = tpu.memref_squeeze %dma_start3A_341 : memref<1x128xi32, #tpu.memory_space<vmem>> -> memref<128xi32, #tpu.memory_space<vmem>>
        %dma_start3A_343 = arith.constant 0 : i32
        %dma_start3A_344 = arith.constant 0 : i32
        %dma_start3A_345 = tpu.memref_slice %arg2[%dma_start3A_343, %dma_start3A_344] : memref<20480x128xf32, #tpu.memory_space<hbm>> -> memref<20480x128xf32, #tpu.memory_space<hbm>>
        tpu.enqueue_indirect_dma source(%dma_start3A_345 : memref<20480x128xf32, #tpu.memory_space<hbm>>) target(%arg11 : memref<128x128xf32, #tpu.memory_space<vmem>>) offsets(%dma_start3A_342 : memref<128xi32, #tpu.memory_space<vmem>>) semaphore(%arg13 : memref<!tpu.dma_semaphore, #tpu.memory_space<semaphore_mem>>)
      } else {
      }
      %dma_wait3A_316 = arith.constant 3 : i32
      %dma_wait3A_317 = arith.constant 0 : i32
      %dma_wait3A_318 = tpu.memref_slice %arg10[%dma_wait3A_316, %dma_wait3A_317] : memref<4x128xi32, #tpu.memory_space<vmem>> -> memref<1x128xi32, #tpu.memory_space<vmem>>
      %dma_wait3A_319 = tpu.memref_squeeze %dma_wait3A_318 : memref<1x128xi32, #tpu.memory_space<vmem>> -> memref<128xi32, #tpu.memory_space<vmem>>
      %dma_wait3A_320 = arith.constant 0 : i32
      %dma_wait3A_321 = arith.constant 0 : i32
      %dma_wait3A_322 = tpu.memref_slice %arg20[%dma_wait3A_320, %dma_wait3A_321] : memref<10240x128xf32, #tpu.memory_space<vmem_shared>> -> memref<10240x128xf32, #tpu.memory_space<vmem_shared>>
      tpu.wait_indirect_dma semaphore(%arg16 : memref<!tpu.dma_semaphore, #tpu.memory_space<semaphore_mem>>) src(%arg12 : memref<128x128xf32, #tpu.memory_space<vmem>>) dst(%dma_wait3A_322 : memref<10240x128xf32, #tpu.memory_space<vmem_shared>>)
    }
    %scan3A_49 = arith.constant 10 : i32
    %barrier3A_50 = arith.constant 0 : index
    tpu.barrier barrier_id(%barrier3A_50)
    %mul3A_51 = arith.constant 640 : i32
    %mul3A_52 = arith.muli %arg1, %mul3A_51 : i32
    %mul3A_53 = arith.constant 10240 : i32
    %mul3A_54 = arith.muli %arg0, %mul3A_53 : i32
    %mul3A_55 = arith.constant 640 : i32
    %mul3A_56 = arith.muli %arg1, %mul3A_55 : i32
    %add3A_57 = arith.addi %mul3A_54, %mul3A_56 : i32
    "tpu.region"() ({
      %run_scoped3A = tpu.sem_alloc : memref<!tpu.dma_semaphore, #tpu.memory_space<semaphore_mem>>
      %dma_start3A_58 = arith.constant 0 : i32
      %dma_start3A_59 = tpu.memref_slice %arg6[%add3A_57, %dma_start3A_58] : memref<20480x128xf32, #tpu.memory_space<hbm>> -> memref<640x128xf32, #tpu.memory_space<hbm>>
      %dma_start3A_60 = arith.constant 0 : i32
      %dma_start3A_61 = tpu.memref_slice %arg20[%mul3A_52, %dma_start3A_60] : memref<10240x128xf32, #tpu.memory_space<vmem_shared>> -> memref<640x128xf32, #tpu.memory_space<vmem_shared>>
      tpu.enqueue_dma source(%dma_start3A_61 : memref<640x128xf32, #tpu.memory_space<vmem_shared>>) target(%dma_start3A_59 : memref<640x128xf32, #tpu.memory_space<hbm>>) target_semaphore(%run_scoped3A : memref<!tpu.dma_semaphore, #tpu.memory_space<semaphore_mem>>)
      %dma_wait3A_62 = arith.constant 0 : i32
      %dma_wait3A_63 = tpu.memref_slice %arg6[%add3A_57, %dma_wait3A_62] : memref<20480x128xf32, #tpu.memory_space<hbm>> -> memref<640x128xf32, #tpu.memory_space<hbm>>
      %dma_wait3A_64 = arith.constant 0 : i32
      %dma_wait3A_65 = tpu.memref_slice %arg20[%mul3A_52, %dma_wait3A_64] : memref<10240x128xf32, #tpu.memory_space<vmem_shared>> -> memref<640x128xf32, #tpu.memory_space<vmem_shared>>
      tpu.wait_dma2 semaphore(%run_scoped3A : memref<!tpu.dma_semaphore, #tpu.memory_space<semaphore_mem>>) src(%dma_wait3A_65 : memref<640x128xf32, #tpu.memory_space<vmem_shared>>) dst(%dma_wait3A_63 : memref<640x128xf32, #tpu.memory_space<hbm>>)
      tpu.yield
    }) : () -> ()
    return
  }
}

#map = affine_map<(d0, d1) -> (0, 0)>
module attributes {stable_mosaic.version = 14 : i64} {
  func.func @k(%arg0: i32, %arg1: i32, %arg2: memref<20480x128xf32, #tpu.memory_space<hbm>>, %arg3: memref<2560x128xi32, #tpu.memory_space<hbm>>, %arg4: memref<1280x128xi32, #tpu.memory_space<hbm>>, %arg5: memref<10240x128xf32, #tpu.memory_space<hbm>>, %arg6: memref<20480x128xf32, #tpu.memory_space<hbm>>, %arg7: memref<4x128xi32, #tpu.memory_space<vmem>>, %arg8: memref<4x128xi32, #tpu.memory_space<vmem>>, %arg9: memref<4x128xi32, #tpu.memory_space<vmem>>, %arg10: memref<4x128xi32, #tpu.memory_space<vmem>>, %arg11: memref<128x128xf32, #tpu.memory_space<vmem>>, %arg12: memref<128x128xf32, #tpu.memory_space<vmem>>, %arg13: memref<!tpu.dma_semaphore, #tpu.memory_space<semaphore_mem>>, %arg14: memref<!tpu.dma_semaphore, #tpu.memory_space<semaphore_mem>>, %arg15: memref<!tpu.dma_semaphore, #tpu.memory_space<semaphore_mem>>, %arg16: memref<!tpu.dma_semaphore, #tpu.memory_space<semaphore_mem>>, %arg17: memref<!tpu.dma_semaphore, #tpu.memory_space<semaphore_mem>>, %arg18: memref<!tpu.dma_semaphore, #tpu.memory_space<semaphore_mem>>, %arg19: memref<!tpu.dma_semaphore, #tpu.memory_space<semaphore_mem>>, %arg20: memref<10240x128xf32, #tpu.memory_space<vmem_shared>>) attributes {dimension_semantics = [#tpu.dimension_semantics<core_parallel>, #tpu.dimension_semantics<subcore_parallel>], iteration_bounds = array<i64: 2, 16>, scalar_prefetch = 0 : i64, scratch_operands = 14 : i64, tpu.core_type = #tpu.core_type<sc_vector_subcore>, window_params = [{transform_indices = #map}, {transform_indices = #map}, {transform_indices = #map}, {transform_indices = #map}, {transform_indices = #map}]} {
    %mul3A = arith.constant 640 : i32
    %mul3A_0 = arith.muli %arg1, %mul3A : i32
    %mul3A_1 = arith.constant 640 : i32
    %mul3A_2 = arith.muli %arg1, %mul3A_1 : i32
    %dma_start3A = arith.constant 0 : i32
    %dma_start3A_3 = tpu.memref_slice %arg20[%mul3A_2, %dma_start3A] : memref<10240x128xf32, #tpu.memory_space<vmem_shared>> -> memref<640x128xf32, #tpu.memory_space<vmem_shared>>
    %dma_start3A_4 = arith.constant 0 : i32
    %dma_start3A_5 = tpu.memref_slice %arg5[%mul3A_0, %dma_start3A_4] : memref<10240x128xf32, #tpu.memory_space<hbm>> -> memref<640x128xf32, #tpu.memory_space<hbm>>
    tpu.enqueue_dma source(%dma_start3A_5 : memref<640x128xf32, #tpu.memory_space<hbm>>) target(%dma_start3A_3 : memref<640x128xf32, #tpu.memory_space<vmem_shared>>) target_semaphore(%arg19 : memref<!tpu.dma_semaphore, #tpu.memory_space<semaphore_mem>>)
    %mul3A_6 = arith.constant 16 : i32
    %mul3A_7 = arith.muli %arg0, %mul3A_6 : i32
    %add3A = arith.addi %mul3A_7, %arg1 : i32
    %mul3A_8 = arith.constant 80 : i32
    %mul3A_9 = arith.muli %add3A, %mul3A_8 : i32
    %mul3A_10 = arith.constant 80 : i32
    %mul3A_11 = arith.muli %arg1, %mul3A_10 : i32
    %add3A_12 = arith.constant 0 : i32
    %add3A_13 = arith.addi %mul3A_9, %add3A_12 : i32
    %dma_start3A_14 = arith.constant 0 : i32
    %dma_start3A_15 = tpu.memref_slice %arg3[%add3A_13, %dma_start3A_14] : memref<2560x128xi32, #tpu.memory_space<hbm>> -> memref<4x128xi32, #tpu.memory_space<hbm>>
    %dma_start3A_16 = arith.constant 0 : i32
    %dma_start3A_17 = tpu.memref_slice %arg3[%add3A_13, %dma_start3A_16] : memref<2560x128xi32, #tpu.memory_space<hbm>> -> memref<4x128xi32, #tpu.memory_space<hbm>>
    tpu.enqueue_dma source(%dma_start3A_17 : memref<4x128xi32, #tpu.memory_space<hbm>>) target(%arg7 : memref<4x128xi32, #tpu.memory_space<vmem>>) target_semaphore(%arg17 : memref<!tpu.dma_semaphore, #tpu.memory_space<semaphore_mem>>)
    %add3A_18 = arith.constant 0 : i32
    %add3A_19 = arith.addi %mul3A_11, %add3A_18 : i32
    %dma_start3A_20 = arith.constant 0 : i32
    %dma_start3A_21 = tpu.memref_slice %arg4[%add3A_19, %dma_start3A_20] : memref<1280x128xi32, #tpu.memory_space<hbm>> -> memref<4x128xi32, #tpu.memory_space<hbm>>
    %dma_start3A_22 = arith.constant 0 : i32
    %dma_start3A_23 = tpu.memref_slice %arg4[%add3A_19, %dma_start3A_22] : memref<1280x128xi32, #tpu.memory_space<hbm>> -> memref<4x128xi32, #tpu.memory_space<hbm>>
    tpu.enqueue_dma source(%dma_start3A_23 : memref<4x128xi32, #tpu.memory_space<hbm>>) target(%arg8 : memref<4x128xi32, #tpu.memory_space<vmem>>) target_semaphore(%arg17 : memref<!tpu.dma_semaphore, #tpu.memory_space<semaphore_mem>>)
    %add3A_24 = arith.constant 0 : i32
    %add3A_25 = arith.addi %mul3A_9, %add3A_24 : i32
    %dma_wait3A = arith.constant 0 : i32
    %dma_wait3A_26 = tpu.memref_slice %arg3[%add3A_25, %dma_wait3A] : memref<2560x128xi32, #tpu.memory_space<hbm>> -> memref<4x128xi32, #tpu.memory_space<hbm>>
    %dma_wait3A_27 = arith.constant 0 : i32
    %dma_wait3A_28 = tpu.memref_slice %arg3[%add3A_25, %dma_wait3A_27] : memref<2560x128xi32, #tpu.memory_space<hbm>> -> memref<4x128xi32, #tpu.memory_space<hbm>>
    tpu.wait_dma2 semaphore(%arg17 : memref<!tpu.dma_semaphore, #tpu.memory_space<semaphore_mem>>) src(%dma_wait3A_28 : memref<4x128xi32, #tpu.memory_space<hbm>>) dst(%arg7 : memref<4x128xi32, #tpu.memory_space<vmem>>)
    %add3A_29 = arith.constant 0 : i32
    %add3A_30 = arith.addi %mul3A_11, %add3A_29 : i32
    %dma_wait3A_31 = arith.constant 0 : i32
    %dma_wait3A_32 = tpu.memref_slice %arg4[%add3A_30, %dma_wait3A_31] : memref<1280x128xi32, #tpu.memory_space<hbm>> -> memref<4x128xi32, #tpu.memory_space<hbm>>
    %dma_wait3A_33 = arith.constant 0 : i32
    %dma_wait3A_34 = tpu.memref_slice %arg4[%add3A_30, %dma_wait3A_33] : memref<1280x128xi32, #tpu.memory_space<hbm>> -> memref<4x128xi32, #tpu.memory_space<hbm>>
    tpu.wait_dma2 semaphore(%arg17 : memref<!tpu.dma_semaphore, #tpu.memory_space<semaphore_mem>>) src(%dma_wait3A_34 : memref<4x128xi32, #tpu.memory_space<hbm>>) dst(%arg8 : memref<4x128xi32, #tpu.memory_space<vmem>>)
    %dma_start3A_35 = arith.constant 0 : i32
    %dma_start3A_36 = arith.constant 0 : i32
    %dma_start3A_37 = tpu.memref_slice %arg7[%dma_start3A_35, %dma_start3A_36] : memref<4x128xi32, #tpu.memory_space<vmem>> -> memref<1x128xi32, #tpu.memory_space<vmem>>
    %dma_start3A_38 = tpu.memref_squeeze %dma_start3A_37 : memref<1x128xi32, #tpu.memory_space<vmem>> -> memref<128xi32, #tpu.memory_space<vmem>>
    %dma_start3A_39 = arith.constant 0 : i32
    %dma_start3A_40 = arith.constant 0 : i32
    %dma_start3A_41 = tpu.memref_slice %arg2[%dma_start3A_39, %dma_start3A_40] : memref<20480x128xf32, #tpu.memory_space<hbm>> -> memref<20480x128xf32, #tpu.memory_space<hbm>>
    tpu.enqueue_indirect_dma source(%dma_start3A_41 : memref<20480x128xf32, #tpu.memory_space<hbm>>) target(%arg11 : memref<128x128xf32, #tpu.memory_space<vmem>>) offsets(%dma_start3A_38 : memref<128xi32, #tpu.memory_space<vmem>>) semaphore(%arg13 : memref<!tpu.dma_semaphore, #tpu.memory_space<semaphore_mem>>)
    %dma_wait3A_42 = arith.constant 0 : i32
    %dma_wait3A_43 = tpu.memref_slice %arg20[%mul3A_2, %dma_wait3A_42] : memref<10240x128xf32, #tpu.memory_space<vmem_shared>> -> memref<640x128xf32, #tpu.memory_space<vmem_shared>>
    %dma_wait3A_44 = arith.constant 0 : i32
    %dma_wait3A_45 = tpu.memref_slice %arg5[%mul3A_0, %dma_wait3A_44] : memref<10240x128xf32, #tpu.memory_space<hbm>> -> memref<640x128xf32, #tpu.memory_space<hbm>>
    tpu.wait_dma2 semaphore(%arg19 : memref<!tpu.dma_semaphore, #tpu.memory_space<semaphore_mem>>) src(%dma_wait3A_45 : memref<640x128xf32, #tpu.memory_space<hbm>>) dst(%dma_wait3A_43 : memref<640x128xf32, #tpu.memory_space<vmem_shared>>)
    %barrier3A = arith.constant 0 : index
    tpu.barrier barrier_id(%barrier3A)
    %scan3A = arith.constant 0 : i32
    %scan3A_46 = arith.constant 10 : i32
    %scan3A_47 = arith.addi %scan3A, %scan3A_46 : i32
    %scan3A_48 = arith.constant 1 : i32
    scf.for %scan3A_58 = %scan3A to %scan3A_47 step %scan3A_48  : i32 {
      %mul3A_59 = arith.constant 2 : i32
      %mul3A_60 = arith.muli %scan3A_58, %mul3A_59 : i32
      %add3A_61 = arith.constant 0 : i32
      %add3A_62 = arith.addi %add3A_61, %mul3A_60 : i32
      %dma_wait3A_63 = arith.constant 0 : i32
      %dma_wait3A_64 = arith.constant 0 : i32
      %dma_wait3A_65 = tpu.memref_slice %arg7[%dma_wait3A_63, %dma_wait3A_64] : memref<4x128xi32, #tpu.memory_space<vmem>> -> memref<1x128xi32, #tpu.memory_space<vmem>>
      %dma_wait3A_66 = tpu.memref_squeeze %dma_wait3A_65 : memref<1x128xi32, #tpu.memory_space<vmem>> -> memref<128xi32, #tpu.memory_space<vmem>>
      %dma_wait3A_67 = arith.constant 0 : i32
      %dma_wait3A_68 = arith.constant 0 : i32
      %dma_wait3A_69 = tpu.memref_slice %arg2[%dma_wait3A_67, %dma_wait3A_68] : memref<20480x128xf32, #tpu.memory_space<hbm>> -> memref<20480x128xf32, #tpu.memory_space<hbm>>
      tpu.wait_indirect_dma semaphore(%arg13 : memref<!tpu.dma_semaphore, #tpu.memory_space<semaphore_mem>>) src(%dma_wait3A_69 : memref<20480x128xf32, #tpu.memory_space<hbm>>) dst(%arg11 : memref<128x128xf32, #tpu.memory_space<vmem>>)
      %dma_start3A_70 = arith.constant 0 : i32
      %dma_start3A_71 = arith.constant 0 : i32
      %dma_start3A_72 = tpu.memref_slice %arg8[%dma_start3A_70, %dma_start3A_71] : memref<4x128xi32, #tpu.memory_space<vmem>> -> memref<1x128xi32, #tpu.memory_space<vmem>>
      %dma_start3A_73 = tpu.memref_squeeze %dma_start3A_72 : memref<1x128xi32, #tpu.memory_space<vmem>> -> memref<128xi32, #tpu.memory_space<vmem>>
      %dma_start3A_74 = arith.constant 0 : i32
      %dma_start3A_75 = arith.constant 0 : i32
      %dma_start3A_76 = tpu.memref_slice %arg20[%dma_start3A_74, %dma_start3A_75] : memref<10240x128xf32, #tpu.memory_space<vmem_shared>> -> memref<10240x128xf32, #tpu.memory_space<vmem_shared>>
      tpu.enqueue_indirect_dma source(%arg11 : memref<128x128xf32, #tpu.memory_space<vmem>>) target(%dma_start3A_76 : memref<10240x128xf32, #tpu.memory_space<vmem_shared>>) offsets(%dma_start3A_73 : memref<128xi32, #tpu.memory_space<vmem>>) semaphore(%arg15 : memref<!tpu.dma_semaphore, #tpu.memory_space<semaphore_mem>>) {add = true}
      %add3A_77 = arith.constant 1 : i32
      %add3A_78 = arith.addi %add3A_62, %add3A_77 : i32
      %mul3A_79 = arith.constant 4 : i32
      %mul3A_80 = arith.muli %add3A_78, %mul3A_79 : i32
      %add3A_81 = arith.addi %mul3A_9, %mul3A_80 : i32
      %dma_start3A_82 = arith.constant 0 : i32
      %dma_start3A_83 = tpu.memref_slice %arg3[%add3A_81, %dma_start3A_82] : memref<2560x128xi32, #tpu.memory_space<hbm>> -> memref<4x128xi32, #tpu.memory_space<hbm>>
      %dma_start3A_84 = arith.constant 0 : i32
      %dma_start3A_85 = tpu.memref_slice %arg3[%add3A_81, %dma_start3A_84] : memref<2560x128xi32, #tpu.memory_space<hbm>> -> memref<4x128xi32, #tpu.memory_space<hbm>>
      tpu.enqueue_dma source(%dma_start3A_85 : memref<4x128xi32, #tpu.memory_space<hbm>>) target(%arg9 : memref<4x128xi32, #tpu.memory_space<vmem>>) target_semaphore(%arg18 : memref<!tpu.dma_semaphore, #tpu.memory_space<semaphore_mem>>)
      %mul3A_86 = arith.constant 4 : i32
      %mul3A_87 = arith.muli %add3A_78, %mul3A_86 : i32
      %add3A_88 = arith.addi %mul3A_11, %mul3A_87 : i32
      %dma_start3A_89 = arith.constant 0 : i32
      %dma_start3A_90 = tpu.memref_slice %arg4[%add3A_88, %dma_start3A_89] : memref<1280x128xi32, #tpu.memory_space<hbm>> -> memref<4x128xi32, #tpu.memory_space<hbm>>
      %dma_start3A_91 = arith.constant 0 : i32
      %dma_start3A_92 = tpu.memref_slice %arg4[%add3A_88, %dma_start3A_91] : memref<1280x128xi32, #tpu.memory_space<hbm>> -> memref<4x128xi32, #tpu.memory_space<hbm>>
      tpu.enqueue_dma source(%dma_start3A_92 : memref<4x128xi32, #tpu.memory_space<hbm>>) target(%arg10 : memref<4x128xi32, #tpu.memory_space<vmem>>) target_semaphore(%arg18 : memref<!tpu.dma_semaphore, #tpu.memory_space<semaphore_mem>>)
      %dma_start3A_93 = arith.constant 1 : i32
      %dma_start3A_94 = arith.constant 0 : i32
      %dma_start3A_95 = tpu.memref_slice %arg7[%dma_start3A_93, %dma_start3A_94] : memref<4x128xi32, #tpu.memory_space<vmem>> -> memref<1x128xi32, #tpu.memory_space<vmem>>
      %dma_start3A_96 = tpu.memref_squeeze %dma_start3A_95 : memref<1x128xi32, #tpu.memory_space<vmem>> -> memref<128xi32, #tpu.memory_space<vmem>>
      %dma_start3A_97 = arith.constant 0 : i32
      %dma_start3A_98 = arith.constant 0 : i32
      %dma_start3A_99 = tpu.memref_slice %arg2[%dma_start3A_97, %dma_start3A_98] : memref<20480x128xf32, #tpu.memory_space<hbm>> -> memref<20480x128xf32, #tpu.memory_space<hbm>>
      tpu.enqueue_indirect_dma source(%dma_start3A_99 : memref<20480x128xf32, #tpu.memory_space<hbm>>) target(%arg12 : memref<128x128xf32, #tpu.memory_space<vmem>>) offsets(%dma_start3A_96 : memref<128xi32, #tpu.memory_space<vmem>>) semaphore(%arg14 : memref<!tpu.dma_semaphore, #tpu.memory_space<semaphore_mem>>)
      %dma_wait3A_100 = arith.constant 1 : i32
      %dma_wait3A_101 = arith.constant 0 : i32
      %dma_wait3A_102 = tpu.memref_slice %arg7[%dma_wait3A_100, %dma_wait3A_101] : memref<4x128xi32, #tpu.memory_space<vmem>> -> memref<1x128xi32, #tpu.memory_space<vmem>>
      %dma_wait3A_103 = tpu.memref_squeeze %dma_wait3A_102 : memref<1x128xi32, #tpu.memory_space<vmem>> -> memref<128xi32, #tpu.memory_space<vmem>>
      %dma_wait3A_104 = arith.constant 0 : i32
      %dma_wait3A_105 = arith.constant 0 : i32
      %dma_wait3A_106 = tpu.memref_slice %arg2[%dma_wait3A_104, %dma_wait3A_105] : memref<20480x128xf32, #tpu.memory_space<hbm>> -> memref<20480x128xf32, #tpu.memory_space<hbm>>
      tpu.wait_indirect_dma semaphore(%arg14 : memref<!tpu.dma_semaphore, #tpu.memory_space<semaphore_mem>>) src(%dma_wait3A_106 : memref<20480x128xf32, #tpu.memory_space<hbm>>) dst(%arg12 : memref<128x128xf32, #tpu.memory_space<vmem>>)
      %dma_start3A_107 = arith.constant 1 : i32
      %dma_start3A_108 = arith.constant 0 : i32
      %dma_start3A_109 = tpu.memref_slice %arg8[%dma_start3A_107, %dma_start3A_108] : memref<4x128xi32, #tpu.memory_space<vmem>> -> memref<1x128xi32, #tpu.memory_space<vmem>>
      %dma_start3A_110 = tpu.memref_squeeze %dma_start3A_109 : memref<1x128xi32, #tpu.memory_space<vmem>> -> memref<128xi32, #tpu.memory_space<vmem>>
      %dma_start3A_111 = arith.constant 0 : i32
      %dma_start3A_112 = arith.constant 0 : i32
      %dma_start3A_113 = tpu.memref_slice %arg20[%dma_start3A_111, %dma_start3A_112] : memref<10240x128xf32, #tpu.memory_space<vmem_shared>> -> memref<10240x128xf32, #tpu.memory_space<vmem_shared>>
      tpu.enqueue_indirect_dma source(%arg12 : memref<128x128xf32, #tpu.memory_space<vmem>>) target(%dma_start3A_113 : memref<10240x128xf32, #tpu.memory_space<vmem_shared>>) offsets(%dma_start3A_110 : memref<128xi32, #tpu.memory_space<vmem>>) semaphore(%arg16 : memref<!tpu.dma_semaphore, #tpu.memory_space<semaphore_mem>>) {add = true}
      %dma_wait3A_114 = arith.constant 0 : i32
      %dma_wait3A_115 = arith.constant 0 : i32
      %dma_wait3A_116 = tpu.memref_slice %arg8[%dma_wait3A_114, %dma_wait3A_115] : memref<4x128xi32, #tpu.memory_space<vmem>> -> memref<1x128xi32, #tpu.memory_space<vmem>>
      %dma_wait3A_117 = tpu.memref_squeeze %dma_wait3A_116 : memref<1x128xi32, #tpu.memory_space<vmem>> -> memref<128xi32, #tpu.memory_space<vmem>>
      %dma_wait3A_118 = arith.constant 0 : i32
      %dma_wait3A_119 = arith.constant 0 : i32
      %dma_wait3A_120 = tpu.memref_slice %arg20[%dma_wait3A_118, %dma_wait3A_119] : memref<10240x128xf32, #tpu.memory_space<vmem_shared>> -> memref<10240x128xf32, #tpu.memory_space<vmem_shared>>
      tpu.wait_indirect_dma semaphore(%arg15 : memref<!tpu.dma_semaphore, #tpu.memory_space<semaphore_mem>>) src(%arg11 : memref<128x128xf32, #tpu.memory_space<vmem>>) dst(%dma_wait3A_120 : memref<10240x128xf32, #tpu.memory_space<vmem_shared>>)
      %dma_start3A_121 = arith.constant 2 : i32
      %dma_start3A_122 = arith.constant 0 : i32
      %dma_start3A_123 = tpu.memref_slice %arg7[%dma_start3A_121, %dma_start3A_122] : memref<4x128xi32, #tpu.memory_space<vmem>> -> memref<1x128xi32, #tpu.memory_space<vmem>>
      %dma_start3A_124 = tpu.memref_squeeze %dma_start3A_123 : memref<1x128xi32, #tpu.memory_space<vmem>> -> memref<128xi32, #tpu.memory_space<vmem>>
      %dma_start3A_125 = arith.constant 0 : i32
      %dma_start3A_126 = arith.constant 0 : i32
      %dma_start3A_127 = tpu.memref_slice %arg2[%dma_start3A_125, %dma_start3A_126] : memref<20480x128xf32, #tpu.memory_space<hbm>> -> memref<20480x128xf32, #tpu.memory_space<hbm>>
      tpu.enqueue_indirect_dma source(%dma_start3A_127 : memref<20480x128xf32, #tpu.memory_space<hbm>>) target(%arg11 : memref<128x128xf32, #tpu.memory_space<vmem>>) offsets(%dma_start3A_124 : memref<128xi32, #tpu.memory_space<vmem>>) semaphore(%arg13 : memref<!tpu.dma_semaphore, #tpu.memory_space<semaphore_mem>>)
      %dma_wait3A_128 = arith.constant 2 : i32
      %dma_wait3A_129 = arith.constant 0 : i32
      %dma_wait3A_130 = tpu.memref_slice %arg7[%dma_wait3A_128, %dma_wait3A_129] : memref<4x128xi32, #tpu.memory_space<vmem>> -> memref<1x128xi32, #tpu.memory_space<vmem>>
      %dma_wait3A_131 = tpu.memref_squeeze %dma_wait3A_130 : memref<1x128xi32, #tpu.memory_space<vmem>> -> memref<128xi32, #tpu.memory_space<vmem>>
      %dma_wait3A_132 = arith.constant 0 : i32
      %dma_wait3A_133 = arith.constant 0 : i32
      %dma_wait3A_134 = tpu.memref_slice %arg2[%dma_wait3A_132, %dma_wait3A_133] : memref<20480x128xf32, #tpu.memory_space<hbm>> -> memref<20480x128xf32, #tpu.memory_space<hbm>>
      tpu.wait_indirect_dma semaphore(%arg13 : memref<!tpu.dma_semaphore, #tpu.memory_space<semaphore_mem>>) src(%dma_wait3A_134 : memref<20480x128xf32, #tpu.memory_space<hbm>>) dst(%arg11 : memref<128x128xf32, #tpu.memory_space<vmem>>)
      %dma_start3A_135 = arith.constant 2 : i32
      %dma_start3A_136 = arith.constant 0 : i32
      %dma_start3A_137 = tpu.memref_slice %arg8[%dma_start3A_135, %dma_start3A_136] : memref<4x128xi32, #tpu.memory_space<vmem>> -> memref<1x128xi32, #tpu.memory_space<vmem>>
      %dma_start3A_138 = tpu.memref_squeeze %dma_start3A_137 : memref<1x128xi32, #tpu.memory_space<vmem>> -> memref<128xi32, #tpu.memory_space<vmem>>
      %dma_start3A_139 = arith.constant 0 : i32
      %dma_start3A_140 = arith.constant 0 : i32
      %dma_start3A_141 = tpu.memref_slice %arg20[%dma_start3A_139, %dma_start3A_140] : memref<10240x128xf32, #tpu.memory_space<vmem_shared>> -> memref<10240x128xf32, #tpu.memory_space<vmem_shared>>
      tpu.enqueue_indirect_dma source(%arg11 : memref<128x128xf32, #tpu.memory_space<vmem>>) target(%dma_start3A_141 : memref<10240x128xf32, #tpu.memory_space<vmem_shared>>) offsets(%dma_start3A_138 : memref<128xi32, #tpu.memory_space<vmem>>) semaphore(%arg15 : memref<!tpu.dma_semaphore, #tpu.memory_space<semaphore_mem>>) {add = true}
      %dma_wait3A_142 = arith.constant 1 : i32
      %dma_wait3A_143 = arith.constant 0 : i32
      %dma_wait3A_144 = tpu.memref_slice %arg8[%dma_wait3A_142, %dma_wait3A_143] : memref<4x128xi32, #tpu.memory_space<vmem>> -> memref<1x128xi32, #tpu.memory_space<vmem>>
      %dma_wait3A_145 = tpu.memref_squeeze %dma_wait3A_144 : memref<1x128xi32, #tpu.memory_space<vmem>> -> memref<128xi32, #tpu.memory_space<vmem>>
      %dma_wait3A_146 = arith.constant 0 : i32
      %dma_wait3A_147 = arith.constant 0 : i32
      %dma_wait3A_148 = tpu.memref_slice %arg20[%dma_wait3A_146, %dma_wait3A_147] : memref<10240x128xf32, #tpu.memory_space<vmem_shared>> -> memref<10240x128xf32, #tpu.memory_space<vmem_shared>>
      tpu.wait_indirect_dma semaphore(%arg16 : memref<!tpu.dma_semaphore, #tpu.memory_space<semaphore_mem>>) src(%arg12 : memref<128x128xf32, #tpu.memory_space<vmem>>) dst(%dma_wait3A_148 : memref<10240x128xf32, #tpu.memory_space<vmem_shared>>)
      %dma_start3A_149 = arith.constant 3 : i32
      %dma_start3A_150 = arith.constant 0 : i32
      %dma_start3A_151 = tpu.memref_slice %arg7[%dma_start3A_149, %dma_start3A_150] : memref<4x128xi32, #tpu.memory_space<vmem>> -> memref<1x128xi32, #tpu.memory_space<vmem>>
      %dma_start3A_152 = tpu.memref_squeeze %dma_start3A_151 : memref<1x128xi32, #tpu.memory_space<vmem>> -> memref<128xi32, #tpu.memory_space<vmem>>
      %dma_start3A_153 = arith.constant 0 : i32
      %dma_start3A_154 = arith.constant 0 : i32
      %dma_start3A_155 = tpu.memref_slice %arg2[%dma_start3A_153, %dma_start3A_154] : memref<20480x128xf32, #tpu.memory_space<hbm>> -> memref<20480x128xf32, #tpu.memory_space<hbm>>
      tpu.enqueue_indirect_dma source(%dma_start3A_155 : memref<20480x128xf32, #tpu.memory_space<hbm>>) target(%arg12 : memref<128x128xf32, #tpu.memory_space<vmem>>) offsets(%dma_start3A_152 : memref<128xi32, #tpu.memory_space<vmem>>) semaphore(%arg14 : memref<!tpu.dma_semaphore, #tpu.memory_space<semaphore_mem>>)
      %dma_wait3A_156 = arith.constant 3 : i32
      %dma_wait3A_157 = arith.constant 0 : i32
      %dma_wait3A_158 = tpu.memref_slice %arg7[%dma_wait3A_156, %dma_wait3A_157] : memref<4x128xi32, #tpu.memory_space<vmem>> -> memref<1x128xi32, #tpu.memory_space<vmem>>
      %dma_wait3A_159 = tpu.memref_squeeze %dma_wait3A_158 : memref<1x128xi32, #tpu.memory_space<vmem>> -> memref<128xi32, #tpu.memory_space<vmem>>
      %dma_wait3A_160 = arith.constant 0 : i32
      %dma_wait3A_161 = arith.constant 0 : i32
      %dma_wait3A_162 = tpu.memref_slice %arg2[%dma_wait3A_160, %dma_wait3A_161] : memref<20480x128xf32, #tpu.memory_space<hbm>> -> memref<20480x128xf32, #tpu.memory_space<hbm>>
      tpu.wait_indirect_dma semaphore(%arg14 : memref<!tpu.dma_semaphore, #tpu.memory_space<semaphore_mem>>) src(%dma_wait3A_162 : memref<20480x128xf32, #tpu.memory_space<hbm>>) dst(%arg12 : memref<128x128xf32, #tpu.memory_space<vmem>>)
      %dma_start3A_163 = arith.constant 3 : i32
      %dma_start3A_164 = arith.constant 0 : i32
      %dma_start3A_165 = tpu.memref_slice %arg8[%dma_start3A_163, %dma_start3A_164] : memref<4x128xi32, #tpu.memory_space<vmem>> -> memref<1x128xi32, #tpu.memory_space<vmem>>
      %dma_start3A_166 = tpu.memref_squeeze %dma_start3A_165 : memref<1x128xi32, #tpu.memory_space<vmem>> -> memref<128xi32, #tpu.memory_space<vmem>>
      %dma_start3A_167 = arith.constant 0 : i32
      %dma_start3A_168 = arith.constant 0 : i32
      %dma_start3A_169 = tpu.memref_slice %arg20[%dma_start3A_167, %dma_start3A_168] : memref<10240x128xf32, #tpu.memory_space<vmem_shared>> -> memref<10240x128xf32, #tpu.memory_space<vmem_shared>>
      tpu.enqueue_indirect_dma source(%arg12 : memref<128x128xf32, #tpu.memory_space<vmem>>) target(%dma_start3A_169 : memref<10240x128xf32, #tpu.memory_space<vmem_shared>>) offsets(%dma_start3A_166 : memref<128xi32, #tpu.memory_space<vmem>>) semaphore(%arg16 : memref<!tpu.dma_semaphore, #tpu.memory_space<semaphore_mem>>) {add = true}
      %dma_wait3A_170 = arith.constant 2 : i32
      %dma_wait3A_171 = arith.constant 0 : i32
      %dma_wait3A_172 = tpu.memref_slice %arg8[%dma_wait3A_170, %dma_wait3A_171] : memref<4x128xi32, #tpu.memory_space<vmem>> -> memref<1x128xi32, #tpu.memory_space<vmem>>
      %dma_wait3A_173 = tpu.memref_squeeze %dma_wait3A_172 : memref<1x128xi32, #tpu.memory_space<vmem>> -> memref<128xi32, #tpu.memory_space<vmem>>
      %dma_wait3A_174 = arith.constant 0 : i32
      %dma_wait3A_175 = arith.constant 0 : i32
      %dma_wait3A_176 = tpu.memref_slice %arg20[%dma_wait3A_174, %dma_wait3A_175] : memref<10240x128xf32, #tpu.memory_space<vmem_shared>> -> memref<10240x128xf32, #tpu.memory_space<vmem_shared>>
      tpu.wait_indirect_dma semaphore(%arg15 : memref<!tpu.dma_semaphore, #tpu.memory_space<semaphore_mem>>) src(%arg11 : memref<128x128xf32, #tpu.memory_space<vmem>>) dst(%dma_wait3A_176 : memref<10240x128xf32, #tpu.memory_space<vmem_shared>>)
      %add3A_177 = arith.constant 1 : i32
      %add3A_178 = arith.addi %add3A_62, %add3A_177 : i32
      %mul3A_179 = arith.constant 4 : i32
      %mul3A_180 = arith.muli %add3A_178, %mul3A_179 : i32
      %add3A_181 = arith.addi %mul3A_9, %mul3A_180 : i32
      %dma_wait3A_182 = arith.constant 0 : i32
      %dma_wait3A_183 = tpu.memref_slice %arg3[%add3A_181, %dma_wait3A_182] : memref<2560x128xi32, #tpu.memory_space<hbm>> -> memref<4x128xi32, #tpu.memory_space<hbm>>
      %dma_wait3A_184 = arith.constant 0 : i32
      %dma_wait3A_185 = tpu.memref_slice %arg3[%add3A_181, %dma_wait3A_184] : memref<2560x128xi32, #tpu.memory_space<hbm>> -> memref<4x128xi32, #tpu.memory_space<hbm>>
      tpu.wait_dma2 semaphore(%arg18 : memref<!tpu.dma_semaphore, #tpu.memory_space<semaphore_mem>>) src(%dma_wait3A_185 : memref<4x128xi32, #tpu.memory_space<hbm>>) dst(%arg9 : memref<4x128xi32, #tpu.memory_space<vmem>>)
      %mul3A_186 = arith.constant 4 : i32
      %mul3A_187 = arith.muli %add3A_178, %mul3A_186 : i32
      %add3A_188 = arith.addi %mul3A_11, %mul3A_187 : i32
      %dma_wait3A_189 = arith.constant 0 : i32
      %dma_wait3A_190 = tpu.memref_slice %arg4[%add3A_188, %dma_wait3A_189] : memref<1280x128xi32, #tpu.memory_space<hbm>> -> memref<4x128xi32, #tpu.memory_space<hbm>>
      %dma_wait3A_191 = arith.constant 0 : i32
      %dma_wait3A_192 = tpu.memref_slice %arg4[%add3A_188, %dma_wait3A_191] : memref<1280x128xi32, #tpu.memory_space<hbm>> -> memref<4x128xi32, #tpu.memory_space<hbm>>
      tpu.wait_dma2 semaphore(%arg18 : memref<!tpu.dma_semaphore, #tpu.memory_space<semaphore_mem>>) src(%dma_wait3A_192 : memref<4x128xi32, #tpu.memory_space<hbm>>) dst(%arg10 : memref<4x128xi32, #tpu.memory_space<vmem>>)
      %dma_start3A_193 = arith.constant 0 : i32
      %dma_start3A_194 = arith.constant 0 : i32
      %dma_start3A_195 = tpu.memref_slice %arg9[%dma_start3A_193, %dma_start3A_194] : memref<4x128xi32, #tpu.memory_space<vmem>> -> memref<1x128xi32, #tpu.memory_space<vmem>>
      %dma_start3A_196 = tpu.memref_squeeze %dma_start3A_195 : memref<1x128xi32, #tpu.memory_space<vmem>> -> memref<128xi32, #tpu.memory_space<vmem>>
      %dma_start3A_197 = arith.constant 0 : i32
      %dma_start3A_198 = arith.constant 0 : i32
      %dma_start3A_199 = tpu.memref_slice %arg2[%dma_start3A_197, %dma_start3A_198] : memref<20480x128xf32, #tpu.memory_space<hbm>> -> memref<20480x128xf32, #tpu.memory_space<hbm>>
      tpu.enqueue_indirect_dma source(%dma_start3A_199 : memref<20480x128xf32, #tpu.memory_space<hbm>>) target(%arg11 : memref<128x128xf32, #tpu.memory_space<vmem>>) offsets(%dma_start3A_196 : memref<128xi32, #tpu.memory_space<vmem>>) semaphore(%arg13 : memref<!tpu.dma_semaphore, #tpu.memory_space<semaphore_mem>>)
      %dma_wait3A_200 = arith.constant 0 : i32
      %dma_wait3A_201 = arith.constant 0 : i32
      %dma_wait3A_202 = tpu.memref_slice %arg9[%dma_wait3A_200, %dma_wait3A_201] : memref<4x128xi32, #tpu.memory_space<vmem>> -> memref<1x128xi32, #tpu.memory_space<vmem>>
      %dma_wait3A_203 = tpu.memref_squeeze %dma_wait3A_202 : memref<1x128xi32, #tpu.memory_space<vmem>> -> memref<128xi32, #tpu.memory_space<vmem>>
      %dma_wait3A_204 = arith.constant 0 : i32
      %dma_wait3A_205 = arith.constant 0 : i32
      %dma_wait3A_206 = tpu.memref_slice %arg2[%dma_wait3A_204, %dma_wait3A_205] : memref<20480x128xf32, #tpu.memory_space<hbm>> -> memref<20480x128xf32, #tpu.memory_space<hbm>>
      tpu.wait_indirect_dma semaphore(%arg13 : memref<!tpu.dma_semaphore, #tpu.memory_space<semaphore_mem>>) src(%dma_wait3A_206 : memref<20480x128xf32, #tpu.memory_space<hbm>>) dst(%arg11 : memref<128x128xf32, #tpu.memory_space<vmem>>)
      %dma_start3A_207 = arith.constant 0 : i32
      %dma_start3A_208 = arith.constant 0 : i32
      %dma_start3A_209 = tpu.memref_slice %arg10[%dma_start3A_207, %dma_start3A_208] : memref<4x128xi32, #tpu.memory_space<vmem>> -> memref<1x128xi32, #tpu.memory_space<vmem>>
      %dma_start3A_210 = tpu.memref_squeeze %dma_start3A_209 : memref<1x128xi32, #tpu.memory_space<vmem>> -> memref<128xi32, #tpu.memory_space<vmem>>
      %dma_start3A_211 = arith.constant 0 : i32
      %dma_start3A_212 = arith.constant 0 : i32
      %dma_start3A_213 = tpu.memref_slice %arg20[%dma_start3A_211, %dma_start3A_212] : memref<10240x128xf32, #tpu.memory_space<vmem_shared>> -> memref<10240x128xf32, #tpu.memory_space<vmem_shared>>
      tpu.enqueue_indirect_dma source(%arg11 : memref<128x128xf32, #tpu.memory_space<vmem>>) target(%dma_start3A_213 : memref<10240x128xf32, #tpu.memory_space<vmem_shared>>) offsets(%dma_start3A_210 : memref<128xi32, #tpu.memory_space<vmem>>) semaphore(%arg15 : memref<!tpu.dma_semaphore, #tpu.memory_space<semaphore_mem>>) {add = true}
      %dma_wait3A_214 = arith.constant 3 : i32
      %dma_wait3A_215 = arith.constant 0 : i32
      %dma_wait3A_216 = tpu.memref_slice %arg8[%dma_wait3A_214, %dma_wait3A_215] : memref<4x128xi32, #tpu.memory_space<vmem>> -> memref<1x128xi32, #tpu.memory_space<vmem>>
      %dma_wait3A_217 = tpu.memref_squeeze %dma_wait3A_216 : memref<1x128xi32, #tpu.memory_space<vmem>> -> memref<128xi32, #tpu.memory_space<vmem>>
      %dma_wait3A_218 = arith.constant 0 : i32
      %dma_wait3A_219 = arith.constant 0 : i32
      %dma_wait3A_220 = tpu.memref_slice %arg20[%dma_wait3A_218, %dma_wait3A_219] : memref<10240x128xf32, #tpu.memory_space<vmem_shared>> -> memref<10240x128xf32, #tpu.memory_space<vmem_shared>>
      tpu.wait_indirect_dma semaphore(%arg16 : memref<!tpu.dma_semaphore, #tpu.memory_space<semaphore_mem>>) src(%arg12 : memref<128x128xf32, #tpu.memory_space<vmem>>) dst(%dma_wait3A_220 : memref<10240x128xf32, #tpu.memory_space<vmem_shared>>)
      %dma_start3A_221 = arith.constant 1 : i32
      %dma_start3A_222 = arith.constant 0 : i32
      %dma_start3A_223 = tpu.memref_slice %arg9[%dma_start3A_221, %dma_start3A_222] : memref<4x128xi32, #tpu.memory_space<vmem>> -> memref<1x128xi32, #tpu.memory_space<vmem>>
      %dma_start3A_224 = tpu.memref_squeeze %dma_start3A_223 : memref<1x128xi32, #tpu.memory_space<vmem>> -> memref<128xi32, #tpu.memory_space<vmem>>
      %dma_start3A_225 = arith.constant 0 : i32
      %dma_start3A_226 = arith.constant 0 : i32
      %dma_start3A_227 = tpu.memref_slice %arg2[%dma_start3A_225, %dma_start3A_226] : memref<20480x128xf32, #tpu.memory_space<hbm>> -> memref<20480x128xf32, #tpu.memory_space<hbm>>
      tpu.enqueue_indirect_dma source(%dma_start3A_227 : memref<20480x128xf32, #tpu.memory_space<hbm>>) target(%arg12 : memref<128x128xf32, #tpu.memory_space<vmem>>) offsets(%dma_start3A_224 : memref<128xi32, #tpu.memory_space<vmem>>) semaphore(%arg14 : memref<!tpu.dma_semaphore, #tpu.memory_space<semaphore_mem>>)
      %dma_wait3A_228 = arith.constant 1 : i32
      %dma_wait3A_229 = arith.constant 0 : i32
      %dma_wait3A_230 = tpu.memref_slice %arg9[%dma_wait3A_228, %dma_wait3A_229] : memref<4x128xi32, #tpu.memory_space<vmem>> -> memref<1x128xi32, #tpu.memory_space<vmem>>
      %dma_wait3A_231 = tpu.memref_squeeze %dma_wait3A_230 : memref<1x128xi32, #tpu.memory_space<vmem>> -> memref<128xi32, #tpu.memory_space<vmem>>
      %dma_wait3A_232 = arith.constant 0 : i32
      %dma_wait3A_233 = arith.constant 0 : i32
      %dma_wait3A_234 = tpu.memref_slice %arg2[%dma_wait3A_232, %dma_wait3A_233] : memref<20480x128xf32, #tpu.memory_space<hbm>> -> memref<20480x128xf32, #tpu.memory_space<hbm>>
      tpu.wait_indirect_dma semaphore(%arg14 : memref<!tpu.dma_semaphore, #tpu.memory_space<semaphore_mem>>) src(%dma_wait3A_234 : memref<20480x128xf32, #tpu.memory_space<hbm>>) dst(%arg12 : memref<128x128xf32, #tpu.memory_space<vmem>>)
      %dma_start3A_235 = arith.constant 1 : i32
      %dma_start3A_236 = arith.constant 0 : i32
      %dma_start3A_237 = tpu.memref_slice %arg10[%dma_start3A_235, %dma_start3A_236] : memref<4x128xi32, #tpu.memory_space<vmem>> -> memref<1x128xi32, #tpu.memory_space<vmem>>
      %dma_start3A_238 = tpu.memref_squeeze %dma_start3A_237 : memref<1x128xi32, #tpu.memory_space<vmem>> -> memref<128xi32, #tpu.memory_space<vmem>>
      %dma_start3A_239 = arith.constant 0 : i32
      %dma_start3A_240 = arith.constant 0 : i32
      %dma_start3A_241 = tpu.memref_slice %arg20[%dma_start3A_239, %dma_start3A_240] : memref<10240x128xf32, #tpu.memory_space<vmem_shared>> -> memref<10240x128xf32, #tpu.memory_space<vmem_shared>>
      tpu.enqueue_indirect_dma source(%arg12 : memref<128x128xf32, #tpu.memory_space<vmem>>) target(%dma_start3A_241 : memref<10240x128xf32, #tpu.memory_space<vmem_shared>>) offsets(%dma_start3A_238 : memref<128xi32, #tpu.memory_space<vmem>>) semaphore(%arg16 : memref<!tpu.dma_semaphore, #tpu.memory_space<semaphore_mem>>) {add = true}
      %dma_wait3A_242 = arith.constant 0 : i32
      %dma_wait3A_243 = arith.constant 0 : i32
      %dma_wait3A_244 = tpu.memref_slice %arg10[%dma_wait3A_242, %dma_wait3A_243] : memref<4x128xi32, #tpu.memory_space<vmem>> -> memref<1x128xi32, #tpu.memory_space<vmem>>
      %dma_wait3A_245 = tpu.memref_squeeze %dma_wait3A_244 : memref<1x128xi32, #tpu.memory_space<vmem>> -> memref<128xi32, #tpu.memory_space<vmem>>
      %dma_wait3A_246 = arith.constant 0 : i32
      %dma_wait3A_247 = arith.constant 0 : i32
      %dma_wait3A_248 = tpu.memref_slice %arg20[%dma_wait3A_246, %dma_wait3A_247] : memref<10240x128xf32, #tpu.memory_space<vmem_shared>> -> memref<10240x128xf32, #tpu.memory_space<vmem_shared>>
      tpu.wait_indirect_dma semaphore(%arg15 : memref<!tpu.dma_semaphore, #tpu.memory_space<semaphore_mem>>) src(%arg11 : memref<128x128xf32, #tpu.memory_space<vmem>>) dst(%dma_wait3A_248 : memref<10240x128xf32, #tpu.memory_space<vmem_shared>>)
      %add3A_249 = arith.constant 2 : i32
      %add3A_250 = arith.addi %add3A_62, %add3A_249 : i32
      %lt3A = arith.constant 20 : i32
      %lt3A_251 = arith.cmpi slt, %add3A_250, %lt3A : i32
      %convert_element_type3A = arith.extui %lt3A_251 : i1 to i32
      %cond3A = arith.constant 0 : i32
      %cond3A_252 = arith.cmpi ne, %convert_element_type3A, %cond3A : i32
      scf.if %cond3A_252 {
        %add3A_323 = arith.constant 2 : i32
        %add3A_324 = arith.addi %add3A_62, %add3A_323 : i32
        %mul3A_325 = arith.constant 4 : i32
        %mul3A_326 = arith.muli %add3A_324, %mul3A_325 : i32
        %add3A_327 = arith.addi %mul3A_9, %mul3A_326 : i32
        %dma_start3A_328 = arith.constant 0 : i32
        %dma_start3A_329 = tpu.memref_slice %arg3[%add3A_327, %dma_start3A_328] : memref<2560x128xi32, #tpu.memory_space<hbm>> -> memref<4x128xi32, #tpu.memory_space<hbm>>
        %dma_start3A_330 = arith.constant 0 : i32
        %dma_start3A_331 = tpu.memref_slice %arg3[%add3A_327, %dma_start3A_330] : memref<2560x128xi32, #tpu.memory_space<hbm>> -> memref<4x128xi32, #tpu.memory_space<hbm>>
        tpu.enqueue_dma source(%dma_start3A_331 : memref<4x128xi32, #tpu.memory_space<hbm>>) target(%arg7 : memref<4x128xi32, #tpu.memory_space<vmem>>) target_semaphore(%arg17 : memref<!tpu.dma_semaphore, #tpu.memory_space<semaphore_mem>>)
        %mul3A_332 = arith.constant 4 : i32
        %mul3A_333 = arith.muli %add3A_324, %mul3A_332 : i32
        %add3A_334 = arith.addi %mul3A_11, %mul3A_333 : i32
        %dma_start3A_335 = arith.constant 0 : i32
        %dma_start3A_336 = tpu.memref_slice %arg4[%add3A_334, %dma_start3A_335] : memref<1280x128xi32, #tpu.memory_space<hbm>> -> memref<4x128xi32, #tpu.memory_space<hbm>>
        %dma_start3A_337 = arith.constant 0 : i32
        %dma_start3A_338 = tpu.memref_slice %arg4[%add3A_334, %dma_start3A_337] : memref<1280x128xi32, #tpu.memory_space<hbm>> -> memref<4x128xi32, #tpu.memory_space<hbm>>
        tpu.enqueue_dma source(%dma_start3A_338 : memref<4x128xi32, #tpu.memory_space<hbm>>) target(%arg8 : memref<4x128xi32, #tpu.memory_space<vmem>>) target_semaphore(%arg17 : memref<!tpu.dma_semaphore, #tpu.memory_space<semaphore_mem>>)
      } else {
      }
      %dma_start3A_253 = arith.constant 2 : i32
      %dma_start3A_254 = arith.constant 0 : i32
      %dma_start3A_255 = tpu.memref_slice %arg9[%dma_start3A_253, %dma_start3A_254] : memref<4x128xi32, #tpu.memory_space<vmem>> -> memref<1x128xi32, #tpu.memory_space<vmem>>
      %dma_start3A_256 = tpu.memref_squeeze %dma_start3A_255 : memref<1x128xi32, #tpu.memory_space<vmem>> -> memref<128xi32, #tpu.memory_space<vmem>>
      %dma_start3A_257 = arith.constant 0 : i32
      %dma_start3A_258 = arith.constant 0 : i32
      %dma_start3A_259 = tpu.memref_slice %arg2[%dma_start3A_257, %dma_start3A_258] : memref<20480x128xf32, #tpu.memory_space<hbm>> -> memref<20480x128xf32, #tpu.memory_space<hbm>>
      tpu.enqueue_indirect_dma source(%dma_start3A_259 : memref<20480x128xf32, #tpu.memory_space<hbm>>) target(%arg11 : memref<128x128xf32, #tpu.memory_space<vmem>>) offsets(%dma_start3A_256 : memref<128xi32, #tpu.memory_space<vmem>>) semaphore(%arg13 : memref<!tpu.dma_semaphore, #tpu.memory_space<semaphore_mem>>)
      %dma_wait3A_260 = arith.constant 2 : i32
      %dma_wait3A_261 = arith.constant 0 : i32
      %dma_wait3A_262 = tpu.memref_slice %arg9[%dma_wait3A_260, %dma_wait3A_261] : memref<4x128xi32, #tpu.memory_space<vmem>> -> memref<1x128xi32, #tpu.memory_space<vmem>>
      %dma_wait3A_263 = tpu.memref_squeeze %dma_wait3A_262 : memref<1x128xi32, #tpu.memory_space<vmem>> -> memref<128xi32, #tpu.memory_space<vmem>>
      %dma_wait3A_264 = arith.constant 0 : i32
      %dma_wait3A_265 = arith.constant 0 : i32
      %dma_wait3A_266 = tpu.memref_slice %arg2[%dma_wait3A_264, %dma_wait3A_265] : memref<20480x128xf32, #tpu.memory_space<hbm>> -> memref<20480x128xf32, #tpu.memory_space<hbm>>
      tpu.wait_indirect_dma semaphore(%arg13 : memref<!tpu.dma_semaphore, #tpu.memory_space<semaphore_mem>>) src(%dma_wait3A_266 : memref<20480x128xf32, #tpu.memory_space<hbm>>) dst(%arg11 : memref<128x128xf32, #tpu.memory_space<vmem>>)
      %dma_start3A_267 = arith.constant 2 : i32
      %dma_start3A_268 = arith.constant 0 : i32
      %dma_start3A_269 = tpu.memref_slice %arg10[%dma_start3A_267, %dma_start3A_268] : memref<4x128xi32, #tpu.memory_space<vmem>> -> memref<1x128xi32, #tpu.memory_space<vmem>>
      %dma_start3A_270 = tpu.memref_squeeze %dma_start3A_269 : memref<1x128xi32, #tpu.memory_space<vmem>> -> memref<128xi32, #tpu.memory_space<vmem>>
      %dma_start3A_271 = arith.constant 0 : i32
      %dma_start3A_272 = arith.constant 0 : i32
      %dma_start3A_273 = tpu.memref_slice %arg20[%dma_start3A_271, %dma_start3A_272] : memref<10240x128xf32, #tpu.memory_space<vmem_shared>> -> memref<10240x128xf32, #tpu.memory_space<vmem_shared>>
      tpu.enqueue_indirect_dma source(%arg11 : memref<128x128xf32, #tpu.memory_space<vmem>>) target(%dma_start3A_273 : memref<10240x128xf32, #tpu.memory_space<vmem_shared>>) offsets(%dma_start3A_270 : memref<128xi32, #tpu.memory_space<vmem>>) semaphore(%arg15 : memref<!tpu.dma_semaphore, #tpu.memory_space<semaphore_mem>>) {add = true}
      %dma_wait3A_274 = arith.constant 1 : i32
      %dma_wait3A_275 = arith.constant 0 : i32
      %dma_wait3A_276 = tpu.memref_slice %arg10[%dma_wait3A_274, %dma_wait3A_275] : memref<4x128xi32, #tpu.memory_space<vmem>> -> memref<1x128xi32, #tpu.memory_space<vmem>>
      %dma_wait3A_277 = tpu.memref_squeeze %dma_wait3A_276 : memref<1x128xi32, #tpu.memory_space<vmem>> -> memref<128xi32, #tpu.memory_space<vmem>>
      %dma_wait3A_278 = arith.constant 0 : i32
      %dma_wait3A_279 = arith.constant 0 : i32
      %dma_wait3A_280 = tpu.memref_slice %arg20[%dma_wait3A_278, %dma_wait3A_279] : memref<10240x128xf32, #tpu.memory_space<vmem_shared>> -> memref<10240x128xf32, #tpu.memory_space<vmem_shared>>
      tpu.wait_indirect_dma semaphore(%arg16 : memref<!tpu.dma_semaphore, #tpu.memory_space<semaphore_mem>>) src(%arg12 : memref<128x128xf32, #tpu.memory_space<vmem>>) dst(%dma_wait3A_280 : memref<10240x128xf32, #tpu.memory_space<vmem_shared>>)
      %dma_start3A_281 = arith.constant 3 : i32
      %dma_start3A_282 = arith.constant 0 : i32
      %dma_start3A_283 = tpu.memref_slice %arg9[%dma_start3A_281, %dma_start3A_282] : memref<4x128xi32, #tpu.memory_space<vmem>> -> memref<1x128xi32, #tpu.memory_space<vmem>>
      %dma_start3A_284 = tpu.memref_squeeze %dma_start3A_283 : memref<1x128xi32, #tpu.memory_space<vmem>> -> memref<128xi32, #tpu.memory_space<vmem>>
      %dma_start3A_285 = arith.constant 0 : i32
      %dma_start3A_286 = arith.constant 0 : i32
      %dma_start3A_287 = tpu.memref_slice %arg2[%dma_start3A_285, %dma_start3A_286] : memref<20480x128xf32, #tpu.memory_space<hbm>> -> memref<20480x128xf32, #tpu.memory_space<hbm>>
      tpu.enqueue_indirect_dma source(%dma_start3A_287 : memref<20480x128xf32, #tpu.memory_space<hbm>>) target(%arg12 : memref<128x128xf32, #tpu.memory_space<vmem>>) offsets(%dma_start3A_284 : memref<128xi32, #tpu.memory_space<vmem>>) semaphore(%arg14 : memref<!tpu.dma_semaphore, #tpu.memory_space<semaphore_mem>>)
      %dma_wait3A_288 = arith.constant 3 : i32
      %dma_wait3A_289 = arith.constant 0 : i32
      %dma_wait3A_290 = tpu.memref_slice %arg9[%dma_wait3A_288, %dma_wait3A_289] : memref<4x128xi32, #tpu.memory_space<vmem>> -> memref<1x128xi32, #tpu.memory_space<vmem>>
      %dma_wait3A_291 = tpu.memref_squeeze %dma_wait3A_290 : memref<1x128xi32, #tpu.memory_space<vmem>> -> memref<128xi32, #tpu.memory_space<vmem>>
      %dma_wait3A_292 = arith.constant 0 : i32
      %dma_wait3A_293 = arith.constant 0 : i32
      %dma_wait3A_294 = tpu.memref_slice %arg2[%dma_wait3A_292, %dma_wait3A_293] : memref<20480x128xf32, #tpu.memory_space<hbm>> -> memref<20480x128xf32, #tpu.memory_space<hbm>>
      tpu.wait_indirect_dma semaphore(%arg14 : memref<!tpu.dma_semaphore, #tpu.memory_space<semaphore_mem>>) src(%dma_wait3A_294 : memref<20480x128xf32, #tpu.memory_space<hbm>>) dst(%arg12 : memref<128x128xf32, #tpu.memory_space<vmem>>)
      %dma_start3A_295 = arith.constant 3 : i32
      %dma_start3A_296 = arith.constant 0 : i32
      %dma_start3A_297 = tpu.memref_slice %arg10[%dma_start3A_295, %dma_start3A_296] : memref<4x128xi32, #tpu.memory_space<vmem>> -> memref<1x128xi32, #tpu.memory_space<vmem>>
      %dma_start3A_298 = tpu.memref_squeeze %dma_start3A_297 : memref<1x128xi32, #tpu.memory_space<vmem>> -> memref<128xi32, #tpu.memory_space<vmem>>
      %dma_start3A_299 = arith.constant 0 : i32
      %dma_start3A_300 = arith.constant 0 : i32
      %dma_start3A_301 = tpu.memref_slice %arg20[%dma_start3A_299, %dma_start3A_300] : memref<10240x128xf32, #tpu.memory_space<vmem_shared>> -> memref<10240x128xf32, #tpu.memory_space<vmem_shared>>
      tpu.enqueue_indirect_dma source(%arg12 : memref<128x128xf32, #tpu.memory_space<vmem>>) target(%dma_start3A_301 : memref<10240x128xf32, #tpu.memory_space<vmem_shared>>) offsets(%dma_start3A_298 : memref<128xi32, #tpu.memory_space<vmem>>) semaphore(%arg16 : memref<!tpu.dma_semaphore, #tpu.memory_space<semaphore_mem>>) {add = true}
      %dma_wait3A_302 = arith.constant 2 : i32
      %dma_wait3A_303 = arith.constant 0 : i32
      %dma_wait3A_304 = tpu.memref_slice %arg10[%dma_wait3A_302, %dma_wait3A_303] : memref<4x128xi32, #tpu.memory_space<vmem>> -> memref<1x128xi32, #tpu.memory_space<vmem>>
      %dma_wait3A_305 = tpu.memref_squeeze %dma_wait3A_304 : memref<1x128xi32, #tpu.memory_space<vmem>> -> memref<128xi32, #tpu.memory_space<vmem>>
      %dma_wait3A_306 = arith.constant 0 : i32
      %dma_wait3A_307 = arith.constant 0 : i32
      %dma_wait3A_308 = tpu.memref_slice %arg20[%dma_wait3A_306, %dma_wait3A_307] : memref<10240x128xf32, #tpu.memory_space<vmem_shared>> -> memref<10240x128xf32, #tpu.memory_space<vmem_shared>>
      tpu.wait_indirect_dma semaphore(%arg15 : memref<!tpu.dma_semaphore, #tpu.memory_space<semaphore_mem>>) src(%arg11 : memref<128x128xf32, #tpu.memory_space<vmem>>) dst(%dma_wait3A_308 : memref<10240x128xf32, #tpu.memory_space<vmem_shared>>)
      %add3A_309 = arith.constant 2 : i32
      %add3A_310 = arith.addi %add3A_62, %add3A_309 : i32
      %lt3A_311 = arith.constant 20 : i32
      %lt3A_312 = arith.cmpi slt, %add3A_310, %lt3A_311 : i32
      %convert_element_type3A_313 = arith.extui %lt3A_312 : i1 to i32
      %cond3A_314 = arith.constant 0 : i32
      %cond3A_315 = arith.cmpi ne, %convert_element_type3A_313, %cond3A_314 : i32
      scf.if %cond3A_315 {
        %add3A_323 = arith.constant 2 : i32
        %add3A_324 = arith.addi %add3A_62, %add3A_323 : i32
        %mul3A_325 = arith.constant 4 : i32
        %mul3A_326 = arith.muli %add3A_324, %mul3A_325 : i32
        %add3A_327 = arith.addi %mul3A_9, %mul3A_326 : i32
        %dma_wait3A_328 = arith.constant 0 : i32
        %dma_wait3A_329 = tpu.memref_slice %arg3[%add3A_327, %dma_wait3A_328] : memref<2560x128xi32, #tpu.memory_space<hbm>> -> memref<4x128xi32, #tpu.memory_space<hbm>>
        %dma_wait3A_330 = arith.constant 0 : i32
        %dma_wait3A_331 = tpu.memref_slice %arg3[%add3A_327, %dma_wait3A_330] : memref<2560x128xi32, #tpu.memory_space<hbm>> -> memref<4x128xi32, #tpu.memory_space<hbm>>
        tpu.wait_dma2 semaphore(%arg17 : memref<!tpu.dma_semaphore, #tpu.memory_space<semaphore_mem>>) src(%dma_wait3A_331 : memref<4x128xi32, #tpu.memory_space<hbm>>) dst(%arg7 : memref<4x128xi32, #tpu.memory_space<vmem>>)
        %mul3A_332 = arith.constant 4 : i32
        %mul3A_333 = arith.muli %add3A_324, %mul3A_332 : i32
        %add3A_334 = arith.addi %mul3A_11, %mul3A_333 : i32
        %dma_wait3A_335 = arith.constant 0 : i32
        %dma_wait3A_336 = tpu.memref_slice %arg4[%add3A_334, %dma_wait3A_335] : memref<1280x128xi32, #tpu.memory_space<hbm>> -> memref<4x128xi32, #tpu.memory_space<hbm>>
        %dma_wait3A_337 = arith.constant 0 : i32
        %dma_wait3A_338 = tpu.memref_slice %arg4[%add3A_334, %dma_wait3A_337] : memref<1280x128xi32, #tpu.memory_space<hbm>> -> memref<4x128xi32, #tpu.memory_space<hbm>>
        tpu.wait_dma2 semaphore(%arg17 : memref<!tpu.dma_semaphore, #tpu.memory_space<semaphore_mem>>) src(%dma_wait3A_338 : memref<4x128xi32, #tpu.memory_space<hbm>>) dst(%arg8 : memref<4x128xi32, #tpu.memory_space<vmem>>)
        %dma_start3A_339 = arith.constant 0 : i32
        %dma_start3A_340 = arith.constant 0 : i32
        %dma_start3A_341 = tpu.memref_slice %arg7[%dma_start3A_339, %dma_start3A_340] : memref<4x128xi32, #tpu.memory_space<vmem>> -> memref<1x128xi32, #tpu.memory_space<vmem>>
        %dma_start3A_342 = tpu.memref_squeeze %dma_start3A_341 : memref<1x128xi32, #tpu.memory_space<vmem>> -> memref<128xi32, #tpu.memory_space<vmem>>
        %dma_start3A_343 = arith.constant 0 : i32
        %dma_start3A_344 = arith.constant 0 : i32
        %dma_start3A_345 = tpu.memref_slice %arg2[%dma_start3A_343, %dma_start3A_344] : memref<20480x128xf32, #tpu.memory_space<hbm>> -> memref<20480x128xf32, #tpu.memory_space<hbm>>
        tpu.enqueue_indirect_dma source(%dma_start3A_345 : memref<20480x128xf32, #tpu.memory_space<hbm>>) target(%arg11 : memref<128x128xf32, #tpu.memory_space<vmem>>) offsets(%dma_start3A_342 : memref<128xi32, #tpu.memory_space<vmem>>) semaphore(%arg13 : memref<!tpu.dma_semaphore, #tpu.memory_space<semaphore_mem>>)
      } else {
      }
      %dma_wait3A_316 = arith.constant 3 : i32
      %dma_wait3A_317 = arith.constant 0 : i32
      %dma_wait3A_318 = tpu.memref_slice %arg10[%dma_wait3A_316, %dma_wait3A_317] : memref<4x128xi32, #tpu.memory_space<vmem>> -> memref<1x128xi32, #tpu.memory_space<vmem>>
      %dma_wait3A_319 = tpu.memref_squeeze %dma_wait3A_318 : memref<1x128xi32, #tpu.memory_space<vmem>> -> memref<128xi32, #tpu.memory_space<vmem>>
      %dma_wait3A_320 = arith.constant 0 : i32
      %dma_wait3A_321 = arith.constant 0 : i32
      %dma_wait3A_322 = tpu.memref_slice %arg20[%dma_wait3A_320, %dma_wait3A_321] : memref<10240x128xf32, #tpu.memory_space<vmem_shared>> -> memref<10240x128xf32, #tpu.memory_space<vmem_shared>>
      tpu.wait_indirect_dma semaphore(%arg16 : memref<!tpu.dma_semaphore, #tpu.memory_space<semaphore_mem>>) src(%arg12 : memref<128x128xf32, #tpu.memory_space<vmem>>) dst(%dma_wait3A_322 : memref<10240x128xf32, #tpu.memory_space<vmem_shared>>)
    }
    %scan3A_49 = arith.constant 10 : i32
    %barrier3A_50 = arith.constant 0 : index
    tpu.barrier barrier_id(%barrier3A_50)
    %mul3A_51 = arith.constant 640 : i32
    %mul3A_52 = arith.muli %arg1, %mul3A_51 : i32
    %mul3A_53 = arith.constant 10240 : i32
    %mul3A_54 = arith.muli %arg0, %mul3A_53 : i32
    %mul3A_55 = arith.constant 640 : i32
    %mul3A_56 = arith.muli %arg1, %mul3A_55 : i32
    %add3A_57 = arith.addi %mul3A_54, %mul3A_56 : i32
    "tpu.region"() ({
      %run_scoped3A = tpu.sem_alloc : memref<!tpu.dma_semaphore, #tpu.memory_space<semaphore_mem>>
      %dma_start3A_58 = arith.constant 0 : i32
      %dma_start3A_59 = tpu.memref_slice %arg6[%add3A_57, %dma_start3A_58] : memref<20480x128xf32, #tpu.memory_space<hbm>> -> memref<640x128xf32, #tpu.memory_space<hbm>>
      %dma_start3A_60 = arith.constant 0 : i32
      %dma_start3A_61 = tpu.memref_slice %arg20[%mul3A_52, %dma_start3A_60] : memref<10240x128xf32, #tpu.memory_space<vmem_shared>> -> memref<640x128xf32, #tpu.memory_space<vmem_shared>>
      tpu.enqueue_dma source(%dma_start3A_61 : memref<640x128xf32, #tpu.memory_space<vmem_shared>>) target(%dma_start3A_59 : memref<640x128xf32, #tpu.memory_space<hbm>>) target_semaphore(%run_scoped3A : memref<!tpu.dma_semaphore, #tpu.memory_space<semaphore_mem>>)
      %dma_wait3A_62 = arith.constant 0 : i32
      %dma_wait3A_63 = tpu.memref_slice %arg6[%add3A_57, %dma_wait3A_62] : memref<20480x128xf32, #tpu.memory_space<hbm>> -> memref<640x128xf32, #tpu.memory_space<hbm>>
      %dma_wait3A_64 = arith.constant 0 : i32
      %dma_wait3A_65 = tpu.memref_slice %arg20[%mul3A_52, %dma_wait3A_64] : memref<10240x128xf32, #tpu.memory_space<vmem_shared>> -> memref<640x128xf32, #tpu.memory_space<vmem_shared>>
      tpu.wait_dma2 semaphore(%run_scoped3A : memref<!tpu.dma_semaphore, #tpu.memory_space<semaphore_mem>>) src(%dma_wait3A_65 : memref<640x128xf32, #tpu.memory_space<vmem_shared>>) dst(%dma_wait3A_63 : memref<640x128xf32, #tpu.memory_space<hbm>>)
      tpu.yield
    }) : () -> ()
    return
  }
}

module attributes {stable_mosaic.version = 14 : i64} {
  func.func @body(%arg0: i32, %arg1: memref<2x1024x128xf32, #tpu.memory_space<vmem>>, %arg2: memref<2x1024x128xf32, #tpu.memory_space<vmem>>, %arg3: memref<2x1024x1xf32, #tpu.memory_space<vmem>>, %arg4: memref<256x256xf32, #tpu.memory_space<vmem>>, %arg5: memref<256x256xf32, #tpu.memory_space<vmem>>, %arg6: memref<1x256xf32, #tpu.memory_space<vmem>>, %arg7: memref<1x256xf32, #tpu.memory_space<vmem>>, %arg8: memref<1x256xf32, #tpu.memory_space<vmem>>, %arg9: memref<2x1024x128xf32, #tpu.memory_space<vmem>>) attributes {dimension_semantics = [#tpu.dimension_semantics<arbitrary>], iteration_bounds = array<i64: 10>, scalar_prefetch = 0 : i64, scratch_operands = 0 : i64, tpu.core_type = #tpu.core_type<tc>, window_params = [{transform_indices = @transform_0, window_bounds = array<i64: 2, 1024, 128>}, {transform_indices = @transform_1, window_bounds = array<i64: 2, 1024, 128>}, {transform_indices = @transform_2, window_bounds = array<i64: 2, 1024, 1>}, {pipeline_mode = #tpu.pipeline_mode<synchronous>, transform_indices = @transform_3, window_bounds = array<i64: 256, 256>}, {pipeline_mode = #tpu.pipeline_mode<synchronous>, transform_indices = @transform_4, window_bounds = array<i64: 256, 256>}, {pipeline_mode = #tpu.pipeline_mode<synchronous>, transform_indices = @transform_5, window_bounds = array<i64: 1, 256>}, {pipeline_mode = #tpu.pipeline_mode<synchronous>, transform_indices = @transform_6, window_bounds = array<i64: 1, 256>}, {pipeline_mode = #tpu.pipeline_mode<synchronous>, transform_indices = @transform_7, window_bounds = array<i64: 1, 256>}, {transform_indices = @transform_8, window_bounds = array<i64: 2, 1024, 128>}]} {
    %get3A = arith.constant 0 : index
    %get3A_0 = arith.constant 0 : index
    %get3A_1 = arith.constant 0 : index
    %get3A_2 = vector.load %arg1[%get3A, %get3A_0, %get3A_1] : memref<2x1024x128xf32, #tpu.memory_space<vmem>>, vector<1x1024x128xf32>
    %get3A_3 = vector.shape_cast %get3A_2 : vector<1x1024x128xf32> to vector<1024x128xf32>
    %get3A_4 = arith.constant 1 : index
    %get3A_5 = arith.constant 0 : index
    %get3A_6 = arith.constant 0 : index
    %get3A_7 = vector.load %arg1[%get3A_4, %get3A_5, %get3A_6] : memref<2x1024x128xf32, #tpu.memory_space<vmem>>, vector<1x1024x128xf32>
    %get3A_8 = vector.shape_cast %get3A_7 : vector<1x1024x128xf32> to vector<1024x128xf32>
    %concatenate3A = tpu.concatenate %get3A_3, %get3A_8 in 1 : vector<1024x128xf32>, vector<1024x128xf32> -> vector<1024x256xf32>
    %get3A_9 = arith.constant 0 : index
    %get3A_10 = arith.constant 0 : index
    %get3A_11 = arith.constant 0 : index
    %get3A_12 = vector.load %arg2[%get3A_9, %get3A_10, %get3A_11] : memref<2x1024x128xf32, #tpu.memory_space<vmem>>, vector<1x1024x128xf32>
    %get3A_13 = vector.shape_cast %get3A_12 : vector<1x1024x128xf32> to vector<1024x128xf32>
    %get3A_14 = arith.constant 1 : index
    %get3A_15 = arith.constant 0 : index
    %get3A_16 = arith.constant 0 : index
    %get3A_17 = vector.load %arg2[%get3A_14, %get3A_15, %get3A_16] : memref<2x1024x128xf32, #tpu.memory_space<vmem>>, vector<1x1024x128xf32>
    %get3A_18 = vector.shape_cast %get3A_17 : vector<1x1024x128xf32> to vector<1024x128xf32>
    %concatenate3A_19 = tpu.concatenate %get3A_13, %get3A_18 in 1 : vector<1024x128xf32>, vector<1024x128xf32> -> vector<1024x256xf32>
    %get3A_20 = arith.constant 0 : index
    %get3A_21 = arith.constant 0 : index
    %get3A_22 = arith.constant 0 : index
    %get3A_23 = vector.load %arg3[%get3A_20, %get3A_21, %get3A_22] : memref<2x1024x1xf32, #tpu.memory_space<vmem>>, vector<1x1024x1xf32>
    %get3A_24 = vector.shape_cast %get3A_23 : vector<1x1024x1xf32> to vector<1024x1xf32>
    %get3A_25 = arith.constant 1 : index
    %get3A_26 = arith.constant 0 : index
    %get3A_27 = arith.constant 0 : index
    %get3A_28 = vector.load %arg3[%get3A_25, %get3A_26, %get3A_27] : memref<2x1024x1xf32, #tpu.memory_space<vmem>>, vector<1x1024x1xf32>
    %get3A_29 = vector.shape_cast %get3A_28 : vector<1x1024x1xf32> to vector<1024x1xf32>
    %add3A = arith.addf %get3A_24, %get3A_29 : vector<1024x1xf32>
    %max3A = arith.constant 1.000000e+00 : f32
    %max3A_30 = vector.broadcast %max3A : f32 to vector<1024x1xf32>
    %max3A_31 = arith.maximumf %add3A, %max3A_30 : vector<1024x1xf32>
    %div3A = arith.constant 1.000000e+00 : f32
    %div3A_32 = vector.broadcast %div3A : f32 to vector<1024x1xf32>
    %div3A_33 = arith.divf %div3A_32, %max3A_31 : vector<1024x1xf32>
    %mul3A = vector.broadcast %div3A_33 : vector<1024x1xf32> to vector<1024x256xf32>
    %mul3A_34 = arith.mulf %concatenate3A, %mul3A : vector<1024x256xf32>
    %get3A_35 = arith.constant 0 : index
    %get3A_36 = arith.constant 0 : index
    %get3A_37 = vector.load %arg4[%get3A_35, %get3A_36] : memref<256x256xf32, #tpu.memory_space<vmem>>, vector<256x256xf32>
    %dot_general3A = arith.constant dense<0.000000e+00> : vector<1024x256xf32>
    %dot_general3A_38 = tpu.matmul %mul3A_34, %get3A_37, %dot_general3A {dimension_numbers = #tpu.dot_dimension_numbers<[1], [0], [0], [1], [0, 0, 1, 1], [], []>, precision = #tpu.contract_precision<fp32>, transpose_lhs_hint = false} : vector<1024x256xf32>, vector<256x256xf32>, vector<1024x256xf32> -> vector<1024x256xf32>
    %get3A_39 = arith.constant 0 : index
    %get3A_40 = arith.constant 0 : index
    %get3A_41 = vector.load %arg5[%get3A_39, %get3A_40] : memref<256x256xf32, #tpu.memory_space<vmem>>, vector<256x256xf32>
    %dot_general3A_42 = arith.constant dense<0.000000e+00> : vector<1024x256xf32>
    %dot_general3A_43 = tpu.matmul %concatenate3A_19, %get3A_41, %dot_general3A_42 {dimension_numbers = #tpu.dot_dimension_numbers<[1], [0], [0], [1], [0, 0, 1, 1], [], []>, precision = #tpu.contract_precision<fp32>, transpose_lhs_hint = false} : vector<1024x256xf32>, vector<256x256xf32>, vector<1024x256xf32> -> vector<1024x256xf32>
    %add3A_44 = arith.addf %dot_general3A_38, %dot_general3A_43 : vector<1024x256xf32>
    %get3A_45 = arith.constant 0 : index
    %get3A_46 = arith.constant 0 : index
    %get3A_47 = vector.load %arg6[%get3A_45, %get3A_46] : memref<1x256xf32, #tpu.memory_space<vmem>>, vector<1x256xf32>
    %add3A_48 = vector.broadcast %get3A_47 : vector<1x256xf32> to vector<1024x256xf32>
    %add3A_49 = arith.addf %add3A_44, %add3A_48 : vector<1024x256xf32>
    %reduce_sum3A = arith.constant dense<0.000000e+00> : vector<1024xf32>
    %reduce_sum3A_50 = vector.multi_reduction <add>, %add3A_49, %reduce_sum3A [1] : vector<1024x256xf32> to vector<1024xf32>
    %broadcast_in_dim3A = vector.shape_cast %reduce_sum3A_50 : vector<1024xf32> to vector<1024x1xf32>
    %div3A_51 = arith.constant 2.560000e+02 : f32
    %div3A_52 = vector.broadcast %div3A_51 : f32 to vector<1024x1xf32>
    %div3A_53 = arith.divf %broadcast_in_dim3A, %div3A_52 : vector<1024x1xf32>
    %sub3A = vector.broadcast %div3A_53 : vector<1024x1xf32> to vector<1024x256xf32>
    %sub3A_54 = arith.subf %add3A_49, %sub3A : vector<1024x256xf32>
    %mul3A_55 = arith.mulf %sub3A_54, %sub3A_54 : vector<1024x256xf32>
    %reduce_sum3A_56 = arith.constant dense<0.000000e+00> : vector<1024xf32>
    %reduce_sum3A_57 = vector.multi_reduction <add>, %mul3A_55, %reduce_sum3A_56 [1] : vector<1024x256xf32> to vector<1024xf32>
    %broadcast_in_dim3A_58 = vector.shape_cast %reduce_sum3A_57 : vector<1024xf32> to vector<1024x1xf32>
    %div3A_59 = arith.constant 2.560000e+02 : f32
    %div3A_60 = vector.broadcast %div3A_59 : f32 to vector<1024x1xf32>
    %div3A_61 = arith.divf %broadcast_in_dim3A_58, %div3A_60 : vector<1024x1xf32>
    %add3A_62 = arith.constant 9.99999974E-6 : f32
    %add3A_63 = vector.broadcast %add3A_62 : f32 to vector<1024x1xf32>
    %add3A_64 = arith.addf %div3A_61, %add3A_63 : vector<1024x1xf32>
    %sqrt3A = math.sqrt %add3A_64 : vector<1024x1xf32>
    %div3A_65 = vector.broadcast %sqrt3A : vector<1024x1xf32> to vector<1024x256xf32>
    %div3A_66 = arith.divf %sub3A_54, %div3A_65 : vector<1024x256xf32>
    %get3A_67 = arith.constant 0 : index
    %get3A_68 = arith.constant 0 : index
    %get3A_69 = vector.load %arg7[%get3A_67, %get3A_68] : memref<1x256xf32, #tpu.memory_space<vmem>>, vector<1x256xf32>
    %mul3A_70 = vector.broadcast %get3A_69 : vector<1x256xf32> to vector<1024x256xf32>
    %mul3A_71 = arith.mulf %div3A_66, %mul3A_70 : vector<1024x256xf32>
    %get3A_72 = arith.constant 0 : index
    %get3A_73 = arith.constant 0 : index
    %get3A_74 = vector.load %arg8[%get3A_72, %get3A_73] : memref<1x256xf32, #tpu.memory_space<vmem>>, vector<1x256xf32>
    %add3A_75 = vector.broadcast %get3A_74 : vector<1x256xf32> to vector<1024x256xf32>
    %add3A_76 = arith.addf %mul3A_71, %add3A_75 : vector<1024x256xf32>
    %max3A_77 = arith.constant 0.000000e+00 : f32
    %max3A_78 = vector.broadcast %max3A_77 : f32 to vector<1024x256xf32>
    %max3A_79 = arith.maximumf %add3A_76, %max3A_78 : vector<1024x256xf32>
    %slice3A = vector.extract_strided_slice %max3A_79 {offsets = [0, 0], sizes = [1024, 128], strides = [1, 1]} : vector<1024x256xf32> to vector<1024x128xf32>
    %swap3A = arith.constant 0 : index
    %swap3A_80 = arith.constant 0 : index
    %swap3A_81 = arith.constant 0 : index
    %swap3A_82 = vector.load %arg9[%swap3A, %swap3A_80, %swap3A_81] : memref<2x1024x128xf32, #tpu.memory_space<vmem>>, vector<1x1024x128xf32>
    %swap3A_83 = vector.shape_cast %swap3A_82 : vector<1x1024x128xf32> to vector<1024x128xf32>
    %swap3A_84 = vector.shape_cast %slice3A : vector<1024x128xf32> to vector<1x1024x128xf32>
    tpu.vector_store %arg9[%swap3A, %swap3A_80, %swap3A_81], %swap3A_84 {strides = array<i32>} : memref<2x1024x128xf32, #tpu.memory_space<vmem>>, vector<1x1024x128xf32>,
    %slice3A_85 = vector.extract_strided_slice %max3A_79 {offsets = [0, 128], sizes = [1024, 128], strides = [1, 1]} : vector<1024x256xf32> to vector<1024x128xf32>
    %swap3A_86 = arith.constant 1 : index
    %swap3A_87 = arith.constant 0 : index
    %swap3A_88 = arith.constant 0 : index
    %swap3A_89 = vector.load %arg9[%swap3A_86, %swap3A_87, %swap3A_88] : memref<2x1024x128xf32, #tpu.memory_space<vmem>>, vector<1x1024x128xf32>
    %swap3A_90 = vector.shape_cast %swap3A_89 : vector<1x1024x128xf32> to vector<1024x128xf32>
    %swap3A_91 = vector.shape_cast %slice3A_85 : vector<1024x128xf32> to vector<1x1024x128xf32>
    tpu.vector_store %arg9[%swap3A_86, %swap3A_87, %swap3A_88], %swap3A_91 {strides = array<i32>} : memref<2x1024x128xf32, #tpu.memory_space<vmem>>, vector<1x1024x128xf32>,
    return
  }
  func.func @transform_0(%arg0: i32) -> (i32, i32, i32) {
    %c0_i32 = arith.constant 0 : i32
    %c0_i32_0 = arith.constant 0 : i32
    %c0_i32_1 = arith.constant 0 : i32
    return %c0_i32, %arg0, %c0_i32_0 : i32, i32, i32
  }
  func.func @transform_1(%arg0: i32) -> (i32, i32, i32) {
    %c0_i32 = arith.constant 0 : i32
    %c0_i32_0 = arith.constant 0 : i32
    %c0_i32_1 = arith.constant 0 : i32
    return %c0_i32, %arg0, %c0_i32_0 : i32, i32, i32
  }
  func.func @transform_2(%arg0: i32) -> (i32, i32, i32) {
    %c0_i32 = arith.constant 0 : i32
    %c0_i32_0 = arith.constant 0 : i32
    %c0_i32_1 = arith.constant 0 : i32
    return %c0_i32, %arg0, %c0_i32_0 : i32, i32, i32
  }
  func.func @transform_3(%arg0: i32) -> (i32, i32) {
    %c0_i32 = arith.constant 0 : i32
    %c0_i32_0 = arith.constant 0 : i32
    %c0_i32_1 = arith.constant 0 : i32
    return %c0_i32, %c0_i32_0 : i32, i32
  }
  func.func @transform_4(%arg0: i32) -> (i32, i32) {
    %c0_i32 = arith.constant 0 : i32
    %c0_i32_0 = arith.constant 0 : i32
    %c0_i32_1 = arith.constant 0 : i32
    return %c0_i32, %c0_i32_0 : i32, i32
  }
  func.func @transform_5(%arg0: i32) -> (i32, i32) {
    %c0_i32 = arith.constant 0 : i32
    %c0_i32_0 = arith.constant 0 : i32
    %c0_i32_1 = arith.constant 0 : i32
    return %c0_i32, %c0_i32_0 : i32, i32
  }
  func.func @transform_6(%arg0: i32) -> (i32, i32) {
    %c0_i32 = arith.constant 0 : i32
    %c0_i32_0 = arith.constant 0 : i32
    %c0_i32_1 = arith.constant 0 : i32
    return %c0_i32, %c0_i32_0 : i32, i32
  }
  func.func @transform_7(%arg0: i32) -> (i32, i32) {
    %c0_i32 = arith.constant 0 : i32
    %c0_i32_0 = arith.constant 0 : i32
    %c0_i32_1 = arith.constant 0 : i32
    return %c0_i32, %c0_i32_0 : i32, i32
  }
  func.func @transform_8(%arg0: i32) -> (i32, i32, i32) {
    %c0_i32 = arith.constant 0 : i32
    %c0_i32_0 = arith.constant 0 : i32
    %c0_i32_1 = arith.constant 0 : i32
    return %c0_i32, %arg0, %c0_i32_0 : i32, i32, i32
  }
}

module attributes {stable_mosaic.version = 14 : i64} {
  func.func @body(%arg0: i32, %arg1: memref<2x1024x128xf32, #tpu.memory_space<vmem>>, %arg2: memref<2x1024x128xf32, #tpu.memory_space<vmem>>, %arg3: memref<2x1024x1xf32, #tpu.memory_space<vmem>>, %arg4: memref<256x256xf32, #tpu.memory_space<vmem>>, %arg5: memref<256x256xf32, #tpu.memory_space<vmem>>, %arg6: memref<1x256xf32, #tpu.memory_space<vmem>>, %arg7: memref<1x256xf32, #tpu.memory_space<vmem>>, %arg8: memref<1x256xf32, #tpu.memory_space<vmem>>, %arg9: memref<1024x1xi32, #tpu.memory_space<vmem>>, %arg10: memref<64x16xf32, #tpu.memory_space<vmem>>, %arg11: memref<528x256xf32, #tpu.memory_space<vmem>>, %arg12: memref<1x256xf32, #tpu.memory_space<vmem>>, %arg13: memref<256x10xf32, #tpu.memory_space<vmem>>, %arg14: memref<1x10xf32, #tpu.memory_space<vmem>>, %arg15: memref<64x10xf32, #tpu.memory_space<vmem>>, %arg16: memref<64x256xf32, #tpu.memory_space<vmem>>, %arg17: memref<64x256xf32, #tpu.memory_space<vmem>>, %arg18: memref<64x256xf32, #tpu.memory_space<vmem>>) attributes {dimension_semantics = [#tpu.dimension_semantics<arbitrary>], iteration_bounds = array<i64: 10>, scalar_prefetch = 0 : i64, scratch_operands = 3 : i64, tpu.core_type = #tpu.core_type<tc>, window_params = [{transform_indices = @transform_0, window_bounds = array<i64: 2, 1024, 128>}, {transform_indices = @transform_1, window_bounds = array<i64: 2, 1024, 128>}, {transform_indices = @transform_2, window_bounds = array<i64: 2, 1024, 1>}, {pipeline_mode = #tpu.pipeline_mode<synchronous>, transform_indices = @transform_3, window_bounds = array<i64: 256, 256>}, {pipeline_mode = #tpu.pipeline_mode<synchronous>, transform_indices = @transform_4, window_bounds = array<i64: 256, 256>}, {pipeline_mode = #tpu.pipeline_mode<synchronous>, transform_indices = @transform_5, window_bounds = array<i64: 1, 256>}, {pipeline_mode = #tpu.pipeline_mode<synchronous>, transform_indices = @transform_6, window_bounds = array<i64: 1, 256>}, {pipeline_mode = #tpu.pipeline_mode<synchronous>, transform_indices = @transform_7, window_bounds = array<i64: 1, 256>}, {transform_indices = @transform_8, window_bounds = array<i64: 1024, 1>}, {pipeline_mode = #tpu.pipeline_mode<synchronous>, transform_indices = @transform_9, window_bounds = array<i64: 64, 16>}, {pipeline_mode = #tpu.pipeline_mode<synchronous>, transform_indices = @transform_10, window_bounds = array<i64: 528, 256>}, {pipeline_mode = #tpu.pipeline_mode<synchronous>, transform_indices = @transform_11, window_bounds = array<i64: 1, 256>}, {pipeline_mode = #tpu.pipeline_mode<synchronous>, transform_indices = @transform_12, window_bounds = array<i64: 256, 10>}, {pipeline_mode = #tpu.pipeline_mode<synchronous>, transform_indices = @transform_13, window_bounds = array<i64: 1, 10>}, {pipeline_mode = #tpu.pipeline_mode<synchronous>, transform_indices = @transform_14, window_bounds = array<i64: 64, 10>}]} {
    %eq3A = arith.constant 0 : i32
    %eq3A_0 = arith.cmpi eq, %arg0, %eq3A : i32
    %convert_element_type3A = arith.extui %eq3A_0 : i1 to i32
    %cond3A = arith.constant 0 : i32
    %cond3A_1 = arith.cmpi ne, %convert_element_type3A, %cond3A : i32
    scf.if %cond3A_1 {
      %broadcast_in_dim3A_108 = arith.constant 0.000000e+00 : f32
      %broadcast_in_dim3A_109 = vector.broadcast %broadcast_in_dim3A_108 : f32 to vector<64x256xf32>
      %swap3A = arith.constant 0 : index
      %swap3A_110 = arith.constant 0 : index
      %swap3A_111 = vector.load %arg16[%swap3A, %swap3A_110] : memref<64x256xf32, #tpu.memory_space<vmem>>, vector<64x256xf32>
      tpu.vector_store %arg16[%swap3A, %swap3A_110], %broadcast_in_dim3A_109 {strides = array<i32>} : memref<64x256xf32, #tpu.memory_space<vmem>>, vector<64x256xf32>,
      %broadcast_in_dim3A_112 = arith.constant -3.400000e+38 : f32
      %broadcast_in_dim3A_113 = vector.broadcast %broadcast_in_dim3A_112 : f32 to vector<64x256xf32>
      %swap3A_114 = arith.constant 0 : index
      %swap3A_115 = arith.constant 0 : index
      %swap3A_116 = vector.load %arg17[%swap3A_114, %swap3A_115] : memref<64x256xf32, #tpu.memory_space<vmem>>, vector<64x256xf32>
      tpu.vector_store %arg17[%swap3A_114, %swap3A_115], %broadcast_in_dim3A_113 {strides = array<i32>} : memref<64x256xf32, #tpu.memory_space<vmem>>, vector<64x256xf32>,
      %broadcast_in_dim3A_117 = arith.constant 0.000000e+00 : f32
      %broadcast_in_dim3A_118 = vector.broadcast %broadcast_in_dim3A_117 : f32 to vector<64x256xf32>
      %swap3A_119 = arith.constant 0 : index
      %swap3A_120 = arith.constant 0 : index
      %swap3A_121 = vector.load %arg18[%swap3A_119, %swap3A_120] : memref<64x256xf32, #tpu.memory_space<vmem>>, vector<64x256xf32>
      tpu.vector_store %arg18[%swap3A_119, %swap3A_120], %broadcast_in_dim3A_118 {strides = array<i32>} : memref<64x256xf32, #tpu.memory_space<vmem>>, vector<64x256xf32>,
    } else {
    }
    %get3A = arith.constant 0 : index
    %get3A_2 = arith.constant 0 : index
    %get3A_3 = arith.constant 0 : index
    %get3A_4 = vector.load %arg1[%get3A, %get3A_2, %get3A_3] : memref<2x1024x128xf32, #tpu.memory_space<vmem>>, vector<1x1024x128xf32>
    %get3A_5 = vector.shape_cast %get3A_4 : vector<1x1024x128xf32> to vector<1024x128xf32>
    %get3A_6 = arith.constant 1 : index
    %get3A_7 = arith.constant 0 : index
    %get3A_8 = arith.constant 0 : index
    %get3A_9 = vector.load %arg1[%get3A_6, %get3A_7, %get3A_8] : memref<2x1024x128xf32, #tpu.memory_space<vmem>>, vector<1x1024x128xf32>
    %get3A_10 = vector.shape_cast %get3A_9 : vector<1x1024x128xf32> to vector<1024x128xf32>
    %concatenate3A = tpu.concatenate %get3A_5, %get3A_10 in 1 : vector<1024x128xf32>, vector<1024x128xf32> -> vector<1024x256xf32>
    %get3A_11 = arith.constant 0 : index
    %get3A_12 = arith.constant 0 : index
    %get3A_13 = arith.constant 0 : index
    %get3A_14 = vector.load %arg2[%get3A_11, %get3A_12, %get3A_13] : memref<2x1024x128xf32, #tpu.memory_space<vmem>>, vector<1x1024x128xf32>
    %get3A_15 = vector.shape_cast %get3A_14 : vector<1x1024x128xf32> to vector<1024x128xf32>
    %get3A_16 = arith.constant 1 : index
    %get3A_17 = arith.constant 0 : index
    %get3A_18 = arith.constant 0 : index
    %get3A_19 = vector.load %arg2[%get3A_16, %get3A_17, %get3A_18] : memref<2x1024x128xf32, #tpu.memory_space<vmem>>, vector<1x1024x128xf32>
    %get3A_20 = vector.shape_cast %get3A_19 : vector<1x1024x128xf32> to vector<1024x128xf32>
    %concatenate3A_21 = tpu.concatenate %get3A_15, %get3A_20 in 1 : vector<1024x128xf32>, vector<1024x128xf32> -> vector<1024x256xf32>
    %get3A_22 = arith.constant 0 : index
    %get3A_23 = arith.constant 0 : index
    %get3A_24 = arith.constant 0 : index
    %get3A_25 = vector.load %arg3[%get3A_22, %get3A_23, %get3A_24] : memref<2x1024x1xf32, #tpu.memory_space<vmem>>, vector<1x1024x1xf32>
    %get3A_26 = vector.shape_cast %get3A_25 : vector<1x1024x1xf32> to vector<1024x1xf32>
    %get3A_27 = arith.constant 1 : index
    %get3A_28 = arith.constant 0 : index
    %get3A_29 = arith.constant 0 : index
    %get3A_30 = vector.load %arg3[%get3A_27, %get3A_28, %get3A_29] : memref<2x1024x1xf32, #tpu.memory_space<vmem>>, vector<1x1024x1xf32>
    %get3A_31 = vector.shape_cast %get3A_30 : vector<1x1024x1xf32> to vector<1024x1xf32>
    %add3A = arith.addf %get3A_26, %get3A_31 : vector<1024x1xf32>
    %max3A = arith.constant 1.000000e+00 : f32
    %max3A_32 = vector.broadcast %max3A : f32 to vector<1024x1xf32>
    %max3A_33 = arith.maximumf %add3A, %max3A_32 : vector<1024x1xf32>
    %div3A = arith.constant 1.000000e+00 : f32
    %div3A_34 = vector.broadcast %div3A : f32 to vector<1024x1xf32>
    %div3A_35 = arith.divf %div3A_34, %max3A_33 : vector<1024x1xf32>
    %mul3A = vector.broadcast %div3A_35 : vector<1024x1xf32> to vector<1024x256xf32>
    %mul3A_36 = arith.mulf %concatenate3A, %mul3A : vector<1024x256xf32>
    %get3A_37 = arith.constant 0 : index
    %get3A_38 = arith.constant 0 : index
    %get3A_39 = vector.load %arg4[%get3A_37, %get3A_38] : memref<256x256xf32, #tpu.memory_space<vmem>>, vector<256x256xf32>
    %dot_general3A = arith.constant dense<0.000000e+00> : vector<1024x256xf32>
    %dot_general3A_40 = tpu.matmul %mul3A_36, %get3A_39, %dot_general3A {dimension_numbers = #tpu.dot_dimension_numbers<[1], [0], [0], [1], [0, 0, 1, 1], [], []>, precision = #tpu.contract_precision<fp32>, transpose_lhs_hint = false} : vector<1024x256xf32>, vector<256x256xf32>, vector<1024x256xf32> -> vector<1024x256xf32>
    %get3A_41 = arith.constant 0 : index
    %get3A_42 = arith.constant 0 : index
    %get3A_43 = vector.load %arg5[%get3A_41, %get3A_42] : memref<256x256xf32, #tpu.memory_space<vmem>>, vector<256x256xf32>
    %dot_general3A_44 = arith.constant dense<0.000000e+00> : vector<1024x256xf32>
    %dot_general3A_45 = tpu.matmul %concatenate3A_21, %get3A_43, %dot_general3A_44 {dimension_numbers = #tpu.dot_dimension_numbers<[1], [0], [0], [1], [0, 0, 1, 1], [], []>, precision = #tpu.contract_precision<fp32>, transpose_lhs_hint = false} : vector<1024x256xf32>, vector<256x256xf32>, vector<1024x256xf32> -> vector<1024x256xf32>
    %add3A_46 = arith.addf %dot_general3A_40, %dot_general3A_45 : vector<1024x256xf32>
    %get3A_47 = arith.constant 0 : index
    %get3A_48 = arith.constant 0 : index
    %get3A_49 = vector.load %arg6[%get3A_47, %get3A_48] : memref<1x256xf32, #tpu.memory_space<vmem>>, vector<1x256xf32>
    %add3A_50 = vector.broadcast %get3A_49 : vector<1x256xf32> to vector<1024x256xf32>
    %add3A_51 = arith.addf %add3A_46, %add3A_50 : vector<1024x256xf32>
    %reduce_sum3A = arith.constant dense<0.000000e+00> : vector<1024xf32>
    %reduce_sum3A_52 = vector.multi_reduction <add>, %add3A_51, %reduce_sum3A [1] : vector<1024x256xf32> to vector<1024xf32>
    %broadcast_in_dim3A = vector.shape_cast %reduce_sum3A_52 : vector<1024xf32> to vector<1024x1xf32>
    %div3A_53 = arith.constant 2.560000e+02 : f32
    %div3A_54 = vector.broadcast %div3A_53 : f32 to vector<1024x1xf32>
    %div3A_55 = arith.divf %broadcast_in_dim3A, %div3A_54 : vector<1024x1xf32>
    %sub3A = vector.broadcast %div3A_55 : vector<1024x1xf32> to vector<1024x256xf32>
    %sub3A_56 = arith.subf %add3A_51, %sub3A : vector<1024x256xf32>
    %mul3A_57 = arith.mulf %sub3A_56, %sub3A_56 : vector<1024x256xf32>
    %reduce_sum3A_58 = arith.constant dense<0.000000e+00> : vector<1024xf32>
    %reduce_sum3A_59 = vector.multi_reduction <add>, %mul3A_57, %reduce_sum3A_58 [1] : vector<1024x256xf32> to vector<1024xf32>
    %broadcast_in_dim3A_60 = vector.shape_cast %reduce_sum3A_59 : vector<1024xf32> to vector<1024x1xf32>
    %div3A_61 = arith.constant 2.560000e+02 : f32
    %div3A_62 = vector.broadcast %div3A_61 : f32 to vector<1024x1xf32>
    %div3A_63 = arith.divf %broadcast_in_dim3A_60, %div3A_62 : vector<1024x1xf32>
    %add3A_64 = arith.constant 9.99999974E-6 : f32
    %add3A_65 = vector.broadcast %add3A_64 : f32 to vector<1024x1xf32>
    %add3A_66 = arith.addf %div3A_63, %add3A_65 : vector<1024x1xf32>
    %sqrt3A = math.sqrt %add3A_66 : vector<1024x1xf32>
    %div3A_67 = vector.broadcast %sqrt3A : vector<1024x1xf32> to vector<1024x256xf32>
    %div3A_68 = arith.divf %sub3A_56, %div3A_67 : vector<1024x256xf32>
    %get3A_69 = arith.constant 0 : index
    %get3A_70 = arith.constant 0 : index
    %get3A_71 = vector.load %arg7[%get3A_69, %get3A_70] : memref<1x256xf32, #tpu.memory_space<vmem>>, vector<1x256xf32>
    %mul3A_72 = vector.broadcast %get3A_71 : vector<1x256xf32> to vector<1024x256xf32>
    %mul3A_73 = arith.mulf %div3A_68, %mul3A_72 : vector<1024x256xf32>
    %get3A_74 = arith.constant 0 : index
    %get3A_75 = arith.constant 0 : index
    %get3A_76 = vector.load %arg8[%get3A_74, %get3A_75] : memref<1x256xf32, #tpu.memory_space<vmem>>, vector<1x256xf32>
    %add3A_77 = vector.broadcast %get3A_76 : vector<1x256xf32> to vector<1024x256xf32>
    %add3A_78 = arith.addf %mul3A_73, %add3A_77 : vector<1024x256xf32>
    %max3A_79 = arith.constant 0.000000e+00 : f32
    %max3A_80 = vector.broadcast %max3A_79 : f32 to vector<1024x256xf32>
    %max3A_81 = arith.maximumf %add3A_78, %max3A_80 : vector<1024x256xf32>
    %get3A_82 = arith.constant 0 : index
    %get3A_83 = arith.constant 0 : index
    %get3A_84 = vector.load %arg9[%get3A_82, %get3A_83] : memref<1024x1xi32, #tpu.memory_space<vmem>>, vector<1024x1xi32>
    %reduce_min3A = vector.shape_cast %get3A_84 : vector<1024x1xi32> to vector<1x1024x1xi32>
    %reduce_min3A_85 = arith.constant dense<2147483647> : vector<1xi32>
    %reduce_min3A_86 = vector.multi_reduction <minsi>, %reduce_min3A, %reduce_min3A_85 [1, 2] : vector<1x1024x1xi32> to vector<1xi32>
    %reduce_min3A_87 = vector.shape_cast %reduce_min3A_86 : vector<1xi32> to vector<1x1x1xi32>
    %reduce_min3A_88 = vector.extract %reduce_min3A_87[0, 0, 0] : i32 from vector<1x1x1xi32>
    %reduce_max3A = vector.shape_cast %get3A_84 : vector<1024x1xi32> to vector<1x1024x1xi32>
    %reduce_max3A_89 = arith.constant dense<-2147483648> : vector<1xi32>
    %reduce_max3A_90 = vector.multi_reduction <maxsi>, %reduce_max3A, %reduce_max3A_89 [1, 2] : vector<1x1024x1xi32> to vector<1xi32>
    %reduce_max3A_91 = vector.shape_cast %reduce_max3A_90 : vector<1xi32> to vector<1x1x1xi32>
    %reduce_max3A_92 = vector.extract %reduce_max3A_91[0, 0, 0] : i32 from vector<1x1x1xi32>
    %add3A_93 = arith.constant 1 : i32
    %add3A_94 = arith.addi %reduce_max3A_92, %add3A_93 : i32
    %while3A = arith.constant 0 : i32
    %while3A_95 = arith.subi %add3A_94, %reduce_min3A_88 : i32
    %while3A_96 = arith.addi %reduce_min3A_88, %while3A_95 : i32
    %while3A_97 = arith.constant 1 : i32
    %while3A_98 = arith.divsi %while3A_95, %while3A_97 : i32
    %while3A_99 = arith.muli %while3A_98, %while3A_97 : i32
    %while3A_100 = arith.addi %reduce_min3A_88, %while3A_99 : i32
    %while3A_101 = arith.constant 1 : i32
    scf.for %while3A_108 = %reduce_min3A_88 to %while3A_100 step %while3A_101  : i32 {
      %eq3A_109 = vector.broadcast %while3A_108 : i32 to vector<1024x1xi32>
      %eq3A_110 = arith.cmpi eq, %get3A_84, %eq3A_109 : vector<1024x1xi32>
      %jit3A = arith.constant 0.000000e+00 : f32
      %broadcast_in_dim3A_111 = vector.shape_cast %eq3A_110 : vector<1024x1xi1> to vector<1024x1xi1>
      %broadcast_in_dim3A_112 = vector.broadcast %broadcast_in_dim3A_111 : vector<1024x1xi1> to vector<1024x256xi1>
      %broadcast_in_dim3A_113 = vector.broadcast %jit3A : f32 to vector<1024x256xf32>
      %select_n3A = arith.select %broadcast_in_dim3A_112, %max3A_81, %broadcast_in_dim3A_113 : vector<1024x256xi1>, vector<1024x256xf32>
      %reduce_sum3A_114 = arith.constant dense<0.000000e+00> : vector<256xf32>
      %reduce_sum3A_115 = vector.multi_reduction <add>, %select_n3A, %reduce_sum3A_114 [0] : vector<1024x256xf32> to vector<256xf32>
      %broadcast_in_dim3A_116 = vector.shape_cast %reduce_sum3A_115 : vector<256xf32> to vector<1x256xf32>
      %jit3A_117 = arith.constant -3.400000e+38 : f32
      %broadcast_in_dim3A_118 = vector.shape_cast %eq3A_110 : vector<1024x1xi1> to vector<1024x1xi1>
      %broadcast_in_dim3A_119 = vector.broadcast %broadcast_in_dim3A_118 : vector<1024x1xi1> to vector<1024x256xi1>
      %broadcast_in_dim3A_120 = vector.broadcast %jit3A_117 : f32 to vector<1024x256xf32>
      %select_n3A_121 = arith.select %broadcast_in_dim3A_119, %max3A_81, %broadcast_in_dim3A_120 : vector<1024x256xi1>, vector<1024x256xf32>
      %reduce_max3A_122 = arith.constant dense<0xFF800000> : vector<256xf32>
      %reduce_max3A_123 = vector.multi_reduction <maximumf>, %select_n3A_121, %reduce_max3A_122 [0] : vector<1024x256xf32> to vector<256xf32>
      %broadcast_in_dim3A_124 = vector.shape_cast %reduce_max3A_123 : vector<256xf32> to vector<1x256xf32>
      %convert_element_type3A_125 = arith.extui %eq3A_110 : vector<1024x1xi1> to vector<1024x1xi32>
      %convert_element_type3A_126 = arith.sitofp %convert_element_type3A_125 : vector<1024x1xi32> to vector<1024x1xf32>
      %reduce_sum3A_127 = vector.shape_cast %convert_element_type3A_126 : vector<1024x1xf32> to vector<1x1024x1xf32>
      %reduce_sum3A_128 = arith.constant dense<0.000000e+00> : vector<1xf32>
      %reduce_sum3A_129 = vector.multi_reduction <add>, %reduce_sum3A_127, %reduce_sum3A_128 [1, 2] : vector<1x1024x1xf32> to vector<1xf32>
      %reduce_sum3A_130 = vector.shape_cast %reduce_sum3A_129 : vector<1xf32> to vector<1x1x1xf32>
      %reduce_sum3A_131 = vector.extract %reduce_sum3A_130[0, 0, 0] : f32 from vector<1x1x1xf32>
      %get3A_132 = arith.index_cast %while3A_108 : i32 to index
      %get3A_133 = arith.constant 0 : index
      %get3A_134 = vector.load %arg16[%get3A_132, %get3A_133] : memref<64x256xf32, #tpu.memory_space<vmem>>, vector<1x256xf32>
      %add3A_135 = arith.addf %get3A_134, %broadcast_in_dim3A_116 : vector<1x256xf32>
      %swap3A = arith.index_cast %while3A_108 : i32 to index
      %swap3A_136 = arith.constant 0 : index
      %swap3A_137 = vector.load %arg16[%swap3A, %swap3A_136] : memref<64x256xf32, #tpu.memory_space<vmem>>, vector<1x256xf32>
      tpu.vector_store %arg16[%swap3A, %swap3A_136], %add3A_135 {strides = array<i32>} : memref<64x256xf32, #tpu.memory_space<vmem>>, vector<1x256xf32>,
      %get3A_138 = arith.index_cast %while3A_108 : i32 to index
      %get3A_139 = arith.constant 0 : index
      %get3A_140 = vector.load %arg17[%get3A_138, %get3A_139] : memref<64x256xf32, #tpu.memory_space<vmem>>, vector<1x256xf32>
      %max3A_141 = arith.maximumf %get3A_140, %broadcast_in_dim3A_124 : vector<1x256xf32>
      %swap3A_142 = arith.index_cast %while3A_108 : i32 to index
      %swap3A_143 = arith.constant 0 : index
      %swap3A_144 = vector.load %arg17[%swap3A_142, %swap3A_143] : memref<64x256xf32, #tpu.memory_space<vmem>>, vector<1x256xf32>
      tpu.vector_store %arg17[%swap3A_142, %swap3A_143], %max3A_141 {strides = array<i32>} : memref<64x256xf32, #tpu.memory_space<vmem>>, vector<1x256xf32>,
      %get3A_145 = arith.index_cast %while3A_108 : i32 to index
      %get3A_146 = arith.constant 0 : index
      %get3A_147 = vector.load %arg18[%get3A_145, %get3A_146] : memref<64x256xf32, #tpu.memory_space<vmem>>, vector<1x256xf32>
      %add3A_148 = vector.broadcast %reduce_sum3A_131 : f32 to vector<1x256xf32>
      %add3A_149 = arith.addf %get3A_147, %add3A_148 : vector<1x256xf32>
      %swap3A_150 = arith.index_cast %while3A_108 : i32 to index
      %swap3A_151 = arith.constant 0 : index
      %swap3A_152 = vector.load %arg18[%swap3A_150, %swap3A_151] : memref<64x256xf32, #tpu.memory_space<vmem>>, vector<1x256xf32>
      tpu.vector_store %arg18[%swap3A_150, %swap3A_151], %add3A_149 {strides = array<i32>} : memref<64x256xf32, #tpu.memory_space<vmem>>, vector<1x256xf32>,
    }
    %while3A_102 = arith.constant 1 : i32
    scf.for %while3A_108 = %while3A_100 to %while3A_96 step %while3A_102  : i32 {
      %eq3A_109 = vector.broadcast %while3A_108 : i32 to vector<1024x1xi32>
      %eq3A_110 = arith.cmpi eq, %get3A_84, %eq3A_109 : vector<1024x1xi32>
      %jit3A = arith.constant 0.000000e+00 : f32
      %broadcast_in_dim3A_111 = vector.shape_cast %eq3A_110 : vector<1024x1xi1> to vector<1024x1xi1>
      %broadcast_in_dim3A_112 = vector.broadcast %broadcast_in_dim3A_111 : vector<1024x1xi1> to vector<1024x256xi1>
      %broadcast_in_dim3A_113 = vector.broadcast %jit3A : f32 to vector<1024x256xf32>
      %select_n3A = arith.select %broadcast_in_dim3A_112, %max3A_81, %broadcast_in_dim3A_113 : vector<1024x256xi1>, vector<1024x256xf32>
      %reduce_sum3A_114 = arith.constant dense<0.000000e+00> : vector<256xf32>
      %reduce_sum3A_115 = vector.multi_reduction <add>, %select_n3A, %reduce_sum3A_114 [0] : vector<1024x256xf32> to vector<256xf32>
      %broadcast_in_dim3A_116 = vector.shape_cast %reduce_sum3A_115 : vector<256xf32> to vector<1x256xf32>
      %jit3A_117 = arith.constant -3.400000e+38 : f32
      %broadcast_in_dim3A_118 = vector.shape_cast %eq3A_110 : vector<1024x1xi1> to vector<1024x1xi1>
      %broadcast_in_dim3A_119 = vector.broadcast %broadcast_in_dim3A_118 : vector<1024x1xi1> to vector<1024x256xi1>
      %broadcast_in_dim3A_120 = vector.broadcast %jit3A_117 : f32 to vector<1024x256xf32>
      %select_n3A_121 = arith.select %broadcast_in_dim3A_119, %max3A_81, %broadcast_in_dim3A_120 : vector<1024x256xi1>, vector<1024x256xf32>
      %reduce_max3A_122 = arith.constant dense<0xFF800000> : vector<256xf32>
      %reduce_max3A_123 = vector.multi_reduction <maximumf>, %select_n3A_121, %reduce_max3A_122 [0] : vector<1024x256xf32> to vector<256xf32>
      %broadcast_in_dim3A_124 = vector.shape_cast %reduce_max3A_123 : vector<256xf32> to vector<1x256xf32>
      %convert_element_type3A_125 = arith.extui %eq3A_110 : vector<1024x1xi1> to vector<1024x1xi32>
      %convert_element_type3A_126 = arith.sitofp %convert_element_type3A_125 : vector<1024x1xi32> to vector<1024x1xf32>
      %reduce_sum3A_127 = vector.shape_cast %convert_element_type3A_126 : vector<1024x1xf32> to vector<1x1024x1xf32>
      %reduce_sum3A_128 = arith.constant dense<0.000000e+00> : vector<1xf32>
      %reduce_sum3A_129 = vector.multi_reduction <add>, %reduce_sum3A_127, %reduce_sum3A_128 [1, 2] : vector<1x1024x1xf32> to vector<1xf32>
      %reduce_sum3A_130 = vector.shape_cast %reduce_sum3A_129 : vector<1xf32> to vector<1x1x1xf32>
      %reduce_sum3A_131 = vector.extract %reduce_sum3A_130[0, 0, 0] : f32 from vector<1x1x1xf32>
      %get3A_132 = arith.index_cast %while3A_108 : i32 to index
      %get3A_133 = arith.constant 0 : index
      %get3A_134 = vector.load %arg16[%get3A_132, %get3A_133] : memref<64x256xf32, #tpu.memory_space<vmem>>, vector<1x256xf32>
      %add3A_135 = arith.addf %get3A_134, %broadcast_in_dim3A_116 : vector<1x256xf32>
      %swap3A = arith.index_cast %while3A_108 : i32 to index
      %swap3A_136 = arith.constant 0 : index
      %swap3A_137 = vector.load %arg16[%swap3A, %swap3A_136] : memref<64x256xf32, #tpu.memory_space<vmem>>, vector<1x256xf32>
      tpu.vector_store %arg16[%swap3A, %swap3A_136], %add3A_135 {strides = array<i32>} : memref<64x256xf32, #tpu.memory_space<vmem>>, vector<1x256xf32>,
      %get3A_138 = arith.index_cast %while3A_108 : i32 to index
      %get3A_139 = arith.constant 0 : index
      %get3A_140 = vector.load %arg17[%get3A_138, %get3A_139] : memref<64x256xf32, #tpu.memory_space<vmem>>, vector<1x256xf32>
      %max3A_141 = arith.maximumf %get3A_140, %broadcast_in_dim3A_124 : vector<1x256xf32>
      %swap3A_142 = arith.index_cast %while3A_108 : i32 to index
      %swap3A_143 = arith.constant 0 : index
      %swap3A_144 = vector.load %arg17[%swap3A_142, %swap3A_143] : memref<64x256xf32, #tpu.memory_space<vmem>>, vector<1x256xf32>
      tpu.vector_store %arg17[%swap3A_142, %swap3A_143], %max3A_141 {strides = array<i32>} : memref<64x256xf32, #tpu.memory_space<vmem>>, vector<1x256xf32>,
      %get3A_145 = arith.index_cast %while3A_108 : i32 to index
      %get3A_146 = arith.constant 0 : index
      %get3A_147 = vector.load %arg18[%get3A_145, %get3A_146] : memref<64x256xf32, #tpu.memory_space<vmem>>, vector<1x256xf32>
      %add3A_148 = vector.broadcast %reduce_sum3A_131 : f32 to vector<1x256xf32>
      %add3A_149 = arith.addf %get3A_147, %add3A_148 : vector<1x256xf32>
      %swap3A_150 = arith.index_cast %while3A_108 : i32 to index
      %swap3A_151 = arith.constant 0 : index
      %swap3A_152 = vector.load %arg18[%swap3A_150, %swap3A_151] : memref<64x256xf32, #tpu.memory_space<vmem>>, vector<1x256xf32>
      tpu.vector_store %arg18[%swap3A_150, %swap3A_151], %add3A_149 {strides = array<i32>} : memref<64x256xf32, #tpu.memory_space<vmem>>, vector<1x256xf32>,
    }
    %eq3A_103 = arith.constant 9 : i32
    %eq3A_104 = arith.cmpi eq, %arg0, %eq3A_103 : i32
    %convert_element_type3A_105 = arith.extui %eq3A_104 : i1 to i32
    %cond3A_106 = arith.constant 0 : i32
    %cond3A_107 = arith.cmpi ne, %convert_element_type3A_105, %cond3A_106 : i32
    scf.if %cond3A_107 {
      %get3A_108 = arith.constant 0 : index
      %get3A_109 = arith.constant 0 : index
      %get3A_110 = vector.load %arg18[%get3A_108, %get3A_109] : memref<64x256xf32, #tpu.memory_space<vmem>>, vector<64x1xf32>
      %get3A_111 = arith.constant 0 : index
      %get3A_112 = arith.constant 0 : index
      %get3A_113 = vector.load %arg16[%get3A_111, %get3A_112] : memref<64x256xf32, #tpu.memory_space<vmem>>, vector<64x256xf32>
      %max3A_114 = arith.constant 1.000000e+00 : f32
      %max3A_115 = vector.broadcast %max3A_114 : f32 to vector<64x1xf32>
      %max3A_116 = arith.maximumf %get3A_110, %max3A_115 : vector<64x1xf32>
      %div3A_117 = vector.broadcast %max3A_116 : vector<64x1xf32> to vector<64x256xf32>
      %div3A_118 = arith.divf %get3A_113, %div3A_117 : vector<64x256xf32>
      %gt3A = arith.constant 0.000000e+00 : f32
      %gt3A_119 = vector.broadcast %gt3A : f32 to vector<64x1xf32>
      %gt3A_120 = arith.cmpf ogt, %get3A_110, %gt3A_119 : vector<64x1xf32>
      %get3A_121 = arith.constant 0 : index
      %get3A_122 = arith.constant 0 : index
      %get3A_123 = vector.load %arg17[%get3A_121, %get3A_122] : memref<64x256xf32, #tpu.memory_space<vmem>>, vector<64x256xf32>
      %jit3A = arith.constant 0.000000e+00 : f32
      %broadcast_in_dim3A_124 = vector.shape_cast %gt3A_120 : vector<64x1xi1> to vector<64x1xi1>
      %broadcast_in_dim3A_125 = vector.broadcast %broadcast_in_dim3A_124 : vector<64x1xi1> to vector<64x256xi1>
      %broadcast_in_dim3A_126 = vector.broadcast %jit3A : f32 to vector<64x256xf32>
      %select_n3A = arith.select %broadcast_in_dim3A_125, %get3A_123, %broadcast_in_dim3A_126 : vector<64x256xi1>, vector<64x256xf32>
      %get3A_127 = arith.constant 0 : index
      %get3A_128 = arith.constant 0 : index
      %get3A_129 = vector.load %arg10[%get3A_127, %get3A_128] : memref<64x16xf32, #tpu.memory_space<vmem>>, vector<64x16xf32>
      %concatenate3A_130 = tpu.concatenate %div3A_118, %select_n3A, %get3A_129 in 1 : vector<64x256xf32>, vector<64x256xf32>, vector<64x16xf32> -> vector<64x528xf32>
      %get3A_131 = arith.constant 0 : index
      %get3A_132 = arith.constant 0 : index
      %get3A_133 = vector.load %arg11[%get3A_131, %get3A_132] : memref<528x256xf32, #tpu.memory_space<vmem>>, vector<528x256xf32>
      %dot_general3A_134 = arith.constant dense<0.000000e+00> : vector<64x256xf32>
      %dot_general3A_135 = tpu.matmul %concatenate3A_130, %get3A_133, %dot_general3A_134 {dimension_numbers = #tpu.dot_dimension_numbers<[1], [0], [0], [1], [0, 0, 1, 1], [], []>, precision = #tpu.contract_precision<fp32>, transpose_lhs_hint = false} : vector<64x528xf32>, vector<528x256xf32>, vector<64x256xf32> -> vector<64x256xf32>
      %get3A_136 = arith.constant 0 : index
      %get3A_137 = arith.constant 0 : index
      %get3A_138 = vector.load %arg12[%get3A_136, %get3A_137] : memref<1x256xf32, #tpu.memory_space<vmem>>, vector<1x256xf32>
      %add3A_139 = vector.broadcast %get3A_138 : vector<1x256xf32> to vector<64x256xf32>
      %add3A_140 = arith.addf %dot_general3A_135, %add3A_139 : vector<64x256xf32>
      %max3A_141 = arith.constant 0.000000e+00 : f32
      %max3A_142 = vector.broadcast %max3A_141 : f32 to vector<64x256xf32>
      %max3A_143 = arith.maximumf %add3A_140, %max3A_142 : vector<64x256xf32>
      %get3A_144 = arith.constant 0 : index
      %get3A_145 = arith.constant 0 : index
      %get3A_146 = vector.load %arg13[%get3A_144, %get3A_145] : memref<256x10xf32, #tpu.memory_space<vmem>>, vector<256x10xf32>
      %dot_general3A_147 = arith.constant dense<0.000000e+00> : vector<64x10xf32>
      %dot_general3A_148 = tpu.matmul %max3A_143, %get3A_146, %dot_general3A_147 {dimension_numbers = #tpu.dot_dimension_numbers<[1], [0], [0], [1], [0, 0, 1, 1], [], []>, precision = #tpu.contract_precision<fp32>, transpose_lhs_hint = false} : vector<64x256xf32>, vector<256x10xf32>, vector<64x10xf32> -> vector<64x10xf32>
      %get3A_149 = arith.constant 0 : index
      %get3A_150 = arith.constant 0 : index
      %get3A_151 = vector.load %arg14[%get3A_149, %get3A_150] : memref<1x10xf32, #tpu.memory_space<vmem>>, vector<1x10xf32>
      %add3A_152 = vector.broadcast %get3A_151 : vector<1x10xf32> to vector<64x10xf32>
      %add3A_153 = arith.addf %dot_general3A_148, %add3A_152 : vector<64x10xf32>
      %swap3A = arith.constant 0 : index
      %swap3A_154 = arith.constant 0 : index
      %swap3A_155 = vector.load %arg15[%swap3A, %swap3A_154] : memref<64x10xf32, #tpu.memory_space<vmem>>, vector<64x10xf32>
      tpu.vector_store %arg15[%swap3A, %swap3A_154], %add3A_153 {strides = array<i32>} : memref<64x10xf32, #tpu.memory_space<vmem>>, vector<64x10xf32>,
    } else {
    }
    return
  }
  func.func @transform_0(%arg0: i32) -> (i32, i32, i32) {
    %c0_i32 = arith.constant 0 : i32
    %c0_i32_0 = arith.constant 0 : i32
    %c0_i32_1 = arith.constant 0 : i32
    return %c0_i32, %arg0, %c0_i32_0 : i32, i32, i32
  }
  func.func @transform_1(%arg0: i32) -> (i32, i32, i32) {
    %c0_i32 = arith.constant 0 : i32
    %c0_i32_0 = arith.constant 0 : i32
    %c0_i32_1 = arith.constant 0 : i32
    return %c0_i32, %arg0, %c0_i32_0 : i32, i32, i32
  }
  func.func @transform_2(%arg0: i32) -> (i32, i32, i32) {
    %c0_i32 = arith.constant 0 : i32
    %c0_i32_0 = arith.constant 0 : i32
    %c0_i32_1 = arith.constant 0 : i32
    return %c0_i32, %arg0, %c0_i32_0 : i32, i32, i32
  }
  func.func @transform_3(%arg0: i32) -> (i32, i32) {
    %c0_i32 = arith.constant 0 : i32
    %c0_i32_0 = arith.constant 0 : i32
    %c0_i32_1 = arith.constant 0 : i32
    return %c0_i32, %c0_i32_0 : i32, i32
  }
  func.func @transform_4(%arg0: i32) -> (i32, i32) {
    %c0_i32 = arith.constant 0 : i32
    %c0_i32_0 = arith.constant 0 : i32
    %c0_i32_1 = arith.constant 0 : i32
    return %c0_i32, %c0_i32_0 : i32, i32
  }
  func.func @transform_5(%arg0: i32) -> (i32, i32) {
    %c0_i32 = arith.constant 0 : i32
    %c0_i32_0 = arith.constant 0 : i32
    %c0_i32_1 = arith.constant 0 : i32
    return %c0_i32, %c0_i32_0 : i32, i32
  }
  func.func @transform_6(%arg0: i32) -> (i32, i32) {
    %c0_i32 = arith.constant 0 : i32
    %c0_i32_0 = arith.constant 0 : i32
    %c0_i32_1 = arith.constant 0 : i32
    return %c0_i32, %c0_i32_0 : i32, i32
  }
  func.func @transform_7(%arg0: i32) -> (i32, i32) {
    %c0_i32 = arith.constant 0 : i32
    %c0_i32_0 = arith.constant 0 : i32
    %c0_i32_1 = arith.constant 0 : i32
    return %c0_i32, %c0_i32_0 : i32, i32
  }
  func.func @transform_8(%arg0: i32) -> (i32, i32) {
    %c0_i32 = arith.constant 0 : i32
    %c0_i32_0 = arith.constant 0 : i32
    return %arg0, %c0_i32 : i32, i32
  }
  func.func @transform_9(%arg0: i32) -> (i32, i32) {
    %c0_i32 = arith.constant 0 : i32
    %c0_i32_0 = arith.constant 0 : i32
    %c0_i32_1 = arith.constant 0 : i32
    return %c0_i32, %c0_i32_0 : i32, i32
  }
  func.func @transform_10(%arg0: i32) -> (i32, i32) {
    %c0_i32 = arith.constant 0 : i32
    %c0_i32_0 = arith.constant 0 : i32
    %c0_i32_1 = arith.constant 0 : i32
    return %c0_i32, %c0_i32_0 : i32, i32
  }
  func.func @transform_11(%arg0: i32) -> (i32, i32) {
    %c0_i32 = arith.constant 0 : i32
    %c0_i32_0 = arith.constant 0 : i32
    %c0_i32_1 = arith.constant 0 : i32
    return %c0_i32, %c0_i32_0 : i32, i32
  }
  func.func @transform_12(%arg0: i32) -> (i32, i32) {
    %c0_i32 = arith.constant 0 : i32
    %c0_i32_0 = arith.constant 0 : i32
    %c0_i32_1 = arith.constant 0 : i32
    return %c0_i32, %c0_i32_0 : i32, i32
  }
  func.func @transform_13(%arg0: i32) -> (i32, i32) {
    %c0_i32 = arith.constant 0 : i32
    %c0_i32_0 = arith.constant 0 : i32
    %c0_i32_1 = arith.constant 0 : i32
    return %c0_i32, %c0_i32_0 : i32, i32
  }
  func.func @transform_14(%arg0: i32) -> (i32, i32) {
    %c0_i32 = arith.constant 0 : i32
    %c0_i32_0 = arith.constant 0 : i32
    %c0_i32_1 = arith.constant 0 : i32
    return %c0_i32, %c0_i32_0 : i32, i32
  }
}

</mosaic_0001>

<sc_bundles>
// kernel: kernel.12.cloned.1.call-start
scs
__scs_entry_jumppad:
0x0: {  	(pc) =	sbr.rel $0x88, $3  }
0x1: {  	(tag) =	ssettag $0x0;
	lr =	simm.s32 $0x1  }
0x2: {  	[smem:$0x3F8A] =	sst lr;
	_ =	strace $0xD0000000  }
0x3: {  	_ = 	snop  }
0x4: {  	_ = 	snop  }
0x5: {  	_ = 	snop  }
0x6: {  	_ = 	snop  }
0x7: {  	_ = 	snop  }
__scs_overlays_trampoline_lowered:
0x8: {  	[smem:$0x3F99] =	sst s0  }
0x9: {  	[smem:$0x3F9A] =	sst s1  }
0xa: {  	[smem:$0x3F9B] =	sst s2  }
0xb: {  	[smem:$0x3F9C] =	sst s3  }
0xc: {  	[smem:$0x3F9D] =	sst s4  }
0xd: {  	[smem:$0x3F9E] =	sst s5  }
0xe: {  	[smem:$0x3F9F] =	sst s6  }
0xf: {  	[smem:$0x3FA0] =	sst s7  }
0x10: {  	[smem:$0x3FA1] =	sst s8  }
0x11: {  	[smem:$0x3FA2] =	sst s9;
	s0 =	simm.s32 @!p0 $0x0  }
0x12: {  	s1 =	sld [smem:$0x3F88];
	s0 =	simm.s32 @p0 $0x1  }
0x13: {  	[smem:$0x3FA3] =	sst s0;
	s0 =	simm.s32 @!p1 $0x0  }
0x14: {  	s2 =	sld [smem:$0x3F87];
	s0 =	simm.s32 @p1 $0x1  }
0x15: {  	[smem:$0x3FA4] =	sst s0;
	s0 =	simm.s32 @!p2 $0x0  }
0x16: {  	s3 =	sld [smem:$0x3FDB];
	s0 =	simm.s32 @p2 $0x1  }
0x17: {  	s4 =	simm.s32 $0x1BF5;
	[smem:$0x3FA6] =	sst s0  }
0x18: {  	s0 =	sld [smem:$0x3F89];
	_ =	swait.ge [sflag:s4], $0x0  }
0x19: {  	s7 =	sld [smem:$0x3F8A]  }
0x1a: {  	s8 =	sadd.s32 $0xFFFFE003, lr  }
0x1b: {  	s9 =	sadd.s32 $0xFFFFFEF7, lr;
	s5 =	simm.s32 $0xFFFFFFFF;
	p2 =	slt.u32 s8, $0xFFFFF086  }
0x1c: {  	p1 =	slt.u32 s9, $0xF7A;
	s5 =	simm.s32 @!p2 $0x0  }
0x1d: {  	s5 =	simm.s32 @p1 $0x1;
	p0 =	seq.s32 s7, s2  }
0x1e: {  	s7 =	smul.u32 @!p0 $0xF7A, s2;
	p2 =	seq.s32 @!p0 s5, $0x0  }
0x1f: {  	s9 =	smul.u32 $0xF7A, s1;
	s8 =	simm.s32 @!p0 $0x1BF5;
	p2 =	por !p2, p0  }
0x20: {  	[sflag:s8] =	ssyncset.s32 @!p0 $0xFFFFF086;
	s6 =	sadd.s32 @!p0 s3, s7;
	s7 =	simm.s32 @!p0 $0x108  }
0x21: {  	s3 =	sadd.s32 s3, s9;
	s6 =	sadd.s32 @!p0 $0x88, s6;
	s7 =	simm.s32 @p2 $0x1082  }
0x22: {  	[simem:s7], [sflag:s8] =	dma.local @!p0 [hbm:s6], $0xF7A  }
0x23: {  	s9 =	sor.u32 $0xD0000000, s2;
	s6 =	simm.s32 $0x108;
	_ =	swait.ge @!p0 [sflag:s8], $0x0  }
0x24: {  	s3 =	sadd.s32 $0x88, s3;
	s6 =	simm.s32 @!p1 $0x1082;
	[sflag:s4] =	ssyncset.s32 $0xFFFFF086  }
0x25: {  	[simem:s6], [sflag:s4] =	dma.local [hbm:s3], $0xF7A  }
0x26: {  	[smem:$0x3F8A] =	sst s1;
	(tag) =	ssettag s2;
	_ =	strace s9  }
0x27: {  	s1 =	sld [smem:$0x3F9A]  }
0x28: {  	s2 =	sld [smem:$0x3F9B]  }
0x29: {  	s4 =	sld [smem:$0x3F9D]  }
0x2a: {  	p0 =	seq.s32 s5, $0x0;
	s5 =	sld [smem:$0x3F9E]  }
0x2b: {  	s6 =	sld [smem:$0x3F9F]  }
0x2c: {  	s7 =	sld [smem:$0x3FA0]  }
0x2d: {  	s3 =	simm.s32 $0x108;
	s8 =	sld [smem:$0x3FA1]  }
0x2e: {  	s3 =	simm.s32 @!p0 $0x1082;
	s9 =	sld [smem:$0x3FA2]  }
0x2f: {  	lr =	sadd.s32 s0, s3;
	s0 =	sld [smem:$0x3F99]  }
0x30: {  	s3 =	sld [smem:$0x3F9C]  }
0x31: {  	[smem:$0x3FA5] =	sst s10  }
0x32: {  	s10 =	sld [smem:$0x3FA3];
	_ =	sdelay $0x3  }
0x33: {  	p0 =	seq.s32 s10, $0x1;
	s10 =	sld [smem:$0x3FA5];
	_ =	sdelay $0x3  }
0x34: {  	[smem:$0x3FA5] =	sst s10  }
0x35: {  	s10 =	sld [smem:$0x3FA4];
	_ =	sdelay $0x3  }
0x36: {  	p1 =	seq.s32 s10, $0x1;
	s10 =	sld [smem:$0x3FA5];
	_ =	sdelay $0x3  }
0x37: {  	[smem:$0x3FA5] =	sst s10  }
0x38: {  	s10 =	sld [smem:$0x3FA6]  }
0x39: {  	_ = 	snop;
	(pc) =	sbr.ind lr, $3  }
0x3a: {  	_ = 	snop  }
0x3b: {  	_ = 	snop  }
0x3c: {  	p2 =	seq.s32 s10, $0x1;
	s10 =	sld [smem:$0x3FA5]  }
0x3d: {  	_ =	shalt  }
0x3e: {  	_ =	shalt  }
0x3f: {  	_ =	shalt  }
0x40: {  	_ =	shalt  }
0x41: {  	_ =	shalt  }
0x42: {  	_ =	shalt  }
0x43: {  	_ =	shalt  }
0x44: {  	_ =	shalt  }
0x45: {  	_ =	shalt  }
0x46: {  	_ =	shalt  }
0x47: {  	_ =	shalt  }
0x48: {  	_ =	shalt  }
0x49: {  	_ =	shalt  }
0x4a: {  	_ =	shalt  }
0x4b: {  	_ =	shalt  }
0x4c: {  	_ =	shalt  }
0x4d: {  	_ =	shalt  }
0x4e: {  	_ =	shalt  }
0x4f: {  	_ =	shalt  }
0x50: {  	_ =	shalt  }
0x51: {  	_ =	shalt  }
0x52: {  	_ =	shalt  }
0x53: {  	_ =	shalt  }
0x54: {  	_ =	shalt  }
0x55: {  	_ =	shalt  }
0x56: {  	_ =	shalt  }
0x57: {  	_ =	shalt  }
0x58: {  	_ =	shalt  }
0x59: {  	_ =	shalt  }
0x5a: {  	_ =	shalt  }
0x5b: {  	_ =	shalt  }
0x5c: {  	_ =	shalt  }
0x5d: {  	_ =	shalt  }
0x5e: {  	_ =	shalt  }
0x5f: {  	_ =	shalt  }
0x60: {  	_ =	shalt  }
0x61: {  	_ =	shalt  }
0x62: {  	_ =	shalt  }
0x63: {  	_ =	shalt  }
0x64: {  	_ =	shalt  }
0x65: {  	_ =	shalt  }
0x66: {  	_ =	shalt  }
0x67: {  	_ =	shalt  }
0x68: {  	_ =	shalt  }
0x69: {  	_ =	shalt  }
0x6a: {  	_ =	shalt  }
0x6b: {  	_ =	shalt  }
0x6c: {  	_ =	shalt  }
0x6d: {  	_ =	shalt  }
0x6e: {  	_ =	shalt  }
0x6f: {  	_ =	shalt  }
0x70: {  	_ =	shalt  }
0x71: {  	_ =	shalt  }
0x72: {  	_ =	shalt  }
0x73: {  	_ =	shalt  }
0x74: {  	_ =	shalt  }
0x75: {  	_ =	shalt  }
0x76: {  	_ =	shalt  }
0x77: {  	_ =	shalt  }
0x78: {  	_ =	shalt  }
0x79: {  	_ =	shalt  }
0x7a: {  	_ =	shalt  }
0x7b: {  	_ =	shalt  }
0x7c: {  	_ =	shalt  }
0x7d: {  	_ =	shalt  }
0x7e: {  	_ =	shalt  }
0x7f: {  	_ =	shalt  }
0x80: {  	_ =	shalt  }
0x81: {  	_ =	shalt  }
0x82: {  	_ =	shalt  }
0x83: {  	_ =	shalt  }
0x84: {  	_ =	shalt  }
0x85: {  	_ =	shalt  }
0x86: {  	_ =	shalt  }
0x87: {  	_ =	shalt  }
.Lfunc_end0:
.L_simem_size_0:
called_computation.1_lowered:
.L_overlay_start_0:
0x88: {  	s2 =	sld [smem:$0x3FD9]  }
0x89: {  	s3 =	sld [smem:$0x3FFE];
	_ =	sdelay $0x1  }
0x8a: {  	s1 =	srdreg.scid  }
0x8b: {  	s0 =	sand.u32 $0x1, s1  }
0x8c: {  	s17 =	sshll.u32 s0, $0xA;
	s2 =	sadd.s32 s3, s2  }
0x8d: {  	s2 =	sadd.s32 s2, s17  }
0x8e: {  	[smem:$0x3FB1] =	sst s2  }
0x8f: {  	_ = 	snop  }
0x90: {  	(tm) =	ssettm $0x1  }
0x91: {  	s18 =	sld [smem:$0x3FFB];
	_ =	sdelay $0x3  }
0x92: {  	_ =	strace s18  }
0x93: {  	s2 =	sld [smem:$0x3FFC];
	_ =	sdelay $0x3  }
0x94: {  	_ =	strace s2  }
0x95: {  	s2 =	sld [smem:$0x3FFD];
	_ =	sdelay $0x3  }
0x96: {  	_ =	strace s2  }
0x97: {  	_ =	strace $0x8FFFFFFF  }
0x98: {  	s19 =	sld [smem:$0x3FDB];
	_ =	sdelay $0x1  }
0x99: {  	s20 =	simm.s32 $_scs_section_size  }
0x9a: {  	s4 =	simm.s32 $_size__tile_overlayer_lowered;
	s5 =	simm.s32 $_tile_overlayer_lowered  }
0x9b: {  	s6 =	simm.s32 $0x1BFF;
	s21 =	sshll.u32 s5, $0x1;
	s3 =	sadd.s32 s20, s19  }
0x9c: {  	s22 =	simm.s32 $0x0;
	s4 =	sshll.u32 s4, $0x1;
	s5 =	sadd.s32 s21, s3  }
0x9d: {  	[timem:s22], [sflag:s6] =	dma.local [hbm:s5], s4  }
0x9e: {  	_ =	swait.ge [sflag:s6], s4  }
0x9f: {  	s4 =	ssub.s32 $0x0, s4;
	[sflag:s6] =	ssyncset.done $0x0  }
0xa0: {  	[sflag:s6] =	ssyncadd.s32 s4;
	_ =	sdelay $0x1  }
0xa1: {  	s23 =	simm.s32 $0x1B8B  }
0xa2: {  	_ =	swait.ge [sflag:s23], $0x1  }
0xa3: {  	[sflag:s23] =	ssyncset.done $0x0  }
0xa4: {  	[sflag:s23] =	ssyncadd.s32 $0xFFFFFFFF  }
0xa5: {  	s4 =	sld [smem:$0x0]  }
0xa6: {  	s5 =	sand.u32 $0xFFFFFFFE, s1  }
0xa7: {  	p0 =	sne.s32 s1, s5  }
0xa8: {  	s5 =	sshll.u32 @p0 s5, $0xE  }
0xa9: {  	s5 =	sadd.s32 @p0 $0x11B8D, s5;
	s6 =	sshll.u32 @p0 s4, $0x11  }
0xaa: {  	s5 =	sor.u32 @p0 s6, s5  }
0xab: {  	[sflag:s5] =	ssyncadd.remote.s32 @p0 $0x1;
	_ =	sdelay $0x1  }
0xac: {  	s5 =	simm.s32 @p0 $0x1B8D  }
0xad: {  	_ =	swait.eq @p0 [sflag:s5], $0x1  }
0xae: {  	[sflag:s5] =	ssyncadd.s32 @p0 $0xFFFFFFFF  }
0xaf: {  	s6 =	sshll.u32 @!p0 s1, $0xE  }
0xb0: {  	s6 =	sor.u32 @!p0 $0x4000, s6;
	s5 =	simm.s32 @!p0 $0x1B8D  }
0xb1: {  	s4 =	sshll.u32 @!p0 s4, $0x11;
	s6 =	sadd.s32 @!p0 $0x11B8D, s6;
	_ =	swait.eq @!p0 [sflag:s5], $0x1  }
0xb2: {  	s4 =	sor.u32 @!p0 s4, s6;
	[sflag:s5] =	ssyncadd.s32 @!p0 $0xFFFFFFFF  }
0xb3: {  	s25 =	simm.s32 $0x1B8E;
	s24 =	sld [smem:$0x3FFE];
	[sflag:s4] =	ssyncadd.remote.s32 @!p0 $0x1  }
0xb4: {  	s26 =	simm.s32 $execute0_lowered;
	[smem:$0x3FD2] =	sst s25  }
0xb5: {  	s5 =	sshll.u32 s26, $0x1;
	_ =	strace $0x80000049;
	[dreg:$0x1] =	wrdreg $0xFFFFFFFF  }
0xb6: {  	s28 =	simm.s32 $_size_execute0_lowered;
	s3 =	sadd.s32 s3, s5;
	[dreg:$0x0] =	wrdreg $0x0  }
0xb7: {  	s5 =	sshll.u32 s28, $0x1;
	[dreg:$0x2] =	wrdreg s3  }
0xb8: {  	[dreg:$0x3] =	wrdreg s5  }
0xb9: {  	[dreg:$0x4] =	wrdreg $0xC0  }
0xba: {  	_ =	task [dreg:s22], $0x5FFFF  }
0xbb: {  	[dreg:$0x1] =	wrdreg $0xFFFFFFFF  }
0xbc: {  	[dreg:$0x0] =	wrdreg $0x60  }
0xbd: {  	[dreg:$0x2] =	wrdreg s24  }
0xbe: {  	[dreg:$0x3] =	wrdreg $0x88000  }
0xbf: {  	[dreg:$0x4] =	wrdreg $0xA  }
0xc0: {  	_ =	task.clear_ibuf [dreg:s22], $0x5FFFF;
	_ =	strace $0x90000049  }
0xc1: {  	s29 =	simm.s32 $0xA;
	_ =	strace $0x8000004B  }
0xc2: {  	_ =	swait.ge [sflag:s29], $0x1  }
0xc3: {  	[sflag:s29] =	ssyncadd.s32 $0xFFFFFFFF  }
0xc4: {  	_ =	strace $0x9000004B  }
0xc5: {  	_ =	sfence  }
0xc6: {  	s30 =	sld [smem:$0x0];
	_ =	sdelay $0x2  }
0xc7: {  	s31 =	sshll.u32 s1, $0xD;
	s1 =	sshrl.u32 s1, $0x2  }
0xc8: {  	s4 =	sand.u32 $0x4000, s31;
	s1 =	sadd.s32 s1, s30  }
0xc9: {  	s0 =	sor.u32 s4, s0;
	s1 =	sshll.u32 s1, $0x11  }
0xca: {  	s0 =	sor.u32 s1, s0  }
0xcb: {  	s0 =	sadd.s32 $0x8F2B, s0  }
0xcc: {  	[sflag:s0] =	ssyncadd.remote.s32 $0x1  }
0xcd: {  	_ =	sfence.sel $0xFFFF  }
0xce: {  	[dreg:$0x0] =	wrdreg $0xFFFFFFFF;
	(pc) =	sbr.abs _section_cstart, $3  }
0xcf: {  	[dreg:$0x1] =	wrdreg $0xFFFFFFFF  }
0xd0: {  	_ =	task.clear_ibuf [dreg:s22], $0x2FFFF;
	_ =	strace $0x9FFFFFFF  }
0xd1: {  	(tm) =	ssettm $0x7FFFFFFF  }
tec
execute0_lowered:
.L_overlay_start_1:
0x0: {  	(tag) =	ssettag $0x1  }
0x1: {  	s0 =	rddreg [dreg:$0x0]  }
0x2: {  	s2 =	rddreg [dreg:$0x1]  }
0x3: {  	s14 =	stileid.u32;
	s3 =	simm.s32 $0x0;
	s4 =	srdreg.scid  }
0x4: {  	s21 =	simm.s32 $0x280;
	s22 =	simm.s32 $0x100;
	s23 =	simm.s32 $0x300  }
0x5: {  	s24 =	simm.s32 $0x180;
	s28 =	simm.s32 $0x500;
	s1 =	smul.u32 $0x500, s14  }
0x6: {  	s29 =	simm.s32 $0x700;
	s30 =	simm.s32 $0x580;
	s5 =	smul.u32 $0x2800, s14  }
0x7: {  	s31 =	simm.s32 $0x780;
	[smem:$0x7FF] =	sst s3;
	s9 =	smul.u32 $0x50000, s14  }
0x8: {  	s6 =	sand.u32 $0x1, s4;
	s4 =	sadd.s32 $0xA000, s0;
	s12 =	smul.u32 $0x50, s14  }
0x9: {  	s8 =	sadd.s32 $0x5A000, s0;
	_ =	strace $0x8000004A;
	s7 =	smul.u32 $0x28000, s6  }
0xa: {  	s11 =	ssub.s32 $0x2, s6;
	s13 =	smul.u32 $0x500, s6;
	[dreg:$0x5] =	wrdreg s21  }
0xb: {  	s6 =	sshll.u32 s6, $0x4;
	s21 =	simm.s32 $0x4800;
	[dreg:$0x6] =	wrdreg s22  }
0xc: {  	s22 =	simm.s32 $0x2;
	[dreg:$0x7] =	wrdreg s23;
	s23 =	simm.s32 $0x3  }
0xd: {  	[dreg:$0x8] =	wrdreg s24;
	s24 =	simm.s32 $0x4;
	s1 =	sadd.s32 s1, s0  }
0xe: {  	s10 =	sadd.s32 s5, s0;
	s25 =	sshrl.u32 s11, $0x1;
	s6 =	sor.u32 s14, s6  }
0xf: {  	s5 =	sadd.s32 s5, s7;
	s26 =	ssub.s32 s11, s25;
	s11 =	sshrl.u32 s9, $0x2  }
0x10: {  	s12 =	sadd.s32 s12, s13;
	s13 =	smul.u32 $0x500, s6;
	s15 =	sadd.s32 $0x64000, s10  }
0x11: {  	s6 =	sshll.u32 s14, $0x6;
	s14 =	simm.s32 $0x5;
	s25 =	simm.s32 $0x380  }
0x12: {  	s0 =	sadd.s32 s5, s0;
	s7 =	sadd.s32 s11, s2;
	s9 =	sshll.u32 s12, $0x4  }
0x13: {  	[dreg:$0xb] =	wrdreg s15;
	s17 =	sor.u32 $0x1C07, s6;
	s20 =	smax.u32 s26, $0x1  }
0x14: {  	s15 =	simm.s32 $0x80;
	[dreg:$0x9] =	wrdreg s25;
	s26 =	simm.s32 $0x480  }
0x15: {  	s25 =	simm.s32 $0x6;
	s16 =	sadd.s32 s9, s8;
	[dreg:$0xc] =	wrdreg s17  }
0x16: {  	s8 =	sadd.s32 s8, s13;
	s9 =	sadd.s32 $0x4600, s1;
	s0 =	sadd.s32 $0x8C000, s0  }
0x17: {  	[dreg:$0xf] =	wrdreg s20;
	s12 =	sshrl.u32 s7, $0x3;
	s13 =	simm.s32 $0x200  }
0x18: {  	s17 =	simm.s32 $0x7;
	s20 =	simm.s32 $0x600;
	[dreg:$0xa] =	wrdreg s26  }
0x19: {  	s26 =	simm.s32 $0x680;
	s1 =	simm.s32 $0x0;
	[dreg:$0xd] =	wrdreg s8  }
0x1a: {  	s18 =	sadd.s32 $0x40, s16;
	s19 =	sadd.s32 $0x80, s16;
	[dreg:$0xe] =	wrdreg s0  }
0x1b: {  	s16 =	simm.s32 $0x800;
	s0 =	simm.s32 $0x8;
	[dreg:$0x3] =	wrdreg s18  }
0x1c: {  	[dreg:$0x4] =	wrdreg s19;
	s18 =	simm.s32 $0x1;
	s19 =	simm.s32 $0x400  }
.LBB2_1:
0x1d: {  	s5 =	rddreg [dreg:$0xb]  }
0x1e: {  	s7 =	rddreg [dreg:$0xc]  }
0x1f: {  	[spmem:s12], [sflag:s7] =	dma.local [hbm:s5], $0x2800  }
0x20: {  	s5 =	rddreg [dreg:$0xd]  }
0x21: {  	[tilespmem:s3], [sflag:$0x5] =	stream.linear.gather [hbm4b:s5+s3], $0x200, $0x38;
	[tilespmem:$0x1C800] =	vst v63  }
0x22: {  	_ = 	snop  }
0x23: {  	[tilespmem:s13], [sflag:$0x5] =	stream.linear.gather [hbm4b:s9+s3], $0x200, $0x38;
	[tilespmem:$0x1C800] =	vst v63  }
0x24: {  	_ =	swait.ge [sflag:s14], $0x200  }
0x25: {  	[sflag:s14] =	ssyncset.done $0x0  }
0x26: {  	[sflag:s14] =	ssyncadd.s32 $0xFFFFFE00  }
0x27: {  	_ =	swait.ge [sflag:s14], $0x200  }
0x28: {  	[sflag:s14] =	ssyncset.done $0x0  }
0x29: {  	[sflag:s14] =	ssyncadd.s32 $0xFFFFFE00  }
0x2a: {  	[tilespmem:s16], [sflag:$0x1] =	stream.indirect.gather [hbm4b:s4+s15], $0x80, s3, s15, $0xb8;
	[tilespmem:$0x1C800] =	vst v63  }
0x2b: {  	_ =	swait.ge [sflag:s17], $0x2800  }
0x2c: {  	[sflag:s17] =	ssyncset.done $0x0  }
0x2d: {  	[sflag:s17] =	ssyncadd.s32 $0xFFFFD800  }
0x2e: {  	[bflag:$0x0] =	sbarrier.arrive $0xFFFF  }
0x2f: {  	_ =	swait.ge [sflag:s18], $0x4000  }
0x30: {  	[sflag:s18] =	ssyncset.done $0x0  }
0x31: {  	s10 =	rddreg [dreg:$0x3];
	[sflag:s18] =	ssyncadd.s32 $0xFFFFC000  }
0x32: {  	[spmem:s2] =	stream.indirect.scatter.add.f32 [tilespmem:s16], [sflag:$0x3], $0x80, s13, s15, $0xb8;
	[tilespmem:$0x1C800] =	vst v63  }
0x33: {  	s11 =	sadd.s32 $0x0, s9;
	s5 =	sadd.s32 $0x0, s10  }
0x34: {  	[tilespmem:s19], [sflag:$0x6] =	stream.linear.gather [hbm4b:s5+s3], $0x200, $0x38;
	[tilespmem:$0x1C800] =	vst v63  }
0x35: {  	s8 =	sadd.s32 $0x40, s11  }
0x36: {  	[tilespmem:s20], [sflag:$0x6] =	stream.linear.gather [hbm4b:s8+s3], $0x200, $0x38;
	[tilespmem:$0x1C800] =	vst v63  }
0x37: {  	_ = 	snop  }
0x38: {  	[tilespmem:s21], [sflag:$0x2] =	stream.indirect.gather [hbm4b:s4+s15], $0x80, s15, s15, $0xb8;
	[tilespmem:$0x1C800] =	vst v63  }
0x39: {  	_ =	swait.ge [sflag:s22], $0x4000  }
0x3a: {  	[sflag:s22] =	ssyncset.done $0x0  }
0x3b: {  	s10 =	rddreg [dreg:$0x5];
	[sflag:s22] =	ssyncadd.s32 $0xFFFFC000  }
0x3c: {  	[spmem:s2] =	stream.indirect.scatter.add.f32 [tilespmem:s21], [sflag:$0x4], $0x80, s10, s15, $0xb8;
	[tilespmem:$0x1C800] =	vst v63  }
0x3d: {  	_ =	swait.ge [sflag:s23], $0x4000  }
0x3e: {  	[sflag:s23] =	ssyncset.done $0x0  }
0x3f: {  	s11 =	rddreg [dreg:$0x6];
	[sflag:s23] =	ssyncadd.s32 $0xFFFFC000  }
0x40: {  	[tilespmem:s16], [sflag:$0x1] =	stream.indirect.gather [hbm4b:s4+s15], $0x80, s11, s15, $0xb8;
	[tilespmem:$0x1C800] =	vst v63  }
0x41: {  	_ =	swait.ge [sflag:s18], $0x4000  }
0x42: {  	[sflag:s18] =	ssyncset.done $0x0  }
0x43: {  	s7 =	rddreg [dreg:$0x7];
	[sflag:s18] =	ssyncadd.s32 $0xFFFFC000  }
0x44: {  	[spmem:s2] =	stream.indirect.scatter.add.f32 [tilespmem:s16], [sflag:$0x3], $0x80, s7, s15, $0xb8;
	[tilespmem:$0x1C800] =	vst v63  }
0x45: {  	_ =	swait.ge [sflag:s24], $0x4000  }
0x46: {  	[sflag:s24] =	ssyncset.done $0x0  }
0x47: {  	s8 =	rddreg [dreg:$0x8];
	[sflag:s24] =	ssyncadd.s32 $0xFFFFC000  }
0x48: {  	[tilespmem:s21], [sflag:$0x2] =	stream.indirect.gather [hbm4b:s4+s15], $0x80, s8, s15, $0xb8;
	[tilespmem:$0x1C800] =	vst v63  }
0x49: {  	_ =	swait.ge [sflag:s22], $0x4000  }
0x4a: {  	[sflag:s22] =	ssyncset.done $0x0  }
0x4b: {  	s10 =	rddreg [dreg:$0x9];
	[sflag:s22] =	ssyncadd.s32 $0xFFFFC000  }
0x4c: {  	[spmem:s2] =	stream.indirect.scatter.add.f32 [tilespmem:s21], [sflag:$0x4], $0x80, s10, s15, $0xb8;
	[tilespmem:$0x1C800] =	vst v63  }
0x4d: {  	_ =	swait.ge [sflag:s23], $0x4000  }
0x4e: {  	[sflag:s23] =	ssyncset.done $0x0  }
0x4f: {  	[sflag:s23] =	ssyncadd.s32 $0xFFFFC000  }
0x50: {  	_ =	swait.ge [sflag:s25], $0x200  }
0x51: {  	[sflag:s25] =	ssyncset.done $0x0  }
0x52: {  	[sflag:s25] =	ssyncadd.s32 $0xFFFFFE00  }
0x53: {  	_ =	swait.ge [sflag:s25], $0x200  }
0x54: {  	[sflag:s25] =	ssyncset.done $0x0  }
0x55: {  	[sflag:s25] =	ssyncadd.s32 $0xFFFFFE00  }
0x56: {  	[tilespmem:s16], [sflag:$0x1] =	stream.indirect.gather [hbm4b:s4+s15], $0x80, s19, s15, $0xb8;
	[tilespmem:$0x1C800] =	vst v63  }
0x57: {  	_ =	swait.ge [sflag:s18], $0x4000  }
0x58: {  	[sflag:s18] =	ssyncset.done $0x0  }
0x59: {  	[sflag:s18] =	ssyncadd.s32 $0xFFFFC000  }
0x5a: {  	[spmem:s2] =	stream.indirect.scatter.add.f32 [tilespmem:s16], [sflag:$0x3], $0x80, s20, s15, $0xb8;
	[tilespmem:$0x1C800] =	vst v63  }
0x5b: {  	_ =	swait.ge [sflag:s24], $0x4000  }
0x5c: {  	[sflag:s24] =	ssyncset.done $0x0  }
0x5d: {  	s11 =	rddreg [dreg:$0xa];
	[sflag:s24] =	ssyncadd.s32 $0xFFFFC000  }
0x5e: {  	[tilespmem:s21], [sflag:$0x2] =	stream.indirect.gather [hbm4b:s4+s15], $0x80, s11, s15, $0xb8;
	[tilespmem:$0x1C800] =	vst v63  }
0x5f: {  	_ =	swait.ge [sflag:s22], $0x4000  }
0x60: {  	[sflag:s22] =	ssyncset.done $0x0  }
0x61: {  	[sflag:s22] =	ssyncadd.s32 $0xFFFFC000  }
0x62: {  	[spmem:s2] =	stream.indirect.scatter.add.f32 [tilespmem:s21], [sflag:$0x4], $0x80, s26, s15, $0xb8;
	[tilespmem:$0x1C800] =	vst v63  }
0x63: {  	p0 =	por $0x0, $0x0;
	_ =	swait.ge [sflag:s23], $0x4000  }
0x64: {  	s7 =	simm.s32 @!p0 $0x0;
	s5 =	rddreg [dreg:$0x4];
	[sflag:s23] =	ssyncset.done $0x0  }
0x65: {  	s8 =	sadd.s32 @!p0 $0x0, s9;
	[sflag:s23] =	ssyncadd.s32 $0xFFFFC000;
	s5 =	sadd.s32 @!p0 $0x0, s5  }
0x66: {  	[tilespmem:s7], [sflag:$0x5] =	stream.linear.gather @!p0 [hbm4b:s5+s7], $0x200, $0x38;
	[tilespmem:$0x1C800] =	vst v63  }
0x67: {  	s5 =	sadd.s32 @!p0 $0x80, s8;
	s8 =	simm.s32 @!p0 $0x200  }
0x68: {  	[tilespmem:s8], [sflag:$0x5] =	stream.linear.gather @!p0 [hbm4b:s5+s7], $0x200, $0x38;
	[tilespmem:$0x1C800] =	vst v63  }
0x69: {  	_ = 	snop  }
0x6a: {  	[tilespmem:s16], [sflag:$0x1] =	stream.indirect.gather [hbm4b:s4+s15], $0x80, s28, s15, $0xb8;
	[tilespmem:$0x1C800] =	vst v63  }
0x6b: {  	_ =	swait.ge [sflag:s18], $0x4000  }
0x6c: {  	[sflag:s18] =	ssyncset.done $0x0  }
0x6d: {  	[sflag:s18] =	ssyncadd.s32 $0xFFFFC000  }
0x6e: {  	[spmem:s2] =	stream.indirect.scatter.add.f32 [tilespmem:s16], [sflag:$0x3], $0x80, s29, s15, $0xb8;
	[tilespmem:$0x1C800] =	vst v63  }
0x6f: {  	_ =	swait.ge [sflag:s24], $0x4000  }
0x70: {  	[sflag:s24] =	ssyncset.done $0x0  }
0x71: {  	[sflag:s24] =	ssyncadd.s32 $0xFFFFC000  }
0x72: {  	[tilespmem:s21], [sflag:$0x2] =	stream.indirect.gather [hbm4b:s4+s15], $0x80, s30, s15, $0xb8;
	[tilespmem:$0x1C800] =	vst v63  }
0x73: {  	_ =	swait.ge [sflag:s22], $0x4000  }
0x74: {  	[sflag:s22] =	ssyncset.done $0x0  }
0x75: {  	[sflag:s22] =	ssyncadd.s32 $0xFFFFC000  }
0x76: {  	[spmem:s2] =	stream.indirect.scatter.add.f32 [tilespmem:s21], [sflag:$0x4], $0x80, s31, s15, $0xb8;
	[tilespmem:$0x1C800] =	vst v63  }
0x77: {  	_ =	swait.ge [sflag:s23], $0x4000  }
0x78: {  	[sflag:s23] =	ssyncset.done $0x0  }
0x79: {  	s5 =	simm.s32 @!p0 $0x5;
	[sflag:s23] =	ssyncadd.s32 $0xFFFFC000  }
0x7a: {  	_ =	swait.ge @!p0 [sflag:s5], $0x200  }
0x7b: {  	[sflag:s5] =	ssyncset.done @!p0 $0x0  }
0x7c: {  	[sflag:s5] =	ssyncadd.s32 @!p0 $0xFFFFFE00  }
0x7d: {  	_ =	swait.ge @!p0 [sflag:s5], $0x200  }
0x7e: {  	[sflag:s5] =	ssyncset.done @!p0 $0x0  }
0x7f: {  	s8 =	simm.s32 @!p0 $0x80;
	[sflag:s5] =	ssyncadd.s32 @!p0 $0xFFFFFE00;
	s5 =	simm.s32 @!p0 $0x800  }
0x80: {  	[tilespmem:s5], [sflag:$0x1] =	stream.indirect.gather @!p0 [hbm4b:s4+s8], $0x80, s7, s8, $0xb8;
	[tilespmem:$0x1C800] =	vst v63  }
0x81: {  	s5 =	simm.s32 $0x80;
	_ =	swait.ge [sflag:s24], $0x4000  }
.LBB2_2:
0x82: {  	[sflag:s24] =	ssyncset.done $0x0  }
0x83: {  	[sflag:s24] =	ssyncadd.s32 $0xFFFFC000  }
0x84: {  	_ =	swait.ge [sflag:s18], $0x4000  }
0x85: {  	[sflag:s18] =	ssyncset.done $0x0  }
0x86: {  	s7 =	smov.u32 s5;
	s8 =	rddreg [dreg:$0x3];
	[sflag:s18] =	ssyncadd.s32 $0xFFFFC000  }
0x87: {  	[spmem:s2] =	stream.indirect.scatter.add.f32 [tilespmem:s16], [sflag:$0x3], $0x80, s13, s15, $0xb8;
	[tilespmem:$0x1C800] =	vst v63  }
0x88: {  	s10 =	sadd.s32 s7, s9;
	s8 =	sadd.s32 s7, s8  }
0x89: {  	[tilespmem:s19], [sflag:$0x6] =	stream.linear.gather [hbm4b:s8+s3], $0x200, $0x38;
	[tilespmem:$0x1C800] =	vst v63  }
0x8a: {  	s11 =	sadd.s32 $0x40, s10  }
0x8b: {  	[tilespmem:s20], [sflag:$0x6] =	stream.linear.gather [hbm4b:s11+s3], $0x200, $0x38;
	[tilespmem:$0x1C800] =	vst v63  }
0x8c: {  	_ = 	snop  }
0x8d: {  	[tilespmem:s21], [sflag:$0x2] =	stream.indirect.gather [hbm4b:s4+s15], $0x80, s15, s15, $0xb8;
	[tilespmem:$0x1C800] =	vst v63  }
0x8e: {  	_ =	swait.ge [sflag:s22], $0x4000  }
0x8f: {  	[sflag:s22] =	ssyncset.done $0x0  }
0x90: {  	s10 =	rddreg [dreg:$0x5];
	[sflag:s22] =	ssyncadd.s32 $0xFFFFC000  }
0x91: {  	[spmem:s2] =	stream.indirect.scatter.add.f32 [tilespmem:s21], [sflag:$0x4], $0x80, s10, s15, $0xb8;
	[tilespmem:$0x1C800] =	vst v63  }
0x92: {  	_ =	swait.ge [sflag:s23], $0x4000  }
0x93: {  	[sflag:s23] =	ssyncset.done $0x0  }
0x94: {  	s11 =	rddreg [dreg:$0x6];
	[sflag:s23] =	ssyncadd.s32 $0xFFFFC000  }
0x95: {  	[tilespmem:s16], [sflag:$0x1] =	stream.indirect.gather [hbm4b:s4+s15], $0x80, s11, s15, $0xb8;
	[tilespmem:$0x1C800] =	vst v63  }
0x96: {  	_ =	swait.ge [sflag:s18], $0x4000  }
0x97: {  	[sflag:s18] =	ssyncset.done $0x0  }
0x98: {  	s10 =	rddreg [dreg:$0x7];
	[sflag:s18] =	ssyncadd.s32 $0xFFFFC000  }
0x99: {  	[spmem:s2] =	stream.indirect.scatter.add.f32 [tilespmem:s16], [sflag:$0x3], $0x80, s10, s15, $0xb8;
	[tilespmem:$0x1C800] =	vst v63  }
0x9a: {  	_ =	swait.ge [sflag:s24], $0x4000  }
0x9b: {  	[sflag:s24] =	ssyncset.done $0x0  }
0x9c: {  	s11 =	rddreg [dreg:$0x8];
	[sflag:s24] =	ssyncadd.s32 $0xFFFFC000  }
0x9d: {  	[tilespmem:s21], [sflag:$0x2] =	stream.indirect.gather [hbm4b:s4+s15], $0x80, s11, s15, $0xb8;
	[tilespmem:$0x1C800] =	vst v63  }
0x9e: {  	_ =	swait.ge [sflag:s22], $0x4000  }
0x9f: {  	[sflag:s22] =	ssyncset.done $0x0  }
0xa0: {  	s10 =	rddreg [dreg:$0x9];
	[sflag:s22] =	ssyncadd.s32 $0xFFFFC000  }
0xa1: {  	[spmem:s2] =	stream.indirect.scatter.add.f32 [tilespmem:s21], [sflag:$0x4], $0x80, s10, s15, $0xb8;
	[tilespmem:$0x1C800] =	vst v63  }
0xa2: {  	_ =	swait.ge [sflag:s23], $0x4000  }
0xa3: {  	[sflag:s23] =	ssyncset.done $0x0  }
0xa4: {  	[sflag:s23] =	ssyncadd.s32 $0xFFFFC000  }
0xa5: {  	_ =	swait.ge [sflag:s25], $0x200  }
0xa6: {  	[sflag:s25] =	ssyncset.done $0x0  }
0xa7: {  	[sflag:s25] =	ssyncadd.s32 $0xFFFFFE00  }
0xa8: {  	_ =	swait.ge [sflag:s25], $0x200  }
0xa9: {  	[sflag:s25] =	ssyncset.done $0x0  }
0xaa: {  	[sflag:s25] =	ssyncadd.s32 $0xFFFFFE00  }
0xab: {  	[tilespmem:s16], [sflag:$0x1] =	stream.indirect.gather [hbm4b:s4+s15], $0x80, s19, s15, $0xb8;
	[tilespmem:$0x1C800] =	vst v63  }
0xac: {  	_ =	swait.ge [sflag:s18], $0x4000  }
0xad: {  	[sflag:s18] =	ssyncset.done $0x0  }
0xae: {  	[sflag:s18] =	ssyncadd.s32 $0xFFFFC000  }
0xaf: {  	[spmem:s2] =	stream.indirect.scatter.add.f32 [tilespmem:s16], [sflag:$0x3], $0x80, s20, s15, $0xb8;
	[tilespmem:$0x1C800] =	vst v63  }
0xb0: {  	_ =	swait.ge [sflag:s24], $0x4000  }
0xb1: {  	[sflag:s24] =	ssyncset.done $0x0  }
0xb2: {  	s11 =	rddreg [dreg:$0xa];
	[sflag:s24] =	ssyncadd.s32 $0xFFFFC000  }
0xb3: {  	[tilespmem:s21], [sflag:$0x2] =	stream.indirect.gather [hbm4b:s4+s15], $0x80, s11, s15, $0xb8;
	[tilespmem:$0x1C800] =	vst v63  }
0xb4: {  	_ =	swait.ge [sflag:s22], $0x4000  }
0xb5: {  	[sflag:s22] =	ssyncset.done $0x0  }
0xb6: {  	[sflag:s22] =	ssyncadd.s32 $0xFFFFC000  }
0xb7: {  	[spmem:s2] =	stream.indirect.scatter.add.f32 [tilespmem:s21], [sflag:$0x4], $0x80, s26, s15, $0xb8;
	[tilespmem:$0x1C800] =	vst v63  }
0xb8: {  	p1 =	seq.s32 s7, $0x480;
	_ =	swait.ge [sflag:s23], $0x4000  }
0xb9: {  	s10 =	simm.s32 @!p1 $0x0;
	s8 =	rddreg [dreg:$0x4];
	[sflag:s23] =	ssyncset.done $0x0  }
0xba: {  	s11 =	sadd.s32 @!p1 s7, s9;
	[sflag:s23] =	ssyncadd.s32 $0xFFFFC000;
	s7 =	sadd.s32 @!p1 s7, s8  }
0xbb: {  	[tilespmem:s10], [sflag:$0x5] =	stream.linear.gather @!p1 [hbm4b:s7+s10], $0x200, $0x38;
	[tilespmem:$0x1C800] =	vst v63  }
0xbc: {  	s8 =	sadd.s32 @!p1 $0x80, s11;
	s11 =	simm.s32 @!p1 $0x200  }
0xbd: {  	[tilespmem:s11], [sflag:$0x5] =	stream.linear.gather @!p1 [hbm4b:s8+s10], $0x200, $0x38;
	[tilespmem:$0x1C800] =	vst v63  }
0xbe: {  	_ = 	snop  }
0xbf: {  	[tilespmem:s16], [sflag:$0x1] =	stream.indirect.gather [hbm4b:s4+s15], $0x80, s28, s15, $0xb8;
	[tilespmem:$0x1C800] =	vst v63  }
0xc0: {  	_ =	swait.ge [sflag:s18], $0x4000  }
0xc1: {  	[sflag:s18] =	ssyncset.done $0x0  }
0xc2: {  	[sflag:s18] =	ssyncadd.s32 $0xFFFFC000  }
0xc3: {  	[spmem:s2] =	stream.indirect.scatter.add.f32 [tilespmem:s16], [sflag:$0x3], $0x80, s29, s15, $0xb8;
	[tilespmem:$0x1C800] =	vst v63  }
0xc4: {  	_ =	swait.ge [sflag:s24], $0x4000  }
0xc5: {  	[sflag:s24] =	ssyncset.done $0x0  }
0xc6: {  	[sflag:s24] =	ssyncadd.s32 $0xFFFFC000  }
0xc7: {  	[tilespmem:s21], [sflag:$0x2] =	stream.indirect.gather [hbm4b:s4+s15], $0x80, s30, s15, $0xb8;
	[tilespmem:$0x1C800] =	vst v63  }
0xc8: {  	_ =	swait.ge [sflag:s22], $0x4000  }
0xc9: {  	[sflag:s22] =	ssyncset.done $0x0  }
0xca: {  	[sflag:s22] =	ssyncadd.s32 $0xFFFFC000  }
0xcb: {  	[spmem:s2] =	stream.indirect.scatter.add.f32 [tilespmem:s21], [sflag:$0x4], $0x80, s31, s15, $0xb8;
	[tilespmem:$0x1C800] =	vst v63  }
0xcc: {  	_ =	swait.ge [sflag:s23], $0x4000  }
0xcd: {  	[sflag:s23] =	ssyncset.done $0x0  }
0xce: {  	s7 =	simm.s32 @!p1 $0x5;
	[sflag:s23] =	ssyncadd.s32 $0xFFFFC000  }
0xcf: {  	_ =	swait.ge @!p1 [sflag:s7], $0x200  }
0xd0: {  	s5 =	sadd.s32 $0x80, s5;
	[sflag:s7] =	ssyncset.done @!p1 $0x0  }
0xd1: {  	p0 =	sne.s32 s5, $0x500;
	[sflag:s7] =	ssyncadd.s32 @!p1 $0xFFFFFE00  }
.Ltmp0:
0xd2: {  	_ =	swait.ge @!p1 [sflag:s7], $0x200;
	(pc) =	sbr.rel @p0 .LBB2_2-.Ltmp0, $4  }
0xd3: {  	[sflag:s7] =	ssyncset.done @!p1 $0x0  }
0xd4: {  	s8 =	simm.s32 @!p1 $0x80;
	s11 =	simm.s32 @!p1 $0x800;
	[sflag:s7] =	ssyncadd.s32 @!p1 $0xFFFFFE00  }
0xd5: {  	[tilespmem:s11], [sflag:$0x1] =	stream.indirect.gather @!p1 [hbm4b:s4+s8], $0x80, s10, s8, $0xb8;
	[tilespmem:$0x1C800] =	vst v63  }
0xd6: {  	_ =	swait.ge [sflag:s24], $0x4000  }
0xd7: {  	[sflag:s24] =	ssyncset.done $0x0  }
0xd8: {  	[sflag:s24] =	ssyncadd.s32 $0xFFFFC000  }
0xd9: {  	[bflag:$0x0] =	sbarrier.arrive $0xFFFF  }
0xda: {  	s5 =	sor.u32 $0x1C08, s6;
	s7 =	rddreg [dreg:$0xe]  }
0xdb: {  	[hbm:s7], [sflag:s5] =	dma.local [spmem:s12], $0x2800  }
0xdc: {  	_ =	swait.ge [sflag:s0], $0x2800  }
0xdd: {  	s1 =	sadd.s32 $0x1, s1;
	s11 =	rddreg [dreg:$0xf]  }
0xde: {  	p0 =	sne.s32 s1, s11  }
.Ltmp1:
0xdf: {  	_ = 	snop;
	(pc) =	sbr.rel @p0 .LBB2_1-.Ltmp1, $3  }
0xe0: {  	_ =	sdelay $0x1  }
0xe1: {  	[sflag:s0] =	ssyncset.done $0x0  }
0xe2: {  	[sflag:s0] =	ssyncadd.s32 $0xFFFFD800  }
0xe3: {  	_ =	sfence.sel $0x180000  }
0xe4: {  	[bflag:$0x0] =	sbarrier.arrive $0xFFFF  }
0xe5: {  	_ =	strace $0x9000004A  }
0xe6: {  	s0 =	stileid.u32;
	[bflag:$0x2] =	sbarrier.arrive $0xFFFF  }
0xe7: {  	p0 =	sne.s32 s0, $0x0;
	s0 =	rddreg [dreg:$0x2]  }
0xe8: {  	s0 =	sadd.s32 @!p0 $0x100000, s0  }
0xe9: {  	[sflag:s0] =	ssyncadd.tile.s32 @!p0 $0x1;
	_ =	shalt  }
.Lfunc_end2:
_tile_overlayer_lowered:
.L_overlay_start_2:
0xea: {  	(tag) =	ssettag $0x2  }
0xeb: {  	s0 =	rddreg [dreg:$0x0];
	s2 =	stileid.u32  }
0xec: {  	s1 =	rddreg [dreg:$0x1];
	p0 =	sne.s32 s2, $0x0  }
0xed: {  	s3 =	rddreg [dreg:$0x2];
	[bflag:$0x3] =	sbarrier.arrive $0xFFFF;
	s2 =	simm.s32 @!p0 $0x1C08  }
0xee: {  	[timem:s3], [sflag:s2] =	dma.local @!p0 [hbm:s0], s1  }
0xef: {  	s0 =	simm.s32 @!p0 $0x8  }
0xf0: {  	_ =	swait.ge @!p0 [sflag:s0], s1  }
0xf1: {  	s1 =	ssub.s32 @!p0 $0x0, s1;
	[sflag:s0] =	ssyncset.done @!p0 $0x0  }
0xf2: {  	[sflag:s0] =	ssyncadd.s32 @!p0 s1  }
0xf3: {  	[bflag:$0x3] =	sbarrier.arrive $0xFFFF  }
0xf4: {  	_ =	shalt  }

// kernel: kernel.15.cloned.1.call-start
scs
__scs_entry_jumppad:
0x0: {  	(pc) =	sbr.rel $0x88, $3  }
0x1: {  	(tag) =	ssettag $0x0;
	lr =	simm.s32 $0x1  }
0x2: {  	[smem:$0x3F8A] =	sst lr;
	_ =	strace $0xD0000000  }
0x3: {  	_ = 	snop  }
0x4: {  	_ = 	snop  }
0x5: {  	_ = 	snop  }
0x6: {  	_ = 	snop  }
0x7: {  	_ = 	snop  }
__scs_overlays_trampoline_lowered:
0x8: {  	[smem:$0x3F99] =	sst s0  }
0x9: {  	[smem:$0x3F9A] =	sst s1  }
0xa: {  	[smem:$0x3F9B] =	sst s2  }
0xb: {  	[smem:$0x3F9C] =	sst s3  }
0xc: {  	[smem:$0x3F9D] =	sst s4  }
0xd: {  	[smem:$0x3F9E] =	sst s5  }
0xe: {  	[smem:$0x3F9F] =	sst s6  }
0xf: {  	[smem:$0x3FA0] =	sst s7  }
0x10: {  	[smem:$0x3FA1] =	sst s8  }
0x11: {  	[smem:$0x3FA2] =	sst s9;
	s0 =	simm.s32 @!p0 $0x0  }
0x12: {  	s1 =	sld [smem:$0x3F88];
	s0 =	simm.s32 @p0 $0x1  }
0x13: {  	[smem:$0x3FA3] =	sst s0;
	s0 =	simm.s32 @!p1 $0x0  }
0x14: {  	s2 =	sld [smem:$0x3F87];
	s0 =	simm.s32 @p1 $0x1  }
0x15: {  	[smem:$0x3FA4] =	sst s0;
	s0 =	simm.s32 @!p2 $0x0  }
0x16: {  	s3 =	sld [smem:$0x3FDB];
	s0 =	simm.s32 @p2 $0x1  }
0x17: {  	s4 =	simm.s32 $0x1BF5;
	[smem:$0x3FA6] =	sst s0  }
0x18: {  	s0 =	sld [smem:$0x3F89];
	_ =	swait.ge [sflag:s4], $0x0  }
0x19: {  	s7 =	sld [smem:$0x3F8A]  }
0x1a: {  	s8 =	sadd.s32 $0xFFFFE003, lr  }
0x1b: {  	s9 =	sadd.s32 $0xFFFFFEF7, lr;
	s5 =	simm.s32 $0xFFFFFFFF;
	p2 =	slt.u32 s8, $0xFFFFF086  }
0x1c: {  	p1 =	slt.u32 s9, $0xF7A;
	s5 =	simm.s32 @!p2 $0x0  }
0x1d: {  	s5 =	simm.s32 @p1 $0x1;
	p0 =	seq.s32 s7, s2  }
0x1e: {  	s7 =	smul.u32 @!p0 $0xF7A, s2;
	p2 =	seq.s32 @!p0 s5, $0x0  }
0x1f: {  	s9 =	smul.u32 $0xF7A, s1;
	s8 =	simm.s32 @!p0 $0x1BF5;
	p2 =	por !p2, p0  }
0x20: {  	[sflag:s8] =	ssyncset.s32 @!p0 $0xFFFFF086;
	s6 =	sadd.s32 @!p0 s3, s7;
	s7 =	simm.s32 @!p0 $0x108  }
0x21: {  	s3 =	sadd.s32 s3, s9;
	s6 =	sadd.s32 @!p0 $0x88, s6;
	s7 =	simm.s32 @p2 $0x1082  }
0x22: {  	[simem:s7], [sflag:s8] =	dma.local @!p0 [hbm:s6], $0xF7A  }
0x23: {  	s9 =	sor.u32 $0xD0000000, s2;
	s6 =	simm.s32 $0x108;
	_ =	swait.ge @!p0 [sflag:s8], $0x0  }
0x24: {  	s3 =	sadd.s32 $0x88, s3;
	s6 =	simm.s32 @!p1 $0x1082;
	[sflag:s4] =	ssyncset.s32 $0xFFFFF086  }
0x25: {  	[simem:s6], [sflag:s4] =	dma.local [hbm:s3], $0xF7A  }
0x26: {  	[smem:$0x3F8A] =	sst s1;
	(tag) =	ssettag s2;
	_ =	strace s9  }
0x27: {  	s1 =	sld [smem:$0x3F9A]  }
0x28: {  	s2 =	sld [smem:$0x3F9B]  }
0x29: {  	s4 =	sld [smem:$0x3F9D]  }
0x2a: {  	p0 =	seq.s32 s5, $0x0;
	s5 =	sld [smem:$0x3F9E]  }
0x2b: {  	s6 =	sld [smem:$0x3F9F]  }
0x2c: {  	s7 =	sld [smem:$0x3FA0]  }
0x2d: {  	s3 =	simm.s32 $0x108;
	s8 =	sld [smem:$0x3FA1]  }
0x2e: {  	s3 =	simm.s32 @!p0 $0x1082;
	s9 =	sld [smem:$0x3FA2]  }
0x2f: {  	lr =	sadd.s32 s0, s3;
	s0 =	sld [smem:$0x3F99]  }
0x30: {  	s3 =	sld [smem:$0x3F9C]  }
0x31: {  	[smem:$0x3FA5] =	sst s10  }
0x32: {  	s10 =	sld [smem:$0x3FA3];
	_ =	sdelay $0x3  }
0x33: {  	p0 =	seq.s32 s10, $0x1;
	s10 =	sld [smem:$0x3FA5];
	_ =	sdelay $0x3  }
0x34: {  	[smem:$0x3FA5] =	sst s10  }
0x35: {  	s10 =	sld [smem:$0x3FA4];
	_ =	sdelay $0x3  }
0x36: {  	p1 =	seq.s32 s10, $0x1;
	s10 =	sld [smem:$0x3FA5];
	_ =	sdelay $0x3  }
0x37: {  	[smem:$0x3FA5] =	sst s10  }
0x38: {  	s10 =	sld [smem:$0x3FA6]  }
0x39: {  	_ = 	snop;
	(pc) =	sbr.ind lr, $3  }
0x3a: {  	_ = 	snop  }
0x3b: {  	_ = 	snop  }
0x3c: {  	p2 =	seq.s32 s10, $0x1;
	s10 =	sld [smem:$0x3FA5]  }
0x3d: {  	_ =	shalt  }
0x3e: {  	_ =	shalt  }
0x3f: {  	_ =	shalt  }
0x40: {  	_ =	shalt  }
0x41: {  	_ =	shalt  }
0x42: {  	_ =	shalt  }
0x43: {  	_ =	shalt  }
0x44: {  	_ =	shalt  }
0x45: {  	_ =	shalt  }
0x46: {  	_ =	shalt  }
0x47: {  	_ =	shalt  }
0x48: {  	_ =	shalt  }
0x49: {  	_ =	shalt  }
0x4a: {  	_ =	shalt  }
0x4b: {  	_ =	shalt  }
0x4c: {  	_ =	shalt  }
0x4d: {  	_ =	shalt  }
0x4e: {  	_ =	shalt  }
0x4f: {  	_ =	shalt  }
0x50: {  	_ =	shalt  }
0x51: {  	_ =	shalt  }
0x52: {  	_ =	shalt  }
0x53: {  	_ =	shalt  }
0x54: {  	_ =	shalt  }
0x55: {  	_ =	shalt  }
0x56: {  	_ =	shalt  }
0x57: {  	_ =	shalt  }
0x58: {  	_ =	shalt  }
0x59: {  	_ =	shalt  }
0x5a: {  	_ =	shalt  }
0x5b: {  	_ =	shalt  }
0x5c: {  	_ =	shalt  }
0x5d: {  	_ =	shalt  }
0x5e: {  	_ =	shalt  }
0x5f: {  	_ =	shalt  }
0x60: {  	_ =	shalt  }
0x61: {  	_ =	shalt  }
0x62: {  	_ =	shalt  }
0x63: {  	_ =	shalt  }
0x64: {  	_ =	shalt  }
0x65: {  	_ =	shalt  }
0x66: {  	_ =	shalt  }
0x67: {  	_ =	shalt  }
0x68: {  	_ =	shalt  }
0x69: {  	_ =	shalt  }
0x6a: {  	_ =	shalt  }
0x6b: {  	_ =	shalt  }
0x6c: {  	_ =	shalt  }
0x6d: {  	_ =	shalt  }
0x6e: {  	_ =	shalt  }
0x6f: {  	_ =	shalt  }
0x70: {  	_ =	shalt  }
0x71: {  	_ =	shalt  }
0x72: {  	_ =	shalt  }
0x73: {  	_ =	shalt  }
0x74: {  	_ =	shalt  }
0x75: {  	_ =	shalt  }
0x76: {  	_ =	shalt  }
0x77: {  	_ =	shalt  }
0x78: {  	_ =	shalt  }
0x79: {  	_ =	shalt  }
0x7a: {  	_ =	shalt  }
0x7b: {  	_ =	shalt  }
0x7c: {  	_ =	shalt  }
0x7d: {  	_ =	shalt  }
0x7e: {  	_ =	shalt  }
0x7f: {  	_ =	shalt  }
0x80: {  	_ =	shalt  }
0x81: {  	_ =	shalt  }
0x82: {  	_ =	shalt  }
0x83: {  	_ =	shalt  }
0x84: {  	_ =	shalt  }
0x85: {  	_ =	shalt  }
0x86: {  	_ =	shalt  }
0x87: {  	_ =	shalt  }
.Lfunc_end0:
.L_simem_size_0:
called_computation.2_lowered:
.L_overlay_start_0:
0x88: {  	s2 =	sld [smem:$0x3FD9]  }
0x89: {  	s3 =	sld [smem:$0x3FFE];
	_ =	sdelay $0x1  }
0x8a: {  	s1 =	srdreg.scid  }
0x8b: {  	s0 =	sand.u32 $0x1, s1  }
0x8c: {  	s16 =	sshll.u32 s0, $0xA;
	s2 =	sadd.s32 s3, s2  }
0x8d: {  	s2 =	sadd.s32 s2, s16  }
0x8e: {  	[smem:$0x3FB1] =	sst s2  }
0x8f: {  	_ = 	snop  }
0x90: {  	(tm) =	ssettm $0x1  }
0x91: {  	s17 =	sld [smem:$0x3FFB];
	_ =	sdelay $0x3  }
0x92: {  	_ =	strace s17  }
0x93: {  	s2 =	sld [smem:$0x3FFC];
	_ =	sdelay $0x3  }
0x94: {  	_ =	strace s2  }
0x95: {  	s2 =	sld [smem:$0x3FFD];
	_ =	sdelay $0x3  }
0x96: {  	_ =	strace s2  }
0x97: {  	_ =	strace $0x8FFFFFFF  }
0x98: {  	s18 =	sld [smem:$0x3FDB];
	_ =	sdelay $0x1  }
0x99: {  	s19 =	simm.s32 $_scs_section_size  }
0x9a: {  	s4 =	simm.s32 $_size__tile_overlayer_lowered;
	s5 =	simm.s32 $_tile_overlayer_lowered  }
0x9b: {  	s22 =	simm.s32 $0x1BFF;
	s21 =	sshll.u32 s5, $0x1;
	s2 =	sadd.s32 s19, s18  }
0x9c: {  	s6 =	simm.s32 $0x0;
	s20 =	sshll.u32 s4, $0x1;
	s4 =	sadd.s32 s21, s2  }
0x9d: {  	[timem:s6], [sflag:s22] =	dma.local [hbm:s4], s20  }
0x9e: {  	_ =	swait.ge [sflag:s22], s20  }
0x9f: {  	s3 =	ssub.s32 $0x0, s20;
	[sflag:s22] =	ssyncset.done $0x0  }
0xa0: {  	[sflag:s22] =	ssyncadd.s32 s3;
	_ =	sdelay $0x1  }
0xa1: {  	s23 =	simm.s32 $0x1B8B  }
0xa2: {  	_ =	swait.ge [sflag:s23], $0x1  }
0xa3: {  	[sflag:s23] =	ssyncset.done $0x0  }
0xa4: {  	s25 =	simm.s32 $0x1B8E;
	s24 =	sld [smem:$0x3FFE];
	[sflag:s23] =	ssyncadd.s32 $0xFFFFFFFF  }
0xa5: {  	s26 =	simm.s32 $execute0_lowered;
	[smem:$0x3FD2] =	sst s25  }
0xa6: {  	s4 =	sshll.u32 s26, $0x1;
	_ =	strace $0x8000004C;
	[dreg:$0x1] =	wrdreg $0xFFFFFFFF  }
0xa7: {  	s28 =	simm.s32 $_size_execute0_lowered;
	s2 =	sadd.s32 s2, s4;
	[dreg:$0x0] =	wrdreg $0x0  }
0xa8: {  	s4 =	sshll.u32 s28, $0x1;
	[dreg:$0x2] =	wrdreg s2  }
0xa9: {  	[dreg:$0x3] =	wrdreg s4  }
0xaa: {  	[dreg:$0x4] =	wrdreg $0xC0  }
0xab: {  	_ =	task [dreg:s6], $0x5FFFF  }
0xac: {  	[dreg:$0x1] =	wrdreg $0xFFFFFFFF  }
0xad: {  	[dreg:$0x0] =	wrdreg $0x60  }
0xae: {  	[dreg:$0x2] =	wrdreg s24  }
0xaf: {  	[dreg:$0x3] =	wrdreg $0x88000  }
0xb0: {  	[dreg:$0x4] =	wrdreg $0x9  }
0xb1: {  	_ =	task.clear_ibuf [dreg:s6], $0x5FFFF;
	_ =	strace $0x9000004C  }
0xb2: {  	s29 =	simm.s32 $0x9;
	_ =	strace $0x8000004E  }
0xb3: {  	_ =	swait.ge [sflag:s29], $0x1  }
0xb4: {  	[sflag:s29] =	ssyncadd.s32 $0xFFFFFFFF  }
0xb5: {  	_ =	strace $0x9000004E  }
0xb6: {  	_ =	sfence  }
0xb7: {  	s30 =	sld [smem:$0x0];
	_ =	sdelay $0x2  }
0xb8: {  	s31 =	sshll.u32 s1, $0xD;
	s1 =	sshrl.u32 s1, $0x2  }
0xb9: {  	s3 =	sand.u32 $0x4000, s31;
	s1 =	sadd.s32 s1, s30  }
0xba: {  	s0 =	sor.u32 s3, s0;
	s1 =	sshll.u32 s1, $0x11  }
0xbb: {  	s0 =	sor.u32 s1, s0  }
0xbc: {  	s0 =	sadd.s32 $0x8F2B, s0  }
0xbd: {  	[sflag:s0] =	ssyncadd.remote.s32 $0x1  }
0xbe: {  	_ =	sfence.sel $0xFFFF  }
0xbf: {  	[dreg:$0x0] =	wrdreg $0xFFFFFFFF;
	(pc) =	sbr.abs _section_cstart, $3  }
0xc0: {  	[dreg:$0x1] =	wrdreg $0xFFFFFFFF  }
0xc1: {  	_ =	task.clear_ibuf [dreg:s6], $0x2FFFF;
	_ =	strace $0x9FFFFFFF  }
0xc2: {  	(tm) =	ssettm $0x7FFFFFFF  }
0xc3: {  	_ =	shalt  }
tec
execute0_lowered:
.L_overlay_start_1:
0x0: {  	(tag) =	ssettag $0x1  }
0x1: {  	s0 =	rddreg [dreg:$0x0]  }
0x2: {  	s2 =	rddreg [dreg:$0x1]  }
0x3: {  	s14 =	stileid.u32;
	s3 =	simm.s32 $0x0;
	s4 =	srdreg.scid  }
0x4: {  	s21 =	simm.s32 $0x280;
	s22 =	simm.s32 $0x100;
	s23 =	simm.s32 $0x300  }
0x5: {  	s24 =	simm.s32 $0x180;
	s28 =	simm.s32 $0x500;
	s1 =	smul.u32 $0x500, s14  }
0x6: {  	s29 =	simm.s32 $0x700;
	s30 =	simm.s32 $0x580;
	s5 =	smul.u32 $0x2800, s14  }
0x7: {  	s31 =	simm.s32 $0x780;
	[smem:$0x7FF] =	sst s3;
	s9 =	smul.u32 $0x50000, s14  }
0x8: {  	s6 =	sand.u32 $0x1, s4;
	s4 =	sadd.s32 $0x8C000, s0;
	s12 =	smul.u32 $0x50, s14  }
0x9: {  	s8 =	sadd.s32 $0x5A000, s0;
	_ =	strace $0x8000004D;
	s7 =	smul.u32 $0x28000, s6  }
0xa: {  	s11 =	ssub.s32 $0x2, s6;
	s13 =	smul.u32 $0x500, s6;
	[dreg:$0x5] =	wrdreg s21  }
0xb: {  	s6 =	sshll.u32 s6, $0x4;
	s21 =	simm.s32 $0x4800;
	[dreg:$0x6] =	wrdreg s22  }
0xc: {  	s22 =	simm.s32 $0x2;
	[dreg:$0x7] =	wrdreg s23;
	s23 =	simm.s32 $0x3  }
0xd: {  	[dreg:$0x8] =	wrdreg s24;
	s24 =	simm.s32 $0x4;
	s1 =	sadd.s32 s1, s0  }
0xe: {  	s10 =	sadd.s32 s5, s0;
	s25 =	sshrl.u32 s11, $0x1;
	s6 =	sor.u32 s14, s6  }
0xf: {  	s5 =	sadd.s32 s5, s7;
	s26 =	ssub.s32 s11, s25;
	s11 =	sshrl.u32 s9, $0x2  }
0x10: {  	s12 =	sadd.s32 s12, s13;
	s13 =	smul.u32 $0x500, s6;
	s15 =	sadd.s32 $0x64000, s10  }
0x11: {  	s6 =	sshll.u32 s14, $0x6;
	s14 =	simm.s32 $0x5;
	s25 =	simm.s32 $0x380  }
0x12: {  	s0 =	sadd.s32 s5, s0;
	s7 =	sadd.s32 s11, s2;
	s9 =	sshll.u32 s12, $0x4  }
0x13: {  	[dreg:$0xb] =	wrdreg s15;
	s17 =	sor.u32 $0x1C07, s6;
	s20 =	smax.u32 s26, $0x1  }
0x14: {  	s15 =	simm.s32 $0x80;
	[dreg:$0x9] =	wrdreg s25;
	s26 =	simm.s32 $0x480  }
0x15: {  	s25 =	simm.s32 $0x6;
	s16 =	sadd.s32 s9, s8;
	[dreg:$0xc] =	wrdreg s17  }
0x16: {  	s8 =	sadd.s32 s8, s13;
	s9 =	sadd.s32 $0x4600, s1;
	s0 =	sadd.s32 $0x9600, s0  }
0x17: {  	[dreg:$0xf] =	wrdreg s20;
	s12 =	sshrl.u32 s7, $0x3;
	s13 =	simm.s32 $0x200  }
0x18: {  	s17 =	simm.s32 $0x7;
	s20 =	simm.s32 $0x600;
	[dreg:$0xa] =	wrdreg s26  }
0x19: {  	s26 =	simm.s32 $0x680;
	s1 =	simm.s32 $0x0;
	[dreg:$0xd] =	wrdreg s8  }
0x1a: {  	s18 =	sadd.s32 $0x40, s16;
	s19 =	sadd.s32 $0x80, s16;
	[dreg:$0xe] =	wrdreg s0  }
0x1b: {  	s16 =	simm.s32 $0x800;
	s0 =	simm.s32 $0x8;
	[dreg:$0x3] =	wrdreg s18  }
0x1c: {  	[dreg:$0x4] =	wrdreg s19;
	s18 =	simm.s32 $0x1;
	s19 =	simm.s32 $0x400  }
.LBB2_1:
0x1d: {  	s5 =	rddreg [dreg:$0xb]  }
0x1e: {  	s7 =	rddreg [dreg:$0xc]  }
0x1f: {  	[spmem:s12], [sflag:s7] =	dma.local [hbm:s5], $0x2800  }
0x20: {  	s5 =	rddreg [dreg:$0xd]  }
0x21: {  	[tilespmem:s3], [sflag:$0x5] =	stream.linear.gather [hbm4b:s5+s3], $0x200, $0x38;
	[tilespmem:$0x1C800] =	vst v63  }
0x22: {  	_ = 	snop  }
0x23: {  	[tilespmem:s13], [sflag:$0x5] =	stream.linear.gather [hbm4b:s9+s3], $0x200, $0x38;
	[tilespmem:$0x1C800] =	vst v63  }
0x24: {  	_ =	swait.ge [sflag:s14], $0x200  }
0x25: {  	[sflag:s14] =	ssyncset.done $0x0  }
0x26: {  	[sflag:s14] =	ssyncadd.s32 $0xFFFFFE00  }
0x27: {  	_ =	swait.ge [sflag:s14], $0x200  }
0x28: {  	[sflag:s14] =	ssyncset.done $0x0  }
0x29: {  	[sflag:s14] =	ssyncadd.s32 $0xFFFFFE00  }
0x2a: {  	[tilespmem:s16], [sflag:$0x1] =	stream.indirect.gather [hbm4b:s4+s15], $0x80, s3, s15, $0xb8;
	[tilespmem:$0x1C800] =	vst v63  }
0x2b: {  	_ =	swait.ge [sflag:s17], $0x2800  }
0x2c: {  	[sflag:s17] =	ssyncset.done $0x0  }
0x2d: {  	[sflag:s17] =	ssyncadd.s32 $0xFFFFD800  }
0x2e: {  	[bflag:$0x0] =	sbarrier.arrive $0xFFFF  }
0x2f: {  	_ =	swait.ge [sflag:s18], $0x4000  }
0x30: {  	[sflag:s18] =	ssyncset.done $0x0  }
0x31: {  	s10 =	rddreg [dreg:$0x3];
	[sflag:s18] =	ssyncadd.s32 $0xFFFFC000  }
0x32: {  	[spmem:s2] =	stream.indirect.scatter.add.f32 [tilespmem:s16], [sflag:$0x3], $0x80, s13, s15, $0xb8;
	[tilespmem:$0x1C800] =	vst v63  }
0x33: {  	s11 =	sadd.s32 $0x0, s9;
	s5 =	sadd.s32 $0x0, s10  }
0x34: {  	[tilespmem:s19], [sflag:$0x6] =	stream.linear.gather [hbm4b:s5+s3], $0x200, $0x38;
	[tilespmem:$0x1C800] =	vst v63  }
0x35: {  	s8 =	sadd.s32 $0x40, s11  }
0x36: {  	[tilespmem:s20], [sflag:$0x6] =	stream.linear.gather [hbm4b:s8+s3], $0x200, $0x38;
	[tilespmem:$0x1C800] =	vst v63  }
0x37: {  	_ = 	snop  }
0x38: {  	[tilespmem:s21], [sflag:$0x2] =	stream.indirect.gather [hbm4b:s4+s15], $0x80, s15, s15, $0xb8;
	[tilespmem:$0x1C800] =	vst v63  }
0x39: {  	_ =	swait.ge [sflag:s22], $0x4000  }
0x3a: {  	[sflag:s22] =	ssyncset.done $0x0  }
0x3b: {  	s10 =	rddreg [dreg:$0x5];
	[sflag:s22] =	ssyncadd.s32 $0xFFFFC000  }
0x3c: {  	[spmem:s2] =	stream.indirect.scatter.add.f32 [tilespmem:s21], [sflag:$0x4], $0x80, s10, s15, $0xb8;
	[tilespmem:$0x1C800] =	vst v63  }
0x3d: {  	_ =	swait.ge [sflag:s23], $0x4000  }
0x3e: {  	[sflag:s23] =	ssyncset.done $0x0  }
0x3f: {  	s11 =	rddreg [dreg:$0x6];
	[sflag:s23] =	ssyncadd.s32 $0xFFFFC000  }
0x40: {  	[tilespmem:s16], [sflag:$0x1] =	stream.indirect.gather [hbm4b:s4+s15], $0x80, s11, s15, $0xb8;
	[tilespmem:$0x1C800] =	vst v63  }
0x41: {  	_ =	swait.ge [sflag:s18], $0x4000  }
0x42: {  	[sflag:s18] =	ssyncset.done $0x0  }
0x43: {  	s7 =	rddreg [dreg:$0x7];
	[sflag:s18] =	ssyncadd.s32 $0xFFFFC000  }
0x44: {  	[spmem:s2] =	stream.indirect.scatter.add.f32 [tilespmem:s16], [sflag:$0x3], $0x80, s7, s15, $0xb8;
	[tilespmem:$0x1C800] =	vst v63  }
0x45: {  	_ =	swait.ge [sflag:s24], $0x4000  }
0x46: {  	[sflag:s24] =	ssyncset.done $0x0  }
0x47: {  	s8 =	rddreg [dreg:$0x8];
	[sflag:s24] =	ssyncadd.s32 $0xFFFFC000  }
0x48: {  	[tilespmem:s21], [sflag:$0x2] =	stream.indirect.gather [hbm4b:s4+s15], $0x80, s8, s15, $0xb8;
	[tilespmem:$0x1C800] =	vst v63  }
0x49: {  	_ =	swait.ge [sflag:s22], $0x4000  }
0x4a: {  	[sflag:s22] =	ssyncset.done $0x0  }
0x4b: {  	s10 =	rddreg [dreg:$0x9];
	[sflag:s22] =	ssyncadd.s32 $0xFFFFC000  }
0x4c: {  	[spmem:s2] =	stream.indirect.scatter.add.f32 [tilespmem:s21], [sflag:$0x4], $0x80, s10, s15, $0xb8;
	[tilespmem:$0x1C800] =	vst v63  }
0x4d: {  	_ =	swait.ge [sflag:s23], $0x4000  }
0x4e: {  	[sflag:s23] =	ssyncset.done $0x0  }
0x4f: {  	[sflag:s23] =	ssyncadd.s32 $0xFFFFC000  }
0x50: {  	_ =	swait.ge [sflag:s25], $0x200  }
0x51: {  	[sflag:s25] =	ssyncset.done $0x0  }
0x52: {  	[sflag:s25] =	ssyncadd.s32 $0xFFFFFE00  }
0x53: {  	_ =	swait.ge [sflag:s25], $0x200  }
0x54: {  	[sflag:s25] =	ssyncset.done $0x0  }
0x55: {  	[sflag:s25] =	ssyncadd.s32 $0xFFFFFE00  }
0x56: {  	[tilespmem:s16], [sflag:$0x1] =	stream.indirect.gather [hbm4b:s4+s15], $0x80, s19, s15, $0xb8;
	[tilespmem:$0x1C800] =	vst v63  }
0x57: {  	_ =	swait.ge [sflag:s18], $0x4000  }
0x58: {  	[sflag:s18] =	ssyncset.done $0x0  }
0x59: {  	[sflag:s18] =	ssyncadd.s32 $0xFFFFC000  }
0x5a: {  	[spmem:s2] =	stream.indirect.scatter.add.f32 [tilespmem:s16], [sflag:$0x3], $0x80, s20, s15, $0xb8;
	[tilespmem:$0x1C800] =	vst v63  }
0x5b: {  	_ =	swait.ge [sflag:s24], $0x4000  }
0x5c: {  	[sflag:s24] =	ssyncset.done $0x0  }
0x5d: {  	s11 =	rddreg [dreg:$0xa];
	[sflag:s24] =	ssyncadd.s32 $0xFFFFC000  }
0x5e: {  	[tilespmem:s21], [sflag:$0x2] =	stream.indirect.gather [hbm4b:s4+s15], $0x80, s11, s15, $0xb8;
	[tilespmem:$0x1C800] =	vst v63  }
0x5f: {  	_ =	swait.ge [sflag:s22], $0x4000  }
0x60: {  	[sflag:s22] =	ssyncset.done $0x0  }
0x61: {  	[sflag:s22] =	ssyncadd.s32 $0xFFFFC000  }
0x62: {  	[spmem:s2] =	stream.indirect.scatter.add.f32 [tilespmem:s21], [sflag:$0x4], $0x80, s26, s15, $0xb8;
	[tilespmem:$0x1C800] =	vst v63  }
0x63: {  	p0 =	por $0x0, $0x0;
	_ =	swait.ge [sflag:s23], $0x4000  }
0x64: {  	s7 =	simm.s32 @!p0 $0x0;
	s5 =	rddreg [dreg:$0x4];
	[sflag:s23] =	ssyncset.done $0x0  }
0x65: {  	s8 =	sadd.s32 @!p0 $0x0, s9;
	[sflag:s23] =	ssyncadd.s32 $0xFFFFC000;
	s5 =	sadd.s32 @!p0 $0x0, s5  }
0x66: {  	[tilespmem:s7], [sflag:$0x5] =	stream.linear.gather @!p0 [hbm4b:s5+s7], $0x200, $0x38;
	[tilespmem:$0x1C800] =	vst v63  }
0x67: {  	s5 =	sadd.s32 @!p0 $0x80, s8;
	s8 =	simm.s32 @!p0 $0x200  }
0x68: {  	[tilespmem:s8], [sflag:$0x5] =	stream.linear.gather @!p0 [hbm4b:s5+s7], $0x200, $0x38;
	[tilespmem:$0x1C800] =	vst v63  }
0x69: {  	_ = 	snop  }
0x6a: {  	[tilespmem:s16], [sflag:$0x1] =	stream.indirect.gather [hbm4b:s4+s15], $0x80, s28, s15, $0xb8;
	[tilespmem:$0x1C800] =	vst v63  }
0x6b: {  	_ =	swait.ge [sflag:s18], $0x4000  }
0x6c: {  	[sflag:s18] =	ssyncset.done $0x0  }
0x6d: {  	[sflag:s18] =	ssyncadd.s32 $0xFFFFC000  }
0x6e: {  	[spmem:s2] =	stream.indirect.scatter.add.f32 [tilespmem:s16], [sflag:$0x3], $0x80, s29, s15, $0xb8;
	[tilespmem:$0x1C800] =	vst v63  }
0x6f: {  	_ =	swait.ge [sflag:s24], $0x4000  }
0x70: {  	[sflag:s24] =	ssyncset.done $0x0  }
0x71: {  	[sflag:s24] =	ssyncadd.s32 $0xFFFFC000  }
0x72: {  	[tilespmem:s21], [sflag:$0x2] =	stream.indirect.gather [hbm4b:s4+s15], $0x80, s30, s15, $0xb8;
	[tilespmem:$0x1C800] =	vst v63  }
0x73: {  	_ =	swait.ge [sflag:s22], $0x4000  }
0x74: {  	[sflag:s22] =	ssyncset.done $0x0  }
0x75: {  	[sflag:s22] =	ssyncadd.s32 $0xFFFFC000  }
0x76: {  	[spmem:s2] =	stream.indirect.scatter.add.f32 [tilespmem:s21], [sflag:$0x4], $0x80, s31, s15, $0xb8;
	[tilespmem:$0x1C800] =	vst v63  }
0x77: {  	_ =	swait.ge [sflag:s23], $0x4000  }
0x78: {  	[sflag:s23] =	ssyncset.done $0x0  }
0x79: {  	s5 =	simm.s32 @!p0 $0x5;
	[sflag:s23] =	ssyncadd.s32 $0xFFFFC000  }
0x7a: {  	_ =	swait.ge @!p0 [sflag:s5], $0x200  }
0x7b: {  	[sflag:s5] =	ssyncset.done @!p0 $0x0  }
0x7c: {  	[sflag:s5] =	ssyncadd.s32 @!p0 $0xFFFFFE00  }
0x7d: {  	_ =	swait.ge @!p0 [sflag:s5], $0x200  }
0x7e: {  	[sflag:s5] =	ssyncset.done @!p0 $0x0  }
0x7f: {  	s8 =	simm.s32 @!p0 $0x80;
	[sflag:s5] =	ssyncadd.s32 @!p0 $0xFFFFFE00;
	s5 =	simm.s32 @!p0 $0x800  }
0x80: {  	[tilespmem:s5], [sflag:$0x1] =	stream.indirect.gather @!p0 [hbm4b:s4+s8], $0x80, s7, s8, $0xb8;
	[tilespmem:$0x1C800] =	vst v63  }
0x81: {  	s5 =	simm.s32 $0x80;
	_ =	swait.ge [sflag:s24], $0x4000  }
.LBB2_2:
0x82: {  	[sflag:s24] =	ssyncset.done $0x0  }
0x83: {  	[sflag:s24] =	ssyncadd.s32 $0xFFFFC000  }
0x84: {  	_ =	swait.ge [sflag:s18], $0x4000  }
0x85: {  	[sflag:s18] =	ssyncset.done $0x0  }
0x86: {  	s7 =	smov.u32 s5;
	s8 =	rddreg [dreg:$0x3];
	[sflag:s18] =	ssyncadd.s32 $0xFFFFC000  }
0x87: {  	[spmem:s2] =	stream.indirect.scatter.add.f32 [tilespmem:s16], [sflag:$0x3], $0x80, s13, s15, $0xb8;
	[tilespmem:$0x1C800] =	vst v63  }
0x88: {  	s10 =	sadd.s32 s7, s9;
	s8 =	sadd.s32 s7, s8  }
0x89: {  	[tilespmem:s19], [sflag:$0x6] =	stream.linear.gather [hbm4b:s8+s3], $0x200, $0x38;
	[tilespmem:$0x1C800] =	vst v63  }
0x8a: {  	s11 =	sadd.s32 $0x40, s10  }
0x8b: {  	[tilespmem:s20], [sflag:$0x6] =	stream.linear.gather [hbm4b:s11+s3], $0x200, $0x38;
	[tilespmem:$0x1C800] =	vst v63  }
0x8c: {  	_ = 	snop  }
0x8d: {  	[tilespmem:s21], [sflag:$0x2] =	stream.indirect.gather [hbm4b:s4+s15], $0x80, s15, s15, $0xb8;
	[tilespmem:$0x1C800] =	vst v63  }
0x8e: {  	_ =	swait.ge [sflag:s22], $0x4000  }
0x8f: {  	[sflag:s22] =	ssyncset.done $0x0  }
0x90: {  	s10 =	rddreg [dreg:$0x5];
	[sflag:s22] =	ssyncadd.s32 $0xFFFFC000  }
0x91: {  	[spmem:s2] =	stream.indirect.scatter.add.f32 [tilespmem:s21], [sflag:$0x4], $0x80, s10, s15, $0xb8;
	[tilespmem:$0x1C800] =	vst v63  }
0x92: {  	_ =	swait.ge [sflag:s23], $0x4000  }
0x93: {  	[sflag:s23] =	ssyncset.done $0x0  }
0x94: {  	s11 =	rddreg [dreg:$0x6];
	[sflag:s23] =	ssyncadd.s32 $0xFFFFC000  }
0x95: {  	[tilespmem:s16], [sflag:$0x1] =	stream.indirect.gather [hbm4b:s4+s15], $0x80, s11, s15, $0xb8;
	[tilespmem:$0x1C800] =	vst v63  }
0x96: {  	_ =	swait.ge [sflag:s18], $0x4000  }
0x97: {  	[sflag:s18] =	ssyncset.done $0x0  }
0x98: {  	s10 =	rddreg [dreg:$0x7];
	[sflag:s18] =	ssyncadd.s32 $0xFFFFC000  }
0x99: {  	[spmem:s2] =	stream.indirect.scatter.add.f32 [tilespmem:s16], [sflag:$0x3], $0x80, s10, s15, $0xb8;
	[tilespmem:$0x1C800] =	vst v63  }
0x9a: {  	_ =	swait.ge [sflag:s24], $0x4000  }
0x9b: {  	[sflag:s24] =	ssyncset.done $0x0  }
0x9c: {  	s11 =	rddreg [dreg:$0x8];
	[sflag:s24] =	ssyncadd.s32 $0xFFFFC000  }
0x9d: {  	[tilespmem:s21], [sflag:$0x2] =	stream.indirect.gather [hbm4b:s4+s15], $0x80, s11, s15, $0xb8;
	[tilespmem:$0x1C800] =	vst v63  }
0x9e: {  	_ =	swait.ge [sflag:s22], $0x4000  }
0x9f: {  	[sflag:s22] =	ssyncset.done $0x0  }
0xa0: {  	s10 =	rddreg [dreg:$0x9];
	[sflag:s22] =	ssyncadd.s32 $0xFFFFC000  }
0xa1: {  	[spmem:s2] =	stream.indirect.scatter.add.f32 [tilespmem:s21], [sflag:$0x4], $0x80, s10, s15, $0xb8;
	[tilespmem:$0x1C800] =	vst v63  }
0xa2: {  	_ =	swait.ge [sflag:s23], $0x4000  }
0xa3: {  	[sflag:s23] =	ssyncset.done $0x0  }
0xa4: {  	[sflag:s23] =	ssyncadd.s32 $0xFFFFC000  }
0xa5: {  	_ =	swait.ge [sflag:s25], $0x200  }
0xa6: {  	[sflag:s25] =	ssyncset.done $0x0  }
0xa7: {  	[sflag:s25] =	ssyncadd.s32 $0xFFFFFE00  }
0xa8: {  	_ =	swait.ge [sflag:s25], $0x200  }
0xa9: {  	[sflag:s25] =	ssyncset.done $0x0  }
0xaa: {  	[sflag:s25] =	ssyncadd.s32 $0xFFFFFE00  }
0xab: {  	[tilespmem:s16], [sflag:$0x1] =	stream.indirect.gather [hbm4b:s4+s15], $0x80, s19, s15, $0xb8;
	[tilespmem:$0x1C800] =	vst v63  }
0xac: {  	_ =	swait.ge [sflag:s18], $0x4000  }
0xad: {  	[sflag:s18] =	ssyncset.done $0x0  }
0xae: {  	[sflag:s18] =	ssyncadd.s32 $0xFFFFC000  }
0xaf: {  	[spmem:s2] =	stream.indirect.scatter.add.f32 [tilespmem:s16], [sflag:$0x3], $0x80, s20, s15, $0xb8;
	[tilespmem:$0x1C800] =	vst v63  }
0xb0: {  	_ =	swait.ge [sflag:s24], $0x4000  }
0xb1: {  	[sflag:s24] =	ssyncset.done $0x0  }
0xb2: {  	s11 =	rddreg [dreg:$0xa];
	[sflag:s24] =	ssyncadd.s32 $0xFFFFC000  }
0xb3: {  	[tilespmem:s21], [sflag:$0x2] =	stream.indirect.gather [hbm4b:s4+s15], $0x80, s11, s15, $0xb8;
	[tilespmem:$0x1C800] =	vst v63  }
0xb4: {  	_ =	swait.ge [sflag:s22], $0x4000  }
0xb5: {  	[sflag:s22] =	ssyncset.done $0x0  }
0xb6: {  	[sflag:s22] =	ssyncadd.s32 $0xFFFFC000  }
0xb7: {  	[spmem:s2] =	stream.indirect.scatter.add.f32 [tilespmem:s21], [sflag:$0x4], $0x80, s26, s15, $0xb8;
	[tilespmem:$0x1C800] =	vst v63  }
0xb8: {  	p1 =	seq.s32 s7, $0x480;
	_ =	swait.ge [sflag:s23], $0x4000  }
0xb9: {  	s10 =	simm.s32 @!p1 $0x0;
	s8 =	rddreg [dreg:$0x4];
	[sflag:s23] =	ssyncset.done $0x0  }
0xba: {  	s11 =	sadd.s32 @!p1 s7, s9;
	[sflag:s23] =	ssyncadd.s32 $0xFFFFC000;
	s7 =	sadd.s32 @!p1 s7, s8  }
0xbb: {  	[tilespmem:s10], [sflag:$0x5] =	stream.linear.gather @!p1 [hbm4b:s7+s10], $0x200, $0x38;
	[tilespmem:$0x1C800] =	vst v63  }
0xbc: {  	s8 =	sadd.s32 @!p1 $0x80, s11;
	s11 =	simm.s32 @!p1 $0x200  }
0xbd: {  	[tilespmem:s11], [sflag:$0x5] =	stream.linear.gather @!p1 [hbm4b:s8+s10], $0x200, $0x38;
	[tilespmem:$0x1C800] =	vst v63  }
0xbe: {  	_ = 	snop  }
0xbf: {  	[tilespmem:s16], [sflag:$0x1] =	stream.indirect.gather [hbm4b:s4+s15], $0x80, s28, s15, $0xb8;
	[tilespmem:$0x1C800] =	vst v63  }
0xc0: {  	_ =	swait.ge [sflag:s18], $0x4000  }
0xc1: {  	[sflag:s18] =	ssyncset.done $0x0  }
0xc2: {  	[sflag:s18] =	ssyncadd.s32 $0xFFFFC000  }
0xc3: {  	[spmem:s2] =	stream.indirect.scatter.add.f32 [tilespmem:s16], [sflag:$0x3], $0x80, s29, s15, $0xb8;
	[tilespmem:$0x1C800] =	vst v63  }
0xc4: {  	_ =	swait.ge [sflag:s24], $0x4000  }
0xc5: {  	[sflag:s24] =	ssyncset.done $0x0  }
0xc6: {  	[sflag:s24] =	ssyncadd.s32 $0xFFFFC000  }
0xc7: {  	[tilespmem:s21], [sflag:$0x2] =	stream.indirect.gather [hbm4b:s4+s15], $0x80, s30, s15, $0xb8;
	[tilespmem:$0x1C800] =	vst v63  }
0xc8: {  	_ =	swait.ge [sflag:s22], $0x4000  }
0xc9: {  	[sflag:s22] =	ssyncset.done $0x0  }
0xca: {  	[sflag:s22] =	ssyncadd.s32 $0xFFFFC000  }
0xcb: {  	[spmem:s2] =	stream.indirect.scatter.add.f32 [tilespmem:s21], [sflag:$0x4], $0x80, s31, s15, $0xb8;
	[tilespmem:$0x1C800] =	vst v63  }
0xcc: {  	_ =	swait.ge [sflag:s23], $0x4000  }
0xcd: {  	[sflag:s23] =	ssyncset.done $0x0  }
0xce: {  	s7 =	simm.s32 @!p1 $0x5;
	[sflag:s23] =	ssyncadd.s32 $0xFFFFC000  }
0xcf: {  	_ =	swait.ge @!p1 [sflag:s7], $0x200  }
0xd0: {  	s5 =	sadd.s32 $0x80, s5;
	[sflag:s7] =	ssyncset.done @!p1 $0x0  }
0xd1: {  	p0 =	sne.s32 s5, $0x500;
	[sflag:s7] =	ssyncadd.s32 @!p1 $0xFFFFFE00  }
.Ltmp0:
0xd2: {  	_ =	swait.ge @!p1 [sflag:s7], $0x200;
	(pc) =	sbr.rel @p0 .LBB2_2-.Ltmp0, $4  }
0xd3: {  	[sflag:s7] =	ssyncset.done @!p1 $0x0  }
0xd4: {  	s8 =	simm.s32 @!p1 $0x80;
	s11 =	simm.s32 @!p1 $0x800;
	[sflag:s7] =	ssyncadd.s32 @!p1 $0xFFFFFE00  }
0xd5: {  	[tilespmem:s11], [sflag:$0x1] =	stream.indirect.gather @!p1 [hbm4b:s4+s8], $0x80, s10, s8, $0xb8;
	[tilespmem:$0x1C800] =	vst v63  }
0xd6: {  	_ =	swait.ge [sflag:s24], $0x4000  }
0xd7: {  	[sflag:s24] =	ssyncset.done $0x0  }
0xd8: {  	[sflag:s24] =	ssyncadd.s32 $0xFFFFC000  }
0xd9: {  	[bflag:$0x0] =	sbarrier.arrive $0xFFFF  }
0xda: {  	s5 =	sor.u32 $0x1C08, s6;
	s7 =	rddreg [dreg:$0xe]  }
0xdb: {  	[hbm:s7], [sflag:s5] =	dma.local [spmem:s12], $0x2800  }
0xdc: {  	_ =	swait.ge [sflag:s0], $0x2800  }
0xdd: {  	s1 =	sadd.s32 $0x1, s1;
	s11 =	rddreg [dreg:$0xf]  }
0xde: {  	p0 =	sne.s32 s1, s11  }
.Ltmp1:
0xdf: {  	_ = 	snop;
	(pc) =	sbr.rel @p0 .LBB2_1-.Ltmp1, $3  }
0xe0: {  	_ =	sdelay $0x1  }
0xe1: {  	[sflag:s0] =	ssyncset.done $0x0  }
0xe2: {  	[sflag:s0] =	ssyncadd.s32 $0xFFFFD800  }
0xe3: {  	_ =	sfence.sel $0x180000  }
0xe4: {  	[bflag:$0x0] =	sbarrier.arrive $0xFFFF  }
0xe5: {  	_ =	strace $0x9000004D  }
0xe6: {  	s0 =	stileid.u32;
	[bflag:$0x2] =	sbarrier.arrive $0xFFFF  }
0xe7: {  	p0 =	sne.s32 s0, $0x0;
	s0 =	rddreg [dreg:$0x2]  }
0xe8: {  	s0 =	sadd.s32 @!p0 $0x100000, s0  }
0xe9: {  	[sflag:s0] =	ssyncadd.tile.s32 @!p0 $0x1;
	_ =	shalt  }
.Lfunc_end2:
_tile_overlayer_lowered:
.L_overlay_start_2:
0xea: {  	(tag) =	ssettag $0x2  }
0xeb: {  	s0 =	rddreg [dreg:$0x0];
	s2 =	stileid.u32  }
0xec: {  	s1 =	rddreg [dreg:$0x1];
	p0 =	sne.s32 s2, $0x0  }
0xed: {  	s3 =	rddreg [dreg:$0x2];
	[bflag:$0x3] =	sbarrier.arrive $0xFFFF;
	s2 =	simm.s32 @!p0 $0x1C08  }
0xee: {  	[timem:s3], [sflag:s2] =	dma.local @!p0 [hbm:s0], s1  }
0xef: {  	s0 =	simm.s32 @!p0 $0x8  }
0xf0: {  	_ =	swait.ge @!p0 [sflag:s0], s1  }
0xf1: {  	s1 =	ssub.s32 @!p0 $0x0, s1;
	[sflag:s0] =	ssyncset.done @!p0 $0x0  }
0xf2: {  	[sflag:s0] =	ssyncadd.s32 @!p0 s1  }
0xf3: {  	[bflag:$0x3] =	sbarrier.arrive $0xFFFF  }
0xf4: {  	_ =	shalt  }

// kernel: kernel.18.cloned.1.call-start
scs
__scs_entry_jumppad:
0x0: {  	(pc) =	sbr.rel $0x88, $3  }
0x1: {  	(tag) =	ssettag $0x0;
	lr =	simm.s32 $0x1  }
0x2: {  	[smem:$0x3F8A] =	sst lr;
	_ =	strace $0xD0000000  }
0x3: {  	_ = 	snop  }
0x4: {  	_ = 	snop  }
0x5: {  	_ = 	snop  }
0x6: {  	_ = 	snop  }
0x7: {  	_ = 	snop  }
__scs_overlays_trampoline_lowered:
0x8: {  	[smem:$0x3F99] =	sst s0  }
0x9: {  	[smem:$0x3F9A] =	sst s1  }
0xa: {  	[smem:$0x3F9B] =	sst s2  }
0xb: {  	[smem:$0x3F9C] =	sst s3  }
0xc: {  	[smem:$0x3F9D] =	sst s4  }
0xd: {  	[smem:$0x3F9E] =	sst s5  }
0xe: {  	[smem:$0x3F9F] =	sst s6  }
0xf: {  	[smem:$0x3FA0] =	sst s7  }
0x10: {  	[smem:$0x3FA1] =	sst s8  }
0x11: {  	[smem:$0x3FA2] =	sst s9;
	s0 =	simm.s32 @!p0 $0x0  }
0x12: {  	s1 =	sld [smem:$0x3F88];
	s0 =	simm.s32 @p0 $0x1  }
0x13: {  	[smem:$0x3FA3] =	sst s0;
	s0 =	simm.s32 @!p1 $0x0  }
0x14: {  	s2 =	sld [smem:$0x3F87];
	s0 =	simm.s32 @p1 $0x1  }
0x15: {  	[smem:$0x3FA4] =	sst s0;
	s0 =	simm.s32 @!p2 $0x0  }
0x16: {  	s3 =	sld [smem:$0x3FDB];
	s0 =	simm.s32 @p2 $0x1  }
0x17: {  	s4 =	simm.s32 $0x1BF5;
	[smem:$0x3FA6] =	sst s0  }
0x18: {  	s0 =	sld [smem:$0x3F89];
	_ =	swait.ge [sflag:s4], $0x0  }
0x19: {  	s7 =	sld [smem:$0x3F8A]  }
0x1a: {  	s8 =	sadd.s32 $0xFFFFE003, lr  }
0x1b: {  	s9 =	sadd.s32 $0xFFFFFEF7, lr;
	s5 =	simm.s32 $0xFFFFFFFF;
	p2 =	slt.u32 s8, $0xFFFFF086  }
0x1c: {  	p1 =	slt.u32 s9, $0xF7A;
	s5 =	simm.s32 @!p2 $0x0  }
0x1d: {  	s5 =	simm.s32 @p1 $0x1;
	p0 =	seq.s32 s7, s2  }
0x1e: {  	s7 =	smul.u32 @!p0 $0xF7A, s2;
	p2 =	seq.s32 @!p0 s5, $0x0  }
0x1f: {  	s9 =	smul.u32 $0xF7A, s1;
	s8 =	simm.s32 @!p0 $0x1BF5;
	p2 =	por !p2, p0  }
0x20: {  	[sflag:s8] =	ssyncset.s32 @!p0 $0xFFFFF086;
	s6 =	sadd.s32 @!p0 s3, s7;
	s7 =	simm.s32 @!p0 $0x108  }
0x21: {  	s3 =	sadd.s32 s3, s9;
	s6 =	sadd.s32 @!p0 $0x88, s6;
	s7 =	simm.s32 @p2 $0x1082  }
0x22: {  	[simem:s7], [sflag:s8] =	dma.local @!p0 [hbm:s6], $0xF7A  }
0x23: {  	s9 =	sor.u32 $0xD0000000, s2;
	s6 =	simm.s32 $0x108;
	_ =	swait.ge @!p0 [sflag:s8], $0x0  }
0x24: {  	s3 =	sadd.s32 $0x88, s3;
	s6 =	simm.s32 @!p1 $0x1082;
	[sflag:s4] =	ssyncset.s32 $0xFFFFF086  }
0x25: {  	[simem:s6], [sflag:s4] =	dma.local [hbm:s3], $0xF7A  }
0x26: {  	[smem:$0x3F8A] =	sst s1;
	(tag) =	ssettag s2;
	_ =	strace s9  }
0x27: {  	s1 =	sld [smem:$0x3F9A]  }
0x28: {  	s2 =	sld [smem:$0x3F9B]  }
0x29: {  	s4 =	sld [smem:$0x3F9D]  }
0x2a: {  	p0 =	seq.s32 s5, $0x0;
	s5 =	sld [smem:$0x3F9E]  }
0x2b: {  	s6 =	sld [smem:$0x3F9F]  }
0x2c: {  	s7 =	sld [smem:$0x3FA0]  }
0x2d: {  	s3 =	simm.s32 $0x108;
	s8 =	sld [smem:$0x3FA1]  }
0x2e: {  	s3 =	simm.s32 @!p0 $0x1082;
	s9 =	sld [smem:$0x3FA2]  }
0x2f: {  	lr =	sadd.s32 s0, s3;
	s0 =	sld [smem:$0x3F99]  }
0x30: {  	s3 =	sld [smem:$0x3F9C]  }
0x31: {  	[smem:$0x3FA5] =	sst s10  }
0x32: {  	s10 =	sld [smem:$0x3FA3];
	_ =	sdelay $0x3  }
0x33: {  	p0 =	seq.s32 s10, $0x1;
	s10 =	sld [smem:$0x3FA5];
	_ =	sdelay $0x3  }
0x34: {  	[smem:$0x3FA5] =	sst s10  }
0x35: {  	s10 =	sld [smem:$0x3FA4];
	_ =	sdelay $0x3  }
0x36: {  	p1 =	seq.s32 s10, $0x1;
	s10 =	sld [smem:$0x3FA5];
	_ =	sdelay $0x3  }
0x37: {  	[smem:$0x3FA5] =	sst s10  }
0x38: {  	s10 =	sld [smem:$0x3FA6]  }
0x39: {  	_ = 	snop;
	(pc) =	sbr.ind lr, $3  }
0x3a: {  	_ = 	snop  }
0x3b: {  	_ = 	snop  }
0x3c: {  	p2 =	seq.s32 s10, $0x1;
	s10 =	sld [smem:$0x3FA5]  }
0x3d: {  	_ =	shalt  }
0x3e: {  	_ =	shalt  }
0x3f: {  	_ =	shalt  }
0x40: {  	_ =	shalt  }
0x41: {  	_ =	shalt  }
0x42: {  	_ =	shalt  }
0x43: {  	_ =	shalt  }
0x44: {  	_ =	shalt  }
0x45: {  	_ =	shalt  }
0x46: {  	_ =	shalt  }
0x47: {  	_ =	shalt  }
0x48: {  	_ =	shalt  }
0x49: {  	_ =	shalt  }
0x4a: {  	_ =	shalt  }
0x4b: {  	_ =	shalt  }
0x4c: {  	_ =	shalt  }
0x4d: {  	_ =	shalt  }
0x4e: {  	_ =	shalt  }
0x4f: {  	_ =	shalt  }
0x50: {  	_ =	shalt  }
0x51: {  	_ =	shalt  }
0x52: {  	_ =	shalt  }
0x53: {  	_ =	shalt  }
0x54: {  	_ =	shalt  }
0x55: {  	_ =	shalt  }
0x56: {  	_ =	shalt  }
0x57: {  	_ =	shalt  }
0x58: {  	_ =	shalt  }
0x59: {  	_ =	shalt  }
0x5a: {  	_ =	shalt  }
0x5b: {  	_ =	shalt  }
0x5c: {  	_ =	shalt  }
0x5d: {  	_ =	shalt  }
0x5e: {  	_ =	shalt  }
0x5f: {  	_ =	shalt  }
0x60: {  	_ =	shalt  }
0x61: {  	_ =	shalt  }
0x62: {  	_ =	shalt  }
0x63: {  	_ =	shalt  }
0x64: {  	_ =	shalt  }
0x65: {  	_ =	shalt  }
0x66: {  	_ =	shalt  }
0x67: {  	_ =	shalt  }
0x68: {  	_ =	shalt  }
0x69: {  	_ =	shalt  }
0x6a: {  	_ =	shalt  }
0x6b: {  	_ =	shalt  }
0x6c: {  	_ =	shalt  }
0x6d: {  	_ =	shalt  }
0x6e: {  	_ =	shalt  }
0x6f: {  	_ =	shalt  }
0x70: {  	_ =	shalt  }
0x71: {  	_ =	shalt  }
0x72: {  	_ =	shalt  }
0x73: {  	_ =	shalt  }
0x74: {  	_ =	shalt  }
0x75: {  	_ =	shalt  }
0x76: {  	_ =	shalt  }
0x77: {  	_ =	shalt  }
0x78: {  	_ =	shalt  }
0x79: {  	_ =	shalt  }
0x7a: {  	_ =	shalt  }
0x7b: {  	_ =	shalt  }
0x7c: {  	_ =	shalt  }
0x7d: {  	_ =	shalt  }
0x7e: {  	_ =	shalt  }
0x7f: {  	_ =	shalt  }
0x80: {  	_ =	shalt  }
0x81: {  	_ =	shalt  }
0x82: {  	_ =	shalt  }
0x83: {  	_ =	shalt  }
0x84: {  	_ =	shalt  }
0x85: {  	_ =	shalt  }
0x86: {  	_ =	shalt  }
0x87: {  	_ =	shalt  }
.Lfunc_end0:
.L_simem_size_0:
called_computation.3_lowered:
.L_overlay_start_0:
0x88: {  	s2 =	sld [smem:$0x3FD9]  }
0x89: {  	s3 =	sld [smem:$0x3FFE];
	_ =	sdelay $0x1  }
0x8a: {  	s1 =	srdreg.scid  }
0x8b: {  	s0 =	sand.u32 $0x1, s1  }
0x8c: {  	s16 =	sshll.u32 s0, $0xA;
	s2 =	sadd.s32 s3, s2  }
0x8d: {  	s2 =	sadd.s32 s2, s16  }
0x8e: {  	[smem:$0x3FB1] =	sst s2  }
0x8f: {  	_ = 	snop  }
0x90: {  	(tm) =	ssettm $0x1  }
0x91: {  	s17 =	sld [smem:$0x3FFB];
	_ =	sdelay $0x3  }
0x92: {  	_ =	strace s17  }
0x93: {  	s2 =	sld [smem:$0x3FFC];
	_ =	sdelay $0x3  }
0x94: {  	_ =	strace s2  }
0x95: {  	s2 =	sld [smem:$0x3FFD];
	_ =	sdelay $0x3  }
0x96: {  	_ =	strace s2  }
0x97: {  	_ =	strace $0x8FFFFFFF  }
0x98: {  	s18 =	sld [smem:$0x3FDB];
	_ =	sdelay $0x1  }
0x99: {  	s19 =	simm.s32 $_scs_section_size  }
0x9a: {  	s4 =	simm.s32 $_size__tile_overlayer_lowered;
	s5 =	simm.s32 $_tile_overlayer_lowered  }
0x9b: {  	s22 =	simm.s32 $0x1BFF;
	s21 =	sshll.u32 s5, $0x1;
	s2 =	sadd.s32 s19, s18  }
0x9c: {  	s6 =	simm.s32 $0x0;
	s20 =	sshll.u32 s4, $0x1;
	s4 =	sadd.s32 s21, s2  }
0x9d: {  	[timem:s6], [sflag:s22] =	dma.local [hbm:s4], s20  }
0x9e: {  	_ =	swait.ge [sflag:s22], s20  }
0x9f: {  	s3 =	ssub.s32 $0x0, s20;
	[sflag:s22] =	ssyncset.done $0x0  }
0xa0: {  	[sflag:s22] =	ssyncadd.s32 s3;
	_ =	sdelay $0x1  }
0xa1: {  	s23 =	simm.s32 $0x1B8B  }
0xa2: {  	_ =	swait.ge [sflag:s23], $0x1  }
0xa3: {  	[sflag:s23] =	ssyncset.done $0x0  }
0xa4: {  	s25 =	simm.s32 $0x1B8E;
	s24 =	sld [smem:$0x3FFE];
	[sflag:s23] =	ssyncadd.s32 $0xFFFFFFFF  }
0xa5: {  	s26 =	simm.s32 $execute0_lowered;
	[smem:$0x3FD2] =	sst s25  }
0xa6: {  	s4 =	sshll.u32 s26, $0x1;
	_ =	strace $0x8000004F;
	[dreg:$0x1] =	wrdreg $0xFFFFFFFF  }
0xa7: {  	s28 =	simm.s32 $_size_execute0_lowered;
	s2 =	sadd.s32 s2, s4;
	[dreg:$0x0] =	wrdreg $0x0  }
0xa8: {  	s4 =	sshll.u32 s28, $0x1;
	[dreg:$0x2] =	wrdreg s2  }
0xa9: {  	[dreg:$0x3] =	wrdreg s4  }
0xaa: {  	[dreg:$0x4] =	wrdreg $0xC0  }
0xab: {  	_ =	task [dreg:s6], $0x5FFFF  }
0xac: {  	[dreg:$0x1] =	wrdreg $0xFFFFFFFF  }
0xad: {  	[dreg:$0x0] =	wrdreg $0x60  }
0xae: {  	[dreg:$0x2] =	wrdreg s24  }
0xaf: {  	[dreg:$0x3] =	wrdreg $0x88000  }
0xb0: {  	[dreg:$0x4] =	wrdreg $0x9  }
0xb1: {  	_ =	task.clear_ibuf [dreg:s6], $0x5FFFF;
	_ =	strace $0x9000004F  }
0xb2: {  	s29 =	simm.s32 $0x9;
	_ =	strace $0x80000051  }
0xb3: {  	_ =	swait.ge [sflag:s29], $0x1  }
0xb4: {  	[sflag:s29] =	ssyncadd.s32 $0xFFFFFFFF  }
0xb5: {  	_ =	strace $0x90000051  }
0xb6: {  	_ =	sfence  }
0xb7: {  	s30 =	sld [smem:$0x0];
	_ =	sdelay $0x2  }
0xb8: {  	s31 =	sshll.u32 s1, $0xD;
	s1 =	sshrl.u32 s1, $0x2  }
0xb9: {  	s3 =	sand.u32 $0x4000, s31;
	s1 =	sadd.s32 s1, s30  }
0xba: {  	s0 =	sor.u32 s3, s0;
	s1 =	sshll.u32 s1, $0x11  }
0xbb: {  	s0 =	sor.u32 s1, s0  }
0xbc: {  	s0 =	sadd.s32 $0x8F2B, s0  }
0xbd: {  	[sflag:s0] =	ssyncadd.remote.s32 $0x1  }
0xbe: {  	_ =	sfence.sel $0xFFFF  }
0xbf: {  	[dreg:$0x0] =	wrdreg $0xFFFFFFFF;
	(pc) =	sbr.abs _section_cstart, $3  }
0xc0: {  	[dreg:$0x1] =	wrdreg $0xFFFFFFFF  }
0xc1: {  	_ =	task.clear_ibuf [dreg:s6], $0x2FFFF;
	_ =	strace $0x9FFFFFFF  }
0xc2: {  	(tm) =	ssettm $0x7FFFFFFF  }
0xc3: {  	_ =	shalt  }
tec
execute0_lowered:
.L_overlay_start_1:
0x0: {  	(tag) =	ssettag $0x1  }
0x1: {  	s0 =	rddreg [dreg:$0x0]  }
0x2: {  	s2 =	rddreg [dreg:$0x1]  }
0x3: {  	s14 =	stileid.u32;
	s3 =	simm.s32 $0x0;
	s4 =	srdreg.scid  }
0x4: {  	s21 =	simm.s32 $0x280;
	s22 =	simm.s32 $0x100;
	s23 =	simm.s32 $0x300  }
0x5: {  	s24 =	simm.s32 $0x180;
	s28 =	simm.s32 $0x500;
	s1 =	smul.u32 $0x500, s14  }
0x6: {  	s29 =	simm.s32 $0x700;
	s30 =	simm.s32 $0x580;
	s5 =	smul.u32 $0x2800, s14  }
0x7: {  	s31 =	simm.s32 $0x780;
	[smem:$0x7FF] =	sst s3;
	s9 =	smul.u32 $0x50000, s14  }
0x8: {  	s6 =	sand.u32 $0x1, s4;
	s4 =	sadd.s32 $0x8C000, s0;
	s12 =	smul.u32 $0x50, s14  }
0x9: {  	s8 =	sadd.s32 $0x5A000, s0;
	_ =	strace $0x80000050;
	s7 =	smul.u32 $0x28000, s6  }
0xa: {  	s11 =	ssub.s32 $0x2, s6;
	s13 =	smul.u32 $0x500, s6;
	[dreg:$0x5] =	wrdreg s21  }
0xb: {  	s6 =	sshll.u32 s6, $0x4;
	s21 =	simm.s32 $0x4800;
	[dreg:$0x6] =	wrdreg s22  }
0xc: {  	s22 =	simm.s32 $0x2;
	[dreg:$0x7] =	wrdreg s23;
	s23 =	simm.s32 $0x3  }
0xd: {  	[dreg:$0x8] =	wrdreg s24;
	s24 =	simm.s32 $0x4;
	s1 =	sadd.s32 s1, s0  }
0xe: {  	s10 =	sadd.s32 s5, s0;
	s25 =	sshrl.u32 s11, $0x1;
	s6 =	sor.u32 s14, s6  }
0xf: {  	s5 =	sadd.s32 s5, s7;
	s26 =	ssub.s32 s11, s25;
	s11 =	sshrl.u32 s9, $0x2  }
0x10: {  	s12 =	sadd.s32 s12, s13;
	s13 =	smul.u32 $0x500, s6;
	s15 =	sadd.s32 $0x64000, s10  }
0x11: {  	s6 =	sshll.u32 s14, $0x6;
	s14 =	simm.s32 $0x5;
	s25 =	simm.s32 $0x380  }
0x12: {  	s0 =	sadd.s32 s5, s0;
	s7 =	sadd.s32 s11, s2;
	s9 =	sshll.u32 s12, $0x4  }
0x13: {  	[dreg:$0xb] =	wrdreg s15;
	s17 =	sor.u32 $0x1C07, s6;
	s20 =	smax.u32 s26, $0x1  }
0x14: {  	s15 =	simm.s32 $0x80;
	[dreg:$0x9] =	wrdreg s25;
	s26 =	simm.s32 $0x480  }
0x15: {  	s25 =	simm.s32 $0x6;
	s16 =	sadd.s32 s9, s8;
	[dreg:$0xc] =	wrdreg s17  }
0x16: {  	s8 =	sadd.s32 s8, s13;
	s9 =	sadd.s32 $0x4600, s1;
	s0 =	sadd.s32 $0x9600, s0  }
0x17: {  	[dreg:$0xf] =	wrdreg s20;
	s12 =	sshrl.u32 s7, $0x3;
	s13 =	simm.s32 $0x200  }
0x18: {  	s17 =	simm.s32 $0x7;
	s20 =	simm.s32 $0x600;
	[dreg:$0xa] =	wrdreg s26  }
0x19: {  	s26 =	simm.s32 $0x680;
	s1 =	simm.s32 $0x0;
	[dreg:$0xd] =	wrdreg s8  }
0x1a: {  	s18 =	sadd.s32 $0x40, s16;
	s19 =	sadd.s32 $0x80, s16;
	[dreg:$0xe] =	wrdreg s0  }
0x1b: {  	s16 =	simm.s32 $0x800;
	s0 =	simm.s32 $0x8;
	[dreg:$0x3] =	wrdreg s18  }
0x1c: {  	[dreg:$0x4] =	wrdreg s19;
	s18 =	simm.s32 $0x1;
	s19 =	simm.s32 $0x400  }
.LBB2_1:
0x1d: {  	s5 =	rddreg [dreg:$0xb]  }
0x1e: {  	s7 =	rddreg [dreg:$0xc]  }
0x1f: {  	[spmem:s12], [sflag:s7] =	dma.local [hbm:s5], $0x2800  }
0x20: {  	s5 =	rddreg [dreg:$0xd]  }
0x21: {  	[tilespmem:s3], [sflag:$0x5] =	stream.linear.gather [hbm4b:s5+s3], $0x200, $0x38;
	[tilespmem:$0x1C800] =	vst v63  }
0x22: {  	_ = 	snop  }
0x23: {  	[tilespmem:s13], [sflag:$0x5] =	stream.linear.gather [hbm4b:s9+s3], $0x200, $0x38;
	[tilespmem:$0x1C800] =	vst v63  }
0x24: {  	_ =	swait.ge [sflag:s14], $0x200  }
0x25: {  	[sflag:s14] =	ssyncset.done $0x0  }
0x26: {  	[sflag:s14] =	ssyncadd.s32 $0xFFFFFE00  }
0x27: {  	_ =	swait.ge [sflag:s14], $0x200  }
0x28: {  	[sflag:s14] =	ssyncset.done $0x0  }
0x29: {  	[sflag:s14] =	ssyncadd.s32 $0xFFFFFE00  }
0x2a: {  	[tilespmem:s16], [sflag:$0x1] =	stream.indirect.gather [hbm4b:s4+s15], $0x80, s3, s15, $0xb8;
	[tilespmem:$0x1C800] =	vst v63  }
0x2b: {  	_ =	swait.ge [sflag:s17], $0x2800  }
0x2c: {  	[sflag:s17] =	ssyncset.done $0x0  }
0x2d: {  	[sflag:s17] =	ssyncadd.s32 $0xFFFFD800  }
0x2e: {  	[bflag:$0x0] =	sbarrier.arrive $0xFFFF  }
0x2f: {  	_ =	swait.ge [sflag:s18], $0x4000  }
0x30: {  	[sflag:s18] =	ssyncset.done $0x0  }
0x31: {  	s10 =	rddreg [dreg:$0x3];
	[sflag:s18] =	ssyncadd.s32 $0xFFFFC000  }
0x32: {  	[spmem:s2] =	stream.indirect.scatter.add.f32 [tilespmem:s16], [sflag:$0x3], $0x80, s13, s15, $0xb8;
	[tilespmem:$0x1C800] =	vst v63  }
0x33: {  	s11 =	sadd.s32 $0x0, s9;
	s5 =	sadd.s32 $0x0, s10  }
0x34: {  	[tilespmem:s19], [sflag:$0x6] =	stream.linear.gather [hbm4b:s5+s3], $0x200, $0x38;
	[tilespmem:$0x1C800] =	vst v63  }
0x35: {  	s8 =	sadd.s32 $0x40, s11  }
0x36: {  	[tilespmem:s20], [sflag:$0x6] =	stream.linear.gather [hbm4b:s8+s3], $0x200, $0x38;
	[tilespmem:$0x1C800] =	vst v63  }
0x37: {  	_ = 	snop  }
0x38: {  	[tilespmem:s21], [sflag:$0x2] =	stream.indirect.gather [hbm4b:s4+s15], $0x80, s15, s15, $0xb8;
	[tilespmem:$0x1C800] =	vst v63  }
0x39: {  	_ =	swait.ge [sflag:s22], $0x4000  }
0x3a: {  	[sflag:s22] =	ssyncset.done $0x0  }
0x3b: {  	s10 =	rddreg [dreg:$0x5];
	[sflag:s22] =	ssyncadd.s32 $0xFFFFC000  }
0x3c: {  	[spmem:s2] =	stream.indirect.scatter.add.f32 [tilespmem:s21], [sflag:$0x4], $0x80, s10, s15, $0xb8;
	[tilespmem:$0x1C800] =	vst v63  }
0x3d: {  	_ =	swait.ge [sflag:s23], $0x4000  }
0x3e: {  	[sflag:s23] =	ssyncset.done $0x0  }
0x3f: {  	s11 =	rddreg [dreg:$0x6];
	[sflag:s23] =	ssyncadd.s32 $0xFFFFC000  }
0x40: {  	[tilespmem:s16], [sflag:$0x1] =	stream.indirect.gather [hbm4b:s4+s15], $0x80, s11, s15, $0xb8;
	[tilespmem:$0x1C800] =	vst v63  }
0x41: {  	_ =	swait.ge [sflag:s18], $0x4000  }
0x42: {  	[sflag:s18] =	ssyncset.done $0x0  }
0x43: {  	s7 =	rddreg [dreg:$0x7];
	[sflag:s18] =	ssyncadd.s32 $0xFFFFC000  }
0x44: {  	[spmem:s2] =	stream.indirect.scatter.add.f32 [tilespmem:s16], [sflag:$0x3], $0x80, s7, s15, $0xb8;
	[tilespmem:$0x1C800] =	vst v63  }
0x45: {  	_ =	swait.ge [sflag:s24], $0x4000  }
0x46: {  	[sflag:s24] =	ssyncset.done $0x0  }
0x47: {  	s8 =	rddreg [dreg:$0x8];
	[sflag:s24] =	ssyncadd.s32 $0xFFFFC000  }
0x48: {  	[tilespmem:s21], [sflag:$0x2] =	stream.indirect.gather [hbm4b:s4+s15], $0x80, s8, s15, $0xb8;
	[tilespmem:$0x1C800] =	vst v63  }
0x49: {  	_ =	swait.ge [sflag:s22], $0x4000  }
0x4a: {  	[sflag:s22] =	ssyncset.done $0x0  }
0x4b: {  	s10 =	rddreg [dreg:$0x9];
	[sflag:s22] =	ssyncadd.s32 $0xFFFFC000  }
0x4c: {  	[spmem:s2] =	stream.indirect.scatter.add.f32 [tilespmem:s21], [sflag:$0x4], $0x80, s10, s15, $0xb8;
	[tilespmem:$0x1C800] =	vst v63  }
0x4d: {  	_ =	swait.ge [sflag:s23], $0x4000  }
0x4e: {  	[sflag:s23] =	ssyncset.done $0x0  }
0x4f: {  	[sflag:s23] =	ssyncadd.s32 $0xFFFFC000  }
0x50: {  	_ =	swait.ge [sflag:s25], $0x200  }
0x51: {  	[sflag:s25] =	ssyncset.done $0x0  }
0x52: {  	[sflag:s25] =	ssyncadd.s32 $0xFFFFFE00  }
0x53: {  	_ =	swait.ge [sflag:s25], $0x200  }
0x54: {  	[sflag:s25] =	ssyncset.done $0x0  }
0x55: {  	[sflag:s25] =	ssyncadd.s32 $0xFFFFFE00  }
0x56: {  	[tilespmem:s16], [sflag:$0x1] =	stream.indirect.gather [hbm4b:s4+s15], $0x80, s19, s15, $0xb8;
	[tilespmem:$0x1C800] =	vst v63  }
0x57: {  	_ =	swait.ge [sflag:s18], $0x4000  }
0x58: {  	[sflag:s18] =	ssyncset.done $0x0  }
0x59: {  	[sflag:s18] =	ssyncadd.s32 $0xFFFFC000  }
0x5a: {  	[spmem:s2] =	stream.indirect.scatter.add.f32 [tilespmem:s16], [sflag:$0x3], $0x80, s20, s15, $0xb8;
	[tilespmem:$0x1C800] =	vst v63  }
0x5b: {  	_ =	swait.ge [sflag:s24], $0x4000  }
0x5c: {  	[sflag:s24] =	ssyncset.done $0x0  }
0x5d: {  	s11 =	rddreg [dreg:$0xa];
	[sflag:s24] =	ssyncadd.s32 $0xFFFFC000  }
0x5e: {  	[tilespmem:s21], [sflag:$0x2] =	stream.indirect.gather [hbm4b:s4+s15], $0x80, s11, s15, $0xb8;
	[tilespmem:$0x1C800] =	vst v63  }
0x5f: {  	_ =	swait.ge [sflag:s22], $0x4000  }
0x60: {  	[sflag:s22] =	ssyncset.done $0x0  }
0x61: {  	[sflag:s22] =	ssyncadd.s32 $0xFFFFC000  }
0x62: {  	[spmem:s2] =	stream.indirect.scatter.add.f32 [tilespmem:s21], [sflag:$0x4], $0x80, s26, s15, $0xb8;
	[tilespmem:$0x1C800] =	vst v63  }
0x63: {  	p0 =	por $0x0, $0x0;
	_ =	swait.ge [sflag:s23], $0x4000  }
0x64: {  	s7 =	simm.s32 @!p0 $0x0;
	s5 =	rddreg [dreg:$0x4];
	[sflag:s23] =	ssyncset.done $0x0  }
0x65: {  	s8 =	sadd.s32 @!p0 $0x0, s9;
	[sflag:s23] =	ssyncadd.s32 $0xFFFFC000;
	s5 =	sadd.s32 @!p0 $0x0, s5  }
0x66: {  	[tilespmem:s7], [sflag:$0x5] =	stream.linear.gather @!p0 [hbm4b:s5+s7], $0x200, $0x38;
	[tilespmem:$0x1C800] =	vst v63  }
0x67: {  	s5 =	sadd.s32 @!p0 $0x80, s8;
	s8 =	simm.s32 @!p0 $0x200  }
0x68: {  	[tilespmem:s8], [sflag:$0x5] =	stream.linear.gather @!p0 [hbm4b:s5+s7], $0x200, $0x38;
	[tilespmem:$0x1C800] =	vst v63  }
0x69: {  	_ = 	snop  }
0x6a: {  	[tilespmem:s16], [sflag:$0x1] =	stream.indirect.gather [hbm4b:s4+s15], $0x80, s28, s15, $0xb8;
	[tilespmem:$0x1C800] =	vst v63  }
0x6b: {  	_ =	swait.ge [sflag:s18], $0x4000  }
0x6c: {  	[sflag:s18] =	ssyncset.done $0x0  }
0x6d: {  	[sflag:s18] =	ssyncadd.s32 $0xFFFFC000  }
0x6e: {  	[spmem:s2] =	stream.indirect.scatter.add.f32 [tilespmem:s16], [sflag:$0x3], $0x80, s29, s15, $0xb8;
	[tilespmem:$0x1C800] =	vst v63  }
0x6f: {  	_ =	swait.ge [sflag:s24], $0x4000  }
0x70: {  	[sflag:s24] =	ssyncset.done $0x0  }
0x71: {  	[sflag:s24] =	ssyncadd.s32 $0xFFFFC000  }
0x72: {  	[tilespmem:s21], [sflag:$0x2] =	stream.indirect.gather [hbm4b:s4+s15], $0x80, s30, s15, $0xb8;
	[tilespmem:$0x1C800] =	vst v63  }
0x73: {  	_ =	swait.ge [sflag:s22], $0x4000  }
0x74: {  	[sflag:s22] =	ssyncset.done $0x0  }
0x75: {  	[sflag:s22] =	ssyncadd.s32 $0xFFFFC000  }
0x76: {  	[spmem:s2] =	stream.indirect.scatter.add.f32 [tilespmem:s21], [sflag:$0x4], $0x80, s31, s15, $0xb8;
	[tilespmem:$0x1C800] =	vst v63  }
0x77: {  	_ =	swait.ge [sflag:s23], $0x4000  }
0x78: {  	[sflag:s23] =	ssyncset.done $0x0  }
0x79: {  	s5 =	simm.s32 @!p0 $0x5;
	[sflag:s23] =	ssyncadd.s32 $0xFFFFC000  }
0x7a: {  	_ =	swait.ge @!p0 [sflag:s5], $0x200  }
0x7b: {  	[sflag:s5] =	ssyncset.done @!p0 $0x0  }
0x7c: {  	[sflag:s5] =	ssyncadd.s32 @!p0 $0xFFFFFE00  }
0x7d: {  	_ =	swait.ge @!p0 [sflag:s5], $0x200  }
0x7e: {  	[sflag:s5] =	ssyncset.done @!p0 $0x0  }
0x7f: {  	s8 =	simm.s32 @!p0 $0x80;
	[sflag:s5] =	ssyncadd.s32 @!p0 $0xFFFFFE00;
	s5 =	simm.s32 @!p0 $0x800  }
0x80: {  	[tilespmem:s5], [sflag:$0x1] =	stream.indirect.gather @!p0 [hbm4b:s4+s8], $0x80, s7, s8, $0xb8;
	[tilespmem:$0x1C800] =	vst v63  }
0x81: {  	s5 =	simm.s32 $0x80;
	_ =	swait.ge [sflag:s24], $0x4000  }
.LBB2_2:
0x82: {  	[sflag:s24] =	ssyncset.done $0x0  }
0x83: {  	[sflag:s24] =	ssyncadd.s32 $0xFFFFC000  }
0x84: {  	_ =	swait.ge [sflag:s18], $0x4000  }
0x85: {  	[sflag:s18] =	ssyncset.done $0x0  }
0x86: {  	s7 =	smov.u32 s5;
	s8 =	rddreg [dreg:$0x3];
	[sflag:s18] =	ssyncadd.s32 $0xFFFFC000  }
0x87: {  	[spmem:s2] =	stream.indirect.scatter.add.f32 [tilespmem:s16], [sflag:$0x3], $0x80, s13, s15, $0xb8;
	[tilespmem:$0x1C800] =	vst v63  }
0x88: {  	s10 =	sadd.s32 s7, s9;
	s8 =	sadd.s32 s7, s8  }
0x89: {  	[tilespmem:s19], [sflag:$0x6] =	stream.linear.gather [hbm4b:s8+s3], $0x200, $0x38;
	[tilespmem:$0x1C800] =	vst v63  }
0x8a: {  	s11 =	sadd.s32 $0x40, s10  }
0x8b: {  	[tilespmem:s20], [sflag:$0x6] =	stream.linear.gather [hbm4b:s11+s3], $0x200, $0x38;
	[tilespmem:$0x1C800] =	vst v63  }
0x8c: {  	_ = 	snop  }
0x8d: {  	[tilespmem:s21], [sflag:$0x2] =	stream.indirect.gather [hbm4b:s4+s15], $0x80, s15, s15, $0xb8;
	[tilespmem:$0x1C800] =	vst v63  }
0x8e: {  	_ =	swait.ge [sflag:s22], $0x4000  }
0x8f: {  	[sflag:s22] =	ssyncset.done $0x0  }
0x90: {  	s10 =	rddreg [dreg:$0x5];
	[sflag:s22] =	ssyncadd.s32 $0xFFFFC000  }
0x91: {  	[spmem:s2] =	stream.indirect.scatter.add.f32 [tilespmem:s21], [sflag:$0x4], $0x80, s10, s15, $0xb8;
	[tilespmem:$0x1C800] =	vst v63  }
0x92: {  	_ =	swait.ge [sflag:s23], $0x4000  }
0x93: {  	[sflag:s23] =	ssyncset.done $0x0  }
0x94: {  	s11 =	rddreg [dreg:$0x6];
	[sflag:s23] =	ssyncadd.s32 $0xFFFFC000  }
0x95: {  	[tilespmem:s16], [sflag:$0x1] =	stream.indirect.gather [hbm4b:s4+s15], $0x80, s11, s15, $0xb8;
	[tilespmem:$0x1C800] =	vst v63  }
0x96: {  	_ =	swait.ge [sflag:s18], $0x4000  }
0x97: {  	[sflag:s18] =	ssyncset.done $0x0  }
0x98: {  	s10 =	rddreg [dreg:$0x7];
	[sflag:s18] =	ssyncadd.s32 $0xFFFFC000  }
0x99: {  	[spmem:s2] =	stream.indirect.scatter.add.f32 [tilespmem:s16], [sflag:$0x3], $0x80, s10, s15, $0xb8;
	[tilespmem:$0x1C800] =	vst v63  }
0x9a: {  	_ =	swait.ge [sflag:s24], $0x4000  }
0x9b: {  	[sflag:s24] =	ssyncset.done $0x0  }
0x9c: {  	s11 =	rddreg [dreg:$0x8];
	[sflag:s24] =	ssyncadd.s32 $0xFFFFC000  }
0x9d: {  	[tilespmem:s21], [sflag:$0x2] =	stream.indirect.gather [hbm4b:s4+s15], $0x80, s11, s15, $0xb8;
	[tilespmem:$0x1C800] =	vst v63  }
0x9e: {  	_ =	swait.ge [sflag:s22], $0x4000  }
0x9f: {  	[sflag:s22] =	ssyncset.done $0x0  }
0xa0: {  	s10 =	rddreg [dreg:$0x9];
	[sflag:s22] =	ssyncadd.s32 $0xFFFFC000  }
0xa1: {  	[spmem:s2] =	stream.indirect.scatter.add.f32 [tilespmem:s21], [sflag:$0x4], $0x80, s10, s15, $0xb8;
	[tilespmem:$0x1C800] =	vst v63  }
0xa2: {  	_ =	swait.ge [sflag:s23], $0x4000  }
0xa3: {  	[sflag:s23] =	ssyncset.done $0x0  }
0xa4: {  	[sflag:s23] =	ssyncadd.s32 $0xFFFFC000  }
0xa5: {  	_ =	swait.ge [sflag:s25], $0x200  }
0xa6: {  	[sflag:s25] =	ssyncset.done $0x0  }
0xa7: {  	[sflag:s25] =	ssyncadd.s32 $0xFFFFFE00  }
0xa8: {  	_ =	swait.ge [sflag:s25], $0x200  }
0xa9: {  	[sflag:s25] =	ssyncset.done $0x0  }
0xaa: {  	[sflag:s25] =	ssyncadd.s32 $0xFFFFFE00  }
0xab: {  	[tilespmem:s16], [sflag:$0x1] =	stream.indirect.gather [hbm4b:s4+s15], $0x80, s19, s15, $0xb8;
	[tilespmem:$0x1C800] =	vst v63  }
0xac: {  	_ =	swait.ge [sflag:s18], $0x4000  }
0xad: {  	[sflag:s18] =	ssyncset.done $0x0  }
0xae: {  	[sflag:s18] =	ssyncadd.s32 $0xFFFFC000  }
0xaf: {  	[spmem:s2] =	stream.indirect.scatter.add.f32 [tilespmem:s16], [sflag:$0x3], $0x80, s20, s15, $0xb8;
	[tilespmem:$0x1C800] =	vst v63  }
0xb0: {  	_ =	swait.ge [sflag:s24], $0x4000  }
0xb1: {  	[sflag:s24] =	ssyncset.done $0x0  }
0xb2: {  	s11 =	rddreg [dreg:$0xa];
	[sflag:s24] =	ssyncadd.s32 $0xFFFFC000  }
0xb3: {  	[tilespmem:s21], [sflag:$0x2] =	stream.indirect.gather [hbm4b:s4+s15], $0x80, s11, s15, $0xb8;
	[tilespmem:$0x1C800] =	vst v63  }
0xb4: {  	_ =	swait.ge [sflag:s22], $0x4000  }
0xb5: {  	[sflag:s22] =	ssyncset.done $0x0  }
0xb6: {  	[sflag:s22] =	ssyncadd.s32 $0xFFFFC000  }
0xb7: {  	[spmem:s2] =	stream.indirect.scatter.add.f32 [tilespmem:s21], [sflag:$0x4], $0x80, s26, s15, $0xb8;
	[tilespmem:$0x1C800] =	vst v63  }
0xb8: {  	p1 =	seq.s32 s7, $0x480;
	_ =	swait.ge [sflag:s23], $0x4000  }
0xb9: {  	s10 =	simm.s32 @!p1 $0x0;
	s8 =	rddreg [dreg:$0x4];
	[sflag:s23] =	ssyncset.done $0x0  }
0xba: {  	s11 =	sadd.s32 @!p1 s7, s9;
	[sflag:s23] =	ssyncadd.s32 $0xFFFFC000;
	s7 =	sadd.s32 @!p1 s7, s8  }
0xbb: {  	[tilespmem:s10], [sflag:$0x5] =	stream.linear.gather @!p1 [hbm4b:s7+s10], $0x200, $0x38;
	[tilespmem:$0x1C800] =	vst v63  }
0xbc: {  	s8 =	sadd.s32 @!p1 $0x80, s11;
	s11 =	simm.s32 @!p1 $0x200  }
0xbd: {  	[tilespmem:s11], [sflag:$0x5] =	stream.linear.gather @!p1 [hbm4b:s8+s10], $0x200, $0x38;
	[tilespmem:$0x1C800] =	vst v63  }
0xbe: {  	_ = 	snop  }
0xbf: {  	[tilespmem:s16], [sflag:$0x1] =	stream.indirect.gather [hbm4b:s4+s15], $0x80, s28, s15, $0xb8;
	[tilespmem:$0x1C800] =	vst v63  }
0xc0: {  	_ =	swait.ge [sflag:s18], $0x4000  }
0xc1: {  	[sflag:s18] =	ssyncset.done $0x0  }
0xc2: {  	[sflag:s18] =	ssyncadd.s32 $0xFFFFC000  }
0xc3: {  	[spmem:s2] =	stream.indirect.scatter.add.f32 [tilespmem:s16], [sflag:$0x3], $0x80, s29, s15, $0xb8;
	[tilespmem:$0x1C800] =	vst v63  }
0xc4: {  	_ =	swait.ge [sflag:s24], $0x4000  }
0xc5: {  	[sflag:s24] =	ssyncset.done $0x0  }
0xc6: {  	[sflag:s24] =	ssyncadd.s32 $0xFFFFC000  }
0xc7: {  	[tilespmem:s21], [sflag:$0x2] =	stream.indirect.gather [hbm4b:s4+s15], $0x80, s30, s15, $0xb8;
	[tilespmem:$0x1C800] =	vst v63  }
0xc8: {  	_ =	swait.ge [sflag:s22], $0x4000  }
0xc9: {  	[sflag:s22] =	ssyncset.done $0x0  }
0xca: {  	[sflag:s22] =	ssyncadd.s32 $0xFFFFC000  }
0xcb: {  	[spmem:s2] =	stream.indirect.scatter.add.f32 [tilespmem:s21], [sflag:$0x4], $0x80, s31, s15, $0xb8;
	[tilespmem:$0x1C800] =	vst v63  }
0xcc: {  	_ =	swait.ge [sflag:s23], $0x4000  }
0xcd: {  	[sflag:s23] =	ssyncset.done $0x0  }
0xce: {  	s7 =	simm.s32 @!p1 $0x5;
	[sflag:s23] =	ssyncadd.s32 $0xFFFFC000  }
0xcf: {  	_ =	swait.ge @!p1 [sflag:s7], $0x200  }
0xd0: {  	s5 =	sadd.s32 $0x80, s5;
	[sflag:s7] =	ssyncset.done @!p1 $0x0  }
0xd1: {  	p0 =	sne.s32 s5, $0x500;
	[sflag:s7] =	ssyncadd.s32 @!p1 $0xFFFFFE00  }
.Ltmp0:
0xd2: {  	_ =	swait.ge @!p1 [sflag:s7], $0x200;
	(pc) =	sbr.rel @p0 .LBB2_2-.Ltmp0, $4  }
0xd3: {  	[sflag:s7] =	ssyncset.done @!p1 $0x0  }
0xd4: {  	s8 =	simm.s32 @!p1 $0x80;
	s11 =	simm.s32 @!p1 $0x800;
	[sflag:s7] =	ssyncadd.s32 @!p1 $0xFFFFFE00  }
0xd5: {  	[tilespmem:s11], [sflag:$0x1] =	stream.indirect.gather @!p1 [hbm4b:s4+s8], $0x80, s10, s8, $0xb8;
	[tilespmem:$0x1C800] =	vst v63  }
0xd6: {  	_ =	swait.ge [sflag:s24], $0x4000  }
0xd7: {  	[sflag:s24] =	ssyncset.done $0x0  }
0xd8: {  	[sflag:s24] =	ssyncadd.s32 $0xFFFFC000  }
0xd9: {  	[bflag:$0x0] =	sbarrier.arrive $0xFFFF  }
0xda: {  	s5 =	sor.u32 $0x1C08, s6;
	s7 =	rddreg [dreg:$0xe]  }
0xdb: {  	[hbm:s7], [sflag:s5] =	dma.local [spmem:s12], $0x2800  }
0xdc: {  	_ =	swait.ge [sflag:s0], $0x2800  }
0xdd: {  	s1 =	sadd.s32 $0x1, s1;
	s11 =	rddreg [dreg:$0xf]  }
0xde: {  	p0 =	sne.s32 s1, s11  }
.Ltmp1:
0xdf: {  	_ = 	snop;
	(pc) =	sbr.rel @p0 .LBB2_1-.Ltmp1, $3  }
0xe0: {  	_ =	sdelay $0x1  }
0xe1: {  	[sflag:s0] =	ssyncset.done $0x0  }
0xe2: {  	[sflag:s0] =	ssyncadd.s32 $0xFFFFD800  }
0xe3: {  	_ =	sfence.sel $0x180000  }
0xe4: {  	[bflag:$0x0] =	sbarrier.arrive $0xFFFF  }
0xe5: {  	_ =	strace $0x90000050  }
0xe6: {  	s0 =	stileid.u32;
	[bflag:$0x2] =	sbarrier.arrive $0xFFFF  }
0xe7: {  	p0 =	sne.s32 s0, $0x0;
	s0 =	rddreg [dreg:$0x2]  }
0xe8: {  	s0 =	sadd.s32 @!p0 $0x100000, s0  }
0xe9: {  	[sflag:s0] =	ssyncadd.tile.s32 @!p0 $0x1;
	_ =	shalt  }
.Lfunc_end2:
_tile_overlayer_lowered:
.L_overlay_start_2:
0xea: {  	(tag) =	ssettag $0x2  }
0xeb: {  	s0 =	rddreg [dreg:$0x0];
	s2 =	stileid.u32  }
0xec: {  	s1 =	rddreg [dreg:$0x1];
	p0 =	sne.s32 s2, $0x0  }
0xed: {  	s3 =	rddreg [dreg:$0x2];
	[bflag:$0x3] =	sbarrier.arrive $0xFFFF;
	s2 =	simm.s32 @!p0 $0x1C08  }
0xee: {  	[timem:s3], [sflag:s2] =	dma.local @!p0 [hbm:s0], s1  }
0xef: {  	s0 =	simm.s32 @!p0 $0x8  }
0xf0: {  	_ =	swait.ge @!p0 [sflag:s0], s1  }
0xf1: {  	s1 =	ssub.s32 @!p0 $0x0, s1;
	[sflag:s0] =	ssyncset.done @!p0 $0x0  }
0xf2: {  	[sflag:s0] =	ssyncadd.s32 @!p0 s1  }
0xf3: {  	[bflag:$0x3] =	sbarrier.arrive $0xFFFF  }
0xf4: {  	_ =	shalt  }

// kernel: kernel.9.cloned.1.call-start
scs
__scs_entry_jumppad:
0x0: {  	(pc) =	sbr.rel $0x88, $3  }
0x1: {  	(tag) =	ssettag $0x0;
	lr =	simm.s32 $0x1  }
0x2: {  	[smem:$0x3F8A] =	sst lr;
	_ =	strace $0xD0000000  }
0x3: {  	_ = 	snop  }
0x4: {  	_ = 	snop  }
0x5: {  	_ = 	snop  }
0x6: {  	_ = 	snop  }
0x7: {  	_ = 	snop  }
__scs_overlays_trampoline_lowered:
0x8: {  	[smem:$0x3F99] =	sst s0  }
0x9: {  	[smem:$0x3F9A] =	sst s1  }
0xa: {  	[smem:$0x3F9B] =	sst s2  }
0xb: {  	[smem:$0x3F9C] =	sst s3  }
0xc: {  	[smem:$0x3F9D] =	sst s4  }
0xd: {  	[smem:$0x3F9E] =	sst s5  }
0xe: {  	[smem:$0x3F9F] =	sst s6  }
0xf: {  	[smem:$0x3FA0] =	sst s7  }
0x10: {  	[smem:$0x3FA1] =	sst s8  }
0x11: {  	[smem:$0x3FA2] =	sst s9;
	s0 =	simm.s32 @!p0 $0x0  }
0x12: {  	s1 =	sld [smem:$0x3F88];
	s0 =	simm.s32 @p0 $0x1  }
0x13: {  	[smem:$0x3FA3] =	sst s0;
	s0 =	simm.s32 @!p1 $0x0  }
0x14: {  	s2 =	sld [smem:$0x3F87];
	s0 =	simm.s32 @p1 $0x1  }
0x15: {  	[smem:$0x3FA4] =	sst s0;
	s0 =	simm.s32 @!p2 $0x0  }
0x16: {  	s3 =	sld [smem:$0x3FDB];
	s0 =	simm.s32 @p2 $0x1  }
0x17: {  	s4 =	simm.s32 $0x1BF5;
	[smem:$0x3FA6] =	sst s0  }
0x18: {  	s0 =	sld [smem:$0x3F89];
	_ =	swait.ge [sflag:s4], $0x0  }
0x19: {  	s7 =	sld [smem:$0x3F8A]  }
0x1a: {  	s8 =	sadd.s32 $0xFFFFE003, lr  }
0x1b: {  	s9 =	sadd.s32 $0xFFFFFEF7, lr;
	s5 =	simm.s32 $0xFFFFFFFF;
	p2 =	slt.u32 s8, $0xFFFFF086  }
0x1c: {  	p1 =	slt.u32 s9, $0xF7A;
	s5 =	simm.s32 @!p2 $0x0  }
0x1d: {  	s5 =	simm.s32 @p1 $0x1;
	p0 =	seq.s32 s7, s2  }
0x1e: {  	s7 =	smul.u32 @!p0 $0xF7A, s2;
	p2 =	seq.s32 @!p0 s5, $0x0  }
0x1f: {  	s9 =	smul.u32 $0xF7A, s1;
	s8 =	simm.s32 @!p0 $0x1BF5;
	p2 =	por !p2, p0  }
0x20: {  	[sflag:s8] =	ssyncset.s32 @!p0 $0xFFFFF086;
	s6 =	sadd.s32 @!p0 s3, s7;
	s7 =	simm.s32 @!p0 $0x108  }
0x21: {  	s3 =	sadd.s32 s3, s9;
	s6 =	sadd.s32 @!p0 $0x88, s6;
	s7 =	simm.s32 @p2 $0x1082  }
0x22: {  	[simem:s7], [sflag:s8] =	dma.local @!p0 [hbm:s6], $0xF7A  }
0x23: {  	s9 =	sor.u32 $0xD0000000, s2;
	s6 =	simm.s32 $0x108;
	_ =	swait.ge @!p0 [sflag:s8], $0x0  }
0x24: {  	s3 =	sadd.s32 $0x88, s3;
	s6 =	simm.s32 @!p1 $0x1082;
	[sflag:s4] =	ssyncset.s32 $0xFFFFF086  }
0x25: {  	[simem:s6], [sflag:s4] =	dma.local [hbm:s3], $0xF7A  }
0x26: {  	[smem:$0x3F8A] =	sst s1;
	(tag) =	ssettag s2;
	_ =	strace s9  }
0x27: {  	s1 =	sld [smem:$0x3F9A]  }
0x28: {  	s2 =	sld [smem:$0x3F9B]  }
0x29: {  	s4 =	sld [smem:$0x3F9D]  }
0x2a: {  	p0 =	seq.s32 s5, $0x0;
	s5 =	sld [smem:$0x3F9E]  }
0x2b: {  	s6 =	sld [smem:$0x3F9F]  }
0x2c: {  	s7 =	sld [smem:$0x3FA0]  }
0x2d: {  	s3 =	simm.s32 $0x108;
	s8 =	sld [smem:$0x3FA1]  }
0x2e: {  	s3 =	simm.s32 @!p0 $0x1082;
	s9 =	sld [smem:$0x3FA2]  }
0x2f: {  	lr =	sadd.s32 s0, s3;
	s0 =	sld [smem:$0x3F99]  }
0x30: {  	s3 =	sld [smem:$0x3F9C]  }
0x31: {  	[smem:$0x3FA5] =	sst s10  }
0x32: {  	s10 =	sld [smem:$0x3FA3];
	_ =	sdelay $0x3  }
0x33: {  	p0 =	seq.s32 s10, $0x1;
	s10 =	sld [smem:$0x3FA5];
	_ =	sdelay $0x3  }
0x34: {  	[smem:$0x3FA5] =	sst s10  }
0x35: {  	s10 =	sld [smem:$0x3FA4];
	_ =	sdelay $0x3  }
0x36: {  	p1 =	seq.s32 s10, $0x1;
	s10 =	sld [smem:$0x3FA5];
	_ =	sdelay $0x3  }
0x37: {  	[smem:$0x3FA5] =	sst s10  }
0x38: {  	s10 =	sld [smem:$0x3FA6]  }
0x39: {  	_ = 	snop;
	(pc) =	sbr.ind lr, $3  }
0x3a: {  	_ = 	snop  }
0x3b: {  	_ = 	snop  }
0x3c: {  	p2 =	seq.s32 s10, $0x1;
	s10 =	sld [smem:$0x3FA5]  }
0x3d: {  	_ =	shalt  }
0x3e: {  	_ =	shalt  }
0x3f: {  	_ =	shalt  }
0x40: {  	_ =	shalt  }
0x41: {  	_ =	shalt  }
0x42: {  	_ =	shalt  }
0x43: {  	_ =	shalt  }
0x44: {  	_ =	shalt  }
0x45: {  	_ =	shalt  }
0x46: {  	_ =	shalt  }
0x47: {  	_ =	shalt  }
0x48: {  	_ =	shalt  }
0x49: {  	_ =	shalt  }
0x4a: {  	_ =	shalt  }
0x4b: {  	_ =	shalt  }
0x4c: {  	_ =	shalt  }
0x4d: {  	_ =	shalt  }
0x4e: {  	_ =	shalt  }
0x4f: {  	_ =	shalt  }
0x50: {  	_ =	shalt  }
0x51: {  	_ =	shalt  }
0x52: {  	_ =	shalt  }
0x53: {  	_ =	shalt  }
0x54: {  	_ =	shalt  }
0x55: {  	_ =	shalt  }
0x56: {  	_ =	shalt  }
0x57: {  	_ =	shalt  }
0x58: {  	_ =	shalt  }
0x59: {  	_ =	shalt  }
0x5a: {  	_ =	shalt  }
0x5b: {  	_ =	shalt  }
0x5c: {  	_ =	shalt  }
0x5d: {  	_ =	shalt  }
0x5e: {  	_ =	shalt  }
0x5f: {  	_ =	shalt  }
0x60: {  	_ =	shalt  }
0x61: {  	_ =	shalt  }
0x62: {  	_ =	shalt  }
0x63: {  	_ =	shalt  }
0x64: {  	_ =	shalt  }
0x65: {  	_ =	shalt  }
0x66: {  	_ =	shalt  }
0x67: {  	_ =	shalt  }
0x68: {  	_ =	shalt  }
0x69: {  	_ =	shalt  }
0x6a: {  	_ =	shalt  }
0x6b: {  	_ =	shalt  }
0x6c: {  	_ =	shalt  }
0x6d: {  	_ =	shalt  }
0x6e: {  	_ =	shalt  }
0x6f: {  	_ =	shalt  }
0x70: {  	_ =	shalt  }
0x71: {  	_ =	shalt  }
0x72: {  	_ =	shalt  }
0x73: {  	_ =	shalt  }
0x74: {  	_ =	shalt  }
0x75: {  	_ =	shalt  }
0x76: {  	_ =	shalt  }
0x77: {  	_ =	shalt  }
0x78: {  	_ =	shalt  }
0x79: {  	_ =	shalt  }
0x7a: {  	_ =	shalt  }
0x7b: {  	_ =	shalt  }
0x7c: {  	_ =	shalt  }
0x7d: {  	_ =	shalt  }
0x7e: {  	_ =	shalt  }
0x7f: {  	_ =	shalt  }
0x80: {  	_ =	shalt  }
0x81: {  	_ =	shalt  }
0x82: {  	_ =	shalt  }
0x83: {  	_ =	shalt  }
0x84: {  	_ =	shalt  }
0x85: {  	_ =	shalt  }
0x86: {  	_ =	shalt  }
0x87: {  	_ =	shalt  }
.Lfunc_end0:
.L_simem_size_0:
called_computation_lowered:
.L_overlay_start_0:
0x88: {  	s2 =	sld [smem:$0x3FD9]  }
0x89: {  	s3 =	sld [smem:$0x3FFE];
	_ =	sdelay $0x1  }
0x8a: {  	s1 =	srdreg.scid  }
0x8b: {  	s0 =	sand.u32 $0x1, s1  }
0x8c: {  	s16 =	sshll.u32 s0, $0xA;
	s2 =	sadd.s32 s3, s2  }
0x8d: {  	s2 =	sadd.s32 s2, s16  }
0x8e: {  	[smem:$0x3FB1] =	sst s2  }
0x8f: {  	_ = 	snop  }
0x90: {  	(tm) =	ssettm $0x1  }
0x91: {  	s17 =	sld [smem:$0x3FFB];
	_ =	sdelay $0x3  }
0x92: {  	_ =	strace s17  }
0x93: {  	s2 =	sld [smem:$0x3FFC];
	_ =	sdelay $0x3  }
0x94: {  	_ =	strace s2  }
0x95: {  	s2 =	sld [smem:$0x3FFD];
	_ =	sdelay $0x3  }
0x96: {  	_ =	strace s2  }
0x97: {  	_ =	strace $0x8FFFFFFF  }
0x98: {  	s18 =	sld [smem:$0x3FDB];
	_ =	sdelay $0x1  }
0x99: {  	s19 =	simm.s32 $_scs_section_size  }
0x9a: {  	s4 =	simm.s32 $_size__tile_overlayer_lowered;
	s5 =	simm.s32 $_tile_overlayer_lowered  }
0x9b: {  	s22 =	simm.s32 $0x1BFF;
	s21 =	sshll.u32 s5, $0x1;
	s2 =	sadd.s32 s19, s18  }
0x9c: {  	s6 =	simm.s32 $0x0;
	s20 =	sshll.u32 s4, $0x1;
	s4 =	sadd.s32 s21, s2  }
0x9d: {  	[timem:s6], [sflag:s22] =	dma.local [hbm:s4], s20  }
0x9e: {  	_ =	swait.ge [sflag:s22], s20  }
0x9f: {  	s3 =	ssub.s32 $0x0, s20;
	[sflag:s22] =	ssyncset.done $0x0  }
0xa0: {  	[sflag:s22] =	ssyncadd.s32 s3;
	_ =	sdelay $0x1  }
0xa1: {  	s23 =	simm.s32 $0x1B8B  }
0xa2: {  	_ =	swait.ge [sflag:s23], $0x1  }
0xa3: {  	[sflag:s23] =	ssyncset.done $0x0  }
0xa4: {  	s25 =	simm.s32 $0x1B8E;
	s24 =	sld [smem:$0x3FFE];
	[sflag:s23] =	ssyncadd.s32 $0xFFFFFFFF  }
0xa5: {  	s26 =	simm.s32 $execute0_lowered;
	[smem:$0x3FD2] =	sst s25  }
0xa6: {  	s4 =	sshll.u32 s26, $0x1;
	_ =	strace $0x80000046;
	[dreg:$0x1] =	wrdreg $0xFFFFFFFF  }
0xa7: {  	s28 =	simm.s32 $_size_execute0_lowered;
	s2 =	sadd.s32 s2, s4;
	[dreg:$0x0] =	wrdreg $0x0  }
0xa8: {  	s4 =	sshll.u32 s28, $0x1;
	[dreg:$0x2] =	wrdreg s2  }
0xa9: {  	[dreg:$0x3] =	wrdreg s4  }
0xaa: {  	[dreg:$0x4] =	wrdreg $0xC0  }
0xab: {  	_ =	task [dreg:s6], $0x5FFFF  }
0xac: {  	[dreg:$0x1] =	wrdreg $0xFFFFFFFF  }
0xad: {  	[dreg:$0x0] =	wrdreg $0x60  }
0xae: {  	[dreg:$0x2] =	wrdreg s24  }
0xaf: {  	[dreg:$0x3] =	wrdreg $0x41000  }
0xb0: {  	[dreg:$0x4] =	wrdreg $0x9  }
0xb1: {  	_ =	task.clear_ibuf [dreg:s6], $0x5FFFF;
	_ =	strace $0x90000046  }
0xb2: {  	s29 =	simm.s32 $0x9;
	_ =	strace $0x80000048  }
0xb3: {  	_ =	swait.ge [sflag:s29], $0x1  }
0xb4: {  	[sflag:s29] =	ssyncadd.s32 $0xFFFFFFFF  }
0xb5: {  	_ =	strace $0x90000048  }
0xb6: {  	_ =	sfence  }
0xb7: {  	s30 =	sld [smem:$0x0];
	_ =	sdelay $0x2  }
0xb8: {  	s31 =	sshll.u32 s1, $0xD;
	s1 =	sshrl.u32 s1, $0x2  }
0xb9: {  	s3 =	sand.u32 $0x4000, s31;
	s1 =	sadd.s32 s1, s30  }
0xba: {  	s0 =	sor.u32 s3, s0;
	s1 =	sshll.u32 s1, $0x11  }
0xbb: {  	s0 =	sor.u32 s1, s0  }
0xbc: {  	s0 =	sadd.s32 $0x8F2B, s0  }
0xbd: {  	[sflag:s0] =	ssyncadd.remote.s32 $0x1  }
0xbe: {  	_ =	sfence.sel $0xFFFF  }
0xbf: {  	[dreg:$0x0] =	wrdreg $0xFFFFFFFF;
	(pc) =	sbr.abs _section_cstart, $3  }
0xc0: {  	[dreg:$0x1] =	wrdreg $0xFFFFFFFF  }
0xc1: {  	_ =	task.clear_ibuf [dreg:s6], $0x2FFFF;
	_ =	strace $0x9FFFFFFF  }
0xc2: {  	(tm) =	ssettm $0x7FFFFFFF  }
0xc3: {  	_ =	shalt  }
tec
execute0_lowered:
.L_overlay_start_1:
0x0: {  	(tag) =	ssettag $0x1  }
0x1: {  	s0 =	srdreg.scid;
	s4 =	rddreg [dreg:$0x0]  }
0x2: {  	s5 =	rddreg [dreg:$0x1];
	s2 =	simm.s32 $0x0;
	s11 =	simm.s32 $0x400  }
0x3: {  	s12 =	simm.s32 $0x3C00;
	s13 =	simm.s32 $0x3E80;
	s3 =	sand.u32 $0x1, s0  }
0x4: {  	s14 =	simm.s32 $0x0;
	s0 =	stileid.u32;
	s7 =	smul.u32 $0x2800, s3  }
0x5: {  	[smem:$0x7FF] =	sst s2;
	s1 =	sshll.u32 s3, $0x4;
	s8 =	smul.u32 $0x280, s0  }
0x6: {  	s26 =	sshrl.u32 s0, $0x3;
	s3 =	ssub.s32 $0x2, s3;
	s9 =	smul.u32 $0x5000, s0  }
0x7: {  	s29 =	sshll.u32 s0, $0x7;
	s1 =	sor.u32 s0, s1;
	s28 =	sshrl.u32 s3, $0x1  }
0x8: {  	s31 =	sand.u32 $0x380, s29;
	s6 =	smul.u32 $0x280, s1;
	s1 =	rddreg [dreg:$0x2]  }
0x9: {  	_ =	strace $0x80000047;
	s7 =	sadd.s32 s8, s7;
	s8 =	smul.u32 $0x50000, s26  }
0xa: {  	s10 =	ssub.s32 s3, s28;
	s9 =	sshrl.u32 s9, $0x2;
	s7 =	sshrl.u32 s7, $0x3  }
0xb: {  	s6 =	sadd.s32 s6, s4;
	s7 =	sadd.s32 s7, s4;
	s30 =	sshrl.u32 s8, $0x2  }
0xc: {  	s8 =	simm.s32 $0x1;
	s4 =	sadd.s32 s30, s5;
	s3 =	sadd.s32 $0x4600, s6  }
0xd: {  	s5 =	sadd.s32 s9, s5;
	s6 =	sadd.s32 $0x9600, s7;
	s7 =	smax.u32 s10, $0x1  }
0xe: {  	v0 =	vimm.f32 $0.0e+00;
	v1 =	vimm.f32 $1.000000000e+00;
	s9 =	simm.s32 $0x1400;
	s10 =	simm.s32 $0x80;
	s4 =	sadd.s32 s31, s4  }
.LBB2_1:
0xf: {  	[tilespmem:s2], [sflag:$0x1] =	stream.linear.gather [hbm4b:s3+s2], $0x1400, $0x38;
	[tilespmem:$0x6900] =	vst v63  }
0x10: {  	_ =	swait.ge [sflag:s8], $0x1400  }
0x11: {  	[sflag:s8] =	ssyncset.done $0x0  }
0x12: {  	s15 =	simm.s32 $0x0;
	[sflag:s8] =	ssyncadd.s32 $0xFFFFEC00  }
.LBB2_2:
0x13: {  	p0 =	sne.s32 s15, $0x9FC0  }
.Ltmp0:
0x14: {  	_ = 	snop;
	(pc) =	sbr.rel @p0 .LBB2_2-.Ltmp0, $3  }
0x15: {  	_ =	sdelay $0x1  }
0x16: {  	s16 =	sshra.s32 s15, $0x2  }
0x17: {  	s15 =	sadd.s32 $0x40, s15;
	[tilespmem:s16+$0x1400] =	vst v0  }
0x18: {  	s16 =	simm.s32 $0x0;
	s15 =	simm.s32 $0x40  }
.LBB2_4:
0x19: {  	p0 =	sne.s32 s15, $0x4FC0;
	v2 =	vld [tilespmem:s16+$0x0];
	_ =	sdelay $0x3  }
.Ltmp1:
0x1a: {  	(pc) =	sbr.rel @p0 .LBB2_4-.Ltmp1, $2  }
0x1b: {  	_ =	sdelay $0x2  }
0x1c: {  	s16 =	sshra.s32 s15, $0x2;
	s15 =	sadd.s32 $0x40, s15;
	[tilespmem:v2+s9+$0x0] =	vst.idx.add.f32.msk $0xffff, v1  }
0x1d: {  	v2 =	vld [tilespmem:s16+$0x0];
	_ =	sdelay $0x7  }
0x1e: {  	[tilespmem:v2+s9+$0x0] =	vst.idx.add.f32.msk $0xffff, v1  }
0x1f: {  	[spmem:s4] =	stream.strided.scatter [tilespmem:s9], [sflag:$0x1], $0x2800, s11, s10, $0x38;
	[tilespmem:$0x6900] =	vst v63  }
0x20: {  	_ =	swait.ge [sflag:s8], $0x2800  }
0x21: {  	[sflag:s8] =	ssyncset.done $0x0  }
0x22: {  	[sflag:s8] =	ssyncadd.s32 $0xFFFFD800  }
0x23: {  	[bflag:$0x0] =	sbarrier.arrive $0xFFFF  }
0x24: {  	[tilespmem:$0x3E80] =	vst v0  }
0x25: {  	[tilespmem:$0x3E90] =	vst v0  }
0x26: {  	[tilespmem:$0x3EA0] =	vst v0  }
0x27: {  	[tilespmem:$0x3EB0] =	vst v0  }
0x28: {  	[tilespmem:$0x3EC0] =	vst v0  }
0x29: {  	[tilespmem:$0x3ED0] =	vst v0  }
0x2a: {  	[tilespmem:$0x3EE0] =	vst v0  }
0x2b: {  	[tilespmem:$0x3EF0] =	vst v0  }
0x2c: {  	[tilespmem:$0x3F00] =	vst v0  }
0x2d: {  	[tilespmem:$0x3F10] =	vst v0  }
0x2e: {  	[tilespmem:$0x3F20] =	vst v0  }
0x2f: {  	[tilespmem:$0x3F30] =	vst v0  }
0x30: {  	[tilespmem:$0x3F40] =	vst v0  }
0x31: {  	[tilespmem:$0x3F50] =	vst v0  }
0x32: {  	[tilespmem:$0x3F60] =	vst v0  }
0x33: {  	[tilespmem:$0x3F70] =	vst v0  }
0x34: {  	[tilespmem:$0x3F80] =	vst v0  }
0x35: {  	[tilespmem:$0x3F90] =	vst v0  }
0x36: {  	[tilespmem:$0x3FA0] =	vst v0  }
0x37: {  	[tilespmem:$0x3FB0] =	vst v0  }
0x38: {  	[tilespmem:$0x3FC0] =	vst v0  }
0x39: {  	[tilespmem:$0x3FD0] =	vst v0  }
0x3a: {  	[tilespmem:$0x3FE0] =	vst v0  }
0x3b: {  	[tilespmem:$0x3FF0] =	vst v0  }
0x3c: {  	[tilespmem:$0x4000] =	vst v0  }
0x3d: {  	[tilespmem:$0x4010] =	vst v0  }
0x3e: {  	[tilespmem:$0x4020] =	vst v0  }
0x3f: {  	[tilespmem:$0x4030] =	vst v0  }
0x40: {  	[tilespmem:$0x4040] =	vst v0  }
0x41: {  	[tilespmem:$0x4050] =	vst v0  }
0x42: {  	[tilespmem:$0x4060] =	vst v0  }
0x43: {  	[tilespmem:$0x4070] =	vst v0  }
0x44: {  	[tilespmem:$0x4080] =	vst v0  }
0x45: {  	[tilespmem:$0x4090] =	vst v0  }
0x46: {  	[tilespmem:$0x40A0] =	vst v0  }
0x47: {  	[tilespmem:$0x40B0] =	vst v0  }
0x48: {  	[tilespmem:$0x40C0] =	vst v0  }
0x49: {  	[tilespmem:$0x40D0] =	vst v0  }
0x4a: {  	[tilespmem:$0x40E0] =	vst v0  }
0x4b: {  	s15 =	simm.s32 $0x0;
	[tilespmem:$0x40F0] =	vst v0  }
.LBB2_6:
0x4c: {  	s16 =	sshrl.u32 s15, $0x3  }
0x4d: {  	s16 =	smul.u32 $0x50000, s16;
	_ =	sdelay $0x1  }
0x4e: {  	s17 =	sshll.u32 s15, $0x7;
	s16 =	sshra.s32 s16, $0x2  }
0x4f: {  	s17 =	sand.u32 $0x380, s17;
	s16 =	sadd.s32 s16, s5  }
0x50: {  	s16 =	sadd.s32 s17, s16  }
0x51: {  	[tilespmem:s12], [sflag:$0x1] =	stream.strided.gather [spmem:s16], $0x280, s11, s10, $0x38;
	[tilespmem:$0x6900] =	vst v63  }
0x52: {  	_ =	swait.ge [sflag:s8], $0x280  }
0x53: {  	[sflag:s8] =	ssyncset.done $0x0  }
0x54: {  	s16 =	simm.s32 $0x0;
	[sflag:s8] =	ssyncadd.s32 $0xFFFFFD80  }
0x55: {  	s17 =	simm.s32 $0x40;
	v2 =	vld [tilespmem:s16+$0x3C00]  }
.LBB2_7:
0x56: {  	p0 =	sne.s32 s17, $0x9C0;
	v3 =	vld [tilespmem:s16+$0x3E80];
	_ =	sdelay $0x2  }
.Ltmp2:
0x57: {  	(pc) =	sbr.rel @p0 .LBB2_7-.Ltmp2, $4  }
0x58: {  	_ = 	snop  }
0x59: {  	v3 =	vadd.f32 v2, v3  }
0x5a: {  	s18 =	sshra.s32 s17, $0x2  }
0x5b: {  	s17 =	sadd.s32 $0x40, s17;
	v2 =	vld [tilespmem:s18+$0x3C00];
	[tilespmem:s16+$0x3E80] =	vst v3;
	s16 =	smov.u32 s18  }
0x5c: {  	v3 =	vld [tilespmem:s16+$0x3E80]  }
0x5d: {  	s15 =	sadd.s32 $0x1, s15  }
0x5e: {  	p0 =	sne.s32 s15, $0x10  }
.Ltmp3:
0x5f: {  	_ = 	snop;
	(pc) =	sbr.rel @p0 .LBB2_6-.Ltmp3, $3  }
0x60: {  	_ = 	snop  }
0x61: {  	v2 =	vadd.f32 v2, v3;
	_ =	sdelay $0x1  }
0x62: {  	[tilespmem:s16+$0x3E80] =	vst v2  }
0x63: {  	s14 =	sadd.s32 $0x1, s14  }
0x64: {  	p0 =	sne.s32 s14, s7  }
.Ltmp4:
0x65: {  	_ = 	snop;
	(pc) =	sbr.rel @p0 .LBB2_1-.Ltmp4, $4  }
0x66: {  	[hbm4b:s6+s2] =	stream.linear.scatter [tilespmem:s13], [sflag:$0x1], $0x280, $0x38;
	[tilespmem:$0x6900] =	vst v63  }
0x67: {  	_ =	swait.ge [sflag:s8], $0x280  }
0x68: {  	[sflag:s8] =	ssyncset.done $0x0  }
0x69: {  	[sflag:s8] =	ssyncadd.s32 $0xFFFFFD80  }
0x6a: {  	_ =	sfence.sel $0x180000  }
0x6b: {  	[bflag:$0x0] =	sbarrier.arrive $0xFFFF  }
0x6c: {  	p0 =	sne.s32 s0, $0x0;
	_ =	strace $0x90000047  }
0x6d: {  	s0 =	sadd.s32 @!p0 $0x100000, s1;
	[bflag:$0x2] =	sbarrier.arrive $0xFFFF  }
0x6e: {  	[sflag:s0] =	ssyncadd.tile.s32 @!p0 $0x1;
	_ =	shalt  }
.Lfunc_end2:
_tile_overlayer_lowered:
.L_overlay_start_2:
0x6f: {  	(tag) =	ssettag $0x2  }
0x70: {  	s0 =	rddreg [dreg:$0x0];
	s2 =	stileid.u32  }
0x71: {  	s1 =	rddreg [dreg:$0x1];
	p0 =	sne.s32 s2, $0x0  }
0x72: {  	s3 =	rddreg [dreg:$0x2];
	[bflag:$0x3] =	sbarrier.arrive $0xFFFF;
	s2 =	simm.s32 @!p0 $0x1C01  }
0x73: {  	[timem:s3], [sflag:s2] =	dma.local @!p0 [hbm:s0], s1  }
0x74: {  	s0 =	simm.s32 @!p0 $0x1  }
0x75: {  	_ =	swait.ge @!p0 [sflag:s0], s1  }
0x76: {  	s1 =	ssub.s32 @!p0 $0x0, s1;
	[sflag:s0] =	ssyncset.done @!p0 $0x0  }
0x77: {  	[sflag:s0] =	ssyncadd.s32 @!p0 s1  }
0x78: {  	[bflag:$0x3] =	sbarrier.arrive $0xFFFF  }
0x79: {  	_ =	shalt  }

</sc_bundles>
